<compile_context>
chip_gen: v7x
topology: tpu7x:2x2x1
jax: 0.10.2.dev20260603
libtpu: 0.0.44.dev20260713+nightly
codegen_flags: <defaults>
</compile_context>

<pallas_src>
import functools

import jax
import jax.numpy as jnp
from jax import lax
from jax.experimental import pallas as pl
from jax.experimental.pallas import tpu as pltpu
from jax.experimental.pallas import tpu_sc as plsc

N = 10000
E = 160000
NC = 2
NS = 16
NPAD = 10240
ROWS_PER_TILE = NPAD // NS

B = 128
ETOT = E + N
NBLK_C = -(-ETOT // (NS * B))
PT_C = NBLK_C * B
EPAD_C = NS * PT_C
NBLK_B = -(-E // (NC * NS * B))
PT_B = NBLK_B * B
EPAD_B = NC * NS * PT_B

TPAD = 4 * (N + 16)
DLEN = 2 * NPAD

_mesh = plsc.VectorSubcoreMesh(
    core_axis_name="c", subcore_axis_name="s", num_cores=NC, num_subcores=NS)


def _f32(shape):
  return jax.ShapeDtypeStruct(shape, jnp.float32)


def _writeout(c, s, src_ref, dst_ref):
  @pl.when(s < NS - 1)
  def _():
    o = s * ROWS_PER_TILE
    pltpu.sync_copy(src_ref.at[pl.ds(o, ROWS_PER_TILE)],
                    dst_ref.at[c, pl.ds(o, ROWS_PER_TILE)])
  @pl.when(s == NS - 1)
  def _():
    o = (NS - 1) * ROWS_PER_TILE
    pltpu.sync_copy(src_ref.at[pl.ds(o, N - o)],
                    dst_ref.at[c, pl.ds(o, N - o)])


@functools.partial(
    pl.kernel,
    out_type=_f32((NC, N, 128)),
    mesh=_mesh,
    scratch_types=[
        pltpu.VMEM((2, 16 * B), jnp.float32),
        pltpu.VMEM((NBLK_B, B), jnp.int32),
        pltpu.VMEM((2, B, 128), jnp.float32),
        pltpu.VMEM_SHARED((NPAD, 128), jnp.float32),
        pltpu.SemaphoreType.DMA,
        pltpu.SemaphoreType.DMA,
    ],
    compiler_params=pltpu.CompilerParams(needs_layout_passes=False),
)
def _sc_scatter_mean(ea_hbm, dst2_hbm, z128_hbm, eacc_o,
                     abuf, dbuf, ebuf, acc, psem, ssem):
  c = lax.axis_index("c")
  s = lax.axis_index("s")
  tile = c * NS + s
  pltpu.sync_copy(z128_hbm, acc.at[pl.ds(s * ROWS_PER_TILE, ROWS_PER_TILE)])
  pltpu.sync_copy(dst2_hbm.at[pl.ds(tile * NBLK_B, NBLK_B)], dbuf)
  io16 = lax.iota(jnp.int32, 16)
  one16 = jnp.where(io16 == 0, 1.0, 0.0)
  z16 = jnp.zeros((16,), jnp.float32)

  @plsc.parallel_loop(0, B, 1, unroll=8)
  def _init(e):
    for sl in range(2):
      ebuf[sl, e, pl.ds(16, 16)] = one16
      for r in range(2, 8):
        ebuf[sl, e, pl.ds(r * 16, 16)] = z16

  plsc.subcore_barrier()
  ebase = c * (NS * PT_B) + s * PT_B

  def _load(b, slot):
    pltpu.async_copy(
        ea_hbm.at[pl.ds((ebase + b * B) * 16, 16 * B)], abuf.at[slot], psem)

  def _wait_load(b, slot):
    pltpu.make_async_copy(
        ea_hbm.at[pl.ds((ebase + b * B) * 16, 16 * B)], abuf.at[slot],
        psem).wait()

  def _wait_scatter(slot):
    pltpu.make_async_copy(ebuf.at[slot], acc.at[dbuf.at[0]], ssem).wait()

  _load(0, 0)

  def blk(b, carry):
    slot = lax.rem(b, 2)
    nslot = 1 - slot

    @pl.when(b >= 1)
    def _():
      _wait_scatter(nslot)

    @pl.when(b + 1 < NBLK_B)
    def _():
      _load(b + 1, nslot)

    _wait_load(b, slot)

    @plsc.parallel_loop(0, B, 1, unroll=8)
    def _fill(e):
      ebuf[slot, e, pl.ds(0, 16)] = abuf[slot, pl.ds(e * 16, 16)]

    pltpu.async_copy(ebuf.at[slot], acc.at[dbuf.at[b]], ssem, add=True)
    return carry

  lax.fori_loop(0, NBLK_B, blk, 0)
  _wait_scatter(lax.rem(NBLK_B - 1, 2))
  plsc.subcore_barrier()
  _writeout(c, s, acc, eacc_o)


@functools.partial(
    pl.kernel,
    out_type=(_f32((NC, 2, EPAD_C)), _f32((NC, NS, DLEN))),
    mesh=_mesh,
    scratch_types=[
        pltpu.VMEM((TPAD,), jnp.float32),
        pltpu.VMEM((PT_C,), jnp.int32),
        pltpu.VMEM((PT_C,), jnp.int32),
        pltpu.VMEM((PT_C,), jnp.float32),
        pltpu.VMEM((PT_C,), jnp.float32),
        pltpu.VMEM((DLEN,), jnp.float32),
    ],
    compiler_params=pltpu.CompilerParams(needs_layout_passes=False),
)
def _sc_gat_alpha(t_hbm, src_hbm, dst_hbm, zflat_hbm,
                  w_o, den_o, tv, sbuf, dbuf, w0b, w1b, den):
  c = lax.axis_index("c")
  s = lax.axis_index("s")
  base0 = s * PT_C
  pltpu.sync_copy(t_hbm.at[c], tv)
  pltpu.sync_copy(zflat_hbm, den)
  pltpu.sync_copy(src_hbm.at[pl.ds(base0, PT_C)], sbuf)
  pltpu.sync_copy(dst_hbm.at[pl.ds(base0, PT_C)], dbuf)

  def grp(j, carry):
    o = pl.multiple_of(j * 16, 16)
    sv = sbuf[pl.ds(o, 16)]
    dv = dbuf[pl.ds(o, 16)]
    s4 = sv * 4
    d4 = dv * 4
    a0 = plsc.load_gather(tv, [s4]) + plsc.load_gather(tv, [d4 + 2])
    a1 = plsc.load_gather(tv, [s4 + 1]) + plsc.load_gather(tv, [d4 + 3])
    a0 = jnp.where(a0 >= 0.0, a0, 0.2 * a0)
    a1 = jnp.where(a1 >= 0.0, a1, 0.2 * a1)
    w0 = jnp.exp(a0)
    w1 = jnp.exp(a1)
    w0b[pl.ds(o, 16)] = w0
    w1b[pl.ds(o, 16)] = w1
    d2 = dv * 2
    plsc.addupdate_scatter(den, [d2], w0)
    plsc.addupdate_scatter(den, [d2 + 1], w1)
    return carry

  lax.fori_loop(0, PT_C // 16, grp, 0)
  pltpu.sync_copy(w0b, w_o.at[c, 0, pl.ds(base0, PT_C)])
  pltpu.sync_copy(w1b, w_o.at[c, 1, pl.ds(base0, PT_C)])
  pltpu.sync_copy(den, den_o.at[c, s])


@functools.partial(
    pl.kernel,
    out_type=_f32((NC, N, 128)),
    mesh=_mesh,
    scratch_types=[
        pltpu.VMEM((PT_C,), jnp.int32),
        pltpu.VMEM((2, B), jnp.int32),
        pltpu.VMEM((2, 2, B), jnp.float32),
        pltpu.VMEM((2, B, 128), jnp.float32),
        pltpu.VMEM_SHARED((NPAD, 128), jnp.float32),
        pltpu.SemaphoreType.DMA,
        pltpu.SemaphoreType.DMA,
        pltpu.SemaphoreType.DMA,
    ],
    compiler_params=pltpu.CompilerParams(needs_layout_passes=False),
)
def _sc_gat_aggregate(h_hbm, gsrc_hbm, w_hbm, dst_hbm, z128_hbm,
                      agg_o, gidxf, dbuf, wb, gbuf, acc, gsem, ssem,
                      psem):
  c = lax.axis_index("c")
  s = lax.axis_index("s")
  base0 = s * PT_C
  pltpu.sync_copy(z128_hbm, acc.at[pl.ds(s * ROWS_PER_TILE, ROWS_PER_TILE)])
  pltpu.sync_copy(gsrc_hbm.at[c, pl.ds(base0, PT_C)], gidxf)
  plsc.subcore_barrier()

  def _loads(b, slot):
    base = base0 + b * B
    pltpu.async_copy(dst_hbm.at[pl.ds(base, B)], dbuf.at[slot], psem)
    pltpu.async_copy(w_hbm.at[c, :, pl.ds(base, B)], wb.at[slot], psem)
    pltpu.async_copy(h_hbm.at[gidxf.at[pl.ds(b * B, B)]], gbuf.at[slot],
                     gsem)

  def _wait_loads(b, slot):
    base = base0 + b * B
    pltpu.make_async_copy(dst_hbm.at[pl.ds(base, B)], dbuf.at[slot],
                          psem).wait()
    pltpu.make_async_copy(w_hbm.at[c, :, pl.ds(base, B)], wb.at[slot],
                          psem).wait()
    pltpu.make_async_copy(h_hbm.at[gidxf.at[pl.ds(b * B, B)]], gbuf.at[slot],
                          gsem).wait()

  def _wait_scatter(slot):
    pltpu.make_async_copy(gbuf.at[slot], acc.at[dbuf.at[slot]], ssem).wait()

  _loads(0, 0)

  def blk(b, carry):
    slot = lax.rem(b, 2)
    nslot = 1 - slot

    @pl.when(b >= 1)
    def _():
      _wait_scatter(nslot)

    @pl.when(b + 1 < NBLK_C)
    def _():
      _loads(b + 1, nslot)

    _wait_loads(b, slot)

    @plsc.parallel_loop(0, B, 1, unroll=8)
    def _mul(e):
      ev = jnp.full((16,), e, dtype=jnp.int32)
      s0 = plsc.load_gather(wb.at[slot, 0], [ev])
      s1 = plsc.load_gather(wb.at[slot, 1], [ev])
      for r in range(4):
        gbuf[slot, e, pl.ds(r * 16, 16)] = gbuf[slot, e, pl.ds(r * 16, 16)] * s0
      for r in range(4, 8):
        gbuf[slot, e, pl.ds(r * 16, 16)] = gbuf[slot, e, pl.ds(r * 16, 16)] * s1

    pltpu.async_copy(gbuf.at[slot], acc.at[dbuf.at[slot]], ssem, add=True)
    return carry

  lax.fori_loop(0, NBLK_C, blk, 0)
  _wait_scatter(lax.rem(NBLK_C - 1, 2))
  plsc.subcore_barrier()
  _writeout(c, s, acc, agg_o)


TCM = 400
_GRID = N // TCM


def _elu(x):
  return jnp.where(x > 0.0, x, jnp.exp(jnp.minimum(x, 0.0)) - 1.0)


def _split_heads(h, a_s, a_d, h_o, t_o):
  h_o[0] = h[:, 0:128]
  h_o[1] = h[:, 128:256]
  t_o[0] = jnp.concatenate([a_s[:, 0:2], a_d[:, 0:2]], axis=1)
  t_o[1] = jnp.concatenate([a_s[:, 2:4], a_d[:, 2:4]], axis=1)


def _tc1_body(nf, eacc, npW, npb, epW, epb, g1W, asr, adr, S, h_o, t_o):
  x1 = jnp.dot(nf[:], npW[:], preferred_element_type=jnp.float32) + npb[:]
  es = eacc[0, :, 0:16] + eacc[1, :, 0:16]
  cn = jnp.maximum(eacc[0, :, 16:17] + eacc[1, :, 16:17], 1.0)
  ne = jnp.dot(es, epW[:], preferred_element_type=jnp.float32) / cn + epb[:]
  h = (jnp.dot(x1, g1W[0:256, :], preferred_element_type=jnp.float32)
       + jnp.dot(ne, g1W[256:512, :], preferred_element_type=jnp.float32))
  a_s = jnp.dot(h * asr[:], S[:], preferred_element_type=jnp.float32)
  a_d = jnp.dot(h * adr[:], S[:], preferred_element_type=jnp.float32)
  _split_heads(h, a_s, a_d, h_o, t_o)


def _normalize(agg, den, b_row):
  dsum = jnp.sum(den[:], axis=1)
  d0 = dsum[0, :, 0:1] + 1e-16
  d1 = dsum[0, :, 1:2] + 1e-16
  d2 = dsum[1, :, 0:1] + 1e-16
  d3 = dsum[1, :, 1:2] + 1e-16
  x = jnp.concatenate(
      [agg[0, :, 0:64] / d0, agg[0, :, 64:128] / d1,
       agg[1, :, 0:64] / d2, agg[1, :, 64:128] / d3], axis=1)
  return _elu(x + b_row[:])


def _tc2_body(agg, den, g1b, g2W, asr, adr, S, h_o, t_o):
  x = _normalize(agg, den, g1b)
  h = jnp.dot(x, g2W[:], preferred_element_type=jnp.float32)
  a_s = jnp.dot(h * asr[:], S[:], preferred_element_type=jnp.float32)
  a_d = jnp.dot(h * adr[:], S[:], preferred_element_type=jnp.float32)
  _split_heads(h, a_s, a_d, h_o, t_o)


def _tc3_body(agg, den, g2b, opW, opb, out_o):
  x = _normalize(agg, den, g2b)
  out_o[:] = jnp.dot(x, opW[:], preferred_element_type=jnp.float32) + opb[:]


def _rowspec(width):
  return pl.BlockSpec((TCM, width), lambda i: (i, 0))


def _corespec(width):
  return pl.BlockSpec((NC, TCM, width), lambda i: (0, i, 0))


def _denspec():
  return pl.BlockSpec((NC, NS, TCM, 2), lambda i: (0, 0, i, 0))


def _full(shape):
  return pl.BlockSpec(shape, lambda i: tuple(0 for _ in shape))


_tc1 = pl.pallas_call(
    _tc1_body,
    grid=(_GRID,),
    in_specs=[
        _rowspec(256), _corespec(128),
        _full((256, 256)), _full((1, 256)), _full((16, 256)), _full((1, 256)),
        _full((512, 256)), _full((1, 256)), _full((1, 256)), _full((256, 4)),
    ],
    out_specs=[_corespec(128), _corespec(4)],
    out_shape=[_f32((NC, N, 128)), _f32((NC, N, 4))],
)

_tc2 = pl.pallas_call(
    _tc2_body,
    grid=(_GRID,),
    in_specs=[
        _corespec(128), _denspec(), _full((1, 256)), _full((256, 256)),
        _full((1, 256)), _full((1, 256)), _full((256, 4)),
    ],
    out_specs=[_corespec(128), _corespec(4)],
    out_shape=[_f32((NC, N, 128)), _f32((NC, N, 4))],
)

_tc3 = pl.pallas_call(
    _tc3_body,
    grid=(_GRID,),
    in_specs=[
        _corespec(128), _denspec(), _full((1, 256)), _full((256, 256)),
        _full((1, 256)),
    ],
    out_specs=_rowspec(256),
    out_shape=_f32((N, 256)),
)


def kernel(node_feats, edge_index, edge_attr, np_W, np_b, ep_W, ep_b,
           g1_W, g1_as, g1_ad, g1_b, g2_W, g2_as, g2_ad, g2_b, op_W, op_b):
  i32 = jnp.int32
  loop = jnp.arange(N, dtype=i32)
  src_c = jnp.concatenate(
      [edge_index[0].astype(i32), loop,
       jnp.zeros((EPAD_C - ETOT,), dtype=i32)])
  dst_c = jnp.concatenate(
      [edge_index[1].astype(i32), loop,
       jnp.full((EPAD_C - ETOT,), N, dtype=i32)])
  dst_b = jnp.concatenate(
      [edge_index[1].astype(i32), jnp.full((EPAD_B - E,), N, dtype=i32)])
  ea_pad = jnp.concatenate(
      [edge_attr, jnp.zeros((EPAD_B - E, 16), dtype=jnp.float32)])

  z128 = jnp.zeros((ROWS_PER_TILE, 128), jnp.float32)
  zflat = jnp.zeros((DLEN,), jnp.float32)
  S = (jnp.arange(256)[:, None] // 64 == jnp.arange(4)[None, :]
       ).astype(jnp.float32)
  gsrc = src_c[None, :] + (jnp.arange(NC, dtype=i32) * N)[:, None]

  eacc = _sc_scatter_mean(ea_pad.reshape(EPAD_B * 16),
                          dst_b.reshape(NC * NS * NBLK_B, B), z128)

  h1, t1 = _tc1(node_feats, eacc, np_W, np_b.reshape(1, 256), ep_W,
                ep_b.reshape(1, 256), g1_W, g1_as.reshape(1, 256),
                g1_ad.reshape(1, 256), S)
  t1p = jnp.pad(t1.reshape(NC, 4 * N), ((0, 0), (0, TPAD - 4 * N)))
  w_1, den1 = _sc_gat_alpha(t1p, src_c, dst_c, zflat)
  agg1 = _sc_gat_aggregate(h1.reshape(NC * N, 128), gsrc, w_1, dst_c, z128)

  h2, t2 = _tc2(agg1, den1.reshape(NC, NS, NPAD, 2), g1_b.reshape(1, 256),
                g2_W, g2_as.reshape(1, 256), g2_ad.reshape(1, 256), S)
  t2p = jnp.pad(t2.reshape(NC, 4 * N), ((0, 0), (0, TPAD - 4 * N)))
  w_2, den2 = _sc_gat_alpha(t2p, src_c, dst_c, zflat)
  agg2 = _sc_gat_aggregate(h2.reshape(NC * N, 128), gsrc, w_2, dst_c, z128)

  return _tc3(agg2, den2.reshape(NC, NS, NPAD, 2), g2_b.reshape(1, 256),
              op_W, op_b.reshape(1, 256))

# --- scband reference (transcript-rebuilt; emitter-appended) ---
"""Pipeline reference for scband-gnnmodel-62620623175815 (READ-ONLY COPY).

The authoritative reference and input builder live on the scoring server;
editing this copy changes nothing except your own understanding.
"""

import jax, jax.numpy as jnp
import numpy as np

N = 10000
E = 160000
D_IN = 256
HID = 256
OUT_D = 256
E_DIM = 16
HEADS = 4
C1 = HID // HEADS
C2 = OUT_D // HEADS


def setup_inputs(seed: int = 0):
    key = jax.random.key(seed)
    ks = jax.random.split(key, 18)
    p = lambda k, s: jax.random.normal(k, s, dtype=jnp.float32) * 0.05
    inp = {}
    inp['node_feats'] = jax.random.normal(ks[0], (N, D_IN), dtype=jnp.float32)
    inp['edge_index'] = jax.random.randint(ks[1], (2, E), 0, N, dtype=jnp.int32)
    inp['edge_attr'] = jax.random.normal(ks[2], (E, E_DIM), dtype=jnp.float32)
    inp['np_W'] = p(ks[3], (D_IN, HID))
    inp['np_b'] = p(ks[4], (HID,))
    inp['ep_W'] = p(ks[5], (E_DIM, HID))
    inp['ep_b'] = p(ks[6], (HID,))
    inp['g1_W'] = p(ks[7], (2 * HID, HEADS * C1))
    inp['g1_as'] = p(ks[8], (1, HEADS, C1))
    inp['g1_ad'] = p(ks[9], (1, HEADS, C1))
    inp['g1_b'] = p(ks[10], (HEADS * C1,))
    inp['g2_W'] = p(ks[11], (HID, HEADS * C2))
    inp['g2_as'] = p(ks[12], (1, HEADS, C2))
    inp['g2_ad'] = p(ks[13], (1, HEADS, C2))
    inp['g2_b'] = p(ks[14], (HEADS * C2,))
    inp['op_W'] = p(ks[15], (OUT_D, OUT_D))
    inp['op_b'] = p(ks[16], (OUT_D,))
    return inp


def _scatter_mean(src, index, n):
    s = jax.ops.segment_sum(src, index, num_segments=n)
    cnt = jax.ops.segment_sum(jnp.ones((src.shape[0],), dtype=src.dtype), index, num_segments=n)
    cnt = jnp.clip(cnt, 1.0, None)
    return s / cnt[:, None]


def _gat_conv(x, edge_index, W, att_src, att_dst, bias, heads, ch):
    n = x.shape[0]
    loop = jnp.arange(n, dtype=edge_index.dtype)
    src = jnp.concatenate([edge_index[0], loop])
    dst = jnp.concatenate([edge_index[1], loop])
    h = (x @ W).reshape(n, heads, ch)
    a_src = (h * att_src).sum(-1)
    a_dst = (h * att_dst).sum(-1)
    alpha = a_src[src] + a_dst[dst]
    alpha = jax.nn.leaky_relu(alpha, 0.2)
    amax = jax.ops.segment_max(alpha, dst, num_segments=n)
    amax = jax.lax.stop_gradient(jnp.where(jnp.isfinite(amax), amax, 0.0))
    alpha = jnp.exp(alpha - amax[dst])
    denom = jax.ops.segment_sum(alpha, dst, num_segments=n)
    alpha = alpha / (denom[dst] + 1e-16)
    msg = h[src] * alpha[:, :, None]
    out = jax.ops.segment_sum(msg, dst, num_segments=n)
    return out.reshape(n, heads * ch) + bias


def reference(node_feats, edge_index, edge_attr, np_W, np_b, ep_W, ep_b, g1_W, g1_as, g1_ad, g1_b, g2_W, g2_as, g2_ad, g2_b, op_W, op_b):
    n = node_feats.shape[0]
    x = node_feats @ np_W + np_b
    ne = _scatter_mean(edge_attr, edge_index[1], n)
    ne = ne @ ep_W + ep_b
    x = jnp.concatenate([x, ne], axis=-1)
    x = jax.nn.elu(_gat_conv(x, edge_index, g1_W, g1_as, g1_ad, g1_b, HEADS, C1))
    x = jax.nn.elu(_gat_conv(x, edge_index, g2_W, g2_as, g2_ad, g2_b, HEADS, C2))
    x = x @ op_W + op_b
    return x

if __name__ == "__main__":
    import jax
    _d = setup_inputs()
    print(jax.jit(kernel)(*tuple(_d.values())))

</pallas_src>

<mosaic_0001>
#map = affine_map<(d0, d1) -> (0)>
#map1 = affine_map<(d0, d1) -> (0, 0)>
#map2 = affine_map<(d0, d1) -> (0, 0, 0)>
module attributes {stable_mosaic.version = 14 : i64} {
  func.func @_sc_scatter_mean(%arg0: i32, %arg1: i32, %arg2: memref<2621440xf32, #tpu.memory_space<hbm>>, %arg3: memref<1280x128xi32, #tpu.memory_space<hbm>>, %arg4: memref<640x128xf32, #tpu.memory_space<hbm>>, %arg5: memref<2x10000x128xf32, #tpu.memory_space<hbm>>, %arg6: memref<2x2048xf32, #tpu.memory_space<vmem>>, %arg7: memref<40x128xi32, #tpu.memory_space<vmem>>, %arg8: memref<2x128x128xf32, #tpu.memory_space<vmem>>, %arg9: memref<10240x128xf32, #tpu.memory_space<vmem_shared>>, %arg10: memref<!tpu.dma_semaphore, #tpu.memory_space<semaphore_mem>>, %arg11: memref<!tpu.dma_semaphore, #tpu.memory_space<semaphore_mem>>) attributes {dimension_semantics = [#tpu.dimension_semantics<core_parallel>, #tpu.dimension_semantics<subcore_parallel>], iteration_bounds = array<i64: 2, 16>, scalar_prefetch = 0 : i64, scratch_operands = 6 : i64, tpu.core_type = #tpu.core_type<sc_vector_subcore>, window_params = [{transform_indices = #map}, {transform_indices = #map1}, {transform_indices = #map1}, {transform_indices = #map2}]} {
    %mul3A = arith.constant 16 : i32
    %mul3A_0 = arith.muli %arg0, %mul3A : i32
    %add3A = arith.addi %mul3A_0, %arg1 : i32
    %mul3A_1 = arith.constant 640 : i32
    %mul3A_2 = arith.muli %arg1, %mul3A_1 : i32
    "tpu.region"() ({
      %run_scoped3A = tpu.sem_alloc : memref<!tpu.dma_semaphore, #tpu.memory_space<semaphore_mem>>
      %dma_start3A_55 = arith.constant 0 : i32
      %dma_start3A_56 = tpu.memref_slice %arg9[%mul3A_2, %dma_start3A_55] : memref<10240x128xf32, #tpu.memory_space<vmem_shared>> -> memref<640x128xf32, #tpu.memory_space<vmem_shared>>
      tpu.enqueue_dma source(%arg4 : memref<640x128xf32, #tpu.memory_space<hbm>>) target(%dma_start3A_56 : memref<640x128xf32, #tpu.memory_space<vmem_shared>>) target_semaphore(%run_scoped3A : memref<!tpu.dma_semaphore, #tpu.memory_space<semaphore_mem>>)
      %dma_wait3A_57 = arith.constant 0 : i32
      %dma_wait3A_58 = tpu.memref_slice %arg9[%mul3A_2, %dma_wait3A_57] : memref<10240x128xf32, #tpu.memory_space<vmem_shared>> -> memref<640x128xf32, #tpu.memory_space<vmem_shared>>
      tpu.wait_dma2 semaphore(%run_scoped3A : memref<!tpu.dma_semaphore, #tpu.memory_space<semaphore_mem>>) src(%arg4 : memref<640x128xf32, #tpu.memory_space<hbm>>) dst(%dma_wait3A_58 : memref<640x128xf32, #tpu.memory_space<vmem_shared>>)
      tpu.yield
    }) : () -> ()
    %mul3A_3 = arith.constant 40 : i32
    %mul3A_4 = arith.muli %add3A, %mul3A_3 : i32
    "tpu.region"() ({
      %run_scoped3A = tpu.sem_alloc : memref<!tpu.dma_semaphore, #tpu.memory_space<semaphore_mem>>
      %dma_start3A_55 = arith.constant 0 : i32
      %dma_start3A_56 = tpu.memref_slice %arg3[%mul3A_4, %dma_start3A_55] : memref<1280x128xi32, #tpu.memory_space<hbm>> -> memref<40x128xi32, #tpu.memory_space<hbm>>
      %dma_start3A_57 = arith.constant 0 : i32
      %dma_start3A_58 = tpu.memref_slice %arg3[%mul3A_4, %dma_start3A_57] : memref<1280x128xi32, #tpu.memory_space<hbm>> -> memref<40x128xi32, #tpu.memory_space<hbm>>
      tpu.enqueue_dma source(%dma_start3A_58 : memref<40x128xi32, #tpu.memory_space<hbm>>) target(%arg7 : memref<40x128xi32, #tpu.memory_space<vmem>>) target_semaphore(%run_scoped3A : memref<!tpu.dma_semaphore, #tpu.memory_space<semaphore_mem>>)
      %dma_wait3A_59 = arith.constant 0 : i32
      %dma_wait3A_60 = tpu.memref_slice %arg3[%mul3A_4, %dma_wait3A_59] : memref<1280x128xi32, #tpu.memory_space<hbm>> -> memref<40x128xi32, #tpu.memory_space<hbm>>
      %dma_wait3A_61 = arith.constant 0 : i32
      %dma_wait3A_62 = tpu.memref_slice %arg3[%mul3A_4, %dma_wait3A_61] : memref<1280x128xi32, #tpu.memory_space<hbm>> -> memref<40x128xi32, #tpu.memory_space<hbm>>
      tpu.wait_dma2 semaphore(%run_scoped3A : memref<!tpu.dma_semaphore, #tpu.memory_space<semaphore_mem>>) src(%dma_wait3A_62 : memref<40x128xi32, #tpu.memory_space<hbm>>) dst(%arg7 : memref<40x128xi32, #tpu.memory_space<vmem>>)
      tpu.yield
    }) : () -> ()
    %iota3A = tpu.iota {dimensions = array<i32: 0>} : vector<16xi32>
    %eq3A = arith.constant 0 : i32
    %eq3A_5 = vector.broadcast %eq3A : i32 to vector<16xi32>
    %eq3A_6 = arith.cmpi eq, %iota3A, %eq3A_5 : vector<16xi32>
    %jit3A = arith.constant 1.000000e+00 : f32
    %jit3A_7 = arith.constant 0.000000e+00 : f32
    %broadcast_in_dim3A = vector.broadcast %jit3A : f32 to vector<16xf32>
    %broadcast_in_dim3A_8 = vector.broadcast %jit3A_7 : f32 to vector<16xf32>
    %select_n3A = arith.select %eq3A_6, %broadcast_in_dim3A, %broadcast_in_dim3A_8 : vector<16xi1>, vector<16xf32>
    %broadcast_in_dim3A_9 = arith.constant 0.000000e+00 : f32
    %broadcast_in_dim3A_10 = vector.broadcast %broadcast_in_dim3A_9 : f32 to vector<16xf32>
    %parallel_loop3A = arith.constant 0 : i32
    %parallel_loop3A_11 = arith.constant 128 : i32
    %parallel_loop3A_12 = arith.constant 1 : i32
    scf.for %parallel_loop3A_55 = %parallel_loop3A to %parallel_loop3A_11 step %parallel_loop3A_12  : i32 {
      %parallel_loop3A_56 = arith.constant 0 : i32
      %parallel_loop3A_57 = arith.index_cast %parallel_loop3A_56 : i32 to index
      %parallel_loop3A_58 = arith.index_cast %parallel_loop3A_55 : i32 to index
      %parallel_loop3A_59 = arith.constant 16 : index
      %parallel_loop3A_60 = tpu.vector_load %arg8[%parallel_loop3A_57, %parallel_loop3A_58, %parallel_loop3A_59] {strides = array<i32>} : memref<2x128x128xf32, #tpu.memory_space<vmem>>, vector<16xf32>,
      tpu.vector_store %arg8[%parallel_loop3A_57, %parallel_loop3A_58, %parallel_loop3A_59], %select_n3A {strides = array<i32>} : memref<2x128x128xf32, #tpu.memory_space<vmem>>, vector<16xf32>,
      %parallel_loop3A_61 = arith.constant 0 : i32
      %parallel_loop3A_62 = arith.index_cast %parallel_loop3A_61 : i32 to index
      %parallel_loop3A_63 = arith.index_cast %parallel_loop3A_55 : i32 to index
      %parallel_loop3A_64 = arith.constant 32 : index
      %parallel_loop3A_65 = tpu.vector_load %arg8[%parallel_loop3A_62, %parallel_loop3A_63, %parallel_loop3A_64] {strides = array<i32>} : memref<2x128x128xf32, #tpu.memory_space<vmem>>, vector<16xf32>,
      tpu.vector_store %arg8[%parallel_loop3A_62, %parallel_loop3A_63, %parallel_loop3A_64], %broadcast_in_dim3A_10 {strides = array<i32>} : memref<2x128x128xf32, #tpu.memory_space<vmem>>, vector<16xf32>,
      %parallel_loop3A_66 = arith.constant 0 : i32
      %parallel_loop3A_67 = arith.index_cast %parallel_loop3A_66 : i32 to index
      %parallel_loop3A_68 = arith.index_cast %parallel_loop3A_55 : i32 to index
      %parallel_loop3A_69 = arith.constant 48 : index
      %parallel_loop3A_70 = tpu.vector_load %arg8[%parallel_loop3A_67, %parallel_loop3A_68, %parallel_loop3A_69] {strides = array<i32>} : memref<2x128x128xf32, #tpu.memory_space<vmem>>, vector<16xf32>,
      tpu.vector_store %arg8[%parallel_loop3A_67, %parallel_loop3A_68, %parallel_loop3A_69], %broadcast_in_dim3A_10 {strides = array<i32>} : memref<2x128x128xf32, #tpu.memory_space<vmem>>, vector<16xf32>,
      %parallel_loop3A_71 = arith.constant 0 : i32
      %parallel_loop3A_72 = arith.index_cast %parallel_loop3A_71 : i32 to index
      %parallel_loop3A_73 = arith.index_cast %parallel_loop3A_55 : i32 to index
      %parallel_loop3A_74 = arith.constant 64 : index
      %parallel_loop3A_75 = tpu.vector_load %arg8[%parallel_loop3A_72, %parallel_loop3A_73, %parallel_loop3A_74] {strides = array<i32>} : memref<2x128x128xf32, #tpu.memory_space<vmem>>, vector<16xf32>,
      tpu.vector_store %arg8[%parallel_loop3A_72, %parallel_loop3A_73, %parallel_loop3A_74], %broadcast_in_dim3A_10 {strides = array<i32>} : memref<2x128x128xf32, #tpu.memory_space<vmem>>, vector<16xf32>,
      %parallel_loop3A_76 = arith.constant 0 : i32
      %parallel_loop3A_77 = arith.index_cast %parallel_loop3A_76 : i32 to index
      %parallel_loop3A_78 = arith.index_cast %parallel_loop3A_55 : i32 to index
      %parallel_loop3A_79 = arith.constant 80 : index
      %parallel_loop3A_80 = tpu.vector_load %arg8[%parallel_loop3A_77, %parallel_loop3A_78, %parallel_loop3A_79] {strides = array<i32>} : memref<2x128x128xf32, #tpu.memory_space<vmem>>, vector<16xf32>,
      tpu.vector_store %arg8[%parallel_loop3A_77, %parallel_loop3A_78, %parallel_loop3A_79], %broadcast_in_dim3A_10 {strides = array<i32>} : memref<2x128x128xf32, #tpu.memory_space<vmem>>, vector<16xf32>,
      %parallel_loop3A_81 = arith.constant 0 : i32
      %parallel_loop3A_82 = arith.index_cast %parallel_loop3A_81 : i32 to index
      %parallel_loop3A_83 = arith.index_cast %parallel_loop3A_55 : i32 to index
      %parallel_loop3A_84 = arith.constant 96 : index
      %parallel_loop3A_85 = tpu.vector_load %arg8[%parallel_loop3A_82, %parallel_loop3A_83, %parallel_loop3A_84] {strides = array<i32>} : memref<2x128x128xf32, #tpu.memory_space<vmem>>, vector<16xf32>,
      tpu.vector_store %arg8[%parallel_loop3A_82, %parallel_loop3A_83, %parallel_loop3A_84], %broadcast_in_dim3A_10 {strides = array<i32>} : memref<2x128x128xf32, #tpu.memory_space<vmem>>, vector<16xf32>,
      %parallel_loop3A_86 = arith.constant 0 : i32
      %parallel_loop3A_87 = arith.index_cast %parallel_loop3A_86 : i32 to index
      %parallel_loop3A_88 = arith.index_cast %parallel_loop3A_55 : i32 to index
      %parallel_loop3A_89 = arith.constant 112 : index
      %parallel_loop3A_90 = tpu.vector_load %arg8[%parallel_loop3A_87, %parallel_loop3A_88, %parallel_loop3A_89] {strides = array<i32>} : memref<2x128x128xf32, #tpu.memory_space<vmem>>, vector<16xf32>,
      tpu.vector_store %arg8[%parallel_loop3A_87, %parallel_loop3A_88, %parallel_loop3A_89], %broadcast_in_dim3A_10 {strides = array<i32>} : memref<2x128x128xf32, #tpu.memory_space<vmem>>, vector<16xf32>,
      %parallel_loop3A_91 = arith.constant 1 : i32
      %parallel_loop3A_92 = arith.index_cast %parallel_loop3A_91 : i32 to index
      %parallel_loop3A_93 = arith.index_cast %parallel_loop3A_55 : i32 to index
      %parallel_loop3A_94 = arith.constant 16 : index
      %parallel_loop3A_95 = tpu.vector_load %arg8[%parallel_loop3A_92, %parallel_loop3A_93, %parallel_loop3A_94] {strides = array<i32>} : memref<2x128x128xf32, #tpu.memory_space<vmem>>, vector<16xf32>,
      tpu.vector_store %arg8[%parallel_loop3A_92, %parallel_loop3A_93, %parallel_loop3A_94], %select_n3A {strides = array<i32>} : memref<2x128x128xf32, #tpu.memory_space<vmem>>, vector<16xf32>,
      %parallel_loop3A_96 = arith.constant 1 : i32
      %parallel_loop3A_97 = arith.index_cast %parallel_loop3A_96 : i32 to index
      %parallel_loop3A_98 = arith.index_cast %parallel_loop3A_55 : i32 to index
      %parallel_loop3A_99 = arith.constant 32 : index
      %parallel_loop3A_100 = tpu.vector_load %arg8[%parallel_loop3A_97, %parallel_loop3A_98, %parallel_loop3A_99] {strides = array<i32>} : memref<2x128x128xf32, #tpu.memory_space<vmem>>, vector<16xf32>,
      tpu.vector_store %arg8[%parallel_loop3A_97, %parallel_loop3A_98, %parallel_loop3A_99], %broadcast_in_dim3A_10 {strides = array<i32>} : memref<2x128x128xf32, #tpu.memory_space<vmem>>, vector<16xf32>,
      %parallel_loop3A_101 = arith.constant 1 : i32
      %parallel_loop3A_102 = arith.index_cast %parallel_loop3A_101 : i32 to index
      %parallel_loop3A_103 = arith.index_cast %parallel_loop3A_55 : i32 to index
      %parallel_loop3A_104 = arith.constant 48 : index
      %parallel_loop3A_105 = tpu.vector_load %arg8[%parallel_loop3A_102, %parallel_loop3A_103, %parallel_loop3A_104] {strides = array<i32>} : memref<2x128x128xf32, #tpu.memory_space<vmem>>, vector<16xf32>,
      tpu.vector_store %arg8[%parallel_loop3A_102, %parallel_loop3A_103, %parallel_loop3A_104], %broadcast_in_dim3A_10 {strides = array<i32>} : memref<2x128x128xf32, #tpu.memory_space<vmem>>, vector<16xf32>,
      %parallel_loop3A_106 = arith.constant 1 : i32
      %parallel_loop3A_107 = arith.index_cast %parallel_loop3A_106 : i32 to index
      %parallel_loop3A_108 = arith.index_cast %parallel_loop3A_55 : i32 to index
      %parallel_loop3A_109 = arith.constant 64 : index
      %parallel_loop3A_110 = tpu.vector_load %arg8[%parallel_loop3A_107, %parallel_loop3A_108, %parallel_loop3A_109] {strides = array<i32>} : memref<2x128x128xf32, #tpu.memory_space<vmem>>, vector<16xf32>,
      tpu.vector_store %arg8[%parallel_loop3A_107, %parallel_loop3A_108, %parallel_loop3A_109], %broadcast_in_dim3A_10 {strides = array<i32>} : memref<2x128x128xf32, #tpu.memory_space<vmem>>, vector<16xf32>,
      %parallel_loop3A_111 = arith.constant 1 : i32
      %parallel_loop3A_112 = arith.index_cast %parallel_loop3A_111 : i32 to index
      %parallel_loop3A_113 = arith.index_cast %parallel_loop3A_55 : i32 to index
      %parallel_loop3A_114 = arith.constant 80 : index
      %parallel_loop3A_115 = tpu.vector_load %arg8[%parallel_loop3A_112, %parallel_loop3A_113, %parallel_loop3A_114] {strides = array<i32>} : memref<2x128x128xf32, #tpu.memory_space<vmem>>, vector<16xf32>,
      tpu.vector_store %arg8[%parallel_loop3A_112, %parallel_loop3A_113, %parallel_loop3A_114], %broadcast_in_dim3A_10 {strides = array<i32>} : memref<2x128x128xf32, #tpu.memory_space<vmem>>, vector<16xf32>,
      %parallel_loop3A_116 = arith.constant 1 : i32
      %parallel_loop3A_117 = arith.index_cast %parallel_loop3A_116 : i32 to index
      %parallel_loop3A_118 = arith.index_cast %parallel_loop3A_55 : i32 to index
      %parallel_loop3A_119 = arith.constant 96 : index
      %parallel_loop3A_120 = tpu.vector_load %arg8[%parallel_loop3A_117, %parallel_loop3A_118, %parallel_loop3A_119] {strides = array<i32>} : memref<2x128x128xf32, #tpu.memory_space<vmem>>, vector<16xf32>,
      tpu.vector_store %arg8[%parallel_loop3A_117, %parallel_loop3A_118, %parallel_loop3A_119], %broadcast_in_dim3A_10 {strides = array<i32>} : memref<2x128x128xf32, #tpu.memory_space<vmem>>, vector<16xf32>,
      %parallel_loop3A_121 = arith.constant 1 : i32
      %parallel_loop3A_122 = arith.index_cast %parallel_loop3A_121 : i32 to index
      %parallel_loop3A_123 = arith.index_cast %parallel_loop3A_55 : i32 to index
      %parallel_loop3A_124 = arith.constant 112 : index
      %parallel_loop3A_125 = tpu.vector_load %arg8[%parallel_loop3A_122, %parallel_loop3A_123, %parallel_loop3A_124] {strides = array<i32>} : memref<2x128x128xf32, #tpu.memory_space<vmem>>, vector<16xf32>,
      tpu.vector_store %arg8[%parallel_loop3A_122, %parallel_loop3A_123, %parallel_loop3A_124], %broadcast_in_dim3A_10 {strides = array<i32>} : memref<2x128x128xf32, #tpu.memory_space<vmem>>, vector<16xf32>,
    } {sc.loop_unroll_factor = 8 : i64, sc.parallel_access}
    %barrier3A = arith.constant 0 : index
    tpu.barrier barrier_id(%barrier3A)
    %mul3A_13 = arith.constant 81920 : i32
    %mul3A_14 = arith.muli %arg0, %mul3A_13 : i32
    %mul3A_15 = arith.constant 5120 : i32
    %mul3A_16 = arith.muli %arg1, %mul3A_15 : i32
    %add3A_17 = arith.addi %mul3A_14, %mul3A_16 : i32
    %add3A_18 = arith.constant 0 : i32
    %add3A_19 = arith.addi %add3A_17, %add3A_18 : i32
    %mul3A_20 = arith.constant 16 : i32
    %mul3A_21 = arith.muli %add3A_19, %mul3A_20 : i32
    %dma_start3A = arith.constant 0 : i32
    %dma_start3A_22 = arith.constant 0 : i32
    %dma_start3A_23 = tpu.memref_slice %arg6[%dma_start3A, %dma_start3A_22] : memref<2x2048xf32, #tpu.memory_space<vmem>> -> memref<1x2048xf32, #tpu.memory_space<vmem>>
    %dma_start3A_24 = tpu.memref_squeeze %dma_start3A_23 : memref<1x2048xf32, #tpu.memory_space<vmem>> -> memref<2048xf32, #tpu.memory_space<vmem>>
    %dma_start3A_25 = tpu.memref_slice %arg2[%mul3A_21] : memref<2621440xf32, #tpu.memory_space<hbm>> -> memref<2048xf32, #tpu.memory_space<hbm>>
    %dma_start3A_26 = arith.constant 0 : i32
    %dma_start3A_27 = tpu.memref_slice %arg6[%dma_start3A, %dma_start3A_26] : memref<2x2048xf32, #tpu.memory_space<vmem>> -> memref<1x2048xf32, #tpu.memory_space<vmem>>
    %dma_start3A_28 = tpu.memref_squeeze %dma_start3A_27 : memref<1x2048xf32, #tpu.memory_space<vmem>> -> memref<2048xf32, #tpu.memory_space<vmem>>
    %dma_start3A_29 = tpu.memref_slice %arg2[%mul3A_21] : memref<2621440xf32, #tpu.memory_space<hbm>> -> memref<2048xf32, #tpu.memory_space<hbm>>
    tpu.enqueue_dma source(%dma_start3A_29 : memref<2048xf32, #tpu.memory_space<hbm>>) target(%dma_start3A_28 : memref<2048xf32, #tpu.memory_space<vmem>>) target_semaphore(%arg10 : memref<!tpu.dma_semaphore, #tpu.memory_space<semaphore_mem>>)
    %scan3A = arith.constant 0 : i32
    %scan3A_30 = arith.constant 0 : i32
    %scan3A_31 = arith.constant 40 : i32
    %scan3A_32 = arith.addi %scan3A_30, %scan3A_31 : i32
    %scan3A_33 = arith.constant 1 : i32
    scf.for %scan3A_55 = %scan3A_30 to %scan3A_32 step %scan3A_33  : i32 {
      %rem3A_56 = arith.constant 2 : i32
      %rem3A_57 = arith.remsi %scan3A_55, %rem3A_56 : i32
      %sub3A = arith.constant 1 : i32
      %sub3A_58 = arith.subi %sub3A, %rem3A_57 : i32
      %ge3A = arith.constant 1 : i32
      %ge3A_59 = arith.cmpi sge, %scan3A_55, %ge3A : i32
      %convert_element_type3A_60 = arith.extui %ge3A_59 : i1 to i32
      %cond3A_61 = arith.constant 0 : i32
      %cond3A_62 = arith.cmpi ne, %convert_element_type3A_60, %cond3A_61 : i32
      scf.if %cond3A_62 {
        %dma_wait3A_96 = arith.constant 0 : i32
        %dma_wait3A_97 = arith.constant 0 : i32
        %dma_wait3A_98 = arith.constant 0 : i32
        %dma_wait3A_99 = tpu.memref_slice %arg8[%sub3A_58, %dma_wait3A_97, %dma_wait3A_98] : memref<2x128x128xf32, #tpu.memory_space<vmem>> -> memref<1x128x128xf32, #tpu.memory_space<vmem>>
        %dma_wait3A_100 = tpu.memref_squeeze %dma_wait3A_99 : memref<1x128x128xf32, #tpu.memory_space<vmem>> -> memref<128x128xf32, #tpu.memory_space<vmem>>
        %dma_wait3A_101 = arith.constant 0 : i32
        %dma_wait3A_102 = tpu.memref_slice %arg7[%dma_wait3A_96, %dma_wait3A_101] : memref<40x128xi32, #tpu.memory_space<vmem>> -> memref<1x128xi32, #tpu.memory_space<vmem>>
        %dma_wait3A_103 = tpu.memref_squeeze %dma_wait3A_102 : memref<1x128xi32, #tpu.memory_space<vmem>> -> memref<128xi32, #tpu.memory_space<vmem>>
        %dma_wait3A_104 = arith.constant 0 : i32
        %dma_wait3A_105 = arith.constant 0 : i32
        %dma_wait3A_106 = tpu.memref_slice %arg9[%dma_wait3A_104, %dma_wait3A_105] : memref<10240x128xf32, #tpu.memory_space<vmem_shared>> -> memref<10240x128xf32, #tpu.memory_space<vmem_shared>>
        tpu.wait_indirect_dma semaphore(%arg11 : memref<!tpu.dma_semaphore, #tpu.memory_space<semaphore_mem>>) src(%dma_wait3A_100 : memref<128x128xf32, #tpu.memory_space<vmem>>) dst(%dma_wait3A_106 : memref<10240x128xf32, #tpu.memory_space<vmem_shared>>)
      } else {
      }
      %add3A_63 = arith.constant 1 : i32
      %add3A_64 = arith.addi %scan3A_55, %add3A_63 : i32
      %lt3A_65 = arith.constant 40 : i32
      %lt3A_66 = arith.cmpi slt, %add3A_64, %lt3A_65 : i32
      %convert_element_type3A_67 = arith.extui %lt3A_66 : i1 to i32
      %cond3A_68 = arith.constant 0 : i32
      %cond3A_69 = arith.cmpi ne, %convert_element_type3A_67, %cond3A_68 : i32
      scf.if %cond3A_69 {
        %add3A_96 = arith.constant 1 : i32
        %add3A_97 = arith.addi %scan3A_55, %add3A_96 : i32
        %mul3A_98 = arith.constant 128 : i32
        %mul3A_99 = arith.muli %add3A_97, %mul3A_98 : i32
        %add3A_100 = arith.addi %add3A_17, %mul3A_99 : i32
        %mul3A_101 = arith.constant 16 : i32
        %mul3A_102 = arith.muli %add3A_100, %mul3A_101 : i32
        %dma_start3A_103 = arith.constant 0 : i32
        %dma_start3A_104 = tpu.memref_slice %arg6[%sub3A_58, %dma_start3A_103] : memref<2x2048xf32, #tpu.memory_space<vmem>> -> memref<1x2048xf32, #tpu.memory_space<vmem>>
        %dma_start3A_105 = tpu.memref_squeeze %dma_start3A_104 : memref<1x2048xf32, #tpu.memory_space<vmem>> -> memref<2048xf32, #tpu.memory_space<vmem>>
        %dma_start3A_106 = tpu.memref_slice %arg2[%mul3A_102] : memref<2621440xf32, #tpu.memory_space<hbm>> -> memref<2048xf32, #tpu.memory_space<hbm>>
        %dma_start3A_107 = arith.constant 0 : i32
        %dma_start3A_108 = tpu.memref_slice %arg6[%sub3A_58, %dma_start3A_107] : memref<2x2048xf32, #tpu.memory_space<vmem>> -> memref<1x2048xf32, #tpu.memory_space<vmem>>
        %dma_start3A_109 = tpu.memref_squeeze %dma_start3A_108 : memref<1x2048xf32, #tpu.memory_space<vmem>> -> memref<2048xf32, #tpu.memory_space<vmem>>
        %dma_start3A_110 = tpu.memref_slice %arg2[%mul3A_102] : memref<2621440xf32, #tpu.memory_space<hbm>> -> memref<2048xf32, #tpu.memory_space<hbm>>
        tpu.enqueue_dma source(%dma_start3A_110 : memref<2048xf32, #tpu.memory_space<hbm>>) target(%dma_start3A_109 : memref<2048xf32, #tpu.memory_space<vmem>>) target_semaphore(%arg10 : memref<!tpu.dma_semaphore, #tpu.memory_space<semaphore_mem>>)
      } else {
      }
      %mul3A_70 = arith.constant 128 : i32
      %mul3A_71 = arith.muli %scan3A_55, %mul3A_70 : i32
      %add3A_72 = arith.addi %add3A_17, %mul3A_71 : i32
      %mul3A_73 = arith.constant 16 : i32
      %mul3A_74 = arith.muli %add3A_72, %mul3A_73 : i32
      %dma_wait3A_75 = arith.constant 0 : i32
      %dma_wait3A_76 = tpu.memref_slice %arg6[%rem3A_57, %dma_wait3A_75] : memref<2x2048xf32, #tpu.memory_space<vmem>> -> memref<1x2048xf32, #tpu.memory_space<vmem>>
      %dma_wait3A_77 = tpu.memref_squeeze %dma_wait3A_76 : memref<1x2048xf32, #tpu.memory_space<vmem>> -> memref<2048xf32, #tpu.memory_space<vmem>>
      %dma_wait3A_78 = tpu.memref_slice %arg2[%mul3A_74] : memref<2621440xf32, #tpu.memory_space<hbm>> -> memref<2048xf32, #tpu.memory_space<hbm>>
      %dma_wait3A_79 = arith.constant 0 : i32
      %dma_wait3A_80 = tpu.memref_slice %arg6[%rem3A_57, %dma_wait3A_79] : memref<2x2048xf32, #tpu.memory_space<vmem>> -> memref<1x2048xf32, #tpu.memory_space<vmem>>
      %dma_wait3A_81 = tpu.memref_squeeze %dma_wait3A_80 : memref<1x2048xf32, #tpu.memory_space<vmem>> -> memref<2048xf32, #tpu.memory_space<vmem>>
      %dma_wait3A_82 = tpu.memref_slice %arg2[%mul3A_74] : memref<2621440xf32, #tpu.memory_space<hbm>> -> memref<2048xf32, #tpu.memory_space<hbm>>
      tpu.wait_dma2 semaphore(%arg10 : memref<!tpu.dma_semaphore, #tpu.memory_space<semaphore_mem>>) src(%dma_wait3A_82 : memref<2048xf32, #tpu.memory_space<hbm>>) dst(%dma_wait3A_81 : memref<2048xf32, #tpu.memory_space<vmem>>)
      %parallel_loop3A_83 = arith.constant 0 : i32
      %parallel_loop3A_84 = arith.constant 128 : i32
      %parallel_loop3A_85 = arith.constant 1 : i32
      scf.for %parallel_loop3A_96 = %parallel_loop3A_83 to %parallel_loop3A_84 step %parallel_loop3A_85  : i32 {
        %parallel_loop3A_97 = arith.constant 16 : i32
        %parallel_loop3A_98 = arith.muli %parallel_loop3A_96, %parallel_loop3A_97 : i32
        %parallel_loop3A_99 = arith.index_cast %rem3A_57 : i32 to index
        %parallel_loop3A_100 = arith.index_cast %parallel_loop3A_98 : i32 to index
        %parallel_loop3A_101 = tpu.vector_load %arg6[%parallel_loop3A_99, %parallel_loop3A_100] {strides = array<i32>} : memref<2x2048xf32, #tpu.memory_space<vmem>>, vector<16xf32>,
        %parallel_loop3A_102 = arith.index_cast %rem3A_57 : i32 to index
        %parallel_loop3A_103 = arith.index_cast %parallel_loop3A_96 : i32 to index
        %parallel_loop3A_104 = arith.constant 0 : index
        %parallel_loop3A_105 = tpu.vector_load %arg8[%parallel_loop3A_102, %parallel_loop3A_103, %parallel_loop3A_104] {strides = array<i32>} : memref<2x128x128xf32, #tpu.memory_space<vmem>>, vector<16xf32>,
        tpu.vector_store %arg8[%parallel_loop3A_102, %parallel_loop3A_103, %parallel_loop3A_104], %parallel_loop3A_101 {strides = array<i32>} : memref<2x128x128xf32, #tpu.memory_space<vmem>>, vector<16xf32>,
      } {sc.loop_unroll_factor = 8 : i64, sc.parallel_access}
      %dma_start3A_86 = arith.constant 0 : i32
      %dma_start3A_87 = arith.constant 0 : i32
      %dma_start3A_88 = tpu.memref_slice %arg8[%rem3A_57, %dma_start3A_86, %dma_start3A_87] : memref<2x128x128xf32, #tpu.memory_space<vmem>> -> memref<1x128x128xf32, #tpu.memory_space<vmem>>
      %dma_start3A_89 = tpu.memref_squeeze %dma_start3A_88 : memref<1x128x128xf32, #tpu.memory_space<vmem>> -> memref<128x128xf32, #tpu.memory_space<vmem>>
      %dma_start3A_90 = arith.constant 0 : i32
      %dma_start3A_91 = tpu.memref_slice %arg7[%scan3A_55, %dma_start3A_90] : memref<40x128xi32, #tpu.memory_space<vmem>> -> memref<1x128xi32, #tpu.memory_space<vmem>>
      %dma_start3A_92 = tpu.memref_squeeze %dma_start3A_91 : memref<1x128xi32, #tpu.memory_space<vmem>> -> memref<128xi32, #tpu.memory_space<vmem>>
      %dma_start3A_93 = arith.constant 0 : i32
      %dma_start3A_94 = arith.constant 0 : i32
      %dma_start3A_95 = tpu.memref_slice %arg9[%dma_start3A_93, %dma_start3A_94] : memref<10240x128xf32, #tpu.memory_space<vmem_shared>> -> memref<10240x128xf32, #tpu.memory_space<vmem_shared>>
      tpu.enqueue_indirect_dma source(%dma_start3A_89 : memref<128x128xf32, #tpu.memory_space<vmem>>) target(%dma_start3A_95 : memref<10240x128xf32, #tpu.memory_space<vmem_shared>>) offsets(%dma_start3A_92 : memref<128xi32, #tpu.memory_space<vmem>>) semaphore(%arg11 : memref<!tpu.dma_semaphore, #tpu.memory_space<semaphore_mem>>) {add = true}
    }
    %scan3A_34 = arith.constant 40 : i32
    %rem3A = arith.constant 39 : i32
    %rem3A_35 = arith.constant 2 : i32
    %rem3A_36 = arith.remsi %rem3A, %rem3A_35 : i32
    %dma_wait3A = arith.constant 0 : i32
    %dma_wait3A_37 = arith.constant 0 : i32
    %dma_wait3A_38 = arith.constant 0 : i32
    %dma_wait3A_39 = tpu.memref_slice %arg8[%rem3A_36, %dma_wait3A_37, %dma_wait3A_38] : memref<2x128x128xf32, #tpu.memory_space<vmem>> -> memref<1x128x128xf32, #tpu.memory_space<vmem>>
    %dma_wait3A_40 = tpu.memref_squeeze %dma_wait3A_39 : memref<1x128x128xf32, #tpu.memory_space<vmem>> -> memref<128x128xf32, #tpu.memory_space<vmem>>
    %dma_wait3A_41 = arith.constant 0 : i32
    %dma_wait3A_42 = tpu.memref_slice %arg7[%dma_wait3A, %dma_wait3A_41] : memref<40x128xi32, #tpu.memory_space<vmem>> -> memref<1x128xi32, #tpu.memory_space<vmem>>
    %dma_wait3A_43 = tpu.memref_squeeze %dma_wait3A_42 : memref<1x128xi32, #tpu.memory_space<vmem>> -> memref<128xi32, #tpu.memory_space<vmem>>
    %dma_wait3A_44 = arith.constant 0 : i32
    %dma_wait3A_45 = arith.constant 0 : i32
    %dma_wait3A_46 = tpu.memref_slice %arg9[%dma_wait3A_44, %dma_wait3A_45] : memref<10240x128xf32, #tpu.memory_space<vmem_shared>> -> memref<10240x128xf32, #tpu.memory_space<vmem_shared>>
    tpu.wait_indirect_dma semaphore(%arg11 : memref<!tpu.dma_semaphore, #tpu.memory_space<semaphore_mem>>) src(%dma_wait3A_40 : memref<128x128xf32, #tpu.memory_space<vmem>>) dst(%dma_wait3A_46 : memref<10240x128xf32, #tpu.memory_space<vmem_shared>>)
    %barrier3A_47 = arith.constant 0 : index
    tpu.barrier barrier_id(%barrier3A_47)
    %lt3A = arith.constant 15 : i32
    %lt3A_48 = arith.cmpi slt, %arg1, %lt3A : i32
    %convert_element_type3A = arith.extui %lt3A_48 : i1 to i32
    %cond3A = arith.constant 0 : i32
    %cond3A_49 = arith.cmpi ne, %convert_element_type3A, %cond3A : i32
    scf.if %cond3A_49 {
      %mul3A_55 = arith.constant 640 : i32
      %mul3A_56 = arith.muli %arg1, %mul3A_55 : i32
      "tpu.region"() ({
        %run_scoped3A = tpu.sem_alloc : memref<!tpu.dma_semaphore, #tpu.memory_space<semaphore_mem>>
        %dma_start3A_57 = arith.constant 0 : i32
        %dma_start3A_58 = tpu.memref_slice %arg5[%arg0, %mul3A_56, %dma_start3A_57] : memref<2x10000x128xf32, #tpu.memory_space<hbm>> -> memref<1x640x128xf32, #tpu.memory_space<hbm>>
        %dma_start3A_59 = tpu.memref_squeeze %dma_start3A_58 : memref<1x640x128xf32, #tpu.memory_space<hbm>> -> memref<640x128xf32, #tpu.memory_space<hbm>>
        %dma_start3A_60 = arith.constant 0 : i32
        %dma_start3A_61 = tpu.memref_slice %arg9[%mul3A_56, %dma_start3A_60] : memref<10240x128xf32, #tpu.memory_space<vmem_shared>> -> memref<640x128xf32, #tpu.memory_space<vmem_shared>>
        tpu.enqueue_dma source(%dma_start3A_61 : memref<640x128xf32, #tpu.memory_space<vmem_shared>>) target(%dma_start3A_59 : memref<640x128xf32, #tpu.memory_space<hbm>>) target_semaphore(%run_scoped3A : memref<!tpu.dma_semaphore, #tpu.memory_space<semaphore_mem>>)
        %dma_wait3A_62 = arith.constant 0 : i32
        %dma_wait3A_63 = tpu.memref_slice %arg5[%arg0, %mul3A_56, %dma_wait3A_62] : memref<2x10000x128xf32, #tpu.memory_space<hbm>> -> memref<1x640x128xf32, #tpu.memory_space<hbm>>
        %dma_wait3A_64 = tpu.memref_squeeze %dma_wait3A_63 : memref<1x640x128xf32, #tpu.memory_space<hbm>> -> memref<640x128xf32, #tpu.memory_space<hbm>>
        %dma_wait3A_65 = arith.constant 0 : i32
        %dma_wait3A_66 = tpu.memref_slice %arg9[%mul3A_56, %dma_wait3A_65] : memref<10240x128xf32, #tpu.memory_space<vmem_shared>> -> memref<640x128xf32, #tpu.memory_space<vmem_shared>>
        tpu.wait_dma2 semaphore(%run_scoped3A : memref<!tpu.dma_semaphore, #tpu.memory_space<semaphore_mem>>) src(%dma_wait3A_66 : memref<640x128xf32, #tpu.memory_space<vmem_shared>>) dst(%dma_wait3A_64 : memref<640x128xf32, #tpu.memory_space<hbm>>)
        tpu.yield
      }) : () -> ()
    } else {
    }
    %eq3A_50 = arith.constant 15 : i32
    %eq3A_51 = arith.cmpi eq, %arg1, %eq3A_50 : i32
    %convert_element_type3A_52 = arith.extui %eq3A_51 : i1 to i32
    %cond3A_53 = arith.constant 0 : i32
    %cond3A_54 = arith.cmpi ne, %convert_element_type3A_52, %cond3A_53 : i32
    scf.if %cond3A_54 {
      "tpu.region"() ({
        %run_scoped3A = tpu.sem_alloc : memref<!tpu.dma_semaphore, #tpu.memory_space<semaphore_mem>>
        %dma_start3A_55 = arith.constant 9600 : i32
        %dma_start3A_56 = arith.constant 0 : i32
        %dma_start3A_57 = tpu.memref_slice %arg5[%arg0, %dma_start3A_55, %dma_start3A_56] : memref<2x10000x128xf32, #tpu.memory_space<hbm>> -> memref<1x400x128xf32, #tpu.memory_space<hbm>>
        %dma_start3A_58 = tpu.memref_squeeze %dma_start3A_57 : memref<1x400x128xf32, #tpu.memory_space<hbm>> -> memref<400x128xf32, #tpu.memory_space<hbm>>
        %dma_start3A_59 = arith.constant 9600 : i32
        %dma_start3A_60 = arith.constant 0 : i32
        %dma_start3A_61 = tpu.memref_slice %arg9[%dma_start3A_59, %dma_start3A_60] : memref<10240x128xf32, #tpu.memory_space<vmem_shared>> -> memref<400x128xf32, #tpu.memory_space<vmem_shared>>
        tpu.enqueue_dma source(%dma_start3A_61 : memref<400x128xf32, #tpu.memory_space<vmem_shared>>) target(%dma_start3A_58 : memref<400x128xf32, #tpu.memory_space<hbm>>) target_semaphore(%run_scoped3A : memref<!tpu.dma_semaphore, #tpu.memory_space<semaphore_mem>>)
        %dma_wait3A_62 = arith.constant 9600 : i32
        %dma_wait3A_63 = arith.constant 0 : i32
        %dma_wait3A_64 = tpu.memref_slice %arg5[%arg0, %dma_wait3A_62, %dma_wait3A_63] : memref<2x10000x128xf32, #tpu.memory_space<hbm>> -> memref<1x400x128xf32, #tpu.memory_space<hbm>>
        %dma_wait3A_65 = tpu.memref_squeeze %dma_wait3A_64 : memref<1x400x128xf32, #tpu.memory_space<hbm>> -> memref<400x128xf32, #tpu.memory_space<hbm>>
        %dma_wait3A_66 = arith.constant 9600 : i32
        %dma_wait3A_67 = arith.constant 0 : i32
        %dma_wait3A_68 = tpu.memref_slice %arg9[%dma_wait3A_66, %dma_wait3A_67] : memref<10240x128xf32, #tpu.memory_space<vmem_shared>> -> memref<400x128xf32, #tpu.memory_space<vmem_shared>>
        tpu.wait_dma2 semaphore(%run_scoped3A : memref<!tpu.dma_semaphore, #tpu.memory_space<semaphore_mem>>) src(%dma_wait3A_68 : memref<400x128xf32, #tpu.memory_space<vmem_shared>>) dst(%dma_wait3A_65 : memref<400x128xf32, #tpu.memory_space<hbm>>)
        tpu.yield
      }) : () -> ()
    } else {
    }
    return
  }
}

#map = affine_map<(d0, d1) -> (0, 0)>
#map1 = affine_map<(d0, d1) -> (0)>
#map2 = affine_map<(d0, d1) -> (0, 0, 0)>
module attributes {stable_mosaic.version = 14 : i64} {
  func.func @_sc_gat_alpha(%arg0: i32, %arg1: i32, %arg2: memref<2x40064xf32, #tpu.memory_space<hbm>>, %arg3: memref<172032xi32, #tpu.memory_space<hbm>>, %arg4: memref<172032xi32, #tpu.memory_space<hbm>>, %arg5: memref<20480xf32, #tpu.memory_space<hbm>>, %arg6: memref<2x2x172032xf32, #tpu.memory_space<hbm>>, %arg7: memref<2x16x20480xf32, #tpu.memory_space<hbm>>, %arg8: memref<40064xf32, #tpu.memory_space<vmem>>, %arg9: memref<10752xi32, #tpu.memory_space<vmem>>, %arg10: memref<10752xi32, #tpu.memory_space<vmem>>, %arg11: memref<10752xf32, #tpu.memory_space<vmem>>, %arg12: memref<10752xf32, #tpu.memory_space<vmem>>, %arg13: memref<20480xf32, #tpu.memory_space<vmem>>) attributes {dimension_semantics = [#tpu.dimension_semantics<core_parallel>, #tpu.dimension_semantics<subcore_parallel>], iteration_bounds = array<i64: 2, 16>, scalar_prefetch = 0 : i64, scratch_operands = 6 : i64, tpu.core_type = #tpu.core_type<sc_vector_subcore>, window_params = [{transform_indices = #map}, {transform_indices = #map1}, {transform_indices = #map1}, {transform_indices = #map1}, {transform_indices = #map2}, {transform_indices = #map2}]} {
    %mul3A = arith.constant 10752 : i32
    %mul3A_0 = arith.muli %arg1, %mul3A : i32
    "tpu.region"() ({
      %run_scoped3A_7 = tpu.sem_alloc : memref<!tpu.dma_semaphore, #tpu.memory_space<semaphore_mem>>
      %dma_start3A = arith.constant 0 : i32
      %dma_start3A_8 = tpu.memref_slice %arg2[%arg0, %dma_start3A] : memref<2x40064xf32, #tpu.memory_space<hbm>> -> memref<1x40064xf32, #tpu.memory_space<hbm>>
      %dma_start3A_9 = tpu.memref_squeeze %dma_start3A_8 : memref<1x40064xf32, #tpu.memory_space<hbm>> -> memref<40064xf32, #tpu.memory_space<hbm>>
      %dma_start3A_10 = arith.constant 0 : i32
      %dma_start3A_11 = tpu.memref_slice %arg2[%arg0, %dma_start3A_10] : memref<2x40064xf32, #tpu.memory_space<hbm>> -> memref<1x40064xf32, #tpu.memory_space<hbm>>
      %dma_start3A_12 = tpu.memref_squeeze %dma_start3A_11 : memref<1x40064xf32, #tpu.memory_space<hbm>> -> memref<40064xf32, #tpu.memory_space<hbm>>
      tpu.enqueue_dma source(%dma_start3A_12 : memref<40064xf32, #tpu.memory_space<hbm>>) target(%arg8 : memref<40064xf32, #tpu.memory_space<vmem>>) target_semaphore(%run_scoped3A_7 : memref<!tpu.dma_semaphore, #tpu.memory_space<semaphore_mem>>)
      %dma_wait3A = arith.constant 0 : i32
      %dma_wait3A_13 = tpu.memref_slice %arg2[%arg0, %dma_wait3A] : memref<2x40064xf32, #tpu.memory_space<hbm>> -> memref<1x40064xf32, #tpu.memory_space<hbm>>
      %dma_wait3A_14 = tpu.memref_squeeze %dma_wait3A_13 : memref<1x40064xf32, #tpu.memory_space<hbm>> -> memref<40064xf32, #tpu.memory_space<hbm>>
      %dma_wait3A_15 = arith.constant 0 : i32
      %dma_wait3A_16 = tpu.memref_slice %arg2[%arg0, %dma_wait3A_15] : memref<2x40064xf32, #tpu.memory_space<hbm>> -> memref<1x40064xf32, #tpu.memory_space<hbm>>
      %dma_wait3A_17 = tpu.memref_squeeze %dma_wait3A_16 : memref<1x40064xf32, #tpu.memory_space<hbm>> -> memref<40064xf32, #tpu.memory_space<hbm>>
      tpu.wait_dma2 semaphore(%run_scoped3A_7 : memref<!tpu.dma_semaphore, #tpu.memory_space<semaphore_mem>>) src(%dma_wait3A_17 : memref<40064xf32, #tpu.memory_space<hbm>>) dst(%arg8 : memref<40064xf32, #tpu.memory_space<vmem>>)
      tpu.yield
    }) : () -> ()
    "tpu.region"() ({
      %run_scoped3A_7 = tpu.sem_alloc : memref<!tpu.dma_semaphore, #tpu.memory_space<semaphore_mem>>
      tpu.enqueue_dma source(%arg5 : memref<20480xf32, #tpu.memory_space<hbm>>) target(%arg13 : memref<20480xf32, #tpu.memory_space<vmem>>) target_semaphore(%run_scoped3A_7 : memref<!tpu.dma_semaphore, #tpu.memory_space<semaphore_mem>>)
      tpu.wait_dma2 semaphore(%run_scoped3A_7 : memref<!tpu.dma_semaphore, #tpu.memory_space<semaphore_mem>>) src(%arg5 : memref<20480xf32, #tpu.memory_space<hbm>>) dst(%arg13 : memref<20480xf32, #tpu.memory_space<vmem>>)
      tpu.yield
    }) : () -> ()
    "tpu.region"() ({
      %run_scoped3A_7 = tpu.sem_alloc : memref<!tpu.dma_semaphore, #tpu.memory_space<semaphore_mem>>
      %dma_start3A = tpu.memref_slice %arg3[%mul3A_0] : memref<172032xi32, #tpu.memory_space<hbm>> -> memref<10752xi32, #tpu.memory_space<hbm>>
      %dma_start3A_8 = tpu.memref_slice %arg3[%mul3A_0] : memref<172032xi32, #tpu.memory_space<hbm>> -> memref<10752xi32, #tpu.memory_space<hbm>>
      tpu.enqueue_dma source(%dma_start3A_8 : memref<10752xi32, #tpu.memory_space<hbm>>) target(%arg9 : memref<10752xi32, #tpu.memory_space<vmem>>) target_semaphore(%run_scoped3A_7 : memref<!tpu.dma_semaphore, #tpu.memory_space<semaphore_mem>>)
      %dma_wait3A = tpu.memref_slice %arg3[%mul3A_0] : memref<172032xi32, #tpu.memory_space<hbm>> -> memref<10752xi32, #tpu.memory_space<hbm>>
      %dma_wait3A_9 = tpu.memref_slice %arg3[%mul3A_0] : memref<172032xi32, #tpu.memory_space<hbm>> -> memref<10752xi32, #tpu.memory_space<hbm>>
      tpu.wait_dma2 semaphore(%run_scoped3A_7 : memref<!tpu.dma_semaphore, #tpu.memory_space<semaphore_mem>>) src(%dma_wait3A_9 : memref<10752xi32, #tpu.memory_space<hbm>>) dst(%arg9 : memref<10752xi32, #tpu.memory_space<vmem>>)
      tpu.yield
    }) : () -> ()
    "tpu.region"() ({
      %run_scoped3A_7 = tpu.sem_alloc : memref<!tpu.dma_semaphore, #tpu.memory_space<semaphore_mem>>
      %dma_start3A = tpu.memref_slice %arg4[%mul3A_0] : memref<172032xi32, #tpu.memory_space<hbm>> -> memref<10752xi32, #tpu.memory_space<hbm>>
      %dma_start3A_8 = tpu.memref_slice %arg4[%mul3A_0] : memref<172032xi32, #tpu.memory_space<hbm>> -> memref<10752xi32, #tpu.memory_space<hbm>>
      tpu.enqueue_dma source(%dma_start3A_8 : memref<10752xi32, #tpu.memory_space<hbm>>) target(%arg10 : memref<10752xi32, #tpu.memory_space<vmem>>) target_semaphore(%run_scoped3A_7 : memref<!tpu.dma_semaphore, #tpu.memory_space<semaphore_mem>>)
      %dma_wait3A = tpu.memref_slice %arg4[%mul3A_0] : memref<172032xi32, #tpu.memory_space<hbm>> -> memref<10752xi32, #tpu.memory_space<hbm>>
      %dma_wait3A_9 = tpu.memref_slice %arg4[%mul3A_0] : memref<172032xi32, #tpu.memory_space<hbm>> -> memref<10752xi32, #tpu.memory_space<hbm>>
      tpu.wait_dma2 semaphore(%run_scoped3A_7 : memref<!tpu.dma_semaphore, #tpu.memory_space<semaphore_mem>>) src(%dma_wait3A_9 : memref<10752xi32, #tpu.memory_space<hbm>>) dst(%arg10 : memref<10752xi32, #tpu.memory_space<vmem>>)
      tpu.yield
    }) : () -> ()
    %scan3A = arith.constant 0 : i32
    %scan3A_1 = arith.constant 0 : i32
    %scan3A_2 = arith.constant 672 : i32
    %scan3A_3 = arith.addi %scan3A_1, %scan3A_2 : i32
    %scan3A_4 = arith.constant 1 : i32
    scf.for %scan3A_7 = %scan3A_1 to %scan3A_3 step %scan3A_4  : i32 {
      %mul3A_8 = arith.constant 16 : i32
      %mul3A_9 = arith.muli %scan3A_7, %mul3A_8 : i32
      %multiple_of3A = tpu.assume_multiple %mul3A_9, 16 : i32
      %get3A = arith.index_cast %multiple_of3A : i32 to index
      %get3A_10 = tpu.vector_load %arg9[%get3A] {strides = array<i32>} : memref<10752xi32, #tpu.memory_space<vmem>>, vector<16xi32>,
      %get3A_11 = arith.index_cast %multiple_of3A : i32 to index
      %get3A_12 = tpu.vector_load %arg10[%get3A_11] {strides = array<i32>} : memref<10752xi32, #tpu.memory_space<vmem>>, vector<16xi32>,
      %mul3A_13 = arith.constant 4 : i32
      %mul3A_14 = vector.broadcast %mul3A_13 : i32 to vector<16xi32>
      %mul3A_15 = arith.muli %get3A_10, %mul3A_14 : vector<16xi32>
      %mul3A_16 = arith.constant 4 : i32
      %mul3A_17 = vector.broadcast %mul3A_16 : i32 to vector<16xi32>
      %mul3A_18 = arith.muli %get3A_12, %mul3A_17 : vector<16xi32>
      %gather3A = tpu.vector_load_idx %arg8[%mul3A_15] : memref<40064xf32, #tpu.memory_space<vmem>>[vector<16xi32>], vector<16xf32>,
      %add3A = arith.constant 2 : i32
      %add3A_19 = vector.broadcast %add3A : i32 to vector<16xi32>
      %add3A_20 = arith.addi %mul3A_18, %add3A_19 : vector<16xi32>
      %gather3A_21 = tpu.vector_load_idx %arg8[%add3A_20] : memref<40064xf32, #tpu.memory_space<vmem>>[vector<16xi32>], vector<16xf32>,
      %add3A_22 = arith.addf %gather3A, %gather3A_21 : vector<16xf32>
      %add3A_23 = arith.constant 1 : i32
      %add3A_24 = vector.broadcast %add3A_23 : i32 to vector<16xi32>
      %add3A_25 = arith.addi %mul3A_15, %add3A_24 : vector<16xi32>
      %gather3A_26 = tpu.vector_load_idx %arg8[%add3A_25] : memref<40064xf32, #tpu.memory_space<vmem>>[vector<16xi32>], vector<16xf32>,
      %add3A_27 = arith.constant 3 : i32
      %add3A_28 = vector.broadcast %add3A_27 : i32 to vector<16xi32>
      %add3A_29 = arith.addi %mul3A_18, %add3A_28 : vector<16xi32>
      %gather3A_30 = tpu.vector_load_idx %arg8[%add3A_29] : memref<40064xf32, #tpu.memory_space<vmem>>[vector<16xi32>], vector<16xf32>,
      %add3A_31 = arith.addf %gather3A_26, %gather3A_30 : vector<16xf32>
      %ge3A = arith.constant 0.000000e+00 : f32
      %ge3A_32 = vector.broadcast %ge3A : f32 to vector<16xf32>
      %ge3A_33 = arith.cmpf oge, %add3A_22, %ge3A_32 : vector<16xf32>
      %mul3A_34 = arith.constant 2.000000e-01 : f32
      %mul3A_35 = vector.broadcast %mul3A_34 : f32 to vector<16xf32>
      %mul3A_36 = arith.mulf %mul3A_35, %add3A_22 : vector<16xf32>
      %select_n3A = arith.select %ge3A_33, %add3A_22, %mul3A_36 : vector<16xi1>, vector<16xf32>
      %ge3A_37 = arith.constant 0.000000e+00 : f32
      %ge3A_38 = vector.broadcast %ge3A_37 : f32 to vector<16xf32>
      %ge3A_39 = arith.cmpf oge, %add3A_31, %ge3A_38 : vector<16xf32>
      %mul3A_40 = arith.constant 2.000000e-01 : f32
      %mul3A_41 = vector.broadcast %mul3A_40 : f32 to vector<16xf32>
      %mul3A_42 = arith.mulf %mul3A_41, %add3A_31 : vector<16xf32>
      %select_n3A_43 = arith.select %ge3A_39, %add3A_31, %mul3A_42 : vector<16xi1>, vector<16xf32>
      %exp3A = math.exp %select_n3A : vector<16xf32>
      %exp3A_44 = math.exp %select_n3A_43 : vector<16xf32>
      %swap3A = arith.index_cast %multiple_of3A : i32 to index
      %swap3A_45 = tpu.vector_load %arg11[%swap3A] {strides = array<i32>} : memref<10752xf32, #tpu.memory_space<vmem>>, vector<16xf32>,
      tpu.vector_store %arg11[%swap3A], %exp3A {strides = array<i32>} : memref<10752xf32, #tpu.memory_space<vmem>>, vector<16xf32>,
      %swap3A_46 = arith.index_cast %multiple_of3A : i32 to index
      %swap3A_47 = tpu.vector_load %arg12[%swap3A_46] {strides = array<i32>} : memref<10752xf32, #tpu.memory_space<vmem>>, vector<16xf32>,
      tpu.vector_store %arg12[%swap3A_46], %exp3A_44 {strides = array<i32>} : memref<10752xf32, #tpu.memory_space<vmem>>, vector<16xf32>,
      %mul3A_48 = arith.constant 2 : i32
      %mul3A_49 = vector.broadcast %mul3A_48 : i32 to vector<16xi32>
      %mul3A_50 = arith.muli %get3A_12, %mul3A_49 : vector<16xi32>
      tpu.vector_store_idx %arg13[%mul3A_50], %exp3A {add = true} : memref<20480xf32, #tpu.memory_space<vmem>>[vector<16xi32>], vector<16xf32>,
      %add3A_51 = arith.constant 1 : i32
      %add3A_52 = vector.broadcast %add3A_51 : i32 to vector<16xi32>
      %add3A_53 = arith.addi %mul3A_50, %add3A_52 : vector<16xi32>
      tpu.vector_store_idx %arg13[%add3A_53], %exp3A_44 {add = true} : memref<20480xf32, #tpu.memory_space<vmem>>[vector<16xi32>], vector<16xf32>,
    }
    %scan3A_5 = arith.constant 672 : i32
    %run_scoped3A = arith.constant 0 : i32
    "tpu.region"() ({
      %run_scoped3A_7 = tpu.sem_alloc : memref<!tpu.dma_semaphore, #tpu.memory_space<semaphore_mem>>
      %dma_start3A = tpu.memref_slice %arg6[%arg0, %run_scoped3A, %mul3A_0] : memref<2x2x172032xf32, #tpu.memory_space<hbm>> -> memref<1x1x10752xf32, #tpu.memory_space<hbm>>
      %dma_start3A_8 = tpu.memref_squeeze %dma_start3A : memref<1x1x10752xf32, #tpu.memory_space<hbm>> -> memref<10752xf32, #tpu.memory_space<hbm>>
      %dma_start3A_9 = tpu.memref_slice %arg6[%arg0, %run_scoped3A, %mul3A_0] : memref<2x2x172032xf32, #tpu.memory_space<hbm>> -> memref<1x1x10752xf32, #tpu.memory_space<hbm>>
      %dma_start3A_10 = tpu.memref_squeeze %dma_start3A_9 : memref<1x1x10752xf32, #tpu.memory_space<hbm>> -> memref<10752xf32, #tpu.memory_space<hbm>>
      tpu.enqueue_dma source(%arg11 : memref<10752xf32, #tpu.memory_space<vmem>>) target(%dma_start3A_10 : memref<10752xf32, #tpu.memory_space<hbm>>) target_semaphore(%run_scoped3A_7 : memref<!tpu.dma_semaphore, #tpu.memory_space<semaphore_mem>>)
      %dma_wait3A = tpu.memref_slice %arg6[%arg0, %run_scoped3A, %mul3A_0] : memref<2x2x172032xf32, #tpu.memory_space<hbm>> -> memref<1x1x10752xf32, #tpu.memory_space<hbm>>
      %dma_wait3A_11 = tpu.memref_squeeze %dma_wait3A : memref<1x1x10752xf32, #tpu.memory_space<hbm>> -> memref<10752xf32, #tpu.memory_space<hbm>>
      %dma_wait3A_12 = tpu.memref_slice %arg6[%arg0, %run_scoped3A, %mul3A_0] : memref<2x2x172032xf32, #tpu.memory_space<hbm>> -> memref<1x1x10752xf32, #tpu.memory_space<hbm>>
      %dma_wait3A_13 = tpu.memref_squeeze %dma_wait3A_12 : memref<1x1x10752xf32, #tpu.memory_space<hbm>> -> memref<10752xf32, #tpu.memory_space<hbm>>
      tpu.wait_dma2 semaphore(%run_scoped3A_7 : memref<!tpu.dma_semaphore, #tpu.memory_space<semaphore_mem>>) src(%arg11 : memref<10752xf32, #tpu.memory_space<vmem>>) dst(%dma_wait3A_13 : memref<10752xf32, #tpu.memory_space<hbm>>)
      tpu.yield
    }) : () -> ()
    %run_scoped3A_6 = arith.constant 1 : i32
    "tpu.region"() ({
      %run_scoped3A_7 = tpu.sem_alloc : memref<!tpu.dma_semaphore, #tpu.memory_space<semaphore_mem>>
      %dma_start3A = tpu.memref_slice %arg6[%arg0, %run_scoped3A_6, %mul3A_0] : memref<2x2x172032xf32, #tpu.memory_space<hbm>> -> memref<1x1x10752xf32, #tpu.memory_space<hbm>>
      %dma_start3A_8 = tpu.memref_squeeze %dma_start3A : memref<1x1x10752xf32, #tpu.memory_space<hbm>> -> memref<10752xf32, #tpu.memory_space<hbm>>
      %dma_start3A_9 = tpu.memref_slice %arg6[%arg0, %run_scoped3A_6, %mul3A_0] : memref<2x2x172032xf32, #tpu.memory_space<hbm>> -> memref<1x1x10752xf32, #tpu.memory_space<hbm>>
      %dma_start3A_10 = tpu.memref_squeeze %dma_start3A_9 : memref<1x1x10752xf32, #tpu.memory_space<hbm>> -> memref<10752xf32, #tpu.memory_space<hbm>>
      tpu.enqueue_dma source(%arg12 : memref<10752xf32, #tpu.memory_space<vmem>>) target(%dma_start3A_10 : memref<10752xf32, #tpu.memory_space<hbm>>) target_semaphore(%run_scoped3A_7 : memref<!tpu.dma_semaphore, #tpu.memory_space<semaphore_mem>>)
      %dma_wait3A = tpu.memref_slice %arg6[%arg0, %run_scoped3A_6, %mul3A_0] : memref<2x2x172032xf32, #tpu.memory_space<hbm>> -> memref<1x1x10752xf32, #tpu.memory_space<hbm>>
      %dma_wait3A_11 = tpu.memref_squeeze %dma_wait3A : memref<1x1x10752xf32, #tpu.memory_space<hbm>> -> memref<10752xf32, #tpu.memory_space<hbm>>
      %dma_wait3A_12 = tpu.memref_slice %arg6[%arg0, %run_scoped3A_6, %mul3A_0] : memref<2x2x172032xf32, #tpu.memory_space<hbm>> -> memref<1x1x10752xf32, #tpu.memory_space<hbm>>
      %dma_wait3A_13 = tpu.memref_squeeze %dma_wait3A_12 : memref<1x1x10752xf32, #tpu.memory_space<hbm>> -> memref<10752xf32, #tpu.memory_space<hbm>>
      tpu.wait_dma2 semaphore(%run_scoped3A_7 : memref<!tpu.dma_semaphore, #tpu.memory_space<semaphore_mem>>) src(%arg12 : memref<10752xf32, #tpu.memory_space<vmem>>) dst(%dma_wait3A_13 : memref<10752xf32, #tpu.memory_space<hbm>>)
      tpu.yield
    }) : () -> ()
    "tpu.region"() ({
      %run_scoped3A_7 = tpu.sem_alloc : memref<!tpu.dma_semaphore, #tpu.memory_space<semaphore_mem>>
      %dma_start3A = arith.constant 0 : i32
      %dma_start3A_8 = tpu.memref_slice %arg7[%arg0, %arg1, %dma_start3A] : memref<2x16x20480xf32, #tpu.memory_space<hbm>> -> memref<1x1x20480xf32, #tpu.memory_space<hbm>>
      %dma_start3A_9 = tpu.memref_squeeze %dma_start3A_8 : memref<1x1x20480xf32, #tpu.memory_space<hbm>> -> memref<20480xf32, #tpu.memory_space<hbm>>
      %dma_start3A_10 = arith.constant 0 : i32
      %dma_start3A_11 = tpu.memref_slice %arg7[%arg0, %arg1, %dma_start3A_10] : memref<2x16x20480xf32, #tpu.memory_space<hbm>> -> memref<1x1x20480xf32, #tpu.memory_space<hbm>>
      %dma_start3A_12 = tpu.memref_squeeze %dma_start3A_11 : memref<1x1x20480xf32, #tpu.memory_space<hbm>> -> memref<20480xf32, #tpu.memory_space<hbm>>
      tpu.enqueue_dma source(%arg13 : memref<20480xf32, #tpu.memory_space<vmem>>) target(%dma_start3A_12 : memref<20480xf32, #tpu.memory_space<hbm>>) target_semaphore(%run_scoped3A_7 : memref<!tpu.dma_semaphore, #tpu.memory_space<semaphore_mem>>)
      %dma_wait3A = arith.constant 0 : i32
      %dma_wait3A_13 = tpu.memref_slice %arg7[%arg0, %arg1, %dma_wait3A] : memref<2x16x20480xf32, #tpu.memory_space<hbm>> -> memref<1x1x20480xf32, #tpu.memory_space<hbm>>
      %dma_wait3A_14 = tpu.memref_squeeze %dma_wait3A_13 : memref<1x1x20480xf32, #tpu.memory_space<hbm>> -> memref<20480xf32, #tpu.memory_space<hbm>>
      %dma_wait3A_15 = arith.constant 0 : i32
      %dma_wait3A_16 = tpu.memref_slice %arg7[%arg0, %arg1, %dma_wait3A_15] : memref<2x16x20480xf32, #tpu.memory_space<hbm>> -> memref<1x1x20480xf32, #tpu.memory_space<hbm>>
      %dma_wait3A_17 = tpu.memref_squeeze %dma_wait3A_16 : memref<1x1x20480xf32, #tpu.memory_space<hbm>> -> memref<20480xf32, #tpu.memory_space<hbm>>
      tpu.wait_dma2 semaphore(%run_scoped3A_7 : memref<!tpu.dma_semaphore, #tpu.memory_space<semaphore_mem>>) src(%arg13 : memref<20480xf32, #tpu.memory_space<vmem>>) dst(%dma_wait3A_17 : memref<20480xf32, #tpu.memory_space<hbm>>)
      tpu.yield
    }) : () -> ()
    return
  }
}

#map = affine_map<(d0, d1) -> (0, 0)>
#map1 = affine_map<(d0, d1) -> (0, 0, 0)>
#map2 = affine_map<(d0, d1) -> (0)>
module attributes {stable_mosaic.version = 14 : i64} {
  func.func @_sc_gat_aggregate(%arg0: i32, %arg1: i32, %arg2: memref<20000x128xf32, #tpu.memory_space<hbm>>, %arg3: memref<2x172032xi32, #tpu.memory_space<hbm>>, %arg4: memref<2x2x172032xf32, #tpu.memory_space<hbm>>, %arg5: memref<172032xi32, #tpu.memory_space<hbm>>, %arg6: memref<640x128xf32, #tpu.memory_space<hbm>>, %arg7: memref<2x10000x128xf32, #tpu.memory_space<hbm>>, %arg8: memref<10752xi32, #tpu.memory_space<vmem>>, %arg9: memref<2x128xi32, #tpu.memory_space<vmem>>, %arg10: memref<2x2x128xf32, #tpu.memory_space<vmem>>, %arg11: memref<2x128x128xf32, #tpu.memory_space<vmem>>, %arg12: memref<10240x128xf32, #tpu.memory_space<vmem_shared>>, %arg13: memref<!tpu.dma_semaphore, #tpu.memory_space<semaphore_mem>>, %arg14: memref<!tpu.dma_semaphore, #tpu.memory_space<semaphore_mem>>, %arg15: memref<!tpu.dma_semaphore, #tpu.memory_space<semaphore_mem>>) attributes {dimension_semantics = [#tpu.dimension_semantics<core_parallel>, #tpu.dimension_semantics<subcore_parallel>], iteration_bounds = array<i64: 2, 16>, scalar_prefetch = 0 : i64, scratch_operands = 8 : i64, tpu.core_type = #tpu.core_type<sc_vector_subcore>, window_params = [{transform_indices = #map}, {transform_indices = #map}, {transform_indices = #map1}, {transform_indices = #map2}, {transform_indices = #map}, {transform_indices = #map1}]} {
    %mul3A = arith.constant 10752 : i32
    %mul3A_0 = arith.muli %arg1, %mul3A : i32
    %mul3A_1 = arith.constant 640 : i32
    %mul3A_2 = arith.muli %arg1, %mul3A_1 : i32
    "tpu.region"() ({
      %run_scoped3A = tpu.sem_alloc : memref<!tpu.dma_semaphore, #tpu.memory_space<semaphore_mem>>
      %dma_start3A_60 = arith.constant 0 : i32
      %dma_start3A_61 = tpu.memref_slice %arg12[%mul3A_2, %dma_start3A_60] : memref<10240x128xf32, #tpu.memory_space<vmem_shared>> -> memref<640x128xf32, #tpu.memory_space<vmem_shared>>
      tpu.enqueue_dma source(%arg6 : memref<640x128xf32, #tpu.memory_space<hbm>>) target(%dma_start3A_61 : memref<640x128xf32, #tpu.memory_space<vmem_shared>>) target_semaphore(%run_scoped3A : memref<!tpu.dma_semaphore, #tpu.memory_space<semaphore_mem>>)
      %dma_wait3A_62 = arith.constant 0 : i32
      %dma_wait3A_63 = tpu.memref_slice %arg12[%mul3A_2, %dma_wait3A_62] : memref<10240x128xf32, #tpu.memory_space<vmem_shared>> -> memref<640x128xf32, #tpu.memory_space<vmem_shared>>
      tpu.wait_dma2 semaphore(%run_scoped3A : memref<!tpu.dma_semaphore, #tpu.memory_space<semaphore_mem>>) src(%arg6 : memref<640x128xf32, #tpu.memory_space<hbm>>) dst(%dma_wait3A_63 : memref<640x128xf32, #tpu.memory_space<vmem_shared>>)
      tpu.yield
    }) : () -> ()
    "tpu.region"() ({
      %run_scoped3A = tpu.sem_alloc : memref<!tpu.dma_semaphore, #tpu.memory_space<semaphore_mem>>
      %dma_start3A_60 = tpu.memref_slice %arg3[%arg0, %mul3A_0] : memref<2x172032xi32, #tpu.memory_space<hbm>> -> memref<1x10752xi32, #tpu.memory_space<hbm>>
      %dma_start3A_61 = tpu.memref_squeeze %dma_start3A_60 : memref<1x10752xi32, #tpu.memory_space<hbm>> -> memref<10752xi32, #tpu.memory_space<hbm>>
      %dma_start3A_62 = tpu.memref_slice %arg3[%arg0, %mul3A_0] : memref<2x172032xi32, #tpu.memory_space<hbm>> -> memref<1x10752xi32, #tpu.memory_space<hbm>>
      %dma_start3A_63 = tpu.memref_squeeze %dma_start3A_62 : memref<1x10752xi32, #tpu.memory_space<hbm>> -> memref<10752xi32, #tpu.memory_space<hbm>>
      tpu.enqueue_dma source(%dma_start3A_63 : memref<10752xi32, #tpu.memory_space<hbm>>) target(%arg8 : memref<10752xi32, #tpu.memory_space<vmem>>) target_semaphore(%run_scoped3A : memref<!tpu.dma_semaphore, #tpu.memory_space<semaphore_mem>>)
      %dma_wait3A_64 = tpu.memref_slice %arg3[%arg0, %mul3A_0] : memref<2x172032xi32, #tpu.memory_space<hbm>> -> memref<1x10752xi32, #tpu.memory_space<hbm>>
      %dma_wait3A_65 = tpu.memref_squeeze %dma_wait3A_64 : memref<1x10752xi32, #tpu.memory_space<hbm>> -> memref<10752xi32, #tpu.memory_space<hbm>>
      %dma_wait3A_66 = tpu.memref_slice %arg3[%arg0, %mul3A_0] : memref<2x172032xi32, #tpu.memory_space<hbm>> -> memref<1x10752xi32, #tpu.memory_space<hbm>>
      %dma_wait3A_67 = tpu.memref_squeeze %dma_wait3A_66 : memref<1x10752xi32, #tpu.memory_space<hbm>> -> memref<10752xi32, #tpu.memory_space<hbm>>
      tpu.wait_dma2 semaphore(%run_scoped3A : memref<!tpu.dma_semaphore, #tpu.memory_space<semaphore_mem>>) src(%dma_wait3A_67 : memref<10752xi32, #tpu.memory_space<hbm>>) dst(%arg8 : memref<10752xi32, #tpu.memory_space<vmem>>)
      tpu.yield
    }) : () -> ()
    %barrier3A = arith.constant 0 : index
    tpu.barrier barrier_id(%barrier3A)
    %add3A = arith.constant 0 : i32
    %add3A_3 = arith.addi %mul3A_0, %add3A : i32
    %dma_start3A = arith.constant 0 : i32
    %dma_start3A_4 = arith.constant 0 : i32
    %dma_start3A_5 = tpu.memref_slice %arg9[%dma_start3A, %dma_start3A_4] : memref<2x128xi32, #tpu.memory_space<vmem>> -> memref<1x128xi32, #tpu.memory_space<vmem>>
    %dma_start3A_6 = tpu.memref_squeeze %dma_start3A_5 : memref<1x128xi32, #tpu.memory_space<vmem>> -> memref<128xi32, #tpu.memory_space<vmem>>
    %dma_start3A_7 = tpu.memref_slice %arg5[%add3A_3] : memref<172032xi32, #tpu.memory_space<hbm>> -> memref<128xi32, #tpu.memory_space<hbm>>
    %dma_start3A_8 = arith.constant 0 : i32
    %dma_start3A_9 = tpu.memref_slice %arg9[%dma_start3A, %dma_start3A_8] : memref<2x128xi32, #tpu.memory_space<vmem>> -> memref<1x128xi32, #tpu.memory_space<vmem>>
    %dma_start3A_10 = tpu.memref_squeeze %dma_start3A_9 : memref<1x128xi32, #tpu.memory_space<vmem>> -> memref<128xi32, #tpu.memory_space<vmem>>
    %dma_start3A_11 = tpu.memref_slice %arg5[%add3A_3] : memref<172032xi32, #tpu.memory_space<hbm>> -> memref<128xi32, #tpu.memory_space<hbm>>
    tpu.enqueue_dma source(%dma_start3A_11 : memref<128xi32, #tpu.memory_space<hbm>>) target(%dma_start3A_10 : memref<128xi32, #tpu.memory_space<vmem>>) target_semaphore(%arg15 : memref<!tpu.dma_semaphore, #tpu.memory_space<semaphore_mem>>)
    %dma_start3A_12 = arith.constant 0 : i32
    %dma_start3A_13 = arith.constant 0 : i32
    %dma_start3A_14 = arith.constant 0 : i32
    %dma_start3A_15 = tpu.memref_slice %arg10[%dma_start3A_12, %dma_start3A_13, %dma_start3A_14] : memref<2x2x128xf32, #tpu.memory_space<vmem>> -> memref<1x2x128xf32, #tpu.memory_space<vmem>>
    %dma_start3A_16 = tpu.memref_squeeze %dma_start3A_15 : memref<1x2x128xf32, #tpu.memory_space<vmem>> -> memref<2x128xf32, #tpu.memory_space<vmem>>
    %dma_start3A_17 = arith.constant 0 : i32
    %dma_start3A_18 = tpu.memref_slice %arg4[%arg0, %dma_start3A_17, %add3A_3] : memref<2x2x172032xf32, #tpu.memory_space<hbm>> -> memref<1x2x128xf32, #tpu.memory_space<hbm>>
    %dma_start3A_19 = tpu.memref_squeeze %dma_start3A_18 : memref<1x2x128xf32, #tpu.memory_space<hbm>> -> memref<2x128xf32, #tpu.memory_space<hbm>>
    %dma_start3A_20 = arith.constant 0 : i32
    %dma_start3A_21 = arith.constant 0 : i32
    %dma_start3A_22 = tpu.memref_slice %arg10[%dma_start3A_12, %dma_start3A_20, %dma_start3A_21] : memref<2x2x128xf32, #tpu.memory_space<vmem>> -> memref<1x2x128xf32, #tpu.memory_space<vmem>>
    %dma_start3A_23 = tpu.memref_squeeze %dma_start3A_22 : memref<1x2x128xf32, #tpu.memory_space<vmem>> -> memref<2x128xf32, #tpu.memory_space<vmem>>
    %dma_start3A_24 = arith.constant 0 : i32
    %dma_start3A_25 = tpu.memref_slice %arg4[%arg0, %dma_start3A_24, %add3A_3] : memref<2x2x172032xf32, #tpu.memory_space<hbm>> -> memref<1x2x128xf32, #tpu.memory_space<hbm>>
    %dma_start3A_26 = tpu.memref_squeeze %dma_start3A_25 : memref<1x2x128xf32, #tpu.memory_space<hbm>> -> memref<2x128xf32, #tpu.memory_space<hbm>>
    tpu.enqueue_dma source(%dma_start3A_26 : memref<2x128xf32, #tpu.memory_space<hbm>>) target(%dma_start3A_23 : memref<2x128xf32, #tpu.memory_space<vmem>>) target_semaphore(%arg15 : memref<!tpu.dma_semaphore, #tpu.memory_space<semaphore_mem>>)
    %dma_start3A_27 = arith.constant 0 : i32
    %dma_start3A_28 = arith.constant 0 : i32
    %dma_start3A_29 = arith.constant 0 : i32
    %dma_start3A_30 = tpu.memref_slice %arg11[%dma_start3A_27, %dma_start3A_28, %dma_start3A_29] : memref<2x128x128xf32, #tpu.memory_space<vmem>> -> memref<1x128x128xf32, #tpu.memory_space<vmem>>
    %dma_start3A_31 = tpu.memref_squeeze %dma_start3A_30 : memref<1x128x128xf32, #tpu.memory_space<vmem>> -> memref<128x128xf32, #tpu.memory_space<vmem>>
    %dma_start3A_32 = arith.constant 0 : i32
    %dma_start3A_33 = tpu.memref_slice %arg8[%dma_start3A_32] : memref<10752xi32, #tpu.memory_space<vmem>> -> memref<128xi32, #tpu.memory_space<vmem>>
    %dma_start3A_34 = arith.constant 0 : i32
    %dma_start3A_35 = arith.constant 0 : i32
    %dma_start3A_36 = tpu.memref_slice %arg2[%dma_start3A_34, %dma_start3A_35] : memref<20000x128xf32, #tpu.memory_space<hbm>> -> memref<20000x128xf32, #tpu.memory_space<hbm>>
    tpu.enqueue_indirect_dma source(%dma_start3A_36 : memref<20000x128xf32, #tpu.memory_space<hbm>>) target(%dma_start3A_31 : memref<128x128xf32, #tpu.memory_space<vmem>>) offsets(%dma_start3A_33 : memref<128xi32, #tpu.memory_space<vmem>>) semaphore(%arg13 : memref<!tpu.dma_semaphore, #tpu.memory_space<semaphore_mem>>)
    %scan3A = arith.constant 0 : i32
    %scan3A_37 = arith.constant 0 : i32
    %scan3A_38 = arith.constant 84 : i32
    %scan3A_39 = arith.addi %scan3A_37, %scan3A_38 : i32
    %scan3A_40 = arith.constant 1 : i32
    scf.for %scan3A_60 = %scan3A_37 to %scan3A_39 step %scan3A_40  : i32 {
      %rem3A_61 = arith.constant 2 : i32
      %rem3A_62 = arith.remsi %scan3A_60, %rem3A_61 : i32
      %sub3A = arith.constant 1 : i32
      %sub3A_63 = arith.subi %sub3A, %rem3A_62 : i32
      %ge3A = arith.constant 1 : i32
      %ge3A_64 = arith.cmpi sge, %scan3A_60, %ge3A : i32
      %convert_element_type3A_65 = arith.extui %ge3A_64 : i1 to i32
      %cond3A_66 = arith.constant 0 : i32
      %cond3A_67 = arith.cmpi ne, %convert_element_type3A_65, %cond3A_66 : i32
      scf.if %cond3A_67 {
        %dma_wait3A_122 = arith.constant 0 : i32
        %dma_wait3A_123 = arith.constant 0 : i32
        %dma_wait3A_124 = tpu.memref_slice %arg11[%sub3A_63, %dma_wait3A_122, %dma_wait3A_123] : memref<2x128x128xf32, #tpu.memory_space<vmem>> -> memref<1x128x128xf32, #tpu.memory_space<vmem>>
        %dma_wait3A_125 = tpu.memref_squeeze %dma_wait3A_124 : memref<1x128x128xf32, #tpu.memory_space<vmem>> -> memref<128x128xf32, #tpu.memory_space<vmem>>
        %dma_wait3A_126 = arith.constant 0 : i32
        %dma_wait3A_127 = tpu.memref_slice %arg9[%sub3A_63, %dma_wait3A_126] : memref<2x128xi32, #tpu.memory_space<vmem>> -> memref<1x128xi32, #tpu.memory_space<vmem>>
        %dma_wait3A_128 = tpu.memref_squeeze %dma_wait3A_127 : memref<1x128xi32, #tpu.memory_space<vmem>> -> memref<128xi32, #tpu.memory_space<vmem>>
        %dma_wait3A_129 = arith.constant 0 : i32
        %dma_wait3A_130 = arith.constant 0 : i32
        %dma_wait3A_131 = tpu.memref_slice %arg12[%dma_wait3A_129, %dma_wait3A_130] : memref<10240x128xf32, #tpu.memory_space<vmem_shared>> -> memref<10240x128xf32, #tpu.memory_space<vmem_shared>>
        tpu.wait_indirect_dma semaphore(%arg14 : memref<!tpu.dma_semaphore, #tpu.memory_space<semaphore_mem>>) src(%dma_wait3A_125 : memref<128x128xf32, #tpu.memory_space<vmem>>) dst(%dma_wait3A_131 : memref<10240x128xf32, #tpu.memory_space<vmem_shared>>)
      } else {
      }
      %add3A_68 = arith.constant 1 : i32
      %add3A_69 = arith.addi %scan3A_60, %add3A_68 : i32
      %lt3A_70 = arith.constant 84 : i32
      %lt3A_71 = arith.cmpi slt, %add3A_69, %lt3A_70 : i32
      %convert_element_type3A_72 = arith.extui %lt3A_71 : i1 to i32
      %cond3A_73 = arith.constant 0 : i32
      %cond3A_74 = arith.cmpi ne, %convert_element_type3A_72, %cond3A_73 : i32
      scf.if %cond3A_74 {
        %add3A_122 = arith.constant 1 : i32
        %add3A_123 = arith.addi %scan3A_60, %add3A_122 : i32
        %mul3A_124 = arith.constant 128 : i32
        %mul3A_125 = arith.muli %add3A_123, %mul3A_124 : i32
        %add3A_126 = arith.addi %mul3A_0, %mul3A_125 : i32
        %dma_start3A_127 = arith.constant 0 : i32
        %dma_start3A_128 = tpu.memref_slice %arg9[%sub3A_63, %dma_start3A_127] : memref<2x128xi32, #tpu.memory_space<vmem>> -> memref<1x128xi32, #tpu.memory_space<vmem>>
        %dma_start3A_129 = tpu.memref_squeeze %dma_start3A_128 : memref<1x128xi32, #tpu.memory_space<vmem>> -> memref<128xi32, #tpu.memory_space<vmem>>
        %dma_start3A_130 = tpu.memref_slice %arg5[%add3A_126] : memref<172032xi32, #tpu.memory_space<hbm>> -> memref<128xi32, #tpu.memory_space<hbm>>
        %dma_start3A_131 = arith.constant 0 : i32
        %dma_start3A_132 = tpu.memref_slice %arg9[%sub3A_63, %dma_start3A_131] : memref<2x128xi32, #tpu.memory_space<vmem>> -> memref<1x128xi32, #tpu.memory_space<vmem>>
        %dma_start3A_133 = tpu.memref_squeeze %dma_start3A_132 : memref<1x128xi32, #tpu.memory_space<vmem>> -> memref<128xi32, #tpu.memory_space<vmem>>
        %dma_start3A_134 = tpu.memref_slice %arg5[%add3A_126] : memref<172032xi32, #tpu.memory_space<hbm>> -> memref<128xi32, #tpu.memory_space<hbm>>
        tpu.enqueue_dma source(%dma_start3A_134 : memref<128xi32, #tpu.memory_space<hbm>>) target(%dma_start3A_133 : memref<128xi32, #tpu.memory_space<vmem>>) target_semaphore(%arg15 : memref<!tpu.dma_semaphore, #tpu.memory_space<semaphore_mem>>)
        %dma_start3A_135 = arith.constant 0 : i32
        %dma_start3A_136 = arith.constant 0 : i32
        %dma_start3A_137 = tpu.memref_slice %arg10[%sub3A_63, %dma_start3A_135, %dma_start3A_136] : memref<2x2x128xf32, #tpu.memory_space<vmem>> -> memref<1x2x128xf32, #tpu.memory_space<vmem>>
        %dma_start3A_138 = tpu.memref_squeeze %dma_start3A_137 : memref<1x2x128xf32, #tpu.memory_space<vmem>> -> memref<2x128xf32, #tpu.memory_space<vmem>>
        %dma_start3A_139 = arith.constant 0 : i32
        %dma_start3A_140 = tpu.memref_slice %arg4[%arg0, %dma_start3A_139, %add3A_126] : memref<2x2x172032xf32, #tpu.memory_space<hbm>> -> memref<1x2x128xf32, #tpu.memory_space<hbm>>
        %dma_start3A_141 = tpu.memref_squeeze %dma_start3A_140 : memref<1x2x128xf32, #tpu.memory_space<hbm>> -> memref<2x128xf32, #tpu.memory_space<hbm>>
        %dma_start3A_142 = arith.constant 0 : i32
        %dma_start3A_143 = arith.constant 0 : i32
        %dma_start3A_144 = tpu.memref_slice %arg10[%sub3A_63, %dma_start3A_142, %dma_start3A_143] : memref<2x2x128xf32, #tpu.memory_space<vmem>> -> memref<1x2x128xf32, #tpu.memory_space<vmem>>
        %dma_start3A_145 = tpu.memref_squeeze %dma_start3A_144 : memref<1x2x128xf32, #tpu.memory_space<vmem>> -> memref<2x128xf32, #tpu.memory_space<vmem>>
        %dma_start3A_146 = arith.constant 0 : i32
        %dma_start3A_147 = tpu.memref_slice %arg4[%arg0, %dma_start3A_146, %add3A_126] : memref<2x2x172032xf32, #tpu.memory_space<hbm>> -> memref<1x2x128xf32, #tpu.memory_space<hbm>>
        %dma_start3A_148 = tpu.memref_squeeze %dma_start3A_147 : memref<1x2x128xf32, #tpu.memory_space<hbm>> -> memref<2x128xf32, #tpu.memory_space<hbm>>
        tpu.enqueue_dma source(%dma_start3A_148 : memref<2x128xf32, #tpu.memory_space<hbm>>) target(%dma_start3A_145 : memref<2x128xf32, #tpu.memory_space<vmem>>) target_semaphore(%arg15 : memref<!tpu.dma_semaphore, #tpu.memory_space<semaphore_mem>>)
        %mul3A_149 = arith.constant 128 : i32
        %mul3A_150 = arith.muli %add3A_123, %mul3A_149 : i32
        %dma_start3A_151 = arith.constant 0 : i32
        %dma_start3A_152 = arith.constant 0 : i32
        %dma_start3A_153 = tpu.memref_slice %arg11[%sub3A_63, %dma_start3A_151, %dma_start3A_152] : memref<2x128x128xf32, #tpu.memory_space<vmem>> -> memref<1x128x128xf32, #tpu.memory_space<vmem>>
        %dma_start3A_154 = tpu.memref_squeeze %dma_start3A_153 : memref<1x128x128xf32, #tpu.memory_space<vmem>> -> memref<128x128xf32, #tpu.memory_space<vmem>>
        %dma_start3A_155 = tpu.memref_slice %arg8[%mul3A_150] : memref<10752xi32, #tpu.memory_space<vmem>> -> memref<128xi32, #tpu.memory_space<vmem>>
        %dma_start3A_156 = arith.constant 0 : i32
        %dma_start3A_157 = arith.constant 0 : i32
        %dma_start3A_158 = tpu.memref_slice %arg2[%dma_start3A_156, %dma_start3A_157] : memref<20000x128xf32, #tpu.memory_space<hbm>> -> memref<20000x128xf32, #tpu.memory_space<hbm>>
        tpu.enqueue_indirect_dma source(%dma_start3A_158 : memref<20000x128xf32, #tpu.memory_space<hbm>>) target(%dma_start3A_154 : memref<128x128xf32, #tpu.memory_space<vmem>>) offsets(%dma_start3A_155 : memref<128xi32, #tpu.memory_space<vmem>>) semaphore(%arg13 : memref<!tpu.dma_semaphore, #tpu.memory_space<semaphore_mem>>)
      } else {
      }
      %mul3A_75 = arith.constant 128 : i32
      %mul3A_76 = arith.muli %scan3A_60, %mul3A_75 : i32
      %add3A_77 = arith.addi %mul3A_0, %mul3A_76 : i32
      %dma_wait3A_78 = arith.constant 0 : i32
      %dma_wait3A_79 = tpu.memref_slice %arg9[%rem3A_62, %dma_wait3A_78] : memref<2x128xi32, #tpu.memory_space<vmem>> -> memref<1x128xi32, #tpu.memory_space<vmem>>
      %dma_wait3A_80 = tpu.memref_squeeze %dma_wait3A_79 : memref<1x128xi32, #tpu.memory_space<vmem>> -> memref<128xi32, #tpu.memory_space<vmem>>
      %dma_wait3A_81 = tpu.memref_slice %arg5[%add3A_77] : memref<172032xi32, #tpu.memory_space<hbm>> -> memref<128xi32, #tpu.memory_space<hbm>>
      %dma_wait3A_82 = arith.constant 0 : i32
      %dma_wait3A_83 = tpu.memref_slice %arg9[%rem3A_62, %dma_wait3A_82] : memref<2x128xi32, #tpu.memory_space<vmem>> -> memref<1x128xi32, #tpu.memory_space<vmem>>
      %dma_wait3A_84 = tpu.memref_squeeze %dma_wait3A_83 : memref<1x128xi32, #tpu.memory_space<vmem>> -> memref<128xi32, #tpu.memory_space<vmem>>
      %dma_wait3A_85 = tpu.memref_slice %arg5[%add3A_77] : memref<172032xi32, #tpu.memory_space<hbm>> -> memref<128xi32, #tpu.memory_space<hbm>>
      tpu.wait_dma2 semaphore(%arg15 : memref<!tpu.dma_semaphore, #tpu.memory_space<semaphore_mem>>) src(%dma_wait3A_85 : memref<128xi32, #tpu.memory_space<hbm>>) dst(%dma_wait3A_84 : memref<128xi32, #tpu.memory_space<vmem>>)
      %dma_wait3A_86 = arith.constant 0 : i32
      %dma_wait3A_87 = arith.constant 0 : i32
      %dma_wait3A_88 = tpu.memref_slice %arg10[%rem3A_62, %dma_wait3A_86, %dma_wait3A_87] : memref<2x2x128xf32, #tpu.memory_space<vmem>> -> memref<1x2x128xf32, #tpu.memory_space<vmem>>
      %dma_wait3A_89 = tpu.memref_squeeze %dma_wait3A_88 : memref<1x2x128xf32, #tpu.memory_space<vmem>> -> memref<2x128xf32, #tpu.memory_space<vmem>>
      %dma_wait3A_90 = arith.constant 0 : i32
      %dma_wait3A_91 = tpu.memref_slice %arg4[%arg0, %dma_wait3A_90, %add3A_77] : memref<2x2x172032xf32, #tpu.memory_space<hbm>> -> memref<1x2x128xf32, #tpu.memory_space<hbm>>
      %dma_wait3A_92 = tpu.memref_squeeze %dma_wait3A_91 : memref<1x2x128xf32, #tpu.memory_space<hbm>> -> memref<2x128xf32, #tpu.memory_space<hbm>>
      %dma_wait3A_93 = arith.constant 0 : i32
      %dma_wait3A_94 = arith.constant 0 : i32
      %dma_wait3A_95 = tpu.memref_slice %arg10[%rem3A_62, %dma_wait3A_93, %dma_wait3A_94] : memref<2x2x128xf32, #tpu.memory_space<vmem>> -> memref<1x2x128xf32, #tpu.memory_space<vmem>>
      %dma_wait3A_96 = tpu.memref_squeeze %dma_wait3A_95 : memref<1x2x128xf32, #tpu.memory_space<vmem>> -> memref<2x128xf32, #tpu.memory_space<vmem>>
      %dma_wait3A_97 = arith.constant 0 : i32
      %dma_wait3A_98 = tpu.memref_slice %arg4[%arg0, %dma_wait3A_97, %add3A_77] : memref<2x2x172032xf32, #tpu.memory_space<hbm>> -> memref<1x2x128xf32, #tpu.memory_space<hbm>>
      %dma_wait3A_99 = tpu.memref_squeeze %dma_wait3A_98 : memref<1x2x128xf32, #tpu.memory_space<hbm>> -> memref<2x128xf32, #tpu.memory_space<hbm>>
      tpu.wait_dma2 semaphore(%arg15 : memref<!tpu.dma_semaphore, #tpu.memory_space<semaphore_mem>>) src(%dma_wait3A_99 : memref<2x128xf32, #tpu.memory_space<hbm>>) dst(%dma_wait3A_96 : memref<2x128xf32, #tpu.memory_space<vmem>>)
      %mul3A_100 = arith.constant 128 : i32
      %mul3A_101 = arith.muli %scan3A_60, %mul3A_100 : i32
      %dma_wait3A_102 = arith.constant 0 : i32
      %dma_wait3A_103 = arith.constant 0 : i32
      %dma_wait3A_104 = tpu.memref_slice %arg11[%rem3A_62, %dma_wait3A_102, %dma_wait3A_103] : memref<2x128x128xf32, #tpu.memory_space<vmem>> -> memref<1x128x128xf32, #tpu.memory_space<vmem>>
      %dma_wait3A_105 = tpu.memref_squeeze %dma_wait3A_104 : memref<1x128x128xf32, #tpu.memory_space<vmem>> -> memref<128x128xf32, #tpu.memory_space<vmem>>
      %dma_wait3A_106 = tpu.memref_slice %arg8[%mul3A_101] : memref<10752xi32, #tpu.memory_space<vmem>> -> memref<128xi32, #tpu.memory_space<vmem>>
      %dma_wait3A_107 = arith.constant 0 : i32
      %dma_wait3A_108 = arith.constant 0 : i32
      %dma_wait3A_109 = tpu.memref_slice %arg2[%dma_wait3A_107, %dma_wait3A_108] : memref<20000x128xf32, #tpu.memory_space<hbm>> -> memref<20000x128xf32, #tpu.memory_space<hbm>>
      tpu.wait_indirect_dma semaphore(%arg13 : memref<!tpu.dma_semaphore, #tpu.memory_space<semaphore_mem>>) src(%dma_wait3A_109 : memref<20000x128xf32, #tpu.memory_space<hbm>>) dst(%dma_wait3A_105 : memref<128x128xf32, #tpu.memory_space<vmem>>)
      %parallel_loop3A = arith.constant 0 : i32
      %parallel_loop3A_110 = arith.constant 128 : i32
      %parallel_loop3A_111 = arith.constant 1 : i32
      scf.for %parallel_loop3A_122 = %parallel_loop3A to %parallel_loop3A_110 step %parallel_loop3A_111  : i32 {
        %parallel_loop3A_123 = vector.broadcast %parallel_loop3A_122 : i32 to vector<16xi32>
        %parallel_loop3A_124 = arith.constant 0 : i32
        %parallel_loop3A_125 = arith.constant 0 : i32
        %parallel_loop3A_126 = tpu.memref_slice %arg10[%rem3A_62, %parallel_loop3A_124, %parallel_loop3A_125] : memref<2x2x128xf32, #tpu.memory_space<vmem>> -> memref<1x1x128xf32, #tpu.memory_space<vmem>>
        %parallel_loop3A_127 = tpu.memref_squeeze %parallel_loop3A_126 : memref<1x1x128xf32, #tpu.memory_space<vmem>> -> memref<128xf32, #tpu.memory_space<vmem>>
        %parallel_loop3A_128 = tpu.vector_load_idx %parallel_loop3A_127[%parallel_loop3A_123] : memref<128xf32, #tpu.memory_space<vmem>>[vector<16xi32>], vector<16xf32>,
        %parallel_loop3A_129 = arith.constant 1 : i32
        %parallel_loop3A_130 = arith.constant 0 : i32
        %parallel_loop3A_131 = tpu.memref_slice %arg10[%rem3A_62, %parallel_loop3A_129, %parallel_loop3A_130] : memref<2x2x128xf32, #tpu.memory_space<vmem>> -> memref<1x1x128xf32, #tpu.memory_space<vmem>>
        %parallel_loop3A_132 = tpu.memref_squeeze %parallel_loop3A_131 : memref<1x1x128xf32, #tpu.memory_space<vmem>> -> memref<128xf32, #tpu.memory_space<vmem>>
        %parallel_loop3A_133 = tpu.vector_load_idx %parallel_loop3A_132[%parallel_loop3A_123] : memref<128xf32, #tpu.memory_space<vmem>>[vector<16xi32>], vector<16xf32>,
        %parallel_loop3A_134 = arith.index_cast %rem3A_62 : i32 to index
        %parallel_loop3A_135 = arith.index_cast %parallel_loop3A_122 : i32 to index
        %parallel_loop3A_136 = arith.constant 0 : index
        %parallel_loop3A_137 = tpu.vector_load %arg11[%parallel_loop3A_134, %parallel_loop3A_135, %parallel_loop3A_136] {strides = array<i32>} : memref<2x128x128xf32, #tpu.memory_space<vmem>>, vector<16xf32>,
        %parallel_loop3A_138 = arith.mulf %parallel_loop3A_137, %parallel_loop3A_128 : vector<16xf32>
        %parallel_loop3A_139 = arith.index_cast %rem3A_62 : i32 to index
        %parallel_loop3A_140 = arith.index_cast %parallel_loop3A_122 : i32 to index
        %parallel_loop3A_141 = arith.constant 0 : index
        %parallel_loop3A_142 = tpu.vector_load %arg11[%parallel_loop3A_139, %parallel_loop3A_140, %parallel_loop3A_141] {strides = array<i32>} : memref<2x128x128xf32, #tpu.memory_space<vmem>>, vector<16xf32>,
        tpu.vector_store %arg11[%parallel_loop3A_139, %parallel_loop3A_140, %parallel_loop3A_141], %parallel_loop3A_138 {strides = array<i32>} : memref<2x128x128xf32, #tpu.memory_space<vmem>>, vector<16xf32>,
        %parallel_loop3A_143 = arith.index_cast %rem3A_62 : i32 to index
        %parallel_loop3A_144 = arith.index_cast %parallel_loop3A_122 : i32 to index
        %parallel_loop3A_145 = arith.constant 16 : index
        %parallel_loop3A_146 = tpu.vector_load %arg11[%parallel_loop3A_143, %parallel_loop3A_144, %parallel_loop3A_145] {strides = array<i32>} : memref<2x128x128xf32, #tpu.memory_space<vmem>>, vector<16xf32>,
        %parallel_loop3A_147 = arith.mulf %parallel_loop3A_146, %parallel_loop3A_128 : vector<16xf32>
        %parallel_loop3A_148 = arith.index_cast %rem3A_62 : i32 to index
        %parallel_loop3A_149 = arith.index_cast %parallel_loop3A_122 : i32 to index
        %parallel_loop3A_150 = arith.constant 16 : index
        %parallel_loop3A_151 = tpu.vector_load %arg11[%parallel_loop3A_148, %parallel_loop3A_149, %parallel_loop3A_150] {strides = array<i32>} : memref<2x128x128xf32, #tpu.memory_space<vmem>>, vector<16xf32>,
        tpu.vector_store %arg11[%parallel_loop3A_148, %parallel_loop3A_149, %parallel_loop3A_150], %parallel_loop3A_147 {strides = array<i32>} : memref<2x128x128xf32, #tpu.memory_space<vmem>>, vector<16xf32>,
        %parallel_loop3A_152 = arith.index_cast %rem3A_62 : i32 to index
        %parallel_loop3A_153 = arith.index_cast %parallel_loop3A_122 : i32 to index
        %parallel_loop3A_154 = arith.constant 32 : index
        %parallel_loop3A_155 = tpu.vector_load %arg11[%parallel_loop3A_152, %parallel_loop3A_153, %parallel_loop3A_154] {strides = array<i32>} : memref<2x128x128xf32, #tpu.memory_space<vmem>>, vector<16xf32>,
        %parallel_loop3A_156 = arith.mulf %parallel_loop3A_155, %parallel_loop3A_128 : vector<16xf32>
        %parallel_loop3A_157 = arith.index_cast %rem3A_62 : i32 to index
        %parallel_loop3A_158 = arith.index_cast %parallel_loop3A_122 : i32 to index
        %parallel_loop3A_159 = arith.constant 32 : index
        %parallel_loop3A_160 = tpu.vector_load %arg11[%parallel_loop3A_157, %parallel_loop3A_158, %parallel_loop3A_159] {strides = array<i32>} : memref<2x128x128xf32, #tpu.memory_space<vmem>>, vector<16xf32>,
        tpu.vector_store %arg11[%parallel_loop3A_157, %parallel_loop3A_158, %parallel_loop3A_159], %parallel_loop3A_156 {strides = array<i32>} : memref<2x128x128xf32, #tpu.memory_space<vmem>>, vector<16xf32>,
        %parallel_loop3A_161 = arith.index_cast %rem3A_62 : i32 to index
        %parallel_loop3A_162 = arith.index_cast %parallel_loop3A_122 : i32 to index
        %parallel_loop3A_163 = arith.constant 48 : index
        %parallel_loop3A_164 = tpu.vector_load %arg11[%parallel_loop3A_161, %parallel_loop3A_162, %parallel_loop3A_163] {strides = array<i32>} : memref<2x128x128xf32, #tpu.memory_space<vmem>>, vector<16xf32>,
        %parallel_loop3A_165 = arith.mulf %parallel_loop3A_164, %parallel_loop3A_128 : vector<16xf32>
        %parallel_loop3A_166 = arith.index_cast %rem3A_62 : i32 to index
        %parallel_loop3A_167 = arith.index_cast %parallel_loop3A_122 : i32 to index
        %parallel_loop3A_168 = arith.constant 48 : index
        %parallel_loop3A_169 = tpu.vector_load %arg11[%parallel_loop3A_166, %parallel_loop3A_167, %parallel_loop3A_168] {strides = array<i32>} : memref<2x128x128xf32, #tpu.memory_space<vmem>>, vector<16xf32>,
        tpu.vector_store %arg11[%parallel_loop3A_166, %parallel_loop3A_167, %parallel_loop3A_168], %parallel_loop3A_165 {strides = array<i32>} : memref<2x128x128xf32, #tpu.memory_space<vmem>>, vector<16xf32>,
        %parallel_loop3A_170 = arith.index_cast %rem3A_62 : i32 to index
        %parallel_loop3A_171 = arith.index_cast %parallel_loop3A_122 : i32 to index
        %parallel_loop3A_172 = arith.constant 64 : index
        %parallel_loop3A_173 = tpu.vector_load %arg11[%parallel_loop3A_170, %parallel_loop3A_171, %parallel_loop3A_172] {strides = array<i32>} : memref<2x128x128xf32, #tpu.memory_space<vmem>>, vector<16xf32>,
        %parallel_loop3A_174 = arith.mulf %parallel_loop3A_173, %parallel_loop3A_133 : vector<16xf32>
        %parallel_loop3A_175 = arith.index_cast %rem3A_62 : i32 to index
        %parallel_loop3A_176 = arith.index_cast %parallel_loop3A_122 : i32 to index
        %parallel_loop3A_177 = arith.constant 64 : index
        %parallel_loop3A_178 = tpu.vector_load %arg11[%parallel_loop3A_175, %parallel_loop3A_176, %parallel_loop3A_177] {strides = array<i32>} : memref<2x128x128xf32, #tpu.memory_space<vmem>>, vector<16xf32>,
        tpu.vector_store %arg11[%parallel_loop3A_175, %parallel_loop3A_176, %parallel_loop3A_177], %parallel_loop3A_174 {strides = array<i32>} : memref<2x128x128xf32, #tpu.memory_space<vmem>>, vector<16xf32>,
        %parallel_loop3A_179 = arith.index_cast %rem3A_62 : i32 to index
        %parallel_loop3A_180 = arith.index_cast %parallel_loop3A_122 : i32 to index
        %parallel_loop3A_181 = arith.constant 80 : index
        %parallel_loop3A_182 = tpu.vector_load %arg11[%parallel_loop3A_179, %parallel_loop3A_180, %parallel_loop3A_181] {strides = array<i32>} : memref<2x128x128xf32, #tpu.memory_space<vmem>>, vector<16xf32>,
        %parallel_loop3A_183 = arith.mulf %parallel_loop3A_182, %parallel_loop3A_133 : vector<16xf32>
        %parallel_loop3A_184 = arith.index_cast %rem3A_62 : i32 to index
        %parallel_loop3A_185 = arith.index_cast %parallel_loop3A_122 : i32 to index
        %parallel_loop3A_186 = arith.constant 80 : index
        %parallel_loop3A_187 = tpu.vector_load %arg11[%parallel_loop3A_184, %parallel_loop3A_185, %parallel_loop3A_186] {strides = array<i32>} : memref<2x128x128xf32, #tpu.memory_space<vmem>>, vector<16xf32>,
        tpu.vector_store %arg11[%parallel_loop3A_184, %parallel_loop3A_185, %parallel_loop3A_186], %parallel_loop3A_183 {strides = array<i32>} : memref<2x128x128xf32, #tpu.memory_space<vmem>>, vector<16xf32>,
        %parallel_loop3A_188 = arith.index_cast %rem3A_62 : i32 to index
        %parallel_loop3A_189 = arith.index_cast %parallel_loop3A_122 : i32 to index
        %parallel_loop3A_190 = arith.constant 96 : index
        %parallel_loop3A_191 = tpu.vector_load %arg11[%parallel_loop3A_188, %parallel_loop3A_189, %parallel_loop3A_190] {strides = array<i32>} : memref<2x128x128xf32, #tpu.memory_space<vmem>>, vector<16xf32>,
        %parallel_loop3A_192 = arith.mulf %parallel_loop3A_191, %parallel_loop3A_133 : vector<16xf32>
        %parallel_loop3A_193 = arith.index_cast %rem3A_62 : i32 to index
        %parallel_loop3A_194 = arith.index_cast %parallel_loop3A_122 : i32 to index
        %parallel_loop3A_195 = arith.constant 96 : index
        %parallel_loop3A_196 = tpu.vector_load %arg11[%parallel_loop3A_193, %parallel_loop3A_194, %parallel_loop3A_195] {strides = array<i32>} : memref<2x128x128xf32, #tpu.memory_space<vmem>>, vector<16xf32>,
        tpu.vector_store %arg11[%parallel_loop3A_193, %parallel_loop3A_194, %parallel_loop3A_195], %parallel_loop3A_192 {strides = array<i32>} : memref<2x128x128xf32, #tpu.memory_space<vmem>>, vector<16xf32>,
        %parallel_loop3A_197 = arith.index_cast %rem3A_62 : i32 to index
        %parallel_loop3A_198 = arith.index_cast %parallel_loop3A_122 : i32 to index
        %parallel_loop3A_199 = arith.constant 112 : index
        %parallel_loop3A_200 = tpu.vector_load %arg11[%parallel_loop3A_197, %parallel_loop3A_198, %parallel_loop3A_199] {strides = array<i32>} : memref<2x128x128xf32, #tpu.memory_space<vmem>>, vector<16xf32>,
        %parallel_loop3A_201 = arith.mulf %parallel_loop3A_200, %parallel_loop3A_133 : vector<16xf32>
        %parallel_loop3A_202 = arith.index_cast %rem3A_62 : i32 to index
        %parallel_loop3A_203 = arith.index_cast %parallel_loop3A_122 : i32 to index
        %parallel_loop3A_204 = arith.constant 112 : index
        %parallel_loop3A_205 = tpu.vector_load %arg11[%parallel_loop3A_202, %parallel_loop3A_203, %parallel_loop3A_204] {strides = array<i32>} : memref<2x128x128xf32, #tpu.memory_space<vmem>>, vector<16xf32>,
        tpu.vector_store %arg11[%parallel_loop3A_202, %parallel_loop3A_203, %parallel_loop3A_204], %parallel_loop3A_201 {strides = array<i32>} : memref<2x128x128xf32, #tpu.memory_space<vmem>>, vector<16xf32>,
      } {sc.loop_unroll_factor = 8 : i64, sc.parallel_access}
      %dma_start3A_112 = arith.constant 0 : i32
      %dma_start3A_113 = arith.constant 0 : i32
      %dma_start3A_114 = tpu.memref_slice %arg11[%rem3A_62, %dma_start3A_112, %dma_start3A_113] : memref<2x128x128xf32, #tpu.memory_space<vmem>> -> memref<1x128x128xf32, #tpu.memory_space<vmem>>
      %dma_start3A_115 = tpu.memref_squeeze %dma_start3A_114 : memref<1x128x128xf32, #tpu.memory_space<vmem>> -> memref<128x128xf32, #tpu.memory_space<vmem>>
      %dma_start3A_116 = arith.constant 0 : i32
      %dma_start3A_117 = tpu.memref_slice %arg9[%rem3A_62, %dma_start3A_116] : memref<2x128xi32, #tpu.memory_space<vmem>> -> memref<1x128xi32, #tpu.memory_space<vmem>>
      %dma_start3A_118 = tpu.memref_squeeze %dma_start3A_117 : memref<1x128xi32, #tpu.memory_space<vmem>> -> memref<128xi32, #tpu.memory_space<vmem>>
      %dma_start3A_119 = arith.constant 0 : i32
      %dma_start3A_120 = arith.constant 0 : i32
      %dma_start3A_121 = tpu.memref_slice %arg12[%dma_start3A_119, %dma_start3A_120] : memref<10240x128xf32, #tpu.memory_space<vmem_shared>> -> memref<10240x128xf32, #tpu.memory_space<vmem_shared>>
      tpu.enqueue_indirect_dma source(%dma_start3A_115 : memref<128x128xf32, #tpu.memory_space<vmem>>) target(%dma_start3A_121 : memref<10240x128xf32, #tpu.memory_space<vmem_shared>>) offsets(%dma_start3A_118 : memref<128xi32, #tpu.memory_space<vmem>>) semaphore(%arg14 : memref<!tpu.dma_semaphore, #tpu.memory_space<semaphore_mem>>) {add = true}
    }
    %scan3A_41 = arith.constant 84 : i32
    %rem3A = arith.constant 83 : i32
    %rem3A_42 = arith.constant 2 : i32
    %rem3A_43 = arith.remsi %rem3A, %rem3A_42 : i32
    %dma_wait3A = arith.constant 0 : i32
    %dma_wait3A_44 = arith.constant 0 : i32
    %dma_wait3A_45 = tpu.memref_slice %arg11[%rem3A_43, %dma_wait3A, %dma_wait3A_44] : memref<2x128x128xf32, #tpu.memory_space<vmem>> -> memref<1x128x128xf32, #tpu.memory_space<vmem>>
    %dma_wait3A_46 = tpu.memref_squeeze %dma_wait3A_45 : memref<1x128x128xf32, #tpu.memory_space<vmem>> -> memref<128x128xf32, #tpu.memory_space<vmem>>
    %dma_wait3A_47 = arith.constant 0 : i32
    %dma_wait3A_48 = tpu.memref_slice %arg9[%rem3A_43, %dma_wait3A_47] : memref<2x128xi32, #tpu.memory_space<vmem>> -> memref<1x128xi32, #tpu.memory_space<vmem>>
    %dma_wait3A_49 = tpu.memref_squeeze %dma_wait3A_48 : memref<1x128xi32, #tpu.memory_space<vmem>> -> memref<128xi32, #tpu.memory_space<vmem>>
    %dma_wait3A_50 = arith.constant 0 : i32
    %dma_wait3A_51 = arith.constant 0 : i32
    %dma_wait3A_52 = tpu.memref_slice %arg12[%dma_wait3A_50, %dma_wait3A_51] : memref<10240x128xf32, #tpu.memory_space<vmem_shared>> -> memref<10240x128xf32, #tpu.memory_space<vmem_shared>>
    tpu.wait_indirect_dma semaphore(%arg14 : memref<!tpu.dma_semaphore, #tpu.memory_space<semaphore_mem>>) src(%dma_wait3A_46 : memref<128x128xf32, #tpu.memory_space<vmem>>) dst(%dma_wait3A_52 : memref<10240x128xf32, #tpu.memory_space<vmem_shared>>)
    %barrier3A_53 = arith.constant 0 : index
    tpu.barrier barrier_id(%barrier3A_53)
    %lt3A = arith.constant 15 : i32
    %lt3A_54 = arith.cmpi slt, %arg1, %lt3A : i32
    %convert_element_type3A = arith.extui %lt3A_54 : i1 to i32
    %cond3A = arith.constant 0 : i32
    %cond3A_55 = arith.cmpi ne, %convert_element_type3A, %cond3A : i32
    scf.if %cond3A_55 {
      %mul3A_60 = arith.constant 640 : i32
      %mul3A_61 = arith.muli %arg1, %mul3A_60 : i32
      "tpu.region"() ({
        %run_scoped3A = tpu.sem_alloc : memref<!tpu.dma_semaphore, #tpu.memory_space<semaphore_mem>>
        %dma_start3A_62 = arith.constant 0 : i32
        %dma_start3A_63 = tpu.memref_slice %arg7[%arg0, %mul3A_61, %dma_start3A_62] : memref<2x10000x128xf32, #tpu.memory_space<hbm>> -> memref<1x640x128xf32, #tpu.memory_space<hbm>>
        %dma_start3A_64 = tpu.memref_squeeze %dma_start3A_63 : memref<1x640x128xf32, #tpu.memory_space<hbm>> -> memref<640x128xf32, #tpu.memory_space<hbm>>
        %dma_start3A_65 = arith.constant 0 : i32
        %dma_start3A_66 = tpu.memref_slice %arg12[%mul3A_61, %dma_start3A_65] : memref<10240x128xf32, #tpu.memory_space<vmem_shared>> -> memref<640x128xf32, #tpu.memory_space<vmem_shared>>
        tpu.enqueue_dma source(%dma_start3A_66 : memref<640x128xf32, #tpu.memory_space<vmem_shared>>) target(%dma_start3A_64 : memref<640x128xf32, #tpu.memory_space<hbm>>) target_semaphore(%run_scoped3A : memref<!tpu.dma_semaphore, #tpu.memory_space<semaphore_mem>>)
        %dma_wait3A_67 = arith.constant 0 : i32
        %dma_wait3A_68 = tpu.memref_slice %arg7[%arg0, %mul3A_61, %dma_wait3A_67] : memref<2x10000x128xf32, #tpu.memory_space<hbm>> -> memref<1x640x128xf32, #tpu.memory_space<hbm>>
        %dma_wait3A_69 = tpu.memref_squeeze %dma_wait3A_68 : memref<1x640x128xf32, #tpu.memory_space<hbm>> -> memref<640x128xf32, #tpu.memory_space<hbm>>
        %dma_wait3A_70 = arith.constant 0 : i32
        %dma_wait3A_71 = tpu.memref_slice %arg12[%mul3A_61, %dma_wait3A_70] : memref<10240x128xf32, #tpu.memory_space<vmem_shared>> -> memref<640x128xf32, #tpu.memory_space<vmem_shared>>
        tpu.wait_dma2 semaphore(%run_scoped3A : memref<!tpu.dma_semaphore, #tpu.memory_space<semaphore_mem>>) src(%dma_wait3A_71 : memref<640x128xf32, #tpu.memory_space<vmem_shared>>) dst(%dma_wait3A_69 : memref<640x128xf32, #tpu.memory_space<hbm>>)
        tpu.yield
      }) : () -> ()
    } else {
    }
    %eq3A = arith.constant 15 : i32
    %eq3A_56 = arith.cmpi eq, %arg1, %eq3A : i32
    %convert_element_type3A_57 = arith.extui %eq3A_56 : i1 to i32
    %cond3A_58 = arith.constant 0 : i32
    %cond3A_59 = arith.cmpi ne, %convert_element_type3A_57, %cond3A_58 : i32
    scf.if %cond3A_59 {
      "tpu.region"() ({
        %run_scoped3A = tpu.sem_alloc : memref<!tpu.dma_semaphore, #tpu.memory_space<semaphore_mem>>
        %dma_start3A_60 = arith.constant 9600 : i32
        %dma_start3A_61 = arith.constant 0 : i32
        %dma_start3A_62 = tpu.memref_slice %arg7[%arg0, %dma_start3A_60, %dma_start3A_61] : memref<2x10000x128xf32, #tpu.memory_space<hbm>> -> memref<1x400x128xf32, #tpu.memory_space<hbm>>
        %dma_start3A_63 = tpu.memref_squeeze %dma_start3A_62 : memref<1x400x128xf32, #tpu.memory_space<hbm>> -> memref<400x128xf32, #tpu.memory_space<hbm>>
        %dma_start3A_64 = arith.constant 9600 : i32
        %dma_start3A_65 = arith.constant 0 : i32
        %dma_start3A_66 = tpu.memref_slice %arg12[%dma_start3A_64, %dma_start3A_65] : memref<10240x128xf32, #tpu.memory_space<vmem_shared>> -> memref<400x128xf32, #tpu.memory_space<vmem_shared>>
        tpu.enqueue_dma source(%dma_start3A_66 : memref<400x128xf32, #tpu.memory_space<vmem_shared>>) target(%dma_start3A_63 : memref<400x128xf32, #tpu.memory_space<hbm>>) target_semaphore(%run_scoped3A : memref<!tpu.dma_semaphore, #tpu.memory_space<semaphore_mem>>)
        %dma_wait3A_67 = arith.constant 9600 : i32
        %dma_wait3A_68 = arith.constant 0 : i32
        %dma_wait3A_69 = tpu.memref_slice %arg7[%arg0, %dma_wait3A_67, %dma_wait3A_68] : memref<2x10000x128xf32, #tpu.memory_space<hbm>> -> memref<1x400x128xf32, #tpu.memory_space<hbm>>
        %dma_wait3A_70 = tpu.memref_squeeze %dma_wait3A_69 : memref<1x400x128xf32, #tpu.memory_space<hbm>> -> memref<400x128xf32, #tpu.memory_space<hbm>>
        %dma_wait3A_71 = arith.constant 9600 : i32
        %dma_wait3A_72 = arith.constant 0 : i32
        %dma_wait3A_73 = tpu.memref_slice %arg12[%dma_wait3A_71, %dma_wait3A_72] : memref<10240x128xf32, #tpu.memory_space<vmem_shared>> -> memref<400x128xf32, #tpu.memory_space<vmem_shared>>
        tpu.wait_dma2 semaphore(%run_scoped3A : memref<!tpu.dma_semaphore, #tpu.memory_space<semaphore_mem>>) src(%dma_wait3A_73 : memref<400x128xf32, #tpu.memory_space<vmem_shared>>) dst(%dma_wait3A_70 : memref<400x128xf32, #tpu.memory_space<hbm>>)
        tpu.yield
      }) : () -> ()
    } else {
    }
    return
  }
}

#map = affine_map<(d0, d1) -> (0, 0)>
#map1 = affine_map<(d0, d1) -> (0)>
#map2 = affine_map<(d0, d1) -> (0, 0, 0)>
module attributes {stable_mosaic.version = 14 : i64} {
  func.func @_sc_gat_alpha(%arg0: i32, %arg1: i32, %arg2: memref<2x40064xf32, #tpu.memory_space<hbm>>, %arg3: memref<172032xi32, #tpu.memory_space<hbm>>, %arg4: memref<172032xi32, #tpu.memory_space<hbm>>, %arg5: memref<20480xf32, #tpu.memory_space<hbm>>, %arg6: memref<2x2x172032xf32, #tpu.memory_space<hbm>>, %arg7: memref<2x16x20480xf32, #tpu.memory_space<hbm>>, %arg8: memref<40064xf32, #tpu.memory_space<vmem>>, %arg9: memref<10752xi32, #tpu.memory_space<vmem>>, %arg10: memref<10752xi32, #tpu.memory_space<vmem>>, %arg11: memref<10752xf32, #tpu.memory_space<vmem>>, %arg12: memref<10752xf32, #tpu.memory_space<vmem>>, %arg13: memref<20480xf32, #tpu.memory_space<vmem>>) attributes {dimension_semantics = [#tpu.dimension_semantics<core_parallel>, #tpu.dimension_semantics<subcore_parallel>], iteration_bounds = array<i64: 2, 16>, scalar_prefetch = 0 : i64, scratch_operands = 6 : i64, tpu.core_type = #tpu.core_type<sc_vector_subcore>, window_params = [{transform_indices = #map}, {transform_indices = #map1}, {transform_indices = #map1}, {transform_indices = #map1}, {transform_indices = #map2}, {transform_indices = #map2}]} {
    %mul3A = arith.constant 10752 : i32
    %mul3A_0 = arith.muli %arg1, %mul3A : i32
    "tpu.region"() ({
      %run_scoped3A_7 = tpu.sem_alloc : memref<!tpu.dma_semaphore, #tpu.memory_space<semaphore_mem>>
      %dma_start3A = arith.constant 0 : i32
      %dma_start3A_8 = tpu.memref_slice %arg2[%arg0, %dma_start3A] : memref<2x40064xf32, #tpu.memory_space<hbm>> -> memref<1x40064xf32, #tpu.memory_space<hbm>>
      %dma_start3A_9 = tpu.memref_squeeze %dma_start3A_8 : memref<1x40064xf32, #tpu.memory_space<hbm>> -> memref<40064xf32, #tpu.memory_space<hbm>>
      %dma_start3A_10 = arith.constant 0 : i32
      %dma_start3A_11 = tpu.memref_slice %arg2[%arg0, %dma_start3A_10] : memref<2x40064xf32, #tpu.memory_space<hbm>> -> memref<1x40064xf32, #tpu.memory_space<hbm>>
      %dma_start3A_12 = tpu.memref_squeeze %dma_start3A_11 : memref<1x40064xf32, #tpu.memory_space<hbm>> -> memref<40064xf32, #tpu.memory_space<hbm>>
      tpu.enqueue_dma source(%dma_start3A_12 : memref<40064xf32, #tpu.memory_space<hbm>>) target(%arg8 : memref<40064xf32, #tpu.memory_space<vmem>>) target_semaphore(%run_scoped3A_7 : memref<!tpu.dma_semaphore, #tpu.memory_space<semaphore_mem>>)
      %dma_wait3A = arith.constant 0 : i32
      %dma_wait3A_13 = tpu.memref_slice %arg2[%arg0, %dma_wait3A] : memref<2x40064xf32, #tpu.memory_space<hbm>> -> memref<1x40064xf32, #tpu.memory_space<hbm>>
      %dma_wait3A_14 = tpu.memref_squeeze %dma_wait3A_13 : memref<1x40064xf32, #tpu.memory_space<hbm>> -> memref<40064xf32, #tpu.memory_space<hbm>>
      %dma_wait3A_15 = arith.constant 0 : i32
      %dma_wait3A_16 = tpu.memref_slice %arg2[%arg0, %dma_wait3A_15] : memref<2x40064xf32, #tpu.memory_space<hbm>> -> memref<1x40064xf32, #tpu.memory_space<hbm>>
      %dma_wait3A_17 = tpu.memref_squeeze %dma_wait3A_16 : memref<1x40064xf32, #tpu.memory_space<hbm>> -> memref<40064xf32, #tpu.memory_space<hbm>>
      tpu.wait_dma2 semaphore(%run_scoped3A_7 : memref<!tpu.dma_semaphore, #tpu.memory_space<semaphore_mem>>) src(%dma_wait3A_17 : memref<40064xf32, #tpu.memory_space<hbm>>) dst(%arg8 : memref<40064xf32, #tpu.memory_space<vmem>>)
      tpu.yield
    }) : () -> ()
    "tpu.region"() ({
      %run_scoped3A_7 = tpu.sem_alloc : memref<!tpu.dma_semaphore, #tpu.memory_space<semaphore_mem>>
      tpu.enqueue_dma source(%arg5 : memref<20480xf32, #tpu.memory_space<hbm>>) target(%arg13 : memref<20480xf32, #tpu.memory_space<vmem>>) target_semaphore(%run_scoped3A_7 : memref<!tpu.dma_semaphore, #tpu.memory_space<semaphore_mem>>)
      tpu.wait_dma2 semaphore(%run_scoped3A_7 : memref<!tpu.dma_semaphore, #tpu.memory_space<semaphore_mem>>) src(%arg5 : memref<20480xf32, #tpu.memory_space<hbm>>) dst(%arg13 : memref<20480xf32, #tpu.memory_space<vmem>>)
      tpu.yield
    }) : () -> ()
    "tpu.region"() ({
      %run_scoped3A_7 = tpu.sem_alloc : memref<!tpu.dma_semaphore, #tpu.memory_space<semaphore_mem>>
      %dma_start3A = tpu.memref_slice %arg3[%mul3A_0] : memref<172032xi32, #tpu.memory_space<hbm>> -> memref<10752xi32, #tpu.memory_space<hbm>>
      %dma_start3A_8 = tpu.memref_slice %arg3[%mul3A_0] : memref<172032xi32, #tpu.memory_space<hbm>> -> memref<10752xi32, #tpu.memory_space<hbm>>
      tpu.enqueue_dma source(%dma_start3A_8 : memref<10752xi32, #tpu.memory_space<hbm>>) target(%arg9 : memref<10752xi32, #tpu.memory_space<vmem>>) target_semaphore(%run_scoped3A_7 : memref<!tpu.dma_semaphore, #tpu.memory_space<semaphore_mem>>)
      %dma_wait3A = tpu.memref_slice %arg3[%mul3A_0] : memref<172032xi32, #tpu.memory_space<hbm>> -> memref<10752xi32, #tpu.memory_space<hbm>>
      %dma_wait3A_9 = tpu.memref_slice %arg3[%mul3A_0] : memref<172032xi32, #tpu.memory_space<hbm>> -> memref<10752xi32, #tpu.memory_space<hbm>>
      tpu.wait_dma2 semaphore(%run_scoped3A_7 : memref<!tpu.dma_semaphore, #tpu.memory_space<semaphore_mem>>) src(%dma_wait3A_9 : memref<10752xi32, #tpu.memory_space<hbm>>) dst(%arg9 : memref<10752xi32, #tpu.memory_space<vmem>>)
      tpu.yield
    }) : () -> ()
    "tpu.region"() ({
      %run_scoped3A_7 = tpu.sem_alloc : memref<!tpu.dma_semaphore, #tpu.memory_space<semaphore_mem>>
      %dma_start3A = tpu.memref_slice %arg4[%mul3A_0] : memref<172032xi32, #tpu.memory_space<hbm>> -> memref<10752xi32, #tpu.memory_space<hbm>>
      %dma_start3A_8 = tpu.memref_slice %arg4[%mul3A_0] : memref<172032xi32, #tpu.memory_space<hbm>> -> memref<10752xi32, #tpu.memory_space<hbm>>
      tpu.enqueue_dma source(%dma_start3A_8 : memref<10752xi32, #tpu.memory_space<hbm>>) target(%arg10 : memref<10752xi32, #tpu.memory_space<vmem>>) target_semaphore(%run_scoped3A_7 : memref<!tpu.dma_semaphore, #tpu.memory_space<semaphore_mem>>)
      %dma_wait3A = tpu.memref_slice %arg4[%mul3A_0] : memref<172032xi32, #tpu.memory_space<hbm>> -> memref<10752xi32, #tpu.memory_space<hbm>>
      %dma_wait3A_9 = tpu.memref_slice %arg4[%mul3A_0] : memref<172032xi32, #tpu.memory_space<hbm>> -> memref<10752xi32, #tpu.memory_space<hbm>>
      tpu.wait_dma2 semaphore(%run_scoped3A_7 : memref<!tpu.dma_semaphore, #tpu.memory_space<semaphore_mem>>) src(%dma_wait3A_9 : memref<10752xi32, #tpu.memory_space<hbm>>) dst(%arg10 : memref<10752xi32, #tpu.memory_space<vmem>>)
      tpu.yield
    }) : () -> ()
    %scan3A = arith.constant 0 : i32
    %scan3A_1 = arith.constant 0 : i32
    %scan3A_2 = arith.constant 672 : i32
    %scan3A_3 = arith.addi %scan3A_1, %scan3A_2 : i32
    %scan3A_4 = arith.constant 1 : i32
    scf.for %scan3A_7 = %scan3A_1 to %scan3A_3 step %scan3A_4  : i32 {
      %mul3A_8 = arith.constant 16 : i32
      %mul3A_9 = arith.muli %scan3A_7, %mul3A_8 : i32
      %multiple_of3A = tpu.assume_multiple %mul3A_9, 16 : i32
      %get3A = arith.index_cast %multiple_of3A : i32 to index
      %get3A_10 = tpu.vector_load %arg9[%get3A] {strides = array<i32>} : memref<10752xi32, #tpu.memory_space<vmem>>, vector<16xi32>,
      %get3A_11 = arith.index_cast %multiple_of3A : i32 to index
      %get3A_12 = tpu.vector_load %arg10[%get3A_11] {strides = array<i32>} : memref<10752xi32, #tpu.memory_space<vmem>>, vector<16xi32>,
      %mul3A_13 = arith.constant 4 : i32
      %mul3A_14 = vector.broadcast %mul3A_13 : i32 to vector<16xi32>
      %mul3A_15 = arith.muli %get3A_10, %mul3A_14 : vector<16xi32>
      %mul3A_16 = arith.constant 4 : i32
      %mul3A_17 = vector.broadcast %mul3A_16 : i32 to vector<16xi32>
      %mul3A_18 = arith.muli %get3A_12, %mul3A_17 : vector<16xi32>
      %gather3A = tpu.vector_load_idx %arg8[%mul3A_15] : memref<40064xf32, #tpu.memory_space<vmem>>[vector<16xi32>], vector<16xf32>,
      %add3A = arith.constant 2 : i32
      %add3A_19 = vector.broadcast %add3A : i32 to vector<16xi32>
      %add3A_20 = arith.addi %mul3A_18, %add3A_19 : vector<16xi32>
      %gather3A_21 = tpu.vector_load_idx %arg8[%add3A_20] : memref<40064xf32, #tpu.memory_space<vmem>>[vector<16xi32>], vector<16xf32>,
      %add3A_22 = arith.addf %gather3A, %gather3A_21 : vector<16xf32>
      %add3A_23 = arith.constant 1 : i32
      %add3A_24 = vector.broadcast %add3A_23 : i32 to vector<16xi32>
      %add3A_25 = arith.addi %mul3A_15, %add3A_24 : vector<16xi32>
      %gather3A_26 = tpu.vector_load_idx %arg8[%add3A_25] : memref<40064xf32, #tpu.memory_space<vmem>>[vector<16xi32>], vector<16xf32>,
      %add3A_27 = arith.constant 3 : i32
      %add3A_28 = vector.broadcast %add3A_27 : i32 to vector<16xi32>
      %add3A_29 = arith.addi %mul3A_18, %add3A_28 : vector<16xi32>
      %gather3A_30 = tpu.vector_load_idx %arg8[%add3A_29] : memref<40064xf32, #tpu.memory_space<vmem>>[vector<16xi32>], vector<16xf32>,
      %add3A_31 = arith.addf %gather3A_26, %gather3A_30 : vector<16xf32>
      %ge3A = arith.constant 0.000000e+00 : f32
      %ge3A_32 = vector.broadcast %ge3A : f32 to vector<16xf32>
      %ge3A_33 = arith.cmpf oge, %add3A_22, %ge3A_32 : vector<16xf32>
      %mul3A_34 = arith.constant 2.000000e-01 : f32
      %mul3A_35 = vector.broadcast %mul3A_34 : f32 to vector<16xf32>
      %mul3A_36 = arith.mulf %mul3A_35, %add3A_22 : vector<16xf32>
      %select_n3A = arith.select %ge3A_33, %add3A_22, %mul3A_36 : vector<16xi1>, vector<16xf32>
      %ge3A_37 = arith.constant 0.000000e+00 : f32
      %ge3A_38 = vector.broadcast %ge3A_37 : f32 to vector<16xf32>
      %ge3A_39 = arith.cmpf oge, %add3A_31, %ge3A_38 : vector<16xf32>
      %mul3A_40 = arith.constant 2.000000e-01 : f32
      %mul3A_41 = vector.broadcast %mul3A_40 : f32 to vector<16xf32>
      %mul3A_42 = arith.mulf %mul3A_41, %add3A_31 : vector<16xf32>
      %select_n3A_43 = arith.select %ge3A_39, %add3A_31, %mul3A_42 : vector<16xi1>, vector<16xf32>
      %exp3A = math.exp %select_n3A : vector<16xf32>
      %exp3A_44 = math.exp %select_n3A_43 : vector<16xf32>
      %swap3A = arith.index_cast %multiple_of3A : i32 to index
      %swap3A_45 = tpu.vector_load %arg11[%swap3A] {strides = array<i32>} : memref<10752xf32, #tpu.memory_space<vmem>>, vector<16xf32>,
      tpu.vector_store %arg11[%swap3A], %exp3A {strides = array<i32>} : memref<10752xf32, #tpu.memory_space<vmem>>, vector<16xf32>,
      %swap3A_46 = arith.index_cast %multiple_of3A : i32 to index
      %swap3A_47 = tpu.vector_load %arg12[%swap3A_46] {strides = array<i32>} : memref<10752xf32, #tpu.memory_space<vmem>>, vector<16xf32>,
      tpu.vector_store %arg12[%swap3A_46], %exp3A_44 {strides = array<i32>} : memref<10752xf32, #tpu.memory_space<vmem>>, vector<16xf32>,
      %mul3A_48 = arith.constant 2 : i32
      %mul3A_49 = vector.broadcast %mul3A_48 : i32 to vector<16xi32>
      %mul3A_50 = arith.muli %get3A_12, %mul3A_49 : vector<16xi32>
      tpu.vector_store_idx %arg13[%mul3A_50], %exp3A {add = true} : memref<20480xf32, #tpu.memory_space<vmem>>[vector<16xi32>], vector<16xf32>,
      %add3A_51 = arith.constant 1 : i32
      %add3A_52 = vector.broadcast %add3A_51 : i32 to vector<16xi32>
      %add3A_53 = arith.addi %mul3A_50, %add3A_52 : vector<16xi32>
      tpu.vector_store_idx %arg13[%add3A_53], %exp3A_44 {add = true} : memref<20480xf32, #tpu.memory_space<vmem>>[vector<16xi32>], vector<16xf32>,
    }
    %scan3A_5 = arith.constant 672 : i32
    %run_scoped3A = arith.constant 0 : i32
    "tpu.region"() ({
      %run_scoped3A_7 = tpu.sem_alloc : memref<!tpu.dma_semaphore, #tpu.memory_space<semaphore_mem>>
      %dma_start3A = tpu.memref_slice %arg6[%arg0, %run_scoped3A, %mul3A_0] : memref<2x2x172032xf32, #tpu.memory_space<hbm>> -> memref<1x1x10752xf32, #tpu.memory_space<hbm>>
      %dma_start3A_8 = tpu.memref_squeeze %dma_start3A : memref<1x1x10752xf32, #tpu.memory_space<hbm>> -> memref<10752xf32, #tpu.memory_space<hbm>>
      %dma_start3A_9 = tpu.memref_slice %arg6[%arg0, %run_scoped3A, %mul3A_0] : memref<2x2x172032xf32, #tpu.memory_space<hbm>> -> memref<1x1x10752xf32, #tpu.memory_space<hbm>>
      %dma_start3A_10 = tpu.memref_squeeze %dma_start3A_9 : memref<1x1x10752xf32, #tpu.memory_space<hbm>> -> memref<10752xf32, #tpu.memory_space<hbm>>
      tpu.enqueue_dma source(%arg11 : memref<10752xf32, #tpu.memory_space<vmem>>) target(%dma_start3A_10 : memref<10752xf32, #tpu.memory_space<hbm>>) target_semaphore(%run_scoped3A_7 : memref<!tpu.dma_semaphore, #tpu.memory_space<semaphore_mem>>)
      %dma_wait3A = tpu.memref_slice %arg6[%arg0, %run_scoped3A, %mul3A_0] : memref<2x2x172032xf32, #tpu.memory_space<hbm>> -> memref<1x1x10752xf32, #tpu.memory_space<hbm>>
      %dma_wait3A_11 = tpu.memref_squeeze %dma_wait3A : memref<1x1x10752xf32, #tpu.memory_space<hbm>> -> memref<10752xf32, #tpu.memory_space<hbm>>
      %dma_wait3A_12 = tpu.memref_slice %arg6[%arg0, %run_scoped3A, %mul3A_0] : memref<2x2x172032xf32, #tpu.memory_space<hbm>> -> memref<1x1x10752xf32, #tpu.memory_space<hbm>>
      %dma_wait3A_13 = tpu.memref_squeeze %dma_wait3A_12 : memref<1x1x10752xf32, #tpu.memory_space<hbm>> -> memref<10752xf32, #tpu.memory_space<hbm>>
      tpu.wait_dma2 semaphore(%run_scoped3A_7 : memref<!tpu.dma_semaphore, #tpu.memory_space<semaphore_mem>>) src(%arg11 : memref<10752xf32, #tpu.memory_space<vmem>>) dst(%dma_wait3A_13 : memref<10752xf32, #tpu.memory_space<hbm>>)
      tpu.yield
    }) : () -> ()
    %run_scoped3A_6 = arith.constant 1 : i32
    "tpu.region"() ({
      %run_scoped3A_7 = tpu.sem_alloc : memref<!tpu.dma_semaphore, #tpu.memory_space<semaphore_mem>>
      %dma_start3A = tpu.memref_slice %arg6[%arg0, %run_scoped3A_6, %mul3A_0] : memref<2x2x172032xf32, #tpu.memory_space<hbm>> -> memref<1x1x10752xf32, #tpu.memory_space<hbm>>
      %dma_start3A_8 = tpu.memref_squeeze %dma_start3A : memref<1x1x10752xf32, #tpu.memory_space<hbm>> -> memref<10752xf32, #tpu.memory_space<hbm>>
      %dma_start3A_9 = tpu.memref_slice %arg6[%arg0, %run_scoped3A_6, %mul3A_0] : memref<2x2x172032xf32, #tpu.memory_space<hbm>> -> memref<1x1x10752xf32, #tpu.memory_space<hbm>>
      %dma_start3A_10 = tpu.memref_squeeze %dma_start3A_9 : memref<1x1x10752xf32, #tpu.memory_space<hbm>> -> memref<10752xf32, #tpu.memory_space<hbm>>
      tpu.enqueue_dma source(%arg12 : memref<10752xf32, #tpu.memory_space<vmem>>) target(%dma_start3A_10 : memref<10752xf32, #tpu.memory_space<hbm>>) target_semaphore(%run_scoped3A_7 : memref<!tpu.dma_semaphore, #tpu.memory_space<semaphore_mem>>)
      %dma_wait3A = tpu.memref_slice %arg6[%arg0, %run_scoped3A_6, %mul3A_0] : memref<2x2x172032xf32, #tpu.memory_space<hbm>> -> memref<1x1x10752xf32, #tpu.memory_space<hbm>>
      %dma_wait3A_11 = tpu.memref_squeeze %dma_wait3A : memref<1x1x10752xf32, #tpu.memory_space<hbm>> -> memref<10752xf32, #tpu.memory_space<hbm>>
      %dma_wait3A_12 = tpu.memref_slice %arg6[%arg0, %run_scoped3A_6, %mul3A_0] : memref<2x2x172032xf32, #tpu.memory_space<hbm>> -> memref<1x1x10752xf32, #tpu.memory_space<hbm>>
      %dma_wait3A_13 = tpu.memref_squeeze %dma_wait3A_12 : memref<1x1x10752xf32, #tpu.memory_space<hbm>> -> memref<10752xf32, #tpu.memory_space<hbm>>
      tpu.wait_dma2 semaphore(%run_scoped3A_7 : memref<!tpu.dma_semaphore, #tpu.memory_space<semaphore_mem>>) src(%arg12 : memref<10752xf32, #tpu.memory_space<vmem>>) dst(%dma_wait3A_13 : memref<10752xf32, #tpu.memory_space<hbm>>)
      tpu.yield
    }) : () -> ()
    "tpu.region"() ({
      %run_scoped3A_7 = tpu.sem_alloc : memref<!tpu.dma_semaphore, #tpu.memory_space<semaphore_mem>>
      %dma_start3A = arith.constant 0 : i32
      %dma_start3A_8 = tpu.memref_slice %arg7[%arg0, %arg1, %dma_start3A] : memref<2x16x20480xf32, #tpu.memory_space<hbm>> -> memref<1x1x20480xf32, #tpu.memory_space<hbm>>
      %dma_start3A_9 = tpu.memref_squeeze %dma_start3A_8 : memref<1x1x20480xf32, #tpu.memory_space<hbm>> -> memref<20480xf32, #tpu.memory_space<hbm>>
      %dma_start3A_10 = arith.constant 0 : i32
      %dma_start3A_11 = tpu.memref_slice %arg7[%arg0, %arg1, %dma_start3A_10] : memref<2x16x20480xf32, #tpu.memory_space<hbm>> -> memref<1x1x20480xf32, #tpu.memory_space<hbm>>
      %dma_start3A_12 = tpu.memref_squeeze %dma_start3A_11 : memref<1x1x20480xf32, #tpu.memory_space<hbm>> -> memref<20480xf32, #tpu.memory_space<hbm>>
      tpu.enqueue_dma source(%arg13 : memref<20480xf32, #tpu.memory_space<vmem>>) target(%dma_start3A_12 : memref<20480xf32, #tpu.memory_space<hbm>>) target_semaphore(%run_scoped3A_7 : memref<!tpu.dma_semaphore, #tpu.memory_space<semaphore_mem>>)
      %dma_wait3A = arith.constant 0 : i32
      %dma_wait3A_13 = tpu.memref_slice %arg7[%arg0, %arg1, %dma_wait3A] : memref<2x16x20480xf32, #tpu.memory_space<hbm>> -> memref<1x1x20480xf32, #tpu.memory_space<hbm>>
      %dma_wait3A_14 = tpu.memref_squeeze %dma_wait3A_13 : memref<1x1x20480xf32, #tpu.memory_space<hbm>> -> memref<20480xf32, #tpu.memory_space<hbm>>
      %dma_wait3A_15 = arith.constant 0 : i32
      %dma_wait3A_16 = tpu.memref_slice %arg7[%arg0, %arg1, %dma_wait3A_15] : memref<2x16x20480xf32, #tpu.memory_space<hbm>> -> memref<1x1x20480xf32, #tpu.memory_space<hbm>>
      %dma_wait3A_17 = tpu.memref_squeeze %dma_wait3A_16 : memref<1x1x20480xf32, #tpu.memory_space<hbm>> -> memref<20480xf32, #tpu.memory_space<hbm>>
      tpu.wait_dma2 semaphore(%run_scoped3A_7 : memref<!tpu.dma_semaphore, #tpu.memory_space<semaphore_mem>>) src(%arg13 : memref<20480xf32, #tpu.memory_space<vmem>>) dst(%dma_wait3A_17 : memref<20480xf32, #tpu.memory_space<hbm>>)
      tpu.yield
    }) : () -> ()
    return
  }
}

#map = affine_map<(d0, d1) -> (0, 0)>
#map1 = affine_map<(d0, d1) -> (0, 0, 0)>
#map2 = affine_map<(d0, d1) -> (0)>
module attributes {stable_mosaic.version = 14 : i64} {
  func.func @_sc_gat_aggregate(%arg0: i32, %arg1: i32, %arg2: memref<20000x128xf32, #tpu.memory_space<hbm>>, %arg3: memref<2x172032xi32, #tpu.memory_space<hbm>>, %arg4: memref<2x2x172032xf32, #tpu.memory_space<hbm>>, %arg5: memref<172032xi32, #tpu.memory_space<hbm>>, %arg6: memref<640x128xf32, #tpu.memory_space<hbm>>, %arg7: memref<2x10000x128xf32, #tpu.memory_space<hbm>>, %arg8: memref<10752xi32, #tpu.memory_space<vmem>>, %arg9: memref<2x128xi32, #tpu.memory_space<vmem>>, %arg10: memref<2x2x128xf32, #tpu.memory_space<vmem>>, %arg11: memref<2x128x128xf32, #tpu.memory_space<vmem>>, %arg12: memref<10240x128xf32, #tpu.memory_space<vmem_shared>>, %arg13: memref<!tpu.dma_semaphore, #tpu.memory_space<semaphore_mem>>, %arg14: memref<!tpu.dma_semaphore, #tpu.memory_space<semaphore_mem>>, %arg15: memref<!tpu.dma_semaphore, #tpu.memory_space<semaphore_mem>>) attributes {dimension_semantics = [#tpu.dimension_semantics<core_parallel>, #tpu.dimension_semantics<subcore_parallel>], iteration_bounds = array<i64: 2, 16>, scalar_prefetch = 0 : i64, scratch_operands = 8 : i64, tpu.core_type = #tpu.core_type<sc_vector_subcore>, window_params = [{transform_indices = #map}, {transform_indices = #map}, {transform_indices = #map1}, {transform_indices = #map2}, {transform_indices = #map}, {transform_indices = #map1}]} {
    %mul3A = arith.constant 10752 : i32
    %mul3A_0 = arith.muli %arg1, %mul3A : i32
    %mul3A_1 = arith.constant 640 : i32
    %mul3A_2 = arith.muli %arg1, %mul3A_1 : i32
    "tpu.region"() ({
      %run_scoped3A = tpu.sem_alloc : memref<!tpu.dma_semaphore, #tpu.memory_space<semaphore_mem>>
      %dma_start3A_60 = arith.constant 0 : i32
      %dma_start3A_61 = tpu.memref_slice %arg12[%mul3A_2, %dma_start3A_60] : memref<10240x128xf32, #tpu.memory_space<vmem_shared>> -> memref<640x128xf32, #tpu.memory_space<vmem_shared>>
      tpu.enqueue_dma source(%arg6 : memref<640x128xf32, #tpu.memory_space<hbm>>) target(%dma_start3A_61 : memref<640x128xf32, #tpu.memory_space<vmem_shared>>) target_semaphore(%run_scoped3A : memref<!tpu.dma_semaphore, #tpu.memory_space<semaphore_mem>>)
      %dma_wait3A_62 = arith.constant 0 : i32
      %dma_wait3A_63 = tpu.memref_slice %arg12[%mul3A_2, %dma_wait3A_62] : memref<10240x128xf32, #tpu.memory_space<vmem_shared>> -> memref<640x128xf32, #tpu.memory_space<vmem_shared>>
      tpu.wait_dma2 semaphore(%run_scoped3A : memref<!tpu.dma_semaphore, #tpu.memory_space<semaphore_mem>>) src(%arg6 : memref<640x128xf32, #tpu.memory_space<hbm>>) dst(%dma_wait3A_63 : memref<640x128xf32, #tpu.memory_space<vmem_shared>>)
      tpu.yield
    }) : () -> ()
    "tpu.region"() ({
      %run_scoped3A = tpu.sem_alloc : memref<!tpu.dma_semaphore, #tpu.memory_space<semaphore_mem>>
      %dma_start3A_60 = tpu.memref_slice %arg3[%arg0, %mul3A_0] : memref<2x172032xi32, #tpu.memory_space<hbm>> -> memref<1x10752xi32, #tpu.memory_space<hbm>>
      %dma_start3A_61 = tpu.memref_squeeze %dma_start3A_60 : memref<1x10752xi32, #tpu.memory_space<hbm>> -> memref<10752xi32, #tpu.memory_space<hbm>>
      %dma_start3A_62 = tpu.memref_slice %arg3[%arg0, %mul3A_0] : memref<2x172032xi32, #tpu.memory_space<hbm>> -> memref<1x10752xi32, #tpu.memory_space<hbm>>
      %dma_start3A_63 = tpu.memref_squeeze %dma_start3A_62 : memref<1x10752xi32, #tpu.memory_space<hbm>> -> memref<10752xi32, #tpu.memory_space<hbm>>
      tpu.enqueue_dma source(%dma_start3A_63 : memref<10752xi32, #tpu.memory_space<hbm>>) target(%arg8 : memref<10752xi32, #tpu.memory_space<vmem>>) target_semaphore(%run_scoped3A : memref<!tpu.dma_semaphore, #tpu.memory_space<semaphore_mem>>)
      %dma_wait3A_64 = tpu.memref_slice %arg3[%arg0, %mul3A_0] : memref<2x172032xi32, #tpu.memory_space<hbm>> -> memref<1x10752xi32, #tpu.memory_space<hbm>>
      %dma_wait3A_65 = tpu.memref_squeeze %dma_wait3A_64 : memref<1x10752xi32, #tpu.memory_space<hbm>> -> memref<10752xi32, #tpu.memory_space<hbm>>
      %dma_wait3A_66 = tpu.memref_slice %arg3[%arg0, %mul3A_0] : memref<2x172032xi32, #tpu.memory_space<hbm>> -> memref<1x10752xi32, #tpu.memory_space<hbm>>
      %dma_wait3A_67 = tpu.memref_squeeze %dma_wait3A_66 : memref<1x10752xi32, #tpu.memory_space<hbm>> -> memref<10752xi32, #tpu.memory_space<hbm>>
      tpu.wait_dma2 semaphore(%run_scoped3A : memref<!tpu.dma_semaphore, #tpu.memory_space<semaphore_mem>>) src(%dma_wait3A_67 : memref<10752xi32, #tpu.memory_space<hbm>>) dst(%arg8 : memref<10752xi32, #tpu.memory_space<vmem>>)
      tpu.yield
    }) : () -> ()
    %barrier3A = arith.constant 0 : index
    tpu.barrier barrier_id(%barrier3A)
    %add3A = arith.constant 0 : i32
    %add3A_3 = arith.addi %mul3A_0, %add3A : i32
    %dma_start3A = arith.constant 0 : i32
    %dma_start3A_4 = arith.constant 0 : i32
    %dma_start3A_5 = tpu.memref_slice %arg9[%dma_start3A, %dma_start3A_4] : memref<2x128xi32, #tpu.memory_space<vmem>> -> memref<1x128xi32, #tpu.memory_space<vmem>>
    %dma_start3A_6 = tpu.memref_squeeze %dma_start3A_5 : memref<1x128xi32, #tpu.memory_space<vmem>> -> memref<128xi32, #tpu.memory_space<vmem>>
    %dma_start3A_7 = tpu.memref_slice %arg5[%add3A_3] : memref<172032xi32, #tpu.memory_space<hbm>> -> memref<128xi32, #tpu.memory_space<hbm>>
    %dma_start3A_8 = arith.constant 0 : i32
    %dma_start3A_9 = tpu.memref_slice %arg9[%dma_start3A, %dma_start3A_8] : memref<2x128xi32, #tpu.memory_space<vmem>> -> memref<1x128xi32, #tpu.memory_space<vmem>>
    %dma_start3A_10 = tpu.memref_squeeze %dma_start3A_9 : memref<1x128xi32, #tpu.memory_space<vmem>> -> memref<128xi32, #tpu.memory_space<vmem>>
    %dma_start3A_11 = tpu.memref_slice %arg5[%add3A_3] : memref<172032xi32, #tpu.memory_space<hbm>> -> memref<128xi32, #tpu.memory_space<hbm>>
    tpu.enqueue_dma source(%dma_start3A_11 : memref<128xi32, #tpu.memory_space<hbm>>) target(%dma_start3A_10 : memref<128xi32, #tpu.memory_space<vmem>>) target_semaphore(%arg15 : memref<!tpu.dma_semaphore, #tpu.memory_space<semaphore_mem>>)
    %dma_start3A_12 = arith.constant 0 : i32
    %dma_start3A_13 = arith.constant 0 : i32
    %dma_start3A_14 = arith.constant 0 : i32
    %dma_start3A_15 = tpu.memref_slice %arg10[%dma_start3A_12, %dma_start3A_13, %dma_start3A_14] : memref<2x2x128xf32, #tpu.memory_space<vmem>> -> memref<1x2x128xf32, #tpu.memory_space<vmem>>
    %dma_start3A_16 = tpu.memref_squeeze %dma_start3A_15 : memref<1x2x128xf32, #tpu.memory_space<vmem>> -> memref<2x128xf32, #tpu.memory_space<vmem>>
    %dma_start3A_17 = arith.constant 0 : i32
    %dma_start3A_18 = tpu.memref_slice %arg4[%arg0, %dma_start3A_17, %add3A_3] : memref<2x2x172032xf32, #tpu.memory_space<hbm>> -> memref<1x2x128xf32, #tpu.memory_space<hbm>>
    %dma_start3A_19 = tpu.memref_squeeze %dma_start3A_18 : memref<1x2x128xf32, #tpu.memory_space<hbm>> -> memref<2x128xf32, #tpu.memory_space<hbm>>
    %dma_start3A_20 = arith.constant 0 : i32
    %dma_start3A_21 = arith.constant 0 : i32
    %dma_start3A_22 = tpu.memref_slice %arg10[%dma_start3A_12, %dma_start3A_20, %dma_start3A_21] : memref<2x2x128xf32, #tpu.memory_space<vmem>> -> memref<1x2x128xf32, #tpu.memory_space<vmem>>
    %dma_start3A_23 = tpu.memref_squeeze %dma_start3A_22 : memref<1x2x128xf32, #tpu.memory_space<vmem>> -> memref<2x128xf32, #tpu.memory_space<vmem>>
    %dma_start3A_24 = arith.constant 0 : i32
    %dma_start3A_25 = tpu.memref_slice %arg4[%arg0, %dma_start3A_24, %add3A_3] : memref<2x2x172032xf32, #tpu.memory_space<hbm>> -> memref<1x2x128xf32, #tpu.memory_space<hbm>>
    %dma_start3A_26 = tpu.memref_squeeze %dma_start3A_25 : memref<1x2x128xf32, #tpu.memory_space<hbm>> -> memref<2x128xf32, #tpu.memory_space<hbm>>
    tpu.enqueue_dma source(%dma_start3A_26 : memref<2x128xf32, #tpu.memory_space<hbm>>) target(%dma_start3A_23 : memref<2x128xf32, #tpu.memory_space<vmem>>) target_semaphore(%arg15 : memref<!tpu.dma_semaphore, #tpu.memory_space<semaphore_mem>>)
    %dma_start3A_27 = arith.constant 0 : i32
    %dma_start3A_28 = arith.constant 0 : i32
    %dma_start3A_29 = arith.constant 0 : i32
    %dma_start3A_30 = tpu.memref_slice %arg11[%dma_start3A_27, %dma_start3A_28, %dma_start3A_29] : memref<2x128x128xf32, #tpu.memory_space<vmem>> -> memref<1x128x128xf32, #tpu.memory_space<vmem>>
    %dma_start3A_31 = tpu.memref_squeeze %dma_start3A_30 : memref<1x128x128xf32, #tpu.memory_space<vmem>> -> memref<128x128xf32, #tpu.memory_space<vmem>>
    %dma_start3A_32 = arith.constant 0 : i32
    %dma_start3A_33 = tpu.memref_slice %arg8[%dma_start3A_32] : memref<10752xi32, #tpu.memory_space<vmem>> -> memref<128xi32, #tpu.memory_space<vmem>>
    %dma_start3A_34 = arith.constant 0 : i32
    %dma_start3A_35 = arith.constant 0 : i32
    %dma_start3A_36 = tpu.memref_slice %arg2[%dma_start3A_34, %dma_start3A_35] : memref<20000x128xf32, #tpu.memory_space<hbm>> -> memref<20000x128xf32, #tpu.memory_space<hbm>>
    tpu.enqueue_indirect_dma source(%dma_start3A_36 : memref<20000x128xf32, #tpu.memory_space<hbm>>) target(%dma_start3A_31 : memref<128x128xf32, #tpu.memory_space<vmem>>) offsets(%dma_start3A_33 : memref<128xi32, #tpu.memory_space<vmem>>) semaphore(%arg13 : memref<!tpu.dma_semaphore, #tpu.memory_space<semaphore_mem>>)
    %scan3A = arith.constant 0 : i32
    %scan3A_37 = arith.constant 0 : i32
    %scan3A_38 = arith.constant 84 : i32
    %scan3A_39 = arith.addi %scan3A_37, %scan3A_38 : i32
    %scan3A_40 = arith.constant 1 : i32
    scf.for %scan3A_60 = %scan3A_37 to %scan3A_39 step %scan3A_40  : i32 {
      %rem3A_61 = arith.constant 2 : i32
      %rem3A_62 = arith.remsi %scan3A_60, %rem3A_61 : i32
      %sub3A = arith.constant 1 : i32
      %sub3A_63 = arith.subi %sub3A, %rem3A_62 : i32
      %ge3A = arith.constant 1 : i32
      %ge3A_64 = arith.cmpi sge, %scan3A_60, %ge3A : i32
      %convert_element_type3A_65 = arith.extui %ge3A_64 : i1 to i32
      %cond3A_66 = arith.constant 0 : i32
      %cond3A_67 = arith.cmpi ne, %convert_element_type3A_65, %cond3A_66 : i32
      scf.if %cond3A_67 {
        %dma_wait3A_122 = arith.constant 0 : i32
        %dma_wait3A_123 = arith.constant 0 : i32
        %dma_wait3A_124 = tpu.memref_slice %arg11[%sub3A_63, %dma_wait3A_122, %dma_wait3A_123] : memref<2x128x128xf32, #tpu.memory_space<vmem>> -> memref<1x128x128xf32, #tpu.memory_space<vmem>>
        %dma_wait3A_125 = tpu.memref_squeeze %dma_wait3A_124 : memref<1x128x128xf32, #tpu.memory_space<vmem>> -> memref<128x128xf32, #tpu.memory_space<vmem>>
        %dma_wait3A_126 = arith.constant 0 : i32
        %dma_wait3A_127 = tpu.memref_slice %arg9[%sub3A_63, %dma_wait3A_126] : memref<2x128xi32, #tpu.memory_space<vmem>> -> memref<1x128xi32, #tpu.memory_space<vmem>>
        %dma_wait3A_128 = tpu.memref_squeeze %dma_wait3A_127 : memref<1x128xi32, #tpu.memory_space<vmem>> -> memref<128xi32, #tpu.memory_space<vmem>>
        %dma_wait3A_129 = arith.constant 0 : i32
        %dma_wait3A_130 = arith.constant 0 : i32
        %dma_wait3A_131 = tpu.memref_slice %arg12[%dma_wait3A_129, %dma_wait3A_130] : memref<10240x128xf32, #tpu.memory_space<vmem_shared>> -> memref<10240x128xf32, #tpu.memory_space<vmem_shared>>
        tpu.wait_indirect_dma semaphore(%arg14 : memref<!tpu.dma_semaphore, #tpu.memory_space<semaphore_mem>>) src(%dma_wait3A_125 : memref<128x128xf32, #tpu.memory_space<vmem>>) dst(%dma_wait3A_131 : memref<10240x128xf32, #tpu.memory_space<vmem_shared>>)
      } else {
      }
      %add3A_68 = arith.constant 1 : i32
      %add3A_69 = arith.addi %scan3A_60, %add3A_68 : i32
      %lt3A_70 = arith.constant 84 : i32
      %lt3A_71 = arith.cmpi slt, %add3A_69, %lt3A_70 : i32
      %convert_element_type3A_72 = arith.extui %lt3A_71 : i1 to i32
      %cond3A_73 = arith.constant 0 : i32
      %cond3A_74 = arith.cmpi ne, %convert_element_type3A_72, %cond3A_73 : i32
      scf.if %cond3A_74 {
        %add3A_122 = arith.constant 1 : i32
        %add3A_123 = arith.addi %scan3A_60, %add3A_122 : i32
        %mul3A_124 = arith.constant 128 : i32
        %mul3A_125 = arith.muli %add3A_123, %mul3A_124 : i32
        %add3A_126 = arith.addi %mul3A_0, %mul3A_125 : i32
        %dma_start3A_127 = arith.constant 0 : i32
        %dma_start3A_128 = tpu.memref_slice %arg9[%sub3A_63, %dma_start3A_127] : memref<2x128xi32, #tpu.memory_space<vmem>> -> memref<1x128xi32, #tpu.memory_space<vmem>>
        %dma_start3A_129 = tpu.memref_squeeze %dma_start3A_128 : memref<1x128xi32, #tpu.memory_space<vmem>> -> memref<128xi32, #tpu.memory_space<vmem>>
        %dma_start3A_130 = tpu.memref_slice %arg5[%add3A_126] : memref<172032xi32, #tpu.memory_space<hbm>> -> memref<128xi32, #tpu.memory_space<hbm>>
        %dma_start3A_131 = arith.constant 0 : i32
        %dma_start3A_132 = tpu.memref_slice %arg9[%sub3A_63, %dma_start3A_131] : memref<2x128xi32, #tpu.memory_space<vmem>> -> memref<1x128xi32, #tpu.memory_space<vmem>>
        %dma_start3A_133 = tpu.memref_squeeze %dma_start3A_132 : memref<1x128xi32, #tpu.memory_space<vmem>> -> memref<128xi32, #tpu.memory_space<vmem>>
        %dma_start3A_134 = tpu.memref_slice %arg5[%add3A_126] : memref<172032xi32, #tpu.memory_space<hbm>> -> memref<128xi32, #tpu.memory_space<hbm>>
        tpu.enqueue_dma source(%dma_start3A_134 : memref<128xi32, #tpu.memory_space<hbm>>) target(%dma_start3A_133 : memref<128xi32, #tpu.memory_space<vmem>>) target_semaphore(%arg15 : memref<!tpu.dma_semaphore, #tpu.memory_space<semaphore_mem>>)
        %dma_start3A_135 = arith.constant 0 : i32
        %dma_start3A_136 = arith.constant 0 : i32
        %dma_start3A_137 = tpu.memref_slice %arg10[%sub3A_63, %dma_start3A_135, %dma_start3A_136] : memref<2x2x128xf32, #tpu.memory_space<vmem>> -> memref<1x2x128xf32, #tpu.memory_space<vmem>>
        %dma_start3A_138 = tpu.memref_squeeze %dma_start3A_137 : memref<1x2x128xf32, #tpu.memory_space<vmem>> -> memref<2x128xf32, #tpu.memory_space<vmem>>
        %dma_start3A_139 = arith.constant 0 : i32
        %dma_start3A_140 = tpu.memref_slice %arg4[%arg0, %dma_start3A_139, %add3A_126] : memref<2x2x172032xf32, #tpu.memory_space<hbm>> -> memref<1x2x128xf32, #tpu.memory_space<hbm>>
        %dma_start3A_141 = tpu.memref_squeeze %dma_start3A_140 : memref<1x2x128xf32, #tpu.memory_space<hbm>> -> memref<2x128xf32, #tpu.memory_space<hbm>>
        %dma_start3A_142 = arith.constant 0 : i32
        %dma_start3A_143 = arith.constant 0 : i32
        %dma_start3A_144 = tpu.memref_slice %arg10[%sub3A_63, %dma_start3A_142, %dma_start3A_143] : memref<2x2x128xf32, #tpu.memory_space<vmem>> -> memref<1x2x128xf32, #tpu.memory_space<vmem>>
        %dma_start3A_145 = tpu.memref_squeeze %dma_start3A_144 : memref<1x2x128xf32, #tpu.memory_space<vmem>> -> memref<2x128xf32, #tpu.memory_space<vmem>>
        %dma_start3A_146 = arith.constant 0 : i32
        %dma_start3A_147 = tpu.memref_slice %arg4[%arg0, %dma_start3A_146, %add3A_126] : memref<2x2x172032xf32, #tpu.memory_space<hbm>> -> memref<1x2x128xf32, #tpu.memory_space<hbm>>
        %dma_start3A_148 = tpu.memref_squeeze %dma_start3A_147 : memref<1x2x128xf32, #tpu.memory_space<hbm>> -> memref<2x128xf32, #tpu.memory_space<hbm>>
        tpu.enqueue_dma source(%dma_start3A_148 : memref<2x128xf32, #tpu.memory_space<hbm>>) target(%dma_start3A_145 : memref<2x128xf32, #tpu.memory_space<vmem>>) target_semaphore(%arg15 : memref<!tpu.dma_semaphore, #tpu.memory_space<semaphore_mem>>)
        %mul3A_149 = arith.constant 128 : i32
        %mul3A_150 = arith.muli %add3A_123, %mul3A_149 : i32
        %dma_start3A_151 = arith.constant 0 : i32
        %dma_start3A_152 = arith.constant 0 : i32
        %dma_start3A_153 = tpu.memref_slice %arg11[%sub3A_63, %dma_start3A_151, %dma_start3A_152] : memref<2x128x128xf32, #tpu.memory_space<vmem>> -> memref<1x128x128xf32, #tpu.memory_space<vmem>>
        %dma_start3A_154 = tpu.memref_squeeze %dma_start3A_153 : memref<1x128x128xf32, #tpu.memory_space<vmem>> -> memref<128x128xf32, #tpu.memory_space<vmem>>
        %dma_start3A_155 = tpu.memref_slice %arg8[%mul3A_150] : memref<10752xi32, #tpu.memory_space<vmem>> -> memref<128xi32, #tpu.memory_space<vmem>>
        %dma_start3A_156 = arith.constant 0 : i32
        %dma_start3A_157 = arith.constant 0 : i32
        %dma_start3A_158 = tpu.memref_slice %arg2[%dma_start3A_156, %dma_start3A_157] : memref<20000x128xf32, #tpu.memory_space<hbm>> -> memref<20000x128xf32, #tpu.memory_space<hbm>>
        tpu.enqueue_indirect_dma source(%dma_start3A_158 : memref<20000x128xf32, #tpu.memory_space<hbm>>) target(%dma_start3A_154 : memref<128x128xf32, #tpu.memory_space<vmem>>) offsets(%dma_start3A_155 : memref<128xi32, #tpu.memory_space<vmem>>) semaphore(%arg13 : memref<!tpu.dma_semaphore, #tpu.memory_space<semaphore_mem>>)
      } else {
      }
      %mul3A_75 = arith.constant 128 : i32
      %mul3A_76 = arith.muli %scan3A_60, %mul3A_75 : i32
      %add3A_77 = arith.addi %mul3A_0, %mul3A_76 : i32
      %dma_wait3A_78 = arith.constant 0 : i32
      %dma_wait3A_79 = tpu.memref_slice %arg9[%rem3A_62, %dma_wait3A_78] : memref<2x128xi32, #tpu.memory_space<vmem>> -> memref<1x128xi32, #tpu.memory_space<vmem>>
      %dma_wait3A_80 = tpu.memref_squeeze %dma_wait3A_79 : memref<1x128xi32, #tpu.memory_space<vmem>> -> memref<128xi32, #tpu.memory_space<vmem>>
      %dma_wait3A_81 = tpu.memref_slice %arg5[%add3A_77] : memref<172032xi32, #tpu.memory_space<hbm>> -> memref<128xi32, #tpu.memory_space<hbm>>
      %dma_wait3A_82 = arith.constant 0 : i32
      %dma_wait3A_83 = tpu.memref_slice %arg9[%rem3A_62, %dma_wait3A_82] : memref<2x128xi32, #tpu.memory_space<vmem>> -> memref<1x128xi32, #tpu.memory_space<vmem>>
      %dma_wait3A_84 = tpu.memref_squeeze %dma_wait3A_83 : memref<1x128xi32, #tpu.memory_space<vmem>> -> memref<128xi32, #tpu.memory_space<vmem>>
      %dma_wait3A_85 = tpu.memref_slice %arg5[%add3A_77] : memref<172032xi32, #tpu.memory_space<hbm>> -> memref<128xi32, #tpu.memory_space<hbm>>
      tpu.wait_dma2 semaphore(%arg15 : memref<!tpu.dma_semaphore, #tpu.memory_space<semaphore_mem>>) src(%dma_wait3A_85 : memref<128xi32, #tpu.memory_space<hbm>>) dst(%dma_wait3A_84 : memref<128xi32, #tpu.memory_space<vmem>>)
      %dma_wait3A_86 = arith.constant 0 : i32
      %dma_wait3A_87 = arith.constant 0 : i32
      %dma_wait3A_88 = tpu.memref_slice %arg10[%rem3A_62, %dma_wait3A_86, %dma_wait3A_87] : memref<2x2x128xf32, #tpu.memory_space<vmem>> -> memref<1x2x128xf32, #tpu.memory_space<vmem>>
      %dma_wait3A_89 = tpu.memref_squeeze %dma_wait3A_88 : memref<1x2x128xf32, #tpu.memory_space<vmem>> -> memref<2x128xf32, #tpu.memory_space<vmem>>
      %dma_wait3A_90 = arith.constant 0 : i32
      %dma_wait3A_91 = tpu.memref_slice %arg4[%arg0, %dma_wait3A_90, %add3A_77] : memref<2x2x172032xf32, #tpu.memory_space<hbm>> -> memref<1x2x128xf32, #tpu.memory_space<hbm>>
      %dma_wait3A_92 = tpu.memref_squeeze %dma_wait3A_91 : memref<1x2x128xf32, #tpu.memory_space<hbm>> -> memref<2x128xf32, #tpu.memory_space<hbm>>
      %dma_wait3A_93 = arith.constant 0 : i32
      %dma_wait3A_94 = arith.constant 0 : i32
      %dma_wait3A_95 = tpu.memref_slice %arg10[%rem3A_62, %dma_wait3A_93, %dma_wait3A_94] : memref<2x2x128xf32, #tpu.memory_space<vmem>> -> memref<1x2x128xf32, #tpu.memory_space<vmem>>
      %dma_wait3A_96 = tpu.memref_squeeze %dma_wait3A_95 : memref<1x2x128xf32, #tpu.memory_space<vmem>> -> memref<2x128xf32, #tpu.memory_space<vmem>>
      %dma_wait3A_97 = arith.constant 0 : i32
      %dma_wait3A_98 = tpu.memref_slice %arg4[%arg0, %dma_wait3A_97, %add3A_77] : memref<2x2x172032xf32, #tpu.memory_space<hbm>> -> memref<1x2x128xf32, #tpu.memory_space<hbm>>
      %dma_wait3A_99 = tpu.memref_squeeze %dma_wait3A_98 : memref<1x2x128xf32, #tpu.memory_space<hbm>> -> memref<2x128xf32, #tpu.memory_space<hbm>>
      tpu.wait_dma2 semaphore(%arg15 : memref<!tpu.dma_semaphore, #tpu.memory_space<semaphore_mem>>) src(%dma_wait3A_99 : memref<2x128xf32, #tpu.memory_space<hbm>>) dst(%dma_wait3A_96 : memref<2x128xf32, #tpu.memory_space<vmem>>)
      %mul3A_100 = arith.constant 128 : i32
      %mul3A_101 = arith.muli %scan3A_60, %mul3A_100 : i32
      %dma_wait3A_102 = arith.constant 0 : i32
      %dma_wait3A_103 = arith.constant 0 : i32
      %dma_wait3A_104 = tpu.memref_slice %arg11[%rem3A_62, %dma_wait3A_102, %dma_wait3A_103] : memref<2x128x128xf32, #tpu.memory_space<vmem>> -> memref<1x128x128xf32, #tpu.memory_space<vmem>>
      %dma_wait3A_105 = tpu.memref_squeeze %dma_wait3A_104 : memref<1x128x128xf32, #tpu.memory_space<vmem>> -> memref<128x128xf32, #tpu.memory_space<vmem>>
      %dma_wait3A_106 = tpu.memref_slice %arg8[%mul3A_101] : memref<10752xi32, #tpu.memory_space<vmem>> -> memref<128xi32, #tpu.memory_space<vmem>>
      %dma_wait3A_107 = arith.constant 0 : i32
      %dma_wait3A_108 = arith.constant 0 : i32
      %dma_wait3A_109 = tpu.memref_slice %arg2[%dma_wait3A_107, %dma_wait3A_108] : memref<20000x128xf32, #tpu.memory_space<hbm>> -> memref<20000x128xf32, #tpu.memory_space<hbm>>
      tpu.wait_indirect_dma semaphore(%arg13 : memref<!tpu.dma_semaphore, #tpu.memory_space<semaphore_mem>>) src(%dma_wait3A_109 : memref<20000x128xf32, #tpu.memory_space<hbm>>) dst(%dma_wait3A_105 : memref<128x128xf32, #tpu.memory_space<vmem>>)
      %parallel_loop3A = arith.constant 0 : i32
      %parallel_loop3A_110 = arith.constant 128 : i32
      %parallel_loop3A_111 = arith.constant 1 : i32
      scf.for %parallel_loop3A_122 = %parallel_loop3A to %parallel_loop3A_110 step %parallel_loop3A_111  : i32 {
        %parallel_loop3A_123 = vector.broadcast %parallel_loop3A_122 : i32 to vector<16xi32>
        %parallel_loop3A_124 = arith.constant 0 : i32
        %parallel_loop3A_125 = arith.constant 0 : i32
        %parallel_loop3A_126 = tpu.memref_slice %arg10[%rem3A_62, %parallel_loop3A_124, %parallel_loop3A_125] : memref<2x2x128xf32, #tpu.memory_space<vmem>> -> memref<1x1x128xf32, #tpu.memory_space<vmem>>
        %parallel_loop3A_127 = tpu.memref_squeeze %parallel_loop3A_126 : memref<1x1x128xf32, #tpu.memory_space<vmem>> -> memref<128xf32, #tpu.memory_space<vmem>>
        %parallel_loop3A_128 = tpu.vector_load_idx %parallel_loop3A_127[%parallel_loop3A_123] : memref<128xf32, #tpu.memory_space<vmem>>[vector<16xi32>], vector<16xf32>,
        %parallel_loop3A_129 = arith.constant 1 : i32
        %parallel_loop3A_130 = arith.constant 0 : i32
        %parallel_loop3A_131 = tpu.memref_slice %arg10[%rem3A_62, %parallel_loop3A_129, %parallel_loop3A_130] : memref<2x2x128xf32, #tpu.memory_space<vmem>> -> memref<1x1x128xf32, #tpu.memory_space<vmem>>
        %parallel_loop3A_132 = tpu.memref_squeeze %parallel_loop3A_131 : memref<1x1x128xf32, #tpu.memory_space<vmem>> -> memref<128xf32, #tpu.memory_space<vmem>>
        %parallel_loop3A_133 = tpu.vector_load_idx %parallel_loop3A_132[%parallel_loop3A_123] : memref<128xf32, #tpu.memory_space<vmem>>[vector<16xi32>], vector<16xf32>,
        %parallel_loop3A_134 = arith.index_cast %rem3A_62 : i32 to index
        %parallel_loop3A_135 = arith.index_cast %parallel_loop3A_122 : i32 to index
        %parallel_loop3A_136 = arith.constant 0 : index
        %parallel_loop3A_137 = tpu.vector_load %arg11[%parallel_loop3A_134, %parallel_loop3A_135, %parallel_loop3A_136] {strides = array<i32>} : memref<2x128x128xf32, #tpu.memory_space<vmem>>, vector<16xf32>,
        %parallel_loop3A_138 = arith.mulf %parallel_loop3A_137, %parallel_loop3A_128 : vector<16xf32>
        %parallel_loop3A_139 = arith.index_cast %rem3A_62 : i32 to index
        %parallel_loop3A_140 = arith.index_cast %parallel_loop3A_122 : i32 to index
        %parallel_loop3A_141 = arith.constant 0 : index
        %parallel_loop3A_142 = tpu.vector_load %arg11[%parallel_loop3A_139, %parallel_loop3A_140, %parallel_loop3A_141] {strides = array<i32>} : memref<2x128x128xf32, #tpu.memory_space<vmem>>, vector<16xf32>,
        tpu.vector_store %arg11[%parallel_loop3A_139, %parallel_loop3A_140, %parallel_loop3A_141], %parallel_loop3A_138 {strides = array<i32>} : memref<2x128x128xf32, #tpu.memory_space<vmem>>, vector<16xf32>,
        %parallel_loop3A_143 = arith.index_cast %rem3A_62 : i32 to index
        %parallel_loop3A_144 = arith.index_cast %parallel_loop3A_122 : i32 to index
        %parallel_loop3A_145 = arith.constant 16 : index
        %parallel_loop3A_146 = tpu.vector_load %arg11[%parallel_loop3A_143, %parallel_loop3A_144, %parallel_loop3A_145] {strides = array<i32>} : memref<2x128x128xf32, #tpu.memory_space<vmem>>, vector<16xf32>,
        %parallel_loop3A_147 = arith.mulf %parallel_loop3A_146, %parallel_loop3A_128 : vector<16xf32>
        %parallel_loop3A_148 = arith.index_cast %rem3A_62 : i32 to index
        %parallel_loop3A_149 = arith.index_cast %parallel_loop3A_122 : i32 to index
        %parallel_loop3A_150 = arith.constant 16 : index
        %parallel_loop3A_151 = tpu.vector_load %arg11[%parallel_loop3A_148, %parallel_loop3A_149, %parallel_loop3A_150] {strides = array<i32>} : memref<2x128x128xf32, #tpu.memory_space<vmem>>, vector<16xf32>,
        tpu.vector_store %arg11[%parallel_loop3A_148, %parallel_loop3A_149, %parallel_loop3A_150], %parallel_loop3A_147 {strides = array<i32>} : memref<2x128x128xf32, #tpu.memory_space<vmem>>, vector<16xf32>,
        %parallel_loop3A_152 = arith.index_cast %rem3A_62 : i32 to index
        %parallel_loop3A_153 = arith.index_cast %parallel_loop3A_122 : i32 to index
        %parallel_loop3A_154 = arith.constant 32 : index
        %parallel_loop3A_155 = tpu.vector_load %arg11[%parallel_loop3A_152, %parallel_loop3A_153, %parallel_loop3A_154] {strides = array<i32>} : memref<2x128x128xf32, #tpu.memory_space<vmem>>, vector<16xf32>,
        %parallel_loop3A_156 = arith.mulf %parallel_loop3A_155, %parallel_loop3A_128 : vector<16xf32>
        %parallel_loop3A_157 = arith.index_cast %rem3A_62 : i32 to index
        %parallel_loop3A_158 = arith.index_cast %parallel_loop3A_122 : i32 to index
        %parallel_loop3A_159 = arith.constant 32 : index
        %parallel_loop3A_160 = tpu.vector_load %arg11[%parallel_loop3A_157, %parallel_loop3A_158, %parallel_loop3A_159] {strides = array<i32>} : memref<2x128x128xf32, #tpu.memory_space<vmem>>, vector<16xf32>,
        tpu.vector_store %arg11[%parallel_loop3A_157, %parallel_loop3A_158, %parallel_loop3A_159], %parallel_loop3A_156 {strides = array<i32>} : memref<2x128x128xf32, #tpu.memory_space<vmem>>, vector<16xf32>,
        %parallel_loop3A_161 = arith.index_cast %rem3A_62 : i32 to index
        %parallel_loop3A_162 = arith.index_cast %parallel_loop3A_122 : i32 to index
        %parallel_loop3A_163 = arith.constant 48 : index
        %parallel_loop3A_164 = tpu.vector_load %arg11[%parallel_loop3A_161, %parallel_loop3A_162, %parallel_loop3A_163] {strides = array<i32>} : memref<2x128x128xf32, #tpu.memory_space<vmem>>, vector<16xf32>,
        %parallel_loop3A_165 = arith.mulf %parallel_loop3A_164, %parallel_loop3A_128 : vector<16xf32>
        %parallel_loop3A_166 = arith.index_cast %rem3A_62 : i32 to index
        %parallel_loop3A_167 = arith.index_cast %parallel_loop3A_122 : i32 to index
        %parallel_loop3A_168 = arith.constant 48 : index
        %parallel_loop3A_169 = tpu.vector_load %arg11[%parallel_loop3A_166, %parallel_loop3A_167, %parallel_loop3A_168] {strides = array<i32>} : memref<2x128x128xf32, #tpu.memory_space<vmem>>, vector<16xf32>,
        tpu.vector_store %arg11[%parallel_loop3A_166, %parallel_loop3A_167, %parallel_loop3A_168], %parallel_loop3A_165 {strides = array<i32>} : memref<2x128x128xf32, #tpu.memory_space<vmem>>, vector<16xf32>,
        %parallel_loop3A_170 = arith.index_cast %rem3A_62 : i32 to index
        %parallel_loop3A_171 = arith.index_cast %parallel_loop3A_122 : i32 to index
        %parallel_loop3A_172 = arith.constant 64 : index
        %parallel_loop3A_173 = tpu.vector_load %arg11[%parallel_loop3A_170, %parallel_loop3A_171, %parallel_loop3A_172] {strides = array<i32>} : memref<2x128x128xf32, #tpu.memory_space<vmem>>, vector<16xf32>,
        %parallel_loop3A_174 = arith.mulf %parallel_loop3A_173, %parallel_loop3A_133 : vector<16xf32>
        %parallel_loop3A_175 = arith.index_cast %rem3A_62 : i32 to index
        %parallel_loop3A_176 = arith.index_cast %parallel_loop3A_122 : i32 to index
        %parallel_loop3A_177 = arith.constant 64 : index
        %parallel_loop3A_178 = tpu.vector_load %arg11[%parallel_loop3A_175, %parallel_loop3A_176, %parallel_loop3A_177] {strides = array<i32>} : memref<2x128x128xf32, #tpu.memory_space<vmem>>, vector<16xf32>,
        tpu.vector_store %arg11[%parallel_loop3A_175, %parallel_loop3A_176, %parallel_loop3A_177], %parallel_loop3A_174 {strides = array<i32>} : memref<2x128x128xf32, #tpu.memory_space<vmem>>, vector<16xf32>,
        %parallel_loop3A_179 = arith.index_cast %rem3A_62 : i32 to index
        %parallel_loop3A_180 = arith.index_cast %parallel_loop3A_122 : i32 to index
        %parallel_loop3A_181 = arith.constant 80 : index
        %parallel_loop3A_182 = tpu.vector_load %arg11[%parallel_loop3A_179, %parallel_loop3A_180, %parallel_loop3A_181] {strides = array<i32>} : memref<2x128x128xf32, #tpu.memory_space<vmem>>, vector<16xf32>,
        %parallel_loop3A_183 = arith.mulf %parallel_loop3A_182, %parallel_loop3A_133 : vector<16xf32>
        %parallel_loop3A_184 = arith.index_cast %rem3A_62 : i32 to index
        %parallel_loop3A_185 = arith.index_cast %parallel_loop3A_122 : i32 to index
        %parallel_loop3A_186 = arith.constant 80 : index
        %parallel_loop3A_187 = tpu.vector_load %arg11[%parallel_loop3A_184, %parallel_loop3A_185, %parallel_loop3A_186] {strides = array<i32>} : memref<2x128x128xf32, #tpu.memory_space<vmem>>, vector<16xf32>,
        tpu.vector_store %arg11[%parallel_loop3A_184, %parallel_loop3A_185, %parallel_loop3A_186], %parallel_loop3A_183 {strides = array<i32>} : memref<2x128x128xf32, #tpu.memory_space<vmem>>, vector<16xf32>,
        %parallel_loop3A_188 = arith.index_cast %rem3A_62 : i32 to index
        %parallel_loop3A_189 = arith.index_cast %parallel_loop3A_122 : i32 to index
        %parallel_loop3A_190 = arith.constant 96 : index
        %parallel_loop3A_191 = tpu.vector_load %arg11[%parallel_loop3A_188, %parallel_loop3A_189, %parallel_loop3A_190] {strides = array<i32>} : memref<2x128x128xf32, #tpu.memory_space<vmem>>, vector<16xf32>,
        %parallel_loop3A_192 = arith.mulf %parallel_loop3A_191, %parallel_loop3A_133 : vector<16xf32>
        %parallel_loop3A_193 = arith.index_cast %rem3A_62 : i32 to index
        %parallel_loop3A_194 = arith.index_cast %parallel_loop3A_122 : i32 to index
        %parallel_loop3A_195 = arith.constant 96 : index
        %parallel_loop3A_196 = tpu.vector_load %arg11[%parallel_loop3A_193, %parallel_loop3A_194, %parallel_loop3A_195] {strides = array<i32>} : memref<2x128x128xf32, #tpu.memory_space<vmem>>, vector<16xf32>,
        tpu.vector_store %arg11[%parallel_loop3A_193, %parallel_loop3A_194, %parallel_loop3A_195], %parallel_loop3A_192 {strides = array<i32>} : memref<2x128x128xf32, #tpu.memory_space<vmem>>, vector<16xf32>,
        %parallel_loop3A_197 = arith.index_cast %rem3A_62 : i32 to index
        %parallel_loop3A_198 = arith.index_cast %parallel_loop3A_122 : i32 to index
        %parallel_loop3A_199 = arith.constant 112 : index
        %parallel_loop3A_200 = tpu.vector_load %arg11[%parallel_loop3A_197, %parallel_loop3A_198, %parallel_loop3A_199] {strides = array<i32>} : memref<2x128x128xf32, #tpu.memory_space<vmem>>, vector<16xf32>,
        %parallel_loop3A_201 = arith.mulf %parallel_loop3A_200, %parallel_loop3A_133 : vector<16xf32>
        %parallel_loop3A_202 = arith.index_cast %rem3A_62 : i32 to index
        %parallel_loop3A_203 = arith.index_cast %parallel_loop3A_122 : i32 to index
        %parallel_loop3A_204 = arith.constant 112 : index
        %parallel_loop3A_205 = tpu.vector_load %arg11[%parallel_loop3A_202, %parallel_loop3A_203, %parallel_loop3A_204] {strides = array<i32>} : memref<2x128x128xf32, #tpu.memory_space<vmem>>, vector<16xf32>,
        tpu.vector_store %arg11[%parallel_loop3A_202, %parallel_loop3A_203, %parallel_loop3A_204], %parallel_loop3A_201 {strides = array<i32>} : memref<2x128x128xf32, #tpu.memory_space<vmem>>, vector<16xf32>,
      } {sc.loop_unroll_factor = 8 : i64, sc.parallel_access}
      %dma_start3A_112 = arith.constant 0 : i32
      %dma_start3A_113 = arith.constant 0 : i32
      %dma_start3A_114 = tpu.memref_slice %arg11[%rem3A_62, %dma_start3A_112, %dma_start3A_113] : memref<2x128x128xf32, #tpu.memory_space<vmem>> -> memref<1x128x128xf32, #tpu.memory_space<vmem>>
      %dma_start3A_115 = tpu.memref_squeeze %dma_start3A_114 : memref<1x128x128xf32, #tpu.memory_space<vmem>> -> memref<128x128xf32, #tpu.memory_space<vmem>>
      %dma_start3A_116 = arith.constant 0 : i32
      %dma_start3A_117 = tpu.memref_slice %arg9[%rem3A_62, %dma_start3A_116] : memref<2x128xi32, #tpu.memory_space<vmem>> -> memref<1x128xi32, #tpu.memory_space<vmem>>
      %dma_start3A_118 = tpu.memref_squeeze %dma_start3A_117 : memref<1x128xi32, #tpu.memory_space<vmem>> -> memref<128xi32, #tpu.memory_space<vmem>>
      %dma_start3A_119 = arith.constant 0 : i32
      %dma_start3A_120 = arith.constant 0 : i32
      %dma_start3A_121 = tpu.memref_slice %arg12[%dma_start3A_119, %dma_start3A_120] : memref<10240x128xf32, #tpu.memory_space<vmem_shared>> -> memref<10240x128xf32, #tpu.memory_space<vmem_shared>>
      tpu.enqueue_indirect_dma source(%dma_start3A_115 : memref<128x128xf32, #tpu.memory_space<vmem>>) target(%dma_start3A_121 : memref<10240x128xf32, #tpu.memory_space<vmem_shared>>) offsets(%dma_start3A_118 : memref<128xi32, #tpu.memory_space<vmem>>) semaphore(%arg14 : memref<!tpu.dma_semaphore, #tpu.memory_space<semaphore_mem>>) {add = true}
    }
    %scan3A_41 = arith.constant 84 : i32
    %rem3A = arith.constant 83 : i32
    %rem3A_42 = arith.constant 2 : i32
    %rem3A_43 = arith.remsi %rem3A, %rem3A_42 : i32
    %dma_wait3A = arith.constant 0 : i32
    %dma_wait3A_44 = arith.constant 0 : i32
    %dma_wait3A_45 = tpu.memref_slice %arg11[%rem3A_43, %dma_wait3A, %dma_wait3A_44] : memref<2x128x128xf32, #tpu.memory_space<vmem>> -> memref<1x128x128xf32, #tpu.memory_space<vmem>>
    %dma_wait3A_46 = tpu.memref_squeeze %dma_wait3A_45 : memref<1x128x128xf32, #tpu.memory_space<vmem>> -> memref<128x128xf32, #tpu.memory_space<vmem>>
    %dma_wait3A_47 = arith.constant 0 : i32
    %dma_wait3A_48 = tpu.memref_slice %arg9[%rem3A_43, %dma_wait3A_47] : memref<2x128xi32, #tpu.memory_space<vmem>> -> memref<1x128xi32, #tpu.memory_space<vmem>>
    %dma_wait3A_49 = tpu.memref_squeeze %dma_wait3A_48 : memref<1x128xi32, #tpu.memory_space<vmem>> -> memref<128xi32, #tpu.memory_space<vmem>>
    %dma_wait3A_50 = arith.constant 0 : i32
    %dma_wait3A_51 = arith.constant 0 : i32
    %dma_wait3A_52 = tpu.memref_slice %arg12[%dma_wait3A_50, %dma_wait3A_51] : memref<10240x128xf32, #tpu.memory_space<vmem_shared>> -> memref<10240x128xf32, #tpu.memory_space<vmem_shared>>
    tpu.wait_indirect_dma semaphore(%arg14 : memref<!tpu.dma_semaphore, #tpu.memory_space<semaphore_mem>>) src(%dma_wait3A_46 : memref<128x128xf32, #tpu.memory_space<vmem>>) dst(%dma_wait3A_52 : memref<10240x128xf32, #tpu.memory_space<vmem_shared>>)
    %barrier3A_53 = arith.constant 0 : index
    tpu.barrier barrier_id(%barrier3A_53)
    %lt3A = arith.constant 15 : i32
    %lt3A_54 = arith.cmpi slt, %arg1, %lt3A : i32
    %convert_element_type3A = arith.extui %lt3A_54 : i1 to i32
    %cond3A = arith.constant 0 : i32
    %cond3A_55 = arith.cmpi ne, %convert_element_type3A, %cond3A : i32
    scf.if %cond3A_55 {
      %mul3A_60 = arith.constant 640 : i32
      %mul3A_61 = arith.muli %arg1, %mul3A_60 : i32
      "tpu.region"() ({
        %run_scoped3A = tpu.sem_alloc : memref<!tpu.dma_semaphore, #tpu.memory_space<semaphore_mem>>
        %dma_start3A_62 = arith.constant 0 : i32
        %dma_start3A_63 = tpu.memref_slice %arg7[%arg0, %mul3A_61, %dma_start3A_62] : memref<2x10000x128xf32, #tpu.memory_space<hbm>> -> memref<1x640x128xf32, #tpu.memory_space<hbm>>
        %dma_start3A_64 = tpu.memref_squeeze %dma_start3A_63 : memref<1x640x128xf32, #tpu.memory_space<hbm>> -> memref<640x128xf32, #tpu.memory_space<hbm>>
        %dma_start3A_65 = arith.constant 0 : i32
        %dma_start3A_66 = tpu.memref_slice %arg12[%mul3A_61, %dma_start3A_65] : memref<10240x128xf32, #tpu.memory_space<vmem_shared>> -> memref<640x128xf32, #tpu.memory_space<vmem_shared>>
        tpu.enqueue_dma source(%dma_start3A_66 : memref<640x128xf32, #tpu.memory_space<vmem_shared>>) target(%dma_start3A_64 : memref<640x128xf32, #tpu.memory_space<hbm>>) target_semaphore(%run_scoped3A : memref<!tpu.dma_semaphore, #tpu.memory_space<semaphore_mem>>)
        %dma_wait3A_67 = arith.constant 0 : i32
        %dma_wait3A_68 = tpu.memref_slice %arg7[%arg0, %mul3A_61, %dma_wait3A_67] : memref<2x10000x128xf32, #tpu.memory_space<hbm>> -> memref<1x640x128xf32, #tpu.memory_space<hbm>>
        %dma_wait3A_69 = tpu.memref_squeeze %dma_wait3A_68 : memref<1x640x128xf32, #tpu.memory_space<hbm>> -> memref<640x128xf32, #tpu.memory_space<hbm>>
        %dma_wait3A_70 = arith.constant 0 : i32
        %dma_wait3A_71 = tpu.memref_slice %arg12[%mul3A_61, %dma_wait3A_70] : memref<10240x128xf32, #tpu.memory_space<vmem_shared>> -> memref<640x128xf32, #tpu.memory_space<vmem_shared>>
        tpu.wait_dma2 semaphore(%run_scoped3A : memref<!tpu.dma_semaphore, #tpu.memory_space<semaphore_mem>>) src(%dma_wait3A_71 : memref<640x128xf32, #tpu.memory_space<vmem_shared>>) dst(%dma_wait3A_69 : memref<640x128xf32, #tpu.memory_space<hbm>>)
        tpu.yield
      }) : () -> ()
    } else {
    }
    %eq3A = arith.constant 15 : i32
    %eq3A_56 = arith.cmpi eq, %arg1, %eq3A : i32
    %convert_element_type3A_57 = arith.extui %eq3A_56 : i1 to i32
    %cond3A_58 = arith.constant 0 : i32
    %cond3A_59 = arith.cmpi ne, %convert_element_type3A_57, %cond3A_58 : i32
    scf.if %cond3A_59 {
      "tpu.region"() ({
        %run_scoped3A = tpu.sem_alloc : memref<!tpu.dma_semaphore, #tpu.memory_space<semaphore_mem>>
        %dma_start3A_60 = arith.constant 9600 : i32
        %dma_start3A_61 = arith.constant 0 : i32
        %dma_start3A_62 = tpu.memref_slice %arg7[%arg0, %dma_start3A_60, %dma_start3A_61] : memref<2x10000x128xf32, #tpu.memory_space<hbm>> -> memref<1x400x128xf32, #tpu.memory_space<hbm>>
        %dma_start3A_63 = tpu.memref_squeeze %dma_start3A_62 : memref<1x400x128xf32, #tpu.memory_space<hbm>> -> memref<400x128xf32, #tpu.memory_space<hbm>>
        %dma_start3A_64 = arith.constant 9600 : i32
        %dma_start3A_65 = arith.constant 0 : i32
        %dma_start3A_66 = tpu.memref_slice %arg12[%dma_start3A_64, %dma_start3A_65] : memref<10240x128xf32, #tpu.memory_space<vmem_shared>> -> memref<400x128xf32, #tpu.memory_space<vmem_shared>>
        tpu.enqueue_dma source(%dma_start3A_66 : memref<400x128xf32, #tpu.memory_space<vmem_shared>>) target(%dma_start3A_63 : memref<400x128xf32, #tpu.memory_space<hbm>>) target_semaphore(%run_scoped3A : memref<!tpu.dma_semaphore, #tpu.memory_space<semaphore_mem>>)
        %dma_wait3A_67 = arith.constant 9600 : i32
        %dma_wait3A_68 = arith.constant 0 : i32
        %dma_wait3A_69 = tpu.memref_slice %arg7[%arg0, %dma_wait3A_67, %dma_wait3A_68] : memref<2x10000x128xf32, #tpu.memory_space<hbm>> -> memref<1x400x128xf32, #tpu.memory_space<hbm>>
        %dma_wait3A_70 = tpu.memref_squeeze %dma_wait3A_69 : memref<1x400x128xf32, #tpu.memory_space<hbm>> -> memref<400x128xf32, #tpu.memory_space<hbm>>
        %dma_wait3A_71 = arith.constant 9600 : i32
        %dma_wait3A_72 = arith.constant 0 : i32
        %dma_wait3A_73 = tpu.memref_slice %arg12[%dma_wait3A_71, %dma_wait3A_72] : memref<10240x128xf32, #tpu.memory_space<vmem_shared>> -> memref<400x128xf32, #tpu.memory_space<vmem_shared>>
        tpu.wait_dma2 semaphore(%run_scoped3A : memref<!tpu.dma_semaphore, #tpu.memory_space<semaphore_mem>>) src(%dma_wait3A_73 : memref<400x128xf32, #tpu.memory_space<vmem_shared>>) dst(%dma_wait3A_70 : memref<400x128xf32, #tpu.memory_space<hbm>>)
        tpu.yield
      }) : () -> ()
    } else {
    }
    return
  }
}

module attributes {stable_mosaic.version = 14 : i64} {
  func.func @_tc1_body(%arg0: i32, %arg1: memref<400x256xf32, #tpu.memory_space<vmem>>, %arg2: memref<2x400x128xf32, #tpu.memory_space<vmem>>, %arg3: memref<256x256xf32, #tpu.memory_space<vmem>>, %arg4: memref<1x256xf32, #tpu.memory_space<vmem>>, %arg5: memref<16x256xf32, #tpu.memory_space<vmem>>, %arg6: memref<1x256xf32, #tpu.memory_space<vmem>>, %arg7: memref<512x256xf32, #tpu.memory_space<vmem>>, %arg8: memref<1x256xf32, #tpu.memory_space<vmem>>, %arg9: memref<1x256xf32, #tpu.memory_space<vmem>>, %arg10: memref<256x4xf32, #tpu.memory_space<vmem>>, %arg11: memref<2x400x128xf32, #tpu.memory_space<vmem>>, %arg12: memref<2x400x4xf32, #tpu.memory_space<vmem>>) attributes {dimension_semantics = [#tpu.dimension_semantics<arbitrary>], iteration_bounds = array<i64: 25>, scalar_prefetch = 0 : i64, scratch_operands = 0 : i64, tpu.core_type = #tpu.core_type<tc>, window_params = [{transform_indices = @transform_0, window_bounds = array<i64: 400, 256>}, {transform_indices = @transform_1, window_bounds = array<i64: 2, 400, 128>}, {pipeline_mode = #tpu.pipeline_mode<synchronous>, transform_indices = @transform_2, window_bounds = array<i64: 256, 256>}, {pipeline_mode = #tpu.pipeline_mode<synchronous>, transform_indices = @transform_3, window_bounds = array<i64: 1, 256>}, {pipeline_mode = #tpu.pipeline_mode<synchronous>, transform_indices = @transform_4, window_bounds = array<i64: 16, 256>}, {pipeline_mode = #tpu.pipeline_mode<synchronous>, transform_indices = @transform_5, window_bounds = array<i64: 1, 256>}, {pipeline_mode = #tpu.pipeline_mode<synchronous>, transform_indices = @transform_6, window_bounds = array<i64: 512, 256>}, {pipeline_mode = #tpu.pipeline_mode<synchronous>, transform_indices = @transform_7, window_bounds = array<i64: 1, 256>}, {pipeline_mode = #tpu.pipeline_mode<synchronous>, transform_indices = @transform_8, window_bounds = array<i64: 1, 256>}, {pipeline_mode = #tpu.pipeline_mode<synchronous>, transform_indices = @transform_9, window_bounds = array<i64: 256, 4>}, {transform_indices = @transform_10, window_bounds = array<i64: 2, 400, 128>}, {transform_indices = @transform_11, window_bounds = array<i64: 2, 400, 4>}]} {
    %get3A = arith.constant 0 : index
    %get3A_0 = arith.constant 0 : index
    %get3A_1 = vector.load %arg1[%get3A, %get3A_0] : memref<400x256xf32, #tpu.memory_space<vmem>>, vector<400x256xf32>
    %get3A_2 = arith.constant 0 : index
    %get3A_3 = arith.constant 0 : index
    %get3A_4 = vector.load %arg3[%get3A_2, %get3A_3] : memref<256x256xf32, #tpu.memory_space<vmem>>, vector<256x256xf32>
    %dot_general3A = arith.constant dense<0.000000e+00> : vector<400x256xf32>
    %dot_general3A_5 = tpu.matmul %get3A_1, %get3A_4, %dot_general3A {dimension_numbers = #tpu.dot_dimension_numbers<[1], [0], [0], [1], [0, 0, 1, 1], [], []>, transpose_lhs_hint = false} : vector<400x256xf32>, vector<256x256xf32>, vector<400x256xf32> -> vector<400x256xf32>
    %get3A_6 = arith.constant 0 : index
    %get3A_7 = arith.constant 0 : index
    %get3A_8 = vector.load %arg4[%get3A_6, %get3A_7] : memref<1x256xf32, #tpu.memory_space<vmem>>, vector<1x256xf32>
    %add3A = vector.broadcast %get3A_8 : vector<1x256xf32> to vector<400x256xf32>
    %add3A_9 = arith.addf %dot_general3A_5, %add3A : vector<400x256xf32>
    %get3A_10 = arith.constant 0 : index
    %get3A_11 = arith.constant 0 : index
    %get3A_12 = arith.constant 0 : index
    %get3A_13 = vector.load %arg2[%get3A_10, %get3A_11, %get3A_12] : memref<2x400x128xf32, #tpu.memory_space<vmem>>, vector<1x400x16xf32>
    %get3A_14 = vector.shape_cast %get3A_13 : vector<1x400x16xf32> to vector<400x16xf32>
    %get3A_15 = arith.constant 1 : index
    %get3A_16 = arith.constant 0 : index
    %get3A_17 = arith.constant 0 : index
    %get3A_18 = vector.load %arg2[%get3A_15, %get3A_16, %get3A_17] : memref<2x400x128xf32, #tpu.memory_space<vmem>>, vector<1x400x16xf32>
    %get3A_19 = vector.shape_cast %get3A_18 : vector<1x400x16xf32> to vector<400x16xf32>
    %add3A_20 = arith.addf %get3A_14, %get3A_19 : vector<400x16xf32>
    %get3A_21 = arith.constant 0 : index
    %get3A_22 = arith.constant 0 : index
    %get3A_23 = arith.constant 16 : index
    %get3A_24 = vector.load %arg2[%get3A_21, %get3A_22, %get3A_23] : memref<2x400x128xf32, #tpu.memory_space<vmem>>, vector<1x400x1xf32>
    %get3A_25 = vector.shape_cast %get3A_24 : vector<1x400x1xf32> to vector<400x1xf32>
    %get3A_26 = arith.constant 1 : index
    %get3A_27 = arith.constant 0 : index
    %get3A_28 = arith.constant 16 : index
    %get3A_29 = vector.load %arg2[%get3A_26, %get3A_27, %get3A_28] : memref<2x400x128xf32, #tpu.memory_space<vmem>>, vector<1x400x1xf32>
    %get3A_30 = vector.shape_cast %get3A_29 : vector<1x400x1xf32> to vector<400x1xf32>
    %add3A_31 = arith.addf %get3A_25, %get3A_30 : vector<400x1xf32>
    %max3A = arith.constant 1.000000e+00 : f32
    %max3A_32 = vector.broadcast %max3A : f32 to vector<400x1xf32>
    %max3A_33 = arith.maximumf %add3A_31, %max3A_32 : vector<400x1xf32>
    %get3A_34 = arith.constant 0 : index
    %get3A_35 = arith.constant 0 : index
    %get3A_36 = vector.load %arg5[%get3A_34, %get3A_35] : memref<16x256xf32, #tpu.memory_space<vmem>>, vector<16x256xf32>
    %dot_general3A_37 = arith.constant dense<0.000000e+00> : vector<400x256xf32>
    %dot_general3A_38 = tpu.matmul %add3A_20, %get3A_36, %dot_general3A_37 {dimension_numbers = #tpu.dot_dimension_numbers<[1], [0], [0], [1], [0, 0, 1, 1], [], []>, transpose_lhs_hint = false} : vector<400x16xf32>, vector<16x256xf32>, vector<400x256xf32> -> vector<400x256xf32>
    %div3A = vector.broadcast %max3A_33 : vector<400x1xf32> to vector<400x256xf32>
    %div3A_39 = arith.divf %dot_general3A_38, %div3A : vector<400x256xf32>
    %get3A_40 = arith.constant 0 : index
    %get3A_41 = arith.constant 0 : index
    %get3A_42 = vector.load %arg6[%get3A_40, %get3A_41] : memref<1x256xf32, #tpu.memory_space<vmem>>, vector<1x256xf32>
    %add3A_43 = vector.broadcast %get3A_42 : vector<1x256xf32> to vector<400x256xf32>
    %add3A_44 = arith.addf %div3A_39, %add3A_43 : vector<400x256xf32>
    %get3A_45 = arith.constant 0 : index
    %get3A_46 = arith.constant 0 : index
    %get3A_47 = vector.load %arg7[%get3A_45, %get3A_46] : memref<512x256xf32, #tpu.memory_space<vmem>>, vector<256x256xf32>
    %dot_general3A_48 = arith.constant dense<0.000000e+00> : vector<400x256xf32>
    %dot_general3A_49 = tpu.matmul %add3A_9, %get3A_47, %dot_general3A_48 {dimension_numbers = #tpu.dot_dimension_numbers<[1], [0], [0], [1], [0, 0, 1, 1], [], []>, transpose_lhs_hint = false} : vector<400x256xf32>, vector<256x256xf32>, vector<400x256xf32> -> vector<400x256xf32>
    %get3A_50 = arith.constant 256 : index
    %get3A_51 = arith.constant 0 : index
    %get3A_52 = vector.load %arg7[%get3A_50, %get3A_51] : memref<512x256xf32, #tpu.memory_space<vmem>>, vector<256x256xf32>
    %dot_general3A_53 = arith.constant dense<0.000000e+00> : vector<400x256xf32>
    %dot_general3A_54 = tpu.matmul %add3A_44, %get3A_52, %dot_general3A_53 {dimension_numbers = #tpu.dot_dimension_numbers<[1], [0], [0], [1], [0, 0, 1, 1], [], []>, transpose_lhs_hint = false} : vector<400x256xf32>, vector<256x256xf32>, vector<400x256xf32> -> vector<400x256xf32>
    %add3A_55 = arith.addf %dot_general3A_49, %dot_general3A_54 : vector<400x256xf32>
    %get3A_56 = arith.constant 0 : index
    %get3A_57 = arith.constant 0 : index
    %get3A_58 = vector.load %arg8[%get3A_56, %get3A_57] : memref<1x256xf32, #tpu.memory_space<vmem>>, vector<1x256xf32>
    %mul3A = vector.broadcast %get3A_58 : vector<1x256xf32> to vector<400x256xf32>
    %mul3A_59 = arith.mulf %add3A_55, %mul3A : vector<400x256xf32>
    %get3A_60 = arith.constant 0 : index
    %get3A_61 = arith.constant 0 : index
    %get3A_62 = vector.load %arg10[%get3A_60, %get3A_61] : memref<256x4xf32, #tpu.memory_space<vmem>>, vector<256x4xf32>
    %dot_general3A_63 = arith.constant dense<0.000000e+00> : vector<400x4xf32>
    %dot_general3A_64 = tpu.matmul %mul3A_59, %get3A_62, %dot_general3A_63 {dimension_numbers = #tpu.dot_dimension_numbers<[1], [0], [0], [1], [0, 0, 1, 1], [], []>, transpose_lhs_hint = false} : vector<400x256xf32>, vector<256x4xf32>, vector<400x4xf32> -> vector<400x4xf32>
    %get3A_65 = arith.constant 0 : index
    %get3A_66 = arith.constant 0 : index
    %get3A_67 = vector.load %arg9[%get3A_65, %get3A_66] : memref<1x256xf32, #tpu.memory_space<vmem>>, vector<1x256xf32>
    %mul3A_68 = vector.broadcast %get3A_67 : vector<1x256xf32> to vector<400x256xf32>
    %mul3A_69 = arith.mulf %add3A_55, %mul3A_68 : vector<400x256xf32>
    %get3A_70 = arith.constant 0 : index
    %get3A_71 = arith.constant 0 : index
    %get3A_72 = vector.load %arg10[%get3A_70, %get3A_71] : memref<256x4xf32, #tpu.memory_space<vmem>>, vector<256x4xf32>
    %dot_general3A_73 = arith.constant dense<0.000000e+00> : vector<400x4xf32>
    %dot_general3A_74 = tpu.matmul %mul3A_69, %get3A_72, %dot_general3A_73 {dimension_numbers = #tpu.dot_dimension_numbers<[1], [0], [0], [1], [0, 0, 1, 1], [], []>, transpose_lhs_hint = false} : vector<400x256xf32>, vector<256x4xf32>, vector<400x4xf32> -> vector<400x4xf32>
    %slice3A = vector.extract_strided_slice %add3A_55 {offsets = [0, 0], sizes = [400, 128], strides = [1, 1]} : vector<400x256xf32> to vector<400x128xf32>
    %swap3A = arith.constant 0 : index
    %swap3A_75 = arith.constant 0 : index
    %swap3A_76 = arith.constant 0 : index
    %swap3A_77 = vector.load %arg11[%swap3A, %swap3A_75, %swap3A_76] : memref<2x400x128xf32, #tpu.memory_space<vmem>>, vector<1x400x128xf32>
    %swap3A_78 = vector.shape_cast %swap3A_77 : vector<1x400x128xf32> to vector<400x128xf32>
    %swap3A_79 = vector.shape_cast %slice3A : vector<400x128xf32> to vector<1x400x128xf32>
    tpu.vector_store %arg11[%swap3A, %swap3A_75, %swap3A_76], %swap3A_79 {strides = array<i32>} : memref<2x400x128xf32, #tpu.memory_space<vmem>>, vector<1x400x128xf32>,
    %slice3A_80 = vector.extract_strided_slice %add3A_55 {offsets = [0, 128], sizes = [400, 128], strides = [1, 1]} : vector<400x256xf32> to vector<400x128xf32>
    %swap3A_81 = arith.constant 1 : index
    %swap3A_82 = arith.constant 0 : index
    %swap3A_83 = arith.constant 0 : index
    %swap3A_84 = vector.load %arg11[%swap3A_81, %swap3A_82, %swap3A_83] : memref<2x400x128xf32, #tpu.memory_space<vmem>>, vector<1x400x128xf32>
    %swap3A_85 = vector.shape_cast %swap3A_84 : vector<1x400x128xf32> to vector<400x128xf32>
    %swap3A_86 = vector.shape_cast %slice3A_80 : vector<400x128xf32> to vector<1x400x128xf32>
    tpu.vector_store %arg11[%swap3A_81, %swap3A_82, %swap3A_83], %swap3A_86 {strides = array<i32>} : memref<2x400x128xf32, #tpu.memory_space<vmem>>, vector<1x400x128xf32>,
    %slice3A_87 = vector.extract_strided_slice %dot_general3A_64 {offsets = [0, 0], sizes = [400, 2], strides = [1, 1]} : vector<400x4xf32> to vector<400x2xf32>
    %slice3A_88 = vector.extract_strided_slice %dot_general3A_74 {offsets = [0, 0], sizes = [400, 2], strides = [1, 1]} : vector<400x4xf32> to vector<400x2xf32>
    %concatenate3A = tpu.concatenate %slice3A_87, %slice3A_88 in 1 : vector<400x2xf32>, vector<400x2xf32> -> vector<400x4xf32>
    %swap3A_89 = arith.constant 0 : index
    %swap3A_90 = arith.constant 0 : index
    %swap3A_91 = arith.constant 0 : index
    %swap3A_92 = vector.load %arg12[%swap3A_89, %swap3A_90, %swap3A_91] : memref<2x400x4xf32, #tpu.memory_space<vmem>>, vector<1x400x4xf32>
    %swap3A_93 = vector.shape_cast %swap3A_92 : vector<1x400x4xf32> to vector<400x4xf32>
    %swap3A_94 = vector.shape_cast %concatenate3A : vector<400x4xf32> to vector<1x400x4xf32>
    tpu.vector_store %arg12[%swap3A_89, %swap3A_90, %swap3A_91], %swap3A_94 {strides = array<i32>} : memref<2x400x4xf32, #tpu.memory_space<vmem>>, vector<1x400x4xf32>,
    %slice3A_95 = vector.extract_strided_slice %dot_general3A_64 {offsets = [0, 2], sizes = [400, 2], strides = [1, 1]} : vector<400x4xf32> to vector<400x2xf32>
    %slice3A_96 = vector.extract_strided_slice %dot_general3A_74 {offsets = [0, 2], sizes = [400, 2], strides = [1, 1]} : vector<400x4xf32> to vector<400x2xf32>
    %concatenate3A_97 = tpu.concatenate %slice3A_95, %slice3A_96 in 1 : vector<400x2xf32>, vector<400x2xf32> -> vector<400x4xf32>
    %swap3A_98 = arith.constant 1 : index
    %swap3A_99 = arith.constant 0 : index
    %swap3A_100 = arith.constant 0 : index
    %swap3A_101 = vector.load %arg12[%swap3A_98, %swap3A_99, %swap3A_100] : memref<2x400x4xf32, #tpu.memory_space<vmem>>, vector<1x400x4xf32>
    %swap3A_102 = vector.shape_cast %swap3A_101 : vector<1x400x4xf32> to vector<400x4xf32>
    %swap3A_103 = vector.shape_cast %concatenate3A_97 : vector<400x4xf32> to vector<1x400x4xf32>
    tpu.vector_store %arg12[%swap3A_98, %swap3A_99, %swap3A_100], %swap3A_103 {strides = array<i32>} : memref<2x400x4xf32, #tpu.memory_space<vmem>>, vector<1x400x4xf32>,
    return
  }
  func.func @transform_0(%arg0: i32) -> (i32, i32) {
    %c0_i32 = arith.constant 0 : i32
    %c0_i32_0 = arith.constant 0 : i32
    return %arg0, %c0_i32 : i32, i32
  }
  func.func @transform_1(%arg0: i32) -> (i32, i32, i32) {
    %c0_i32 = arith.constant 0 : i32
    %c0_i32_0 = arith.constant 0 : i32
    %c0_i32_1 = arith.constant 0 : i32
    return %c0_i32, %arg0, %c0_i32_0 : i32, i32, i32
  }
  func.func @transform_2(%arg0: i32) -> (i32, i32) {
    %c0_i32 = arith.constant 0 : i32
    %c0_i32_0 = arith.constant 0 : i32
    %c0_i32_1 = arith.constant 0 : i32
    return %c0_i32, %c0_i32_0 : i32, i32
  }
  func.func @transform_3(%arg0: i32) -> (i32, i32) {
    %c0_i32 = arith.constant 0 : i32
    %c0_i32_0 = arith.constant 0 : i32
    %c0_i32_1 = arith.constant 0 : i32
    return %c0_i32, %c0_i32_0 : i32, i32
  }
  func.func @transform_4(%arg0: i32) -> (i32, i32) {
    %c0_i32 = arith.constant 0 : i32
    %c0_i32_0 = arith.constant 0 : i32
    %c0_i32_1 = arith.constant 0 : i32
    return %c0_i32, %c0_i32_0 : i32, i32
  }
  func.func @transform_5(%arg0: i32) -> (i32, i32) {
    %c0_i32 = arith.constant 0 : i32
    %c0_i32_0 = arith.constant 0 : i32
    %c0_i32_1 = arith.constant 0 : i32
    return %c0_i32, %c0_i32_0 : i32, i32
  }
  func.func @transform_6(%arg0: i32) -> (i32, i32) {
    %c0_i32 = arith.constant 0 : i32
    %c0_i32_0 = arith.constant 0 : i32
    %c0_i32_1 = arith.constant 0 : i32
    return %c0_i32, %c0_i32_0 : i32, i32
  }
  func.func @transform_7(%arg0: i32) -> (i32, i32) {
    %c0_i32 = arith.constant 0 : i32
    %c0_i32_0 = arith.constant 0 : i32
    %c0_i32_1 = arith.constant 0 : i32
    return %c0_i32, %c0_i32_0 : i32, i32
  }
  func.func @transform_8(%arg0: i32) -> (i32, i32) {
    %c0_i32 = arith.constant 0 : i32
    %c0_i32_0 = arith.constant 0 : i32
    %c0_i32_1 = arith.constant 0 : i32
    return %c0_i32, %c0_i32_0 : i32, i32
  }
  func.func @transform_9(%arg0: i32) -> (i32, i32) {
    %c0_i32 = arith.constant 0 : i32
    %c0_i32_0 = arith.constant 0 : i32
    %c0_i32_1 = arith.constant 0 : i32
    return %c0_i32, %c0_i32_0 : i32, i32
  }
  func.func @transform_10(%arg0: i32) -> (i32, i32, i32) {
    %c0_i32 = arith.constant 0 : i32
    %c0_i32_0 = arith.constant 0 : i32
    %c0_i32_1 = arith.constant 0 : i32
    return %c0_i32, %arg0, %c0_i32_0 : i32, i32, i32
  }
  func.func @transform_11(%arg0: i32) -> (i32, i32, i32) {
    %c0_i32 = arith.constant 0 : i32
    %c0_i32_0 = arith.constant 0 : i32
    %c0_i32_1 = arith.constant 0 : i32
    return %c0_i32, %arg0, %c0_i32_0 : i32, i32, i32
  }
}

module attributes {stable_mosaic.version = 14 : i64} {
  func.func @_tc2_body(%arg0: i32, %arg1: memref<2x400x128xf32, #tpu.memory_space<vmem>>, %arg2: memref<2x16x400x2xf32, #tpu.memory_space<vmem>>, %arg3: memref<1x256xf32, #tpu.memory_space<vmem>>, %arg4: memref<256x256xf32, #tpu.memory_space<vmem>>, %arg5: memref<1x256xf32, #tpu.memory_space<vmem>>, %arg6: memref<1x256xf32, #tpu.memory_space<vmem>>, %arg7: memref<256x4xf32, #tpu.memory_space<vmem>>, %arg8: memref<2x400x128xf32, #tpu.memory_space<vmem>>, %arg9: memref<2x400x4xf32, #tpu.memory_space<vmem>>) attributes {dimension_semantics = [#tpu.dimension_semantics<arbitrary>], iteration_bounds = array<i64: 25>, scalar_prefetch = 0 : i64, scratch_operands = 0 : i64, tpu.core_type = #tpu.core_type<tc>, window_params = [{transform_indices = @transform_0, window_bounds = array<i64: 2, 400, 128>}, {transform_indices = @transform_1, window_bounds = array<i64: 2, 16, 400, 2>}, {pipeline_mode = #tpu.pipeline_mode<synchronous>, transform_indices = @transform_2, window_bounds = array<i64: 1, 256>}, {pipeline_mode = #tpu.pipeline_mode<synchronous>, transform_indices = @transform_3, window_bounds = array<i64: 256, 256>}, {pipeline_mode = #tpu.pipeline_mode<synchronous>, transform_indices = @transform_4, window_bounds = array<i64: 1, 256>}, {pipeline_mode = #tpu.pipeline_mode<synchronous>, transform_indices = @transform_5, window_bounds = array<i64: 1, 256>}, {pipeline_mode = #tpu.pipeline_mode<synchronous>, transform_indices = @transform_6, window_bounds = array<i64: 256, 4>}, {transform_indices = @transform_7, window_bounds = array<i64: 2, 400, 128>}, {transform_indices = @transform_8, window_bounds = array<i64: 2, 400, 4>}]} {
    %get3A = arith.constant 0 : index
    %get3A_0 = arith.constant 0 : index
    %get3A_1 = arith.constant 0 : index
    %get3A_2 = arith.constant 0 : index
    %get3A_3 = vector.load %arg2[%get3A, %get3A_0, %get3A_1, %get3A_2] : memref<2x16x400x2xf32, #tpu.memory_space<vmem>>, vector<2x16x400x2xf32>
    %reduce_sum3A = arith.constant dense<0.000000e+00> : vector<2x400x2xf32>
    %reduce_sum3A_4 = vector.multi_reduction <add>, %get3A_3, %reduce_sum3A [1] : vector<2x16x400x2xf32> to vector<2x400x2xf32>
    %slice3A = vector.extract_strided_slice %reduce_sum3A_4 {offsets = [0, 0, 0], sizes = [1, 400, 1], strides = [1, 1, 1]} : vector<2x400x2xf32> to vector<1x400x1xf32>
    %squeeze3A = vector.shape_cast %slice3A : vector<1x400x1xf32> to vector<400x1xf32>
    %add3A = arith.constant 1.000000e-16 : f32
    %add3A_5 = vector.broadcast %add3A : f32 to vector<400x1xf32>
    %add3A_6 = arith.addf %squeeze3A, %add3A_5 : vector<400x1xf32>
    %slice3A_7 = vector.extract_strided_slice %reduce_sum3A_4 {offsets = [0, 0, 1], sizes = [1, 400, 1], strides = [1, 1, 1]} : vector<2x400x2xf32> to vector<1x400x1xf32>
    %squeeze3A_8 = vector.shape_cast %slice3A_7 : vector<1x400x1xf32> to vector<400x1xf32>
    %add3A_9 = arith.constant 1.000000e-16 : f32
    %add3A_10 = vector.broadcast %add3A_9 : f32 to vector<400x1xf32>
    %add3A_11 = arith.addf %squeeze3A_8, %add3A_10 : vector<400x1xf32>
    %slice3A_12 = vector.extract_strided_slice %reduce_sum3A_4 {offsets = [1, 0, 0], sizes = [1, 400, 1], strides = [1, 1, 1]} : vector<2x400x2xf32> to vector<1x400x1xf32>
    %squeeze3A_13 = vector.shape_cast %slice3A_12 : vector<1x400x1xf32> to vector<400x1xf32>
    %add3A_14 = arith.constant 1.000000e-16 : f32
    %add3A_15 = vector.broadcast %add3A_14 : f32 to vector<400x1xf32>
    %add3A_16 = arith.addf %squeeze3A_13, %add3A_15 : vector<400x1xf32>
    %slice3A_17 = vector.extract_strided_slice %reduce_sum3A_4 {offsets = [1, 0, 1], sizes = [1, 400, 1], strides = [1, 1, 1]} : vector<2x400x2xf32> to vector<1x400x1xf32>
    %squeeze3A_18 = vector.shape_cast %slice3A_17 : vector<1x400x1xf32> to vector<400x1xf32>
    %add3A_19 = arith.constant 1.000000e-16 : f32
    %add3A_20 = vector.broadcast %add3A_19 : f32 to vector<400x1xf32>
    %add3A_21 = arith.addf %squeeze3A_18, %add3A_20 : vector<400x1xf32>
    %get3A_22 = arith.constant 0 : index
    %get3A_23 = arith.constant 0 : index
    %get3A_24 = arith.constant 0 : index
    %get3A_25 = vector.load %arg1[%get3A_22, %get3A_23, %get3A_24] : memref<2x400x128xf32, #tpu.memory_space<vmem>>, vector<1x400x64xf32>
    %get3A_26 = vector.shape_cast %get3A_25 : vector<1x400x64xf32> to vector<400x64xf32>
    %div3A = vector.broadcast %add3A_6 : vector<400x1xf32> to vector<400x64xf32>
    %div3A_27 = arith.divf %get3A_26, %div3A : vector<400x64xf32>
    %get3A_28 = arith.constant 0 : index
    %get3A_29 = arith.constant 0 : index
    %get3A_30 = arith.constant 64 : index
    %get3A_31 = vector.load %arg1[%get3A_28, %get3A_29, %get3A_30] : memref<2x400x128xf32, #tpu.memory_space<vmem>>, vector<1x400x64xf32>
    %get3A_32 = vector.shape_cast %get3A_31 : vector<1x400x64xf32> to vector<400x64xf32>
    %div3A_33 = vector.broadcast %add3A_11 : vector<400x1xf32> to vector<400x64xf32>
    %div3A_34 = arith.divf %get3A_32, %div3A_33 : vector<400x64xf32>
    %get3A_35 = arith.constant 1 : index
    %get3A_36 = arith.constant 0 : index
    %get3A_37 = arith.constant 0 : index
    %get3A_38 = vector.load %arg1[%get3A_35, %get3A_36, %get3A_37] : memref<2x400x128xf32, #tpu.memory_space<vmem>>, vector<1x400x64xf32>
    %get3A_39 = vector.shape_cast %get3A_38 : vector<1x400x64xf32> to vector<400x64xf32>
    %div3A_40 = vector.broadcast %add3A_16 : vector<400x1xf32> to vector<400x64xf32>
    %div3A_41 = arith.divf %get3A_39, %div3A_40 : vector<400x64xf32>
    %get3A_42 = arith.constant 1 : index
    %get3A_43 = arith.constant 0 : index
    %get3A_44 = arith.constant 64 : index
    %get3A_45 = vector.load %arg1[%get3A_42, %get3A_43, %get3A_44] : memref<2x400x128xf32, #tpu.memory_space<vmem>>, vector<1x400x64xf32>
    %get3A_46 = vector.shape_cast %get3A_45 : vector<1x400x64xf32> to vector<400x64xf32>
    %div3A_47 = vector.broadcast %add3A_21 : vector<400x1xf32> to vector<400x64xf32>
    %div3A_48 = arith.divf %get3A_46, %div3A_47 : vector<400x64xf32>
    %concatenate3A = tpu.concatenate %div3A_27, %div3A_34, %div3A_41, %div3A_48 in 1 : vector<400x64xf32>, vector<400x64xf32>, vector<400x64xf32>, vector<400x64xf32> -> vector<400x256xf32>
    %get3A_49 = arith.constant 0 : index
    %get3A_50 = arith.constant 0 : index
    %get3A_51 = vector.load %arg3[%get3A_49, %get3A_50] : memref<1x256xf32, #tpu.memory_space<vmem>>, vector<1x256xf32>
    %add3A_52 = vector.broadcast %get3A_51 : vector<1x256xf32> to vector<400x256xf32>
    %add3A_53 = arith.addf %concatenate3A, %add3A_52 : vector<400x256xf32>
    %gt3A = arith.constant 0.000000e+00 : f32
    %gt3A_54 = vector.broadcast %gt3A : f32 to vector<400x256xf32>
    %gt3A_55 = arith.cmpf ogt, %add3A_53, %gt3A_54 : vector<400x256xf32>
    %min3A = arith.constant 0.000000e+00 : f32
    %min3A_56 = vector.broadcast %min3A : f32 to vector<400x256xf32>
    %min3A_57 = arith.minimumf %add3A_53, %min3A_56 : vector<400x256xf32>
    %exp3A = math.exp %min3A_57 : vector<400x256xf32>
    %sub3A = arith.constant 1.000000e+00 : f32
    %sub3A_58 = vector.broadcast %sub3A : f32 to vector<400x256xf32>
    %sub3A_59 = arith.subf %exp3A, %sub3A_58 : vector<400x256xf32>
    %select_n3A = arith.select %gt3A_55, %add3A_53, %sub3A_59 : vector<400x256xi1>, vector<400x256xf32>
    %get3A_60 = arith.constant 0 : index
    %get3A_61 = arith.constant 0 : index
    %get3A_62 = vector.load %arg4[%get3A_60, %get3A_61] : memref<256x256xf32, #tpu.memory_space<vmem>>, vector<256x256xf32>
    %dot_general3A = arith.constant dense<0.000000e+00> : vector<400x256xf32>
    %dot_general3A_63 = tpu.matmul %select_n3A, %get3A_62, %dot_general3A {dimension_numbers = #tpu.dot_dimension_numbers<[1], [0], [0], [1], [0, 0, 1, 1], [], []>, transpose_lhs_hint = false} : vector<400x256xf32>, vector<256x256xf32>, vector<400x256xf32> -> vector<400x256xf32>
    %get3A_64 = arith.constant 0 : index
    %get3A_65 = arith.constant 0 : index
    %get3A_66 = vector.load %arg5[%get3A_64, %get3A_65] : memref<1x256xf32, #tpu.memory_space<vmem>>, vector<1x256xf32>
    %mul3A = vector.broadcast %get3A_66 : vector<1x256xf32> to vector<400x256xf32>
    %mul3A_67 = arith.mulf %dot_general3A_63, %mul3A : vector<400x256xf32>
    %get3A_68 = arith.constant 0 : index
    %get3A_69 = arith.constant 0 : index
    %get3A_70 = vector.load %arg7[%get3A_68, %get3A_69] : memref<256x4xf32, #tpu.memory_space<vmem>>, vector<256x4xf32>
    %dot_general3A_71 = arith.constant dense<0.000000e+00> : vector<400x4xf32>
    %dot_general3A_72 = tpu.matmul %mul3A_67, %get3A_70, %dot_general3A_71 {dimension_numbers = #tpu.dot_dimension_numbers<[1], [0], [0], [1], [0, 0, 1, 1], [], []>, transpose_lhs_hint = false} : vector<400x256xf32>, vector<256x4xf32>, vector<400x4xf32> -> vector<400x4xf32>
    %get3A_73 = arith.constant 0 : index
    %get3A_74 = arith.constant 0 : index
    %get3A_75 = vector.load %arg6[%get3A_73, %get3A_74] : memref<1x256xf32, #tpu.memory_space<vmem>>, vector<1x256xf32>
    %mul3A_76 = vector.broadcast %get3A_75 : vector<1x256xf32> to vector<400x256xf32>
    %mul3A_77 = arith.mulf %dot_general3A_63, %mul3A_76 : vector<400x256xf32>
    %get3A_78 = arith.constant 0 : index
    %get3A_79 = arith.constant 0 : index
    %get3A_80 = vector.load %arg7[%get3A_78, %get3A_79] : memref<256x4xf32, #tpu.memory_space<vmem>>, vector<256x4xf32>
    %dot_general3A_81 = arith.constant dense<0.000000e+00> : vector<400x4xf32>
    %dot_general3A_82 = tpu.matmul %mul3A_77, %get3A_80, %dot_general3A_81 {dimension_numbers = #tpu.dot_dimension_numbers<[1], [0], [0], [1], [0, 0, 1, 1], [], []>, transpose_lhs_hint = false} : vector<400x256xf32>, vector<256x4xf32>, vector<400x4xf32> -> vector<400x4xf32>
    %slice3A_83 = vector.extract_strided_slice %dot_general3A_63 {offsets = [0, 0], sizes = [400, 128], strides = [1, 1]} : vector<400x256xf32> to vector<400x128xf32>
    %swap3A = arith.constant 0 : index
    %swap3A_84 = arith.constant 0 : index
    %swap3A_85 = arith.constant 0 : index
    %swap3A_86 = vector.load %arg8[%swap3A, %swap3A_84, %swap3A_85] : memref<2x400x128xf32, #tpu.memory_space<vmem>>, vector<1x400x128xf32>
    %swap3A_87 = vector.shape_cast %swap3A_86 : vector<1x400x128xf32> to vector<400x128xf32>
    %swap3A_88 = vector.shape_cast %slice3A_83 : vector<400x128xf32> to vector<1x400x128xf32>
    tpu.vector_store %arg8[%swap3A, %swap3A_84, %swap3A_85], %swap3A_88 {strides = array<i32>} : memref<2x400x128xf32, #tpu.memory_space<vmem>>, vector<1x400x128xf32>,
    %slice3A_89 = vector.extract_strided_slice %dot_general3A_63 {offsets = [0, 128], sizes = [400, 128], strides = [1, 1]} : vector<400x256xf32> to vector<400x128xf32>
    %swap3A_90 = arith.constant 1 : index
    %swap3A_91 = arith.constant 0 : index
    %swap3A_92 = arith.constant 0 : index
    %swap3A_93 = vector.load %arg8[%swap3A_90, %swap3A_91, %swap3A_92] : memref<2x400x128xf32, #tpu.memory_space<vmem>>, vector<1x400x128xf32>
    %swap3A_94 = vector.shape_cast %swap3A_93 : vector<1x400x128xf32> to vector<400x128xf32>
    %swap3A_95 = vector.shape_cast %slice3A_89 : vector<400x128xf32> to vector<1x400x128xf32>
    tpu.vector_store %arg8[%swap3A_90, %swap3A_91, %swap3A_92], %swap3A_95 {strides = array<i32>} : memref<2x400x128xf32, #tpu.memory_space<vmem>>, vector<1x400x128xf32>,
    %slice3A_96 = vector.extract_strided_slice %dot_general3A_72 {offsets = [0, 0], sizes = [400, 2], strides = [1, 1]} : vector<400x4xf32> to vector<400x2xf32>
    %slice3A_97 = vector.extract_strided_slice %dot_general3A_82 {offsets = [0, 0], sizes = [400, 2], strides = [1, 1]} : vector<400x4xf32> to vector<400x2xf32>
    %concatenate3A_98 = tpu.concatenate %slice3A_96, %slice3A_97 in 1 : vector<400x2xf32>, vector<400x2xf32> -> vector<400x4xf32>
    %swap3A_99 = arith.constant 0 : index
    %swap3A_100 = arith.constant 0 : index
    %swap3A_101 = arith.constant 0 : index
    %swap3A_102 = vector.load %arg9[%swap3A_99, %swap3A_100, %swap3A_101] : memref<2x400x4xf32, #tpu.memory_space<vmem>>, vector<1x400x4xf32>
    %swap3A_103 = vector.shape_cast %swap3A_102 : vector<1x400x4xf32> to vector<400x4xf32>
    %swap3A_104 = vector.shape_cast %concatenate3A_98 : vector<400x4xf32> to vector<1x400x4xf32>
    tpu.vector_store %arg9[%swap3A_99, %swap3A_100, %swap3A_101], %swap3A_104 {strides = array<i32>} : memref<2x400x4xf32, #tpu.memory_space<vmem>>, vector<1x400x4xf32>,
    %slice3A_105 = vector.extract_strided_slice %dot_general3A_72 {offsets = [0, 2], sizes = [400, 2], strides = [1, 1]} : vector<400x4xf32> to vector<400x2xf32>
    %slice3A_106 = vector.extract_strided_slice %dot_general3A_82 {offsets = [0, 2], sizes = [400, 2], strides = [1, 1]} : vector<400x4xf32> to vector<400x2xf32>
    %concatenate3A_107 = tpu.concatenate %slice3A_105, %slice3A_106 in 1 : vector<400x2xf32>, vector<400x2xf32> -> vector<400x4xf32>
    %swap3A_108 = arith.constant 1 : index
    %swap3A_109 = arith.constant 0 : index
    %swap3A_110 = arith.constant 0 : index
    %swap3A_111 = vector.load %arg9[%swap3A_108, %swap3A_109, %swap3A_110] : memref<2x400x4xf32, #tpu.memory_space<vmem>>, vector<1x400x4xf32>
    %swap3A_112 = vector.shape_cast %swap3A_111 : vector<1x400x4xf32> to vector<400x4xf32>
    %swap3A_113 = vector.shape_cast %concatenate3A_107 : vector<400x4xf32> to vector<1x400x4xf32>
    tpu.vector_store %arg9[%swap3A_108, %swap3A_109, %swap3A_110], %swap3A_113 {strides = array<i32>} : memref<2x400x4xf32, #tpu.memory_space<vmem>>, vector<1x400x4xf32>,
    return
  }
  func.func @transform_0(%arg0: i32) -> (i32, i32, i32) {
    %c0_i32 = arith.constant 0 : i32
    %c0_i32_0 = arith.constant 0 : i32
    %c0_i32_1 = arith.constant 0 : i32
    return %c0_i32, %arg0, %c0_i32_0 : i32, i32, i32
  }
  func.func @transform_1(%arg0: i32) -> (i32, i32, i32, i32) {
    %c0_i32 = arith.constant 0 : i32
    %c0_i32_0 = arith.constant 0 : i32
    %c0_i32_1 = arith.constant 0 : i32
    %c0_i32_2 = arith.constant 0 : i32
    return %c0_i32, %c0_i32_0, %arg0, %c0_i32_1 : i32, i32, i32, i32
  }
  func.func @transform_2(%arg0: i32) -> (i32, i32) {
    %c0_i32 = arith.constant 0 : i32
    %c0_i32_0 = arith.constant 0 : i32
    %c0_i32_1 = arith.constant 0 : i32
    return %c0_i32, %c0_i32_0 : i32, i32
  }
  func.func @transform_3(%arg0: i32) -> (i32, i32) {
    %c0_i32 = arith.constant 0 : i32
    %c0_i32_0 = arith.constant 0 : i32
    %c0_i32_1 = arith.constant 0 : i32
    return %c0_i32, %c0_i32_0 : i32, i32
  }
  func.func @transform_4(%arg0: i32) -> (i32, i32) {
    %c0_i32 = arith.constant 0 : i32
    %c0_i32_0 = arith.constant 0 : i32
    %c0_i32_1 = arith.constant 0 : i32
    return %c0_i32, %c0_i32_0 : i32, i32
  }
  func.func @transform_5(%arg0: i32) -> (i32, i32) {
    %c0_i32 = arith.constant 0 : i32
    %c0_i32_0 = arith.constant 0 : i32
    %c0_i32_1 = arith.constant 0 : i32
    return %c0_i32, %c0_i32_0 : i32, i32
  }
  func.func @transform_6(%arg0: i32) -> (i32, i32) {
    %c0_i32 = arith.constant 0 : i32
    %c0_i32_0 = arith.constant 0 : i32
    %c0_i32_1 = arith.constant 0 : i32
    return %c0_i32, %c0_i32_0 : i32, i32
  }
  func.func @transform_7(%arg0: i32) -> (i32, i32, i32) {
    %c0_i32 = arith.constant 0 : i32
    %c0_i32_0 = arith.constant 0 : i32
    %c0_i32_1 = arith.constant 0 : i32
    return %c0_i32, %arg0, %c0_i32_0 : i32, i32, i32
  }
  func.func @transform_8(%arg0: i32) -> (i32, i32, i32) {
    %c0_i32 = arith.constant 0 : i32
    %c0_i32_0 = arith.constant 0 : i32
    %c0_i32_1 = arith.constant 0 : i32
    return %c0_i32, %arg0, %c0_i32_0 : i32, i32, i32
  }
}

module attributes {stable_mosaic.version = 14 : i64} {
  func.func @_tc3_body(%arg0: i32, %arg1: memref<2x400x128xf32, #tpu.memory_space<vmem>>, %arg2: memref<2x16x400x2xf32, #tpu.memory_space<vmem>>, %arg3: memref<1x256xf32, #tpu.memory_space<vmem>>, %arg4: memref<256x256xf32, #tpu.memory_space<vmem>>, %arg5: memref<1x256xf32, #tpu.memory_space<vmem>>, %arg6: memref<400x256xf32, #tpu.memory_space<vmem>>) attributes {dimension_semantics = [#tpu.dimension_semantics<arbitrary>], iteration_bounds = array<i64: 25>, scalar_prefetch = 0 : i64, scratch_operands = 0 : i64, tpu.core_type = #tpu.core_type<tc>, window_params = [{transform_indices = @transform_0, window_bounds = array<i64: 2, 400, 128>}, {transform_indices = @transform_1, window_bounds = array<i64: 2, 16, 400, 2>}, {pipeline_mode = #tpu.pipeline_mode<synchronous>, transform_indices = @transform_2, window_bounds = array<i64: 1, 256>}, {pipeline_mode = #tpu.pipeline_mode<synchronous>, transform_indices = @transform_3, window_bounds = array<i64: 256, 256>}, {pipeline_mode = #tpu.pipeline_mode<synchronous>, transform_indices = @transform_4, window_bounds = array<i64: 1, 256>}, {transform_indices = @transform_5, window_bounds = array<i64: 400, 256>}]} {
    %get3A = arith.constant 0 : index
    %get3A_0 = arith.constant 0 : index
    %get3A_1 = arith.constant 0 : index
    %get3A_2 = arith.constant 0 : index
    %get3A_3 = vector.load %arg2[%get3A, %get3A_0, %get3A_1, %get3A_2] : memref<2x16x400x2xf32, #tpu.memory_space<vmem>>, vector<2x16x400x2xf32>
    %reduce_sum3A = arith.constant dense<0.000000e+00> : vector<2x400x2xf32>
    %reduce_sum3A_4 = vector.multi_reduction <add>, %get3A_3, %reduce_sum3A [1] : vector<2x16x400x2xf32> to vector<2x400x2xf32>
    %slice3A = vector.extract_strided_slice %reduce_sum3A_4 {offsets = [0, 0, 0], sizes = [1, 400, 1], strides = [1, 1, 1]} : vector<2x400x2xf32> to vector<1x400x1xf32>
    %squeeze3A = vector.shape_cast %slice3A : vector<1x400x1xf32> to vector<400x1xf32>
    %add3A = arith.constant 1.000000e-16 : f32
    %add3A_5 = vector.broadcast %add3A : f32 to vector<400x1xf32>
    %add3A_6 = arith.addf %squeeze3A, %add3A_5 : vector<400x1xf32>
    %slice3A_7 = vector.extract_strided_slice %reduce_sum3A_4 {offsets = [0, 0, 1], sizes = [1, 400, 1], strides = [1, 1, 1]} : vector<2x400x2xf32> to vector<1x400x1xf32>
    %squeeze3A_8 = vector.shape_cast %slice3A_7 : vector<1x400x1xf32> to vector<400x1xf32>
    %add3A_9 = arith.constant 1.000000e-16 : f32
    %add3A_10 = vector.broadcast %add3A_9 : f32 to vector<400x1xf32>
    %add3A_11 = arith.addf %squeeze3A_8, %add3A_10 : vector<400x1xf32>
    %slice3A_12 = vector.extract_strided_slice %reduce_sum3A_4 {offsets = [1, 0, 0], sizes = [1, 400, 1], strides = [1, 1, 1]} : vector<2x400x2xf32> to vector<1x400x1xf32>
    %squeeze3A_13 = vector.shape_cast %slice3A_12 : vector<1x400x1xf32> to vector<400x1xf32>
    %add3A_14 = arith.constant 1.000000e-16 : f32
    %add3A_15 = vector.broadcast %add3A_14 : f32 to vector<400x1xf32>
    %add3A_16 = arith.addf %squeeze3A_13, %add3A_15 : vector<400x1xf32>
    %slice3A_17 = vector.extract_strided_slice %reduce_sum3A_4 {offsets = [1, 0, 1], sizes = [1, 400, 1], strides = [1, 1, 1]} : vector<2x400x2xf32> to vector<1x400x1xf32>
    %squeeze3A_18 = vector.shape_cast %slice3A_17 : vector<1x400x1xf32> to vector<400x1xf32>
    %add3A_19 = arith.constant 1.000000e-16 : f32
    %add3A_20 = vector.broadcast %add3A_19 : f32 to vector<400x1xf32>
    %add3A_21 = arith.addf %squeeze3A_18, %add3A_20 : vector<400x1xf32>
    %get3A_22 = arith.constant 0 : index
    %get3A_23 = arith.constant 0 : index
    %get3A_24 = arith.constant 0 : index
    %get3A_25 = vector.load %arg1[%get3A_22, %get3A_23, %get3A_24] : memref<2x400x128xf32, #tpu.memory_space<vmem>>, vector<1x400x64xf32>
    %get3A_26 = vector.shape_cast %get3A_25 : vector<1x400x64xf32> to vector<400x64xf32>
    %div3A = vector.broadcast %add3A_6 : vector<400x1xf32> to vector<400x64xf32>
    %div3A_27 = arith.divf %get3A_26, %div3A : vector<400x64xf32>
    %get3A_28 = arith.constant 0 : index
    %get3A_29 = arith.constant 0 : index
    %get3A_30 = arith.constant 64 : index
    %get3A_31 = vector.load %arg1[%get3A_28, %get3A_29, %get3A_30] : memref<2x400x128xf32, #tpu.memory_space<vmem>>, vector<1x400x64xf32>
    %get3A_32 = vector.shape_cast %get3A_31 : vector<1x400x64xf32> to vector<400x64xf32>
    %div3A_33 = vector.broadcast %add3A_11 : vector<400x1xf32> to vector<400x64xf32>
    %div3A_34 = arith.divf %get3A_32, %div3A_33 : vector<400x64xf32>
    %get3A_35 = arith.constant 1 : index
    %get3A_36 = arith.constant 0 : index
    %get3A_37 = arith.constant 0 : index
    %get3A_38 = vector.load %arg1[%get3A_35, %get3A_36, %get3A_37] : memref<2x400x128xf32, #tpu.memory_space<vmem>>, vector<1x400x64xf32>
    %get3A_39 = vector.shape_cast %get3A_38 : vector<1x400x64xf32> to vector<400x64xf32>
    %div3A_40 = vector.broadcast %add3A_16 : vector<400x1xf32> to vector<400x64xf32>
    %div3A_41 = arith.divf %get3A_39, %div3A_40 : vector<400x64xf32>
    %get3A_42 = arith.constant 1 : index
    %get3A_43 = arith.constant 0 : index
    %get3A_44 = arith.constant 64 : index
    %get3A_45 = vector.load %arg1[%get3A_42, %get3A_43, %get3A_44] : memref<2x400x128xf32, #tpu.memory_space<vmem>>, vector<1x400x64xf32>
    %get3A_46 = vector.shape_cast %get3A_45 : vector<1x400x64xf32> to vector<400x64xf32>
    %div3A_47 = vector.broadcast %add3A_21 : vector<400x1xf32> to vector<400x64xf32>
    %div3A_48 = arith.divf %get3A_46, %div3A_47 : vector<400x64xf32>
    %concatenate3A = tpu.concatenate %div3A_27, %div3A_34, %div3A_41, %div3A_48 in 1 : vector<400x64xf32>, vector<400x64xf32>, vector<400x64xf32>, vector<400x64xf32> -> vector<400x256xf32>
    %get3A_49 = arith.constant 0 : index
    %get3A_50 = arith.constant 0 : index
    %get3A_51 = vector.load %arg3[%get3A_49, %get3A_50] : memref<1x256xf32, #tpu.memory_space<vmem>>, vector<1x256xf32>
    %add3A_52 = vector.broadcast %get3A_51 : vector<1x256xf32> to vector<400x256xf32>
    %add3A_53 = arith.addf %concatenate3A, %add3A_52 : vector<400x256xf32>
    %gt3A = arith.constant 0.000000e+00 : f32
    %gt3A_54 = vector.broadcast %gt3A : f32 to vector<400x256xf32>
    %gt3A_55 = arith.cmpf ogt, %add3A_53, %gt3A_54 : vector<400x256xf32>
    %min3A = arith.constant 0.000000e+00 : f32
    %min3A_56 = vector.broadcast %min3A : f32 to vector<400x256xf32>
    %min3A_57 = arith.minimumf %add3A_53, %min3A_56 : vector<400x256xf32>
    %exp3A = math.exp %min3A_57 : vector<400x256xf32>
    %sub3A = arith.constant 1.000000e+00 : f32
    %sub3A_58 = vector.broadcast %sub3A : f32 to vector<400x256xf32>
    %sub3A_59 = arith.subf %exp3A, %sub3A_58 : vector<400x256xf32>
    %select_n3A = arith.select %gt3A_55, %add3A_53, %sub3A_59 : vector<400x256xi1>, vector<400x256xf32>
    %get3A_60 = arith.constant 0 : index
    %get3A_61 = arith.constant 0 : index
    %get3A_62 = vector.load %arg4[%get3A_60, %get3A_61] : memref<256x256xf32, #tpu.memory_space<vmem>>, vector<256x256xf32>
    %dot_general3A = arith.constant dense<0.000000e+00> : vector<400x256xf32>
    %dot_general3A_63 = tpu.matmul %select_n3A, %get3A_62, %dot_general3A {dimension_numbers = #tpu.dot_dimension_numbers<[1], [0], [0], [1], [0, 0, 1, 1], [], []>, transpose_lhs_hint = false} : vector<400x256xf32>, vector<256x256xf32>, vector<400x256xf32> -> vector<400x256xf32>
    %get3A_64 = arith.constant 0 : index
    %get3A_65 = arith.constant 0 : index
    %get3A_66 = vector.load %arg5[%get3A_64, %get3A_65] : memref<1x256xf32, #tpu.memory_space<vmem>>, vector<1x256xf32>
    %add3A_67 = vector.broadcast %get3A_66 : vector<1x256xf32> to vector<400x256xf32>
    %add3A_68 = arith.addf %dot_general3A_63, %add3A_67 : vector<400x256xf32>
    %swap3A = arith.constant 0 : index
    %swap3A_69 = arith.constant 0 : index
    %swap3A_70 = vector.load %arg6[%swap3A, %swap3A_69] : memref<400x256xf32, #tpu.memory_space<vmem>>, vector<400x256xf32>
    tpu.vector_store %arg6[%swap3A, %swap3A_69], %add3A_68 {strides = array<i32>} : memref<400x256xf32, #tpu.memory_space<vmem>>, vector<400x256xf32>,
    return
  }
  func.func @transform_0(%arg0: i32) -> (i32, i32, i32) {
    %c0_i32 = arith.constant 0 : i32
    %c0_i32_0 = arith.constant 0 : i32
    %c0_i32_1 = arith.constant 0 : i32
    return %c0_i32, %arg0, %c0_i32_0 : i32, i32, i32
  }
  func.func @transform_1(%arg0: i32) -> (i32, i32, i32, i32) {
    %c0_i32 = arith.constant 0 : i32
    %c0_i32_0 = arith.constant 0 : i32
    %c0_i32_1 = arith.constant 0 : i32
    %c0_i32_2 = arith.constant 0 : i32
    return %c0_i32, %c0_i32_0, %arg0, %c0_i32_1 : i32, i32, i32, i32
  }
  func.func @transform_2(%arg0: i32) -> (i32, i32) {
    %c0_i32 = arith.constant 0 : i32
    %c0_i32_0 = arith.constant 0 : i32
    %c0_i32_1 = arith.constant 0 : i32
    return %c0_i32, %c0_i32_0 : i32, i32
  }
  func.func @transform_3(%arg0: i32) -> (i32, i32) {
    %c0_i32 = arith.constant 0 : i32
    %c0_i32_0 = arith.constant 0 : i32
    %c0_i32_1 = arith.constant 0 : i32
    return %c0_i32, %c0_i32_0 : i32, i32
  }
  func.func @transform_4(%arg0: i32) -> (i32, i32) {
    %c0_i32 = arith.constant 0 : i32
    %c0_i32_0 = arith.constant 0 : i32
    %c0_i32_1 = arith.constant 0 : i32
    return %c0_i32, %c0_i32_0 : i32, i32
  }
  func.func @transform_5(%arg0: i32) -> (i32, i32) {
    %c0_i32 = arith.constant 0 : i32
    %c0_i32_0 = arith.constant 0 : i32
    return %arg0, %c0_i32 : i32, i32
  }
}

</mosaic_0001>

<sc_bundles>
// kernel: kernel.10.cloned.1.call-start
scs
__scs_entry_jumppad:
0x0: {  	(pc) =	sbr.rel $0x88, $3  }
0x1: {  	(tag) =	ssettag $0x0;
	lr =	simm.s32 $0x1  }
0x2: {  	[smem:$0x3F90] =	sst lr;
	_ =	strace $0xD0000000  }
0x3: {  	_ = 	snop  }
0x4: {  	_ = 	snop  }
0x5: {  	_ = 	snop  }
0x6: {  	_ = 	snop  }
0x7: {  	_ = 	snop  }
__scs_overlays_trampoline_lowered:
0x8: {  	[smem:$0x3F9F] =	sst s0  }
0x9: {  	[smem:$0x3FA0] =	sst s1  }
0xa: {  	[smem:$0x3FA1] =	sst s2  }
0xb: {  	[smem:$0x3FA2] =	sst s3  }
0xc: {  	[smem:$0x3FA3] =	sst s4  }
0xd: {  	[smem:$0x3FA4] =	sst s5  }
0xe: {  	[smem:$0x3FA5] =	sst s6  }
0xf: {  	[smem:$0x3FA6] =	sst s7  }
0x10: {  	[smem:$0x3FA7] =	sst s8  }
0x11: {  	[smem:$0x3FA8] =	sst s9;
	s0 =	simm.s32 @!p0 $0x0  }
0x12: {  	s1 =	sld [smem:$0x3F8E];
	s0 =	simm.s32 @p0 $0x1  }
0x13: {  	[smem:$0x3FA9] =	sst s0;
	s0 =	simm.s32 @!p1 $0x0  }
0x14: {  	s2 =	sld [smem:$0x3F8D];
	s0 =	simm.s32 @p1 $0x1  }
0x15: {  	[smem:$0x3FAA] =	sst s0;
	s0 =	simm.s32 @!p2 $0x0  }
0x16: {  	s3 =	sld [smem:$0x3FDB];
	s0 =	simm.s32 @p2 $0x1  }
0x17: {  	s4 =	simm.s32 $0x1BF5;
	[smem:$0x3FAC] =	sst s0  }
0x18: {  	s0 =	sld [smem:$0x3F8F];
	_ =	swait.ge [sflag:s4], $0x0  }
0x19: {  	s7 =	sld [smem:$0x3F90]  }
0x1a: {  	s8 =	sadd.s32 $0xFFFFE003, lr  }
0x1b: {  	s9 =	sadd.s32 $0xFFFFFEF7, lr;
	s5 =	simm.s32 $0xFFFFFFFF;
	p2 =	slt.u32 s8, $0xFFFFF086  }
0x1c: {  	p1 =	slt.u32 s9, $0xF7A;
	s5 =	simm.s32 @!p2 $0x0  }
0x1d: {  	s5 =	simm.s32 @p1 $0x1;
	p0 =	seq.s32 s7, s2  }
0x1e: {  	s7 =	smul.u32 @!p0 $0xF7A, s2;
	p2 =	seq.s32 @!p0 s5, $0x0  }
0x1f: {  	s9 =	smul.u32 $0xF7A, s1;
	s8 =	simm.s32 @!p0 $0x1BF5;
	p2 =	por !p2, p0  }
0x20: {  	[sflag:s8] =	ssyncset.s32 @!p0 $0xFFFFF086;
	s6 =	sadd.s32 @!p0 s3, s7;
	s7 =	simm.s32 @!p0 $0x108  }
0x21: {  	s3 =	sadd.s32 s3, s9;
	s6 =	sadd.s32 @!p0 $0x88, s6;
	s7 =	simm.s32 @p2 $0x1082  }
0x22: {  	[simem:s7], [sflag:s8] =	dma.local @!p0 [hbm:s6], $0xF7A  }
0x23: {  	s9 =	sor.u32 $0xD0000000, s2;
	s6 =	simm.s32 $0x108;
	_ =	swait.ge @!p0 [sflag:s8], $0x0  }
0x24: {  	s3 =	sadd.s32 $0x88, s3;
	s6 =	simm.s32 @!p1 $0x1082;
	[sflag:s4] =	ssyncset.s32 $0xFFFFF086  }
0x25: {  	[simem:s6], [sflag:s4] =	dma.local [hbm:s3], $0xF7A  }
0x26: {  	[smem:$0x3F90] =	sst s1;
	(tag) =	ssettag s2;
	_ =	strace s9  }
0x27: {  	s1 =	sld [smem:$0x3FA0]  }
0x28: {  	s2 =	sld [smem:$0x3FA1]  }
0x29: {  	s4 =	sld [smem:$0x3FA3]  }
0x2a: {  	p0 =	seq.s32 s5, $0x0;
	s5 =	sld [smem:$0x3FA4]  }
0x2b: {  	s6 =	sld [smem:$0x3FA5]  }
0x2c: {  	s7 =	sld [smem:$0x3FA6]  }
0x2d: {  	s3 =	simm.s32 $0x108;
	s8 =	sld [smem:$0x3FA7]  }
0x2e: {  	s3 =	simm.s32 @!p0 $0x1082;
	s9 =	sld [smem:$0x3FA8]  }
0x2f: {  	lr =	sadd.s32 s0, s3;
	s0 =	sld [smem:$0x3F9F]  }
0x30: {  	s3 =	sld [smem:$0x3FA2]  }
0x31: {  	[smem:$0x3FAB] =	sst s10  }
0x32: {  	s10 =	sld [smem:$0x3FA9];
	_ =	sdelay $0x3  }
0x33: {  	p0 =	seq.s32 s10, $0x1;
	s10 =	sld [smem:$0x3FAB];
	_ =	sdelay $0x3  }
0x34: {  	[smem:$0x3FAB] =	sst s10  }
0x35: {  	s10 =	sld [smem:$0x3FAA];
	_ =	sdelay $0x3  }
0x36: {  	p1 =	seq.s32 s10, $0x1;
	s10 =	sld [smem:$0x3FAB];
	_ =	sdelay $0x3  }
0x37: {  	[smem:$0x3FAB] =	sst s10  }
0x38: {  	s10 =	sld [smem:$0x3FAC]  }
0x39: {  	_ = 	snop;
	(pc) =	sbr.ind lr, $3  }
0x3a: {  	_ = 	snop  }
0x3b: {  	_ = 	snop  }
0x3c: {  	p2 =	seq.s32 s10, $0x1;
	s10 =	sld [smem:$0x3FAB]  }
0x3d: {  	_ =	shalt  }
0x3e: {  	_ =	shalt  }
0x3f: {  	_ =	shalt  }
0x40: {  	_ =	shalt  }
0x41: {  	_ =	shalt  }
0x42: {  	_ =	shalt  }
0x43: {  	_ =	shalt  }
0x44: {  	_ =	shalt  }
0x45: {  	_ =	shalt  }
0x46: {  	_ =	shalt  }
0x47: {  	_ =	shalt  }
0x48: {  	_ =	shalt  }
0x49: {  	_ =	shalt  }
0x4a: {  	_ =	shalt  }
0x4b: {  	_ =	shalt  }
0x4c: {  	_ =	shalt  }
0x4d: {  	_ =	shalt  }
0x4e: {  	_ =	shalt  }
0x4f: {  	_ =	shalt  }
0x50: {  	_ =	shalt  }
0x51: {  	_ =	shalt  }
0x52: {  	_ =	shalt  }
0x53: {  	_ =	shalt  }
0x54: {  	_ =	shalt  }
0x55: {  	_ =	shalt  }
0x56: {  	_ =	shalt  }
0x57: {  	_ =	shalt  }
0x58: {  	_ =	shalt  }
0x59: {  	_ =	shalt  }
0x5a: {  	_ =	shalt  }
0x5b: {  	_ =	shalt  }
0x5c: {  	_ =	shalt  }
0x5d: {  	_ =	shalt  }
0x5e: {  	_ =	shalt  }
0x5f: {  	_ =	shalt  }
0x60: {  	_ =	shalt  }
0x61: {  	_ =	shalt  }
0x62: {  	_ =	shalt  }
0x63: {  	_ =	shalt  }
0x64: {  	_ =	shalt  }
0x65: {  	_ =	shalt  }
0x66: {  	_ =	shalt  }
0x67: {  	_ =	shalt  }
0x68: {  	_ =	shalt  }
0x69: {  	_ =	shalt  }
0x6a: {  	_ =	shalt  }
0x6b: {  	_ =	shalt  }
0x6c: {  	_ =	shalt  }
0x6d: {  	_ =	shalt  }
0x6e: {  	_ =	shalt  }
0x6f: {  	_ =	shalt  }
0x70: {  	_ =	shalt  }
0x71: {  	_ =	shalt  }
0x72: {  	_ =	shalt  }
0x73: {  	_ =	shalt  }
0x74: {  	_ =	shalt  }
0x75: {  	_ =	shalt  }
0x76: {  	_ =	shalt  }
0x77: {  	_ =	shalt  }
0x78: {  	_ =	shalt  }
0x79: {  	_ =	shalt  }
0x7a: {  	_ =	shalt  }
0x7b: {  	_ =	shalt  }
0x7c: {  	_ =	shalt  }
0x7d: {  	_ =	shalt  }
0x7e: {  	_ =	shalt  }
0x7f: {  	_ =	shalt  }
0x80: {  	_ =	shalt  }
0x81: {  	_ =	shalt  }
0x82: {  	_ =	shalt  }
0x83: {  	_ =	shalt  }
0x84: {  	_ =	shalt  }
0x85: {  	_ =	shalt  }
0x86: {  	_ =	shalt  }
0x87: {  	_ =	shalt  }
.Lfunc_end0:
.L_simem_size_0:
called_computation_lowered:
.L_overlay_start_0:
0x88: {  	s2 =	sld [smem:$0x3FD9]  }
0x89: {  	s3 =	sld [smem:$0x3FFE];
	_ =	sdelay $0x1  }
0x8a: {  	s1 =	srdreg.scid  }
0x8b: {  	s0 =	sand.u32 $0x1, s1  }
0x8c: {  	s17 =	sshll.u32 s0, $0xA;
	s2 =	sadd.s32 s3, s2  }
0x8d: {  	s2 =	sadd.s32 s2, s17  }
0x8e: {  	[smem:$0x3FB7] =	sst s2  }
0x8f: {  	_ = 	snop  }
0x90: {  	s2 =	sld [smem:$0x3FD0];
	(tm) =	ssettm $0x1  }
0x91: {  	s18 =	sld [smem:$0x3FFB];
	_ =	sdelay $0x3  }
0x92: {  	_ =	strace s18  }
0x93: {  	s3 =	sld [smem:$0x3FFC];
	_ =	sdelay $0x3  }
0x94: {  	_ =	strace s3  }
0x95: {  	s3 =	sld [smem:$0x3FFD];
	_ =	sdelay $0x3  }
0x96: {  	_ =	strace s3  }
0x97: {  	_ =	strace $0x8FFFFFFF  }
0x98: {  	s19 =	sld [smem:$0x3FDB];
	_ =	sdelay $0x1  }
0x99: {  	s4 =	simm.s32 $_scs_section_size  }
0x9a: {  	s5 =	simm.s32 $_size__tile_overlayer_lowered;
	s6 =	simm.s32 $_tile_overlayer_lowered  }
0x9b: {  	s22 =	simm.s32 $0x1BFF;
	s21 =	sshll.u32 s6, $0x1;
	s3 =	sadd.s32 s4, s19  }
0x9c: {  	s7 =	simm.s32 $0x0;
	s20 =	sshll.u32 s5, $0x1;
	s5 =	sadd.s32 s21, s3  }
0x9d: {  	[timem:s7], [sflag:s22] =	dma.local [hbm:s5], s20  }
0x9e: {  	_ =	swait.ge [sflag:s22], s20  }
0x9f: {  	s4 =	ssub.s32 $0x0, s20;
	[sflag:s22] =	ssyncset.done $0x0  }
0xa0: {  	[sflag:s22] =	ssyncadd.s32 s4;
	_ =	sdelay $0x1  }
0xa1: {  	s23 =	simm.s32 $0x1B8B  }
0xa2: {  	_ =	swait.ge [sflag:s23], $0x1  }
0xa3: {  	[sflag:s23] =	ssyncset.done $0x0  }
0xa4: {  	s25 =	simm.s32 $0x1B8E;
	s24 =	sld [smem:$0x3FFE];
	[sflag:s23] =	ssyncadd.s32 $0xFFFFFFFF  }
0xa5: {  	s26 =	simm.s32 $execute0_lowered;
	[smem:$0x3FD2] =	sst s25  }
0xa6: {  	s5 =	sshll.u32 s26, $0x1;
	_ =	strace $0x80000046;
	[dreg:$0x1] =	wrdreg $0xFFFFFFFF  }
0xa7: {  	s28 =	simm.s32 $_size_execute0_lowered;
	s3 =	sadd.s32 s3, s5;
	[dreg:$0x0] =	wrdreg $0x0  }
0xa8: {  	s5 =	sshll.u32 s28, $0x1;
	[dreg:$0x2] =	wrdreg s3  }
0xa9: {  	[dreg:$0x3] =	wrdreg s5  }
0xaa: {  	[dreg:$0x4] =	wrdreg $0xC0  }
0xab: {  	_ =	task [dreg:s7], $0x5FFFF  }
0xac: {  	[dreg:$0x1] =	wrdreg $0xFFFFFFFF  }
0xad: {  	[dreg:$0x0] =	wrdreg $0x60  }
0xae: {  	[dreg:$0x2] =	wrdreg s24  }
0xaf: {  	[dreg:$0x3] =	wrdreg s2  }
0xb0: {  	[dreg:$0x4] =	wrdreg $0xA4000  }
0xb1: {  	[dreg:$0x5] =	wrdreg $0x9  }
0xb2: {  	_ =	task.clear_ibuf [dreg:s7], $0x6FFFF;
	_ =	strace $0x90000046  }
0xb3: {  	s29 =	simm.s32 $0x9;
	_ =	strace $0x80000048  }
0xb4: {  	_ =	swait.ge [sflag:s29], $0x1  }
0xb5: {  	[sflag:s29] =	ssyncadd.s32 $0xFFFFFFFF  }
0xb6: {  	_ =	strace $0x90000048  }
0xb7: {  	_ =	sfence  }
0xb8: {  	s30 =	sld [smem:$0x0];
	_ =	sdelay $0x2  }
0xb9: {  	s31 =	sshll.u32 s1, $0xD;
	s1 =	sshrl.u32 s1, $0x2  }
0xba: {  	s3 =	sand.u32 $0x4000, s31;
	s1 =	sadd.s32 s1, s30  }
0xbb: {  	s0 =	sor.u32 s3, s0;
	s1 =	sshll.u32 s1, $0x11  }
0xbc: {  	s0 =	sor.u32 s1, s0  }
0xbd: {  	s0 =	sadd.s32 $0x8F2B, s0  }
0xbe: {  	[sflag:s0] =	ssyncadd.remote.s32 $0x1  }
0xbf: {  	_ =	sfence.sel $0xFFFF  }
0xc0: {  	[dreg:$0x0] =	wrdreg $0xFFFFFFFF;
	(pc) =	sbr.abs _section_cstart, $3  }
0xc1: {  	[dreg:$0x1] =	wrdreg $0xFFFFFFFF  }
0xc2: {  	_ =	task.clear_ibuf [dreg:s7], $0x2FFFF;
	_ =	strace $0x9FFFFFFF  }
0xc3: {  	(tm) =	ssettm $0x7FFFFFFF  }
tec
execute0_lowered:
.L_overlay_start_1:
0x0: {  	(tag) =	ssettag $0x1  }
0x1: {  	s0 =	rddreg [dreg:$0x0]  }
0x2: {  	s1 =	srdreg.scid;
	s9 =	rddreg [dreg:$0x1]  }
0x3: {  	s14 =	stileid.u32;
	s2 =	rddreg [dreg:$0x2];
	s3 =	simm.s32 $0x0  }
0x4: {  	s13 =	simm.s32 $0x3;
	s16 =	simm.s32 $0xF00;
	s18 =	simm.s32 $0x1  }
0x5: {  	s20 =	simm.s32 $0x80;
	s22 =	simm.s32 $0x2;
	s5 =	smul.u32 $0x1400, s14  }
0x6: {  	s23 =	simm.s32 $0x0;
	s1 =	sand.u32 $0x1, s1;
	s28 =	smul.u32 $0x50000, s14  }
0x7: {  	[smem:$0x7FF] =	sst s3;
	s10 =	smul.u32 $0x14000, s14;
	s31 =	sshll.u32 s14, $0x6  }
0x8: {  	p0 =	seq.s32 s14, $0xF;
	s4 =	smul.u32 $0x14000, s1;
	s6 =	sshll.u32 s1, $0x4  }
0x9: {  	_ =	strace $0x80000047;
	s29 =	ssub.s32 $0x2, s1;
	s1 =	smul.u32 $0x138800, s1  }
0xa: {  	s6 =	sor.u32 s14, s6;
	s30 =	sshrl.u32 s29, $0x1;
	s14 =	simm.s32 $0xE00  }
0xb: {  	s4 =	sadd.s32 s5, s4;
	s26 =	smul.u32 $0x280, s6;
	s5 =	sshrl.u32 s28, $0x2  }
0xc: {  	s6 =	sor.u32 $0x1C03, s31;
	s10 =	sadd.s32 s10, s1;
	s1 =	sshrl.u32 s1, $0x3  }
0xd: {  	s4 =	sshll.u32 s4, $0x1;
	s5 =	sadd.s32 s5, s2;
	s10 =	sshrl.u32 s10, $0x3  }
0xe: {  	s1 =	sadd.s32 s9, s1;
	s8 =	sadd.s32 s4, s0;
	s7 =	sadd.s32 s26, s0  }
0xf: {  	s4 =	sadd.s32 $0x59000, s0;
	s0 =	ssub.s32 s29, s30;
	s9 =	sadd.s32 s9, s10  }
0x10: {  	s10 =	sadd.s32 $0x25800, s1;
	s1 =	sadd.s32 $0x12C000, s2;
	s12 =	sshrl.u32 s5, $0x3  }
0x11: {  	s7 =	sadd.s32 $0x4000, s7;
	s8 =	sadd.s32 $0x9000, s8;
	s11 =	smax.u32 s0, $0x1  }
0x12: {  	vm0 =	vcmask $0x300;
	v0 =	vimm.f32 $0.0e+00;
	s25 =	sshrl.u32 @p0 s1, $0x3;
	s0 =	simm.s32 $0xD00;
	s15 =	sadd.s32 $0x10, s8  }
0x13: {  	v1 =	vsel vm0, $0x3F800000, v0;
	s17 =	sadd.s32 $0x20, s8;
	s19 =	sadd.s32 $0x30, s8;
	s21 =	sadd.s32 $0x40, s8  }
.LBB2_1:
0x14: {  	[spmem:s12], [sflag:s6] =	dma.local [hbm:s4], $0x2800  }
0x15: {  	_ =	swait.ge [sflag:s13], $0x2800  }
0x16: {  	[sflag:s13] =	ssyncset.done $0x0  }
0x17: {  	s1 =	simm.s32 $0x1000;
	[sflag:s13] =	ssyncadd.s32 $0xFFFFD800  }
0x18: {  	[tilespmem:s1], [sflag:$0x3] =	stream.linear.gather [hbm4b:s7+s3], $0x1400, $0x38;
	[tilespmem:$0x1E400] =	vst v63  }
0x19: {  	_ =	swait.ge [sflag:s13], $0x1400  }
0x1a: {  	[sflag:s13] =	ssyncset.done $0x0  }
0x1b: {  	s24 =	simm.s32 $0x6410;
	[sflag:s13] =	ssyncadd.s32 $0xFFFFEC00  }
0x1c: {  	[tilespmem:s24+$0xFFFFC000] =	vst v1  }
0x1d: {  	[tilespmem:s24+$0x3E0] =	vst v0  }
0x1e: {  	[tilespmem:s24+$0x3D0] =	vst v0  }
0x1f: {  	[tilespmem:s24+$0x3C0] =	vst v0  }
0x20: {  	[tilespmem:s24+$0x3B0] =	vst v0  }
0x21: {  	[tilespmem:s24+$0x3A0] =	vst v0  }
0x22: {  	[tilespmem:s24+$0x390] =	vst v0  }
0x23: {  	[tilespmem:s24+$0x380] =	vst v1  }
0x24: {  	[tilespmem:s24+$0xFFFFC3E0] =	vst v0  }
0x25: {  	[tilespmem:s24+$0xFFFFC3D0] =	vst v0  }
0x26: {  	[tilespmem:s24+$0xFFFFC3C0] =	vst v0  }
0x27: {  	[tilespmem:s24+$0xFFFFC3B0] =	vst v0  }
0x28: {  	[tilespmem:s24+$0xFFFFC3A0] =	vst v0  }
0x29: {  	[tilespmem:s24+$0xFFFFC390] =	vst v0  }
0x2a: {  	[tilespmem:s24+$0xFFFFC380] =	vst v1  }
0x2b: {  	[tilespmem:s24+$0x360] =	vst v0  }
0x2c: {  	[tilespmem:s24+$0x350] =	vst v0  }
0x2d: {  	[tilespmem:s24+$0x340] =	vst v0  }
0x2e: {  	[tilespmem:s24+$0x330] =	vst v0  }
0x2f: {  	[tilespmem:s24+$0x320] =	vst v0  }
0x30: {  	[tilespmem:s24+$0x310] =	vst v0  }
0x31: {  	[tilespmem:s24+$0x300] =	vst v1  }
0x32: {  	[tilespmem:s24+$0xFFFFC360] =	vst v0  }
0x33: {  	[tilespmem:s24+$0xFFFFC350] =	vst v0  }
0x34: {  	[tilespmem:s24+$0xFFFFC340] =	vst v0  }
0x35: {  	[tilespmem:s24+$0xFFFFC330] =	vst v0  }
0x36: {  	[tilespmem:s24+$0xFFFFC320] =	vst v0  }
0x37: {  	[tilespmem:s24+$0xFFFFC310] =	vst v0  }
0x38: {  	[tilespmem:s24+$0xFFFFC300] =	vst v1  }
0x39: {  	[tilespmem:s24+$0x2E0] =	vst v0  }
0x3a: {  	[tilespmem:s24+$0x2D0] =	vst v0  }
0x3b: {  	[tilespmem:s24+$0x2C0] =	vst v0  }
0x3c: {  	[tilespmem:s24+$0x2B0] =	vst v0  }
0x3d: {  	[tilespmem:s24+$0x2A0] =	vst v0  }
0x3e: {  	[tilespmem:s24+$0x290] =	vst v0  }
0x3f: {  	[tilespmem:s24+$0x280] =	vst v1  }
0x40: {  	[tilespmem:s24+$0xFFFFC2E0] =	vst v0  }
0x41: {  	[tilespmem:s24+$0xFFFFC2D0] =	vst v0  }
0x42: {  	[tilespmem:s24+$0xFFFFC2C0] =	vst v0  }
0x43: {  	[tilespmem:s24+$0xFFFFC2B0] =	vst v0  }
0x44: {  	[tilespmem:s24+$0xFFFFC2A0] =	vst v0  }
0x45: {  	[tilespmem:s24+$0xFFFFC290] =	vst v0  }
0x46: {  	[tilespmem:s24+$0xFFFFC280] =	vst v1  }
0x47: {  	[tilespmem:s24+$0x260] =	vst v0  }
0x48: {  	[tilespmem:s24+$0x250] =	vst v0  }
0x49: {  	[tilespmem:s24+$0x240] =	vst v0  }
0x4a: {  	[tilespmem:s24+$0x230] =	vst v0  }
0x4b: {  	[tilespmem:s24+$0x220] =	vst v0  }
0x4c: {  	[tilespmem:s24+$0x210] =	vst v0  }
0x4d: {  	[tilespmem:s24+$0x200] =	vst v1  }
0x4e: {  	[tilespmem:s24+$0xFFFFC260] =	vst v0  }
0x4f: {  	[tilespmem:s24+$0xFFFFC250] =	vst v0  }
0x50: {  	[tilespmem:s24+$0xFFFFC240] =	vst v0  }
0x51: {  	[tilespmem:s24+$0xFFFFC230] =	vst v0  }
0x52: {  	[tilespmem:s24+$0xFFFFC220] =	vst v0  }
0x53: {  	[tilespmem:s24+$0xFFFFC210] =	vst v0  }
0x54: {  	[tilespmem:s24+$0xFFFFC200] =	vst v1  }
0x55: {  	[tilespmem:s24+$0x1E0] =	vst v0  }
0x56: {  	[tilespmem:s24+$0x1D0] =	vst v0  }
0x57: {  	[tilespmem:s24+$0x1C0] =	vst v0  }
0x58: {  	[tilespmem:s24+$0x1B0] =	vst v0  }
0x59: {  	[tilespmem:s24+$0x1A0] =	vst v0  }
0x5a: {  	[tilespmem:s24+$0x190] =	vst v0  }
0x5b: {  	[tilespmem:s24+$0x180] =	vst v1  }
0x5c: {  	[tilespmem:s24+$0xFFFFC1E0] =	vst v0  }
0x5d: {  	[tilespmem:s24+$0xFFFFC1D0] =	vst v0  }
0x5e: {  	[tilespmem:s24+$0xFFFFC1C0] =	vst v0  }
0x5f: {  	[tilespmem:s24+$0xFFFFC1B0] =	vst v0  }
0x60: {  	[tilespmem:s24+$0xFFFFC1A0] =	vst v0  }
0x61: {  	[tilespmem:s24+$0xFFFFC190] =	vst v0  }
0x62: {  	[tilespmem:s24+$0xFFFFC180] =	vst v1  }
0x63: {  	[tilespmem:s24+$0x160] =	vst v0  }
0x64: {  	[tilespmem:s24+$0x150] =	vst v0  }
0x65: {  	[tilespmem:s24+$0x140] =	vst v0  }
0x66: {  	[tilespmem:s24+$0x130] =	vst v0  }
0x67: {  	[tilespmem:s24+$0x120] =	vst v0  }
0x68: {  	[tilespmem:s24+$0x110] =	vst v0  }
0x69: {  	[tilespmem:s24+$0x100] =	vst v1  }
0x6a: {  	[tilespmem:s24+$0xFFFFC160] =	vst v0  }
0x6b: {  	[tilespmem:s24+$0xFFFFC150] =	vst v0  }
0x6c: {  	[tilespmem:s24+$0xFFFFC140] =	vst v0  }
0x6d: {  	[tilespmem:s24+$0xFFFFC130] =	vst v0  }
0x6e: {  	[tilespmem:s24+$0xFFFFC120] =	vst v0  }
0x6f: {  	[tilespmem:s24+$0xFFFFC110] =	vst v0  }
0x70: {  	[tilespmem:s24+$0xFFFFC100] =	vst v1  }
0x71: {  	[tilespmem:s24+$0xE0] =	vst v0  }
0x72: {  	[tilespmem:s24+$0xD0] =	vst v0  }
0x73: {  	[tilespmem:s24+$0xC0] =	vst v0  }
0x74: {  	[tilespmem:s24+$0xB0] =	vst v0  }
0x75: {  	[tilespmem:s24+$0xA0] =	vst v0  }
0x76: {  	[tilespmem:s24+$0x90] =	vst v0  }
0x77: {  	[tilespmem:s24+$0x80] =	vst v1  }
0x78: {  	[tilespmem:s24+$0xFFFFC0E0] =	vst v0  }
0x79: {  	[tilespmem:s24+$0xFFFFC0D0] =	vst v0  }
0x7a: {  	[tilespmem:s24+$0xFFFFC0C0] =	vst v0  }
0x7b: {  	[tilespmem:s24+$0xFFFFC0B0] =	vst v0  }
0x7c: {  	[tilespmem:s24+$0xFFFFC0A0] =	vst v0  }
0x7d: {  	[tilespmem:s24+$0xFFFFC090] =	vst v0  }
0x7e: {  	[tilespmem:s24+$0xFFFFC080] =	vst v1  }
0x7f: {  	[tilespmem:s24+$0x60] =	vst v0  }
0x80: {  	[tilespmem:s24+$0x50] =	vst v0  }
0x81: {  	[tilespmem:s24+$0x40] =	vst v0  }
0x82: {  	[tilespmem:s24+$0x30] =	vst v0  }
0x83: {  	[tilespmem:s24+$0x20] =	vst v0  }
0x84: {  	[tilespmem:s24+$0x10] =	vst v0  }
0x85: {  	[tilespmem:s24+$0x0] =	vst v1  }
0x86: {  	[tilespmem:s24+$0xFFFFC060] =	vst v0  }
0x87: {  	[tilespmem:s24+$0xFFFFC050] =	vst v0  }
0x88: {  	[tilespmem:s24+$0xFFFFC040] =	vst v0  }
0x89: {  	[tilespmem:s24+$0xFFFFC030] =	vst v0  }
0x8a: {  	s26 =	simm.s32 $0x0;
	[tilespmem:s24+$0xFFFFC020] =	vst v0  }
.LBB2_2:
0x8b: {  	s26 =	sadd.s32 $0x8, s26;
	[tilespmem:s24+$0xFFFFC010] =	vst v0;
	s24 =	sadd.s32 $0x400, s24  }
0x8c: {  	[tilespmem:s24+$0xFFFFC000] =	vst v1;
	p1 =	slt.u32 s26, $0x78  }
0x8d: {  	[tilespmem:s24+$0x3E0] =	vst v0  }
0x8e: {  	[tilespmem:s24+$0x3D0] =	vst v0  }
0x8f: {  	[tilespmem:s24+$0x3C0] =	vst v0  }
0x90: {  	[tilespmem:s24+$0x3B0] =	vst v0  }
0x91: {  	[tilespmem:s24+$0x3A0] =	vst v0  }
0x92: {  	[tilespmem:s24+$0x390] =	vst v0  }
0x93: {  	[tilespmem:s24+$0x380] =	vst v1  }
0x94: {  	[tilespmem:s24+$0xFFFFC3E0] =	vst v0  }
0x95: {  	[tilespmem:s24+$0xFFFFC3D0] =	vst v0  }
0x96: {  	[tilespmem:s24+$0xFFFFC3C0] =	vst v0  }
0x97: {  	[tilespmem:s24+$0xFFFFC3B0] =	vst v0  }
0x98: {  	[tilespmem:s24+$0xFFFFC3A0] =	vst v0  }
0x99: {  	[tilespmem:s24+$0xFFFFC390] =	vst v0  }
0x9a: {  	[tilespmem:s24+$0xFFFFC380] =	vst v1  }
0x9b: {  	[tilespmem:s24+$0x360] =	vst v0  }
0x9c: {  	[tilespmem:s24+$0x350] =	vst v0  }
0x9d: {  	[tilespmem:s24+$0x340] =	vst v0  }
0x9e: {  	[tilespmem:s24+$0x330] =	vst v0  }
0x9f: {  	[tilespmem:s24+$0x320] =	vst v0  }
0xa0: {  	[tilespmem:s24+$0x310] =	vst v0  }
0xa1: {  	[tilespmem:s24+$0x300] =	vst v1  }
0xa2: {  	[tilespmem:s24+$0xFFFFC360] =	vst v0  }
0xa3: {  	[tilespmem:s24+$0xFFFFC350] =	vst v0  }
0xa4: {  	[tilespmem:s24+$0xFFFFC340] =	vst v0  }
0xa5: {  	[tilespmem:s24+$0xFFFFC330] =	vst v0  }
0xa6: {  	[tilespmem:s24+$0xFFFFC320] =	vst v0  }
0xa7: {  	[tilespmem:s24+$0xFFFFC310] =	vst v0  }
0xa8: {  	[tilespmem:s24+$0xFFFFC300] =	vst v1  }
0xa9: {  	[tilespmem:s24+$0x2E0] =	vst v0  }
0xaa: {  	[tilespmem:s24+$0x2D0] =	vst v0  }
0xab: {  	[tilespmem:s24+$0x2C0] =	vst v0  }
0xac: {  	[tilespmem:s24+$0x2B0] =	vst v0  }
0xad: {  	[tilespmem:s24+$0x2A0] =	vst v0  }
0xae: {  	[tilespmem:s24+$0x290] =	vst v0  }
0xaf: {  	[tilespmem:s24+$0x280] =	vst v1  }
0xb0: {  	[tilespmem:s24+$0xFFFFC2E0] =	vst v0  }
0xb1: {  	[tilespmem:s24+$0xFFFFC2D0] =	vst v0  }
0xb2: {  	[tilespmem:s24+$0xFFFFC2C0] =	vst v0  }
0xb3: {  	[tilespmem:s24+$0xFFFFC2B0] =	vst v0  }
0xb4: {  	[tilespmem:s24+$0xFFFFC2A0] =	vst v0  }
0xb5: {  	[tilespmem:s24+$0xFFFFC290] =	vst v0  }
0xb6: {  	[tilespmem:s24+$0xFFFFC280] =	vst v1  }
0xb7: {  	[tilespmem:s24+$0x260] =	vst v0  }
0xb8: {  	[tilespmem:s24+$0x250] =	vst v0  }
0xb9: {  	[tilespmem:s24+$0x240] =	vst v0  }
0xba: {  	[tilespmem:s24+$0x230] =	vst v0  }
0xbb: {  	[tilespmem:s24+$0x220] =	vst v0  }
0xbc: {  	[tilespmem:s24+$0x210] =	vst v0  }
0xbd: {  	[tilespmem:s24+$0x200] =	vst v1  }
0xbe: {  	[tilespmem:s24+$0xFFFFC260] =	vst v0  }
0xbf: {  	[tilespmem:s24+$0xFFFFC250] =	vst v0  }
0xc0: {  	[tilespmem:s24+$0xFFFFC240] =	vst v0  }
0xc1: {  	[tilespmem:s24+$0xFFFFC230] =	vst v0  }
0xc2: {  	[tilespmem:s24+$0xFFFFC220] =	vst v0  }
0xc3: {  	[tilespmem:s24+$0xFFFFC210] =	vst v0  }
0xc4: {  	[tilespmem:s24+$0xFFFFC200] =	vst v1  }
0xc5: {  	[tilespmem:s24+$0x1E0] =	vst v0  }
0xc6: {  	[tilespmem:s24+$0x1D0] =	vst v0  }
0xc7: {  	[tilespmem:s24+$0x1C0] =	vst v0  }
0xc8: {  	[tilespmem:s24+$0x1B0] =	vst v0  }
0xc9: {  	[tilespmem:s24+$0x1A0] =	vst v0  }
0xca: {  	[tilespmem:s24+$0x190] =	vst v0  }
0xcb: {  	[tilespmem:s24+$0x180] =	vst v1  }
0xcc: {  	[tilespmem:s24+$0xFFFFC1E0] =	vst v0  }
0xcd: {  	[tilespmem:s24+$0xFFFFC1D0] =	vst v0  }
0xce: {  	[tilespmem:s24+$0xFFFFC1C0] =	vst v0  }
0xcf: {  	[tilespmem:s24+$0xFFFFC1B0] =	vst v0  }
0xd0: {  	[tilespmem:s24+$0xFFFFC1A0] =	vst v0  }
0xd1: {  	[tilespmem:s24+$0xFFFFC190] =	vst v0  }
0xd2: {  	[tilespmem:s24+$0xFFFFC180] =	vst v1  }
0xd3: {  	[tilespmem:s24+$0x160] =	vst v0  }
0xd4: {  	[tilespmem:s24+$0x150] =	vst v0  }
0xd5: {  	[tilespmem:s24+$0x140] =	vst v0  }
0xd6: {  	[tilespmem:s24+$0x130] =	vst v0  }
0xd7: {  	[tilespmem:s24+$0x120] =	vst v0  }
0xd8: {  	[tilespmem:s24+$0x110] =	vst v0  }
0xd9: {  	[tilespmem:s24+$0x100] =	vst v1  }
0xda: {  	[tilespmem:s24+$0xFFFFC160] =	vst v0  }
0xdb: {  	[tilespmem:s24+$0xFFFFC150] =	vst v0  }
0xdc: {  	[tilespmem:s24+$0xFFFFC140] =	vst v0  }
0xdd: {  	[tilespmem:s24+$0xFFFFC130] =	vst v0  }
0xde: {  	[tilespmem:s24+$0xFFFFC120] =	vst v0  }
0xdf: {  	[tilespmem:s24+$0xFFFFC110] =	vst v0  }
0xe0: {  	[tilespmem:s24+$0xFFFFC100] =	vst v1  }
0xe1: {  	[tilespmem:s24+$0xE0] =	vst v0  }
0xe2: {  	[tilespmem:s24+$0xD0] =	vst v0  }
0xe3: {  	[tilespmem:s24+$0xC0] =	vst v0  }
0xe4: {  	[tilespmem:s24+$0xB0] =	vst v0  }
0xe5: {  	[tilespmem:s24+$0xA0] =	vst v0  }
0xe6: {  	[tilespmem:s24+$0x90] =	vst v0  }
0xe7: {  	[tilespmem:s24+$0x80] =	vst v1  }
0xe8: {  	[tilespmem:s24+$0xFFFFC0E0] =	vst v0  }
0xe9: {  	[tilespmem:s24+$0xFFFFC0D0] =	vst v0  }
0xea: {  	[tilespmem:s24+$0xFFFFC0C0] =	vst v0  }
0xeb: {  	[tilespmem:s24+$0xFFFFC0B0] =	vst v0  }
0xec: {  	[tilespmem:s24+$0xFFFFC0A0] =	vst v0  }
0xed: {  	[tilespmem:s24+$0xFFFFC090] =	vst v0  }
0xee: {  	[tilespmem:s24+$0xFFFFC080] =	vst v1  }
0xef: {  	[tilespmem:s24+$0x60] =	vst v0  }
0xf0: {  	[tilespmem:s24+$0x50] =	vst v0  }
0xf1: {  	[tilespmem:s24+$0x40] =	vst v0  }
0xf2: {  	[tilespmem:s24+$0x30] =	vst v0  }
0xf3: {  	[tilespmem:s24+$0x20] =	vst v0  }
0xf4: {  	[tilespmem:s24+$0x10] =	vst v0  }
0xf5: {  	[tilespmem:s24+$0x0] =	vst v1  }
.Ltmp0:
0xf6: {  	[tilespmem:s24+$0xFFFFC060] =	vst v0;
	(pc) =	sbr.rel @p1 .LBB2_2-.Ltmp0, $4  }
0xf7: {  	[tilespmem:s24+$0xFFFFC050] =	vst v0  }
0xf8: {  	[tilespmem:s24+$0xFFFFC040] =	vst v0  }
0xf9: {  	[tilespmem:s24+$0xFFFFC030] =	vst v0  }
0xfa: {  	[tilespmem:s24+$0xFFFFC020] =	vst v0  }
0xfb: {  	[tilespmem:s24+$0xFFFFC010] =	vst v0  }
0xfc: {  	s24 =	simm.s32 $0x0;
	[bflag:$0x0] =	sbarrier.arrive $0xFFFF  }
0xfd: {  	[tilespmem:s24], [sflag:$0x1] =	stream.linear.gather [hbm4b:s8+s24], $0x80, $0x38;
	[tilespmem:$0x1E400] =	vst v63  }
0xfe: {  	s1 =	simm.s32 $0x100  }
0xff: {  	[tilespmem:s1], [sflag:$0x1] =	stream.linear.gather [hbm4b:s15+s24], $0x80, $0x38;
	[tilespmem:$0x1E400] =	vst v63  }
0x100: {  	s28 =	simm.s32 $0x200  }
0x101: {  	[tilespmem:s28], [sflag:$0x1] =	stream.linear.gather [hbm4b:s17+s24], $0x80, $0x38;
	[tilespmem:$0x1E400] =	vst v63  }
0x102: {  	s29 =	simm.s32 $0x300  }
0x103: {  	[tilespmem:s29], [sflag:$0x1] =	stream.linear.gather [hbm4b:s19+s24], $0x80, $0x38;
	[tilespmem:$0x1E400] =	vst v63  }
0x104: {  	s30 =	simm.s32 $0x400  }
0x105: {  	[tilespmem:s30], [sflag:$0x1] =	stream.linear.gather [hbm4b:s21+s24], $0x80, $0x38;
	[tilespmem:$0x1E400] =	vst v63  }
0x106: {  	s26 =	sadd.s32 $0x50, s8;
	s31 =	simm.s32 $0x500  }
0x107: {  	[tilespmem:s31], [sflag:$0x1] =	stream.linear.gather [hbm4b:s26+s24], $0x80, $0x38;
	[tilespmem:$0x1E400] =	vst v63  }
0x108: {  	s28 =	sadd.s32 $0x60, s8;
	s29 =	simm.s32 $0x600  }
0x109: {  	[tilespmem:s29], [sflag:$0x1] =	stream.linear.gather [hbm4b:s28+s24], $0x80, $0x38;
	[tilespmem:$0x1E400] =	vst v63  }
0x10a: {  	s30 =	sadd.s32 $0x70, s8;
	s31 =	simm.s32 $0x700  }
0x10b: {  	[tilespmem:s31], [sflag:$0x1] =	stream.linear.gather [hbm4b:s30+s24], $0x80, $0x38;
	[tilespmem:$0x1E400] =	vst v63  }
0x10c: {  	s28 =	sadd.s32 $0x80, s8;
	s29 =	simm.s32 $0x800  }
0x10d: {  	[tilespmem:s29], [sflag:$0x1] =	stream.linear.gather [hbm4b:s28+s24], $0x80, $0x38;
	[tilespmem:$0x1E400] =	vst v63  }
0x10e: {  	s30 =	sadd.s32 $0x90, s8;
	s31 =	simm.s32 $0x900  }
0x10f: {  	[tilespmem:s31], [sflag:$0x1] =	stream.linear.gather [hbm4b:s30+s24], $0x80, $0x38;
	[tilespmem:$0x1E400] =	vst v63  }
0x110: {  	s28 =	sadd.s32 $0xA0, s8;
	s29 =	simm.s32 $0xA00  }
0x111: {  	[tilespmem:s29], [sflag:$0x1] =	stream.linear.gather [hbm4b:s28+s24], $0x80, $0x38;
	[tilespmem:$0x1E400] =	vst v63  }
0x112: {  	s30 =	sadd.s32 $0xB0, s8;
	s31 =	simm.s32 $0xB00  }
0x113: {  	[tilespmem:s31], [sflag:$0x1] =	stream.linear.gather [hbm4b:s30+s24], $0x80, $0x38;
	[tilespmem:$0x1E400] =	vst v63  }
0x114: {  	s1 =	sadd.s32 $0xC0, s8;
	s28 =	simm.s32 $0xC00  }
0x115: {  	[tilespmem:s28], [sflag:$0x1] =	stream.linear.gather [hbm4b:s1+s24], $0x80, $0x38;
	[tilespmem:$0x1E400] =	vst v63  }
0x116: {  	s29 =	sadd.s32 $0xD0, s8  }
0x117: {  	[tilespmem:s0], [sflag:$0x1] =	stream.linear.gather [hbm4b:s29+s24], $0x80, $0x38;
	[tilespmem:$0x1E400] =	vst v63  }
0x118: {  	s30 =	sadd.s32 $0xE0, s8  }
0x119: {  	[tilespmem:s14], [sflag:$0x1] =	stream.linear.gather [hbm4b:s30+s24], $0x80, $0x38;
	[tilespmem:$0x1E400] =	vst v63  }
0x11a: {  	s31 =	sadd.s32 $0xF0, s8  }
0x11b: {  	[tilespmem:s16], [sflag:$0x1] =	stream.linear.gather [hbm4b:s31+s24], $0x80, $0x38;
	[tilespmem:$0x1E400] =	vst v63  }
.LBB2_4:
0x11c: {  	p1 =	seq.s32 s24, $0x0  }
0x11d: {  	p2 =	seq.s32 @!p1 s24, $0x27  }
0x11e: {  	p2 =	por p1, !p2  }
.Ltmp1:
0x11f: {  	_ = 	snop;
	(pc) =	sbr.rel @p2 .LBB2_6-.Ltmp1, $4  }
0x120: {  	s26 =	simm.s32 @!p1 $0x2  }
0x121: {  	_ =	swait.ge @!p1 [sflag:s26], $0x4000  }
0x122: {  	[sflag:s26] =	ssyncset.done @!p1 $0x0  }
0x123: {  	[sflag:s26] =	ssyncadd.s32 @!p1 $0xFFFFC000  }
.Ltmp2:
0x124: {  	(pc) =	sbr.rel .LBB2_7-.Ltmp2, $2  }
0x125: {  	_ =	sdelay $0x2  }
0x126: {  	s26 =	simm.s32 @!p1 $0x28;
	s28 =	simm.s32 @!p1 $0x80  }
.LBB2_6:
0x127: {  	s26 =	sadd.s32 @!p1 $0x1, s24  }
0x128: {  	s28 =	sshll.u32 s24, $0x7;
	s26 =	simm.s32 @p1 $0x1  }
0x129: {  	s28 =	sand.u32 $0x80, s28;
	s29 =	sshll.u32 s26, $0x8  }
0x12a: {  	s30 =	sxor.u32 $0x80, s28;
	s29 =	sadd.s32 s29, s8  }
0x12b: {  	[tilespmem:s30], [sflag:$0x1] =	stream.linear.gather [hbm4b:s29+s3], $0x80, $0x38;
	[tilespmem:$0x1E400] =	vst v63  }
0x12c: {  	s1 =	sor.u32 $0x100, s30;
	s31 =	sadd.s32 $0x10, s29  }
0x12d: {  	[tilespmem:s1], [sflag:$0x1] =	stream.linear.gather [hbm4b:s31+s3], $0x80, $0x38;
	[tilespmem:$0x1E400] =	vst v63  }
0x12e: {  	s1 =	sadd.s32 $0x20, s29;
	s31 =	sor.u32 $0x200, s30  }
0x12f: {  	[tilespmem:s31], [sflag:$0x1] =	stream.linear.gather [hbm4b:s1+s3], $0x80, $0x38;
	[tilespmem:$0x1E400] =	vst v63  }
0x130: {  	s1 =	sadd.s32 $0x30, s29;
	s31 =	sor.u32 $0x300, s30  }
0x131: {  	[tilespmem:s31], [sflag:$0x1] =	stream.linear.gather [hbm4b:s1+s3], $0x80, $0x38;
	[tilespmem:$0x1E400] =	vst v63  }
0x132: {  	s1 =	sadd.s32 $0x40, s29;
	s31 =	sor.u32 $0x400, s30  }
0x133: {  	[tilespmem:s31], [sflag:$0x1] =	stream.linear.gather [hbm4b:s1+s3], $0x80, $0x38;
	[tilespmem:$0x1E400] =	vst v63  }
0x134: {  	s1 =	sadd.s32 $0x50, s29;
	s31 =	sor.u32 $0x500, s30  }
0x135: {  	[tilespmem:s31], [sflag:$0x1] =	stream.linear.gather [hbm4b:s1+s3], $0x80, $0x38;
	[tilespmem:$0x1E400] =	vst v63  }
0x136: {  	s1 =	sadd.s32 $0x60, s29;
	s31 =	sor.u32 $0x600, s30  }
0x137: {  	[tilespmem:s31], [sflag:$0x1] =	stream.linear.gather [hbm4b:s1+s3], $0x80, $0x38;
	[tilespmem:$0x1E400] =	vst v63  }
0x138: {  	s1 =	sadd.s32 $0x70, s29;
	s31 =	sor.u32 $0x700, s30  }
0x139: {  	[tilespmem:s31], [sflag:$0x1] =	stream.linear.gather [hbm4b:s1+s3], $0x80, $0x38;
	[tilespmem:$0x1E400] =	vst v63  }
0x13a: {  	s1 =	sadd.s32 $0x80, s29;
	s31 =	sor.u32 $0x800, s30  }
0x13b: {  	[tilespmem:s31], [sflag:$0x1] =	stream.linear.gather [hbm4b:s1+s3], $0x80, $0x38;
	[tilespmem:$0x1E400] =	vst v63  }
0x13c: {  	s1 =	sadd.s32 $0x90, s29;
	s31 =	sor.u32 $0x900, s30  }
0x13d: {  	[tilespmem:s31], [sflag:$0x1] =	stream.linear.gather [hbm4b:s1+s3], $0x80, $0x38;
	[tilespmem:$0x1E400] =	vst v63  }
0x13e: {  	s1 =	sadd.s32 $0xA0, s29;
	s31 =	sor.u32 $0xA00, s30  }
0x13f: {  	[tilespmem:s31], [sflag:$0x1] =	stream.linear.gather [hbm4b:s1+s3], $0x80, $0x38;
	[tilespmem:$0x1E400] =	vst v63  }
0x140: {  	s1 =	sadd.s32 $0xB0, s29;
	s31 =	sor.u32 $0xB00, s30  }
0x141: {  	[tilespmem:s31], [sflag:$0x1] =	stream.linear.gather [hbm4b:s1+s3], $0x80, $0x38;
	[tilespmem:$0x1E400] =	vst v63  }
0x142: {  	s1 =	sadd.s32 $0xC0, s29;
	s31 =	sor.u32 $0xC00, s30  }
0x143: {  	[tilespmem:s31], [sflag:$0x1] =	stream.linear.gather [hbm4b:s1+s3], $0x80, $0x38;
	[tilespmem:$0x1E400] =	vst v63  }
0x144: {  	s1 =	sadd.s32 $0xD0, s29;
	s31 =	sor.u32 $0xD00, s30  }
0x145: {  	[tilespmem:s31], [sflag:$0x1] =	stream.linear.gather [hbm4b:s1+s3], $0x80, $0x38;
	[tilespmem:$0x1E400] =	vst v63  }
0x146: {  	s1 =	sadd.s32 $0xE0, s29;
	s31 =	sor.u32 $0xE00, s30  }
0x147: {  	[tilespmem:s31], [sflag:$0x1] =	stream.linear.gather [hbm4b:s1+s3], $0x80, $0x38;
	[tilespmem:$0x1E400] =	vst v63  }
0x148: {  	s1 =	sadd.s32 $0xF0, s29;
	s31 =	sor.u32 $0xF00, s30  }
0x149: {  	[tilespmem:s31], [sflag:$0x1] =	stream.linear.gather [hbm4b:s1+s3], $0x80, $0x38;
	[tilespmem:$0x1E400] =	vst v63  }
.LBB2_7:
0x14a: {  	_ =	swait.ge [sflag:s18], $0x800  }
0x14b: {  	[sflag:s18] =	ssyncset.done $0x0  }
0x14c: {  	s1 =	sadd.s32 $0x40, s28;
	[sflag:s18] =	ssyncadd.s32 $0xFFFFF800  }
0x14d: {  	v5 =	vld [tilespmem:s1+$0x30]  }
0x14e: {  	v6 =	vld [tilespmem:s1+$0xFFFFFFD0]  }
0x14f: {  	s28 =	sshll.u32 s24, $0xE;
	v7 =	vld [tilespmem:s1+$0xFFFFFFE0]  }
0x150: {  	s29 =	sand.u32 $0x4000, s28;
	v2 =	vld [tilespmem:s1+$0xFFFFFFF0]  }
0x151: {  	s28 =	sor.u32 $0x2600, s29;
	v3 =	vld [tilespmem:s1+$0x0]  }
0x152: {  	v4 =	vld [tilespmem:s1+$0x10];
	[tilespmem:s28+$0x180] =	vst v5  }
0x153: {  	[tilespmem:s28+$0xFFFFFE80] =	vst v6;
	v5 =	vld [tilespmem:s1+$0x20]  }
0x154: {  	s30 =	simm.s32 $0x0;
	s31 =	sadd.s32 $0x100, s1;
	s29 =	sor.u32 $0x2400, s29;
	v6 =	vld [tilespmem:s1+$0xFFFFFFC0];
	[tilespmem:s28+$0xFFFFFF00] =	vst v7  }
.LBB2_8:
0x155: {  	v7 =	vld [tilespmem:s31+$0x30];
	s30 =	sadd.s32 $0x8, s30;
	[tilespmem:s28+$0xFFFFFF80] =	vst v2  }
0x156: {  	v8 =	vld [tilespmem:s31+$0xFFFFFFD0];
	p1 =	slt.u32 s30, $0x78;
	[tilespmem:s28+$0x0] =	vst v3  }
0x157: {  	v9 =	vld [tilespmem:s31+$0xFFFFFFE0];
	[tilespmem:s28+$0x80] =	vst v4  }
.Ltmp3:
0x158: {  	v2 =	vld [tilespmem:s31+$0xFFFFFFF0];
	[tilespmem:s28+$0x100] =	vst v5;
	(pc) =	sbr.rel @p1 .LBB2_8-.Ltmp3, $4  }
0x159: {  	v3 =	vld [tilespmem:s31+$0x0];
	[tilespmem:s28+$0xFFFFFE00] =	vst v6;
	s28 =	sadd.s32 $0x400, s28  }
0x15a: {  	v4 =	vld [tilespmem:s31+$0x10];
	[tilespmem:s28+$0x180] =	vst v7  }
0x15b: {  	[tilespmem:s28+$0xFFFFFE80] =	vst v8;
	v5 =	vld [tilespmem:s31+$0x20]  }
0x15c: {  	v6 =	vld [tilespmem:s31+$0xFFFFFFC0];
	[tilespmem:s28+$0xFFFFFF00] =	vst v9;
	s31 =	sadd.s32 $0x100, s31  }
0x15d: {  	[tilespmem:s28+$0xFFFFFF80] =	vst v2;
	p1 =	slt.u32 s26, $0x28  }
.Ltmp4:
0x15e: {  	[tilespmem:s28+$0x0] =	vst v3;
	(pc) =	sbr.rel @p1 .LBB2_4-.Ltmp4, $4  }
0x15f: {  	s1 =	sshll.u32 s24, $0x7;
	[tilespmem:s28+$0x80] =	vst v4  }
0x160: {  	s1 =	sand.u32 $0x3FFFFF80, s1;
	[tilespmem:s28+$0x100] =	vst v5  }
0x161: {  	s24 =	smov.u32 s26;
	s1 =	sadd.s32 $0x1000, s1;
	[tilespmem:s28+$0xFFFFFE00] =	vst v6  }
0x162: {  	[spmem:s2] =	stream.indirect.scatter.add.f32 [tilespmem:s29], [sflag:$0x2], $0x80, s1, s20, $0xb8;
	[tilespmem:$0x1E400] =	vst v63  }
0x163: {  	_ =	swait.ge [sflag:s22], $0x4000  }
0x164: {  	[sflag:s22] =	ssyncset.done $0x0  }
0x165: {  	[sflag:s22] =	ssyncadd.s32 $0xFFFFC000  }
0x166: {  	s1 =	simm.s32 @p0 $0x3;
	[bflag:$0x0] =	sbarrier.arrive $0xFFFF  }
0x167: {  	[hbm:s10], [sflag:s6] =	dma.local @p0 [spmem:s25], $0x1900  }
0x168: {  	_ =	swait.ge @p0 [sflag:s1], $0x1900  }
0x169: {  	s23 =	sadd.s32 $0x1, s23;
	[sflag:s1] =	ssyncset.done @p0 $0x0  }
0x16a: {  	p1 =	sne.s32 s23, s11;
	[sflag:s1] =	ssyncadd.s32 @p0 $0xFFFFE700;
	s1 =	sshrl.u32 @!p0 s5, $0x3  }
0x16b: {  	[hbm:s9], [sflag:s6] =	dma.local @!p0 [spmem:s1], $0x2800  }
.Ltmp5:
0x16c: {  	_ = 	snop;
	(pc) =	sbr.rel @p1 .LBB2_1-.Ltmp5, $4  }
0x16d: {  	s1 =	simm.s32 @!p0 $0x3  }
0x16e: {  	_ =	swait.ge @!p0 [sflag:s1], $0x2800  }
0x16f: {  	[sflag:s1] =	ssyncset.done @!p0 $0x0  }
0x170: {  	[sflag:s1] =	ssyncadd.s32 @!p0 $0xFFFFD800  }
0x171: {  	_ =	sfence.sel $0x180000  }
0x172: {  	[bflag:$0x0] =	sbarrier.arrive $0xFFFF  }
0x173: {  	_ =	strace $0x90000047  }
0x174: {  	s0 =	stileid.u32;
	[bflag:$0x2] =	sbarrier.arrive $0xFFFF  }
0x175: {  	p0 =	sne.s32 s0, $0x0;
	s0 =	rddreg [dreg:$0x3]  }
0x176: {  	s0 =	sadd.s32 @!p0 $0x100000, s0  }
0x177: {  	[sflag:s0] =	ssyncadd.tile.s32 @!p0 $0x1;
	_ =	shalt  }
.Lfunc_end2:
_tile_overlayer_lowered:
.L_overlay_start_2:
0x178: {  	(tag) =	ssettag $0x2  }
0x179: {  	s0 =	rddreg [dreg:$0x0];
	s2 =	stileid.u32  }
0x17a: {  	s1 =	rddreg [dreg:$0x1];
	p0 =	sne.s32 s2, $0x0  }
0x17b: {  	s3 =	rddreg [dreg:$0x2];
	[bflag:$0x3] =	sbarrier.arrive $0xFFFF;
	s2 =	simm.s32 @!p0 $0x1C03  }
0x17c: {  	[timem:s3], [sflag:s2] =	dma.local @!p0 [hbm:s0], s1  }
0x17d: {  	s0 =	simm.s32 @!p0 $0x3  }
0x17e: {  	_ =	swait.ge @!p0 [sflag:s0], s1  }
0x17f: {  	s1 =	ssub.s32 @!p0 $0x0, s1;
	[sflag:s0] =	ssyncset.done @!p0 $0x0  }
0x180: {  	[sflag:s0] =	ssyncadd.s32 @!p0 s1  }
0x181: {  	[bflag:$0x3] =	sbarrier.arrive $0xFFFF  }
0x182: {  	_ =	shalt  }

// kernel: kernel.13.cloned.1.call-start
scs
__scs_entry_jumppad:
0x0: {  	(pc) =	sbr.rel $0x88, $3  }
0x1: {  	(tag) =	ssettag $0x0;
	lr =	simm.s32 $0x1  }
0x2: {  	[smem:$0x3F90] =	sst lr;
	_ =	strace $0xD0000000  }
0x3: {  	_ = 	snop  }
0x4: {  	_ = 	snop  }
0x5: {  	_ = 	snop  }
0x6: {  	_ = 	snop  }
0x7: {  	_ = 	snop  }
__scs_overlays_trampoline_lowered:
0x8: {  	[smem:$0x3F9F] =	sst s0  }
0x9: {  	[smem:$0x3FA0] =	sst s1  }
0xa: {  	[smem:$0x3FA1] =	sst s2  }
0xb: {  	[smem:$0x3FA2] =	sst s3  }
0xc: {  	[smem:$0x3FA3] =	sst s4  }
0xd: {  	[smem:$0x3FA4] =	sst s5  }
0xe: {  	[smem:$0x3FA5] =	sst s6  }
0xf: {  	[smem:$0x3FA6] =	sst s7  }
0x10: {  	[smem:$0x3FA7] =	sst s8  }
0x11: {  	[smem:$0x3FA8] =	sst s9;
	s0 =	simm.s32 @!p0 $0x0  }
0x12: {  	s1 =	sld [smem:$0x3F8E];
	s0 =	simm.s32 @p0 $0x1  }
0x13: {  	[smem:$0x3FA9] =	sst s0;
	s0 =	simm.s32 @!p1 $0x0  }
0x14: {  	s2 =	sld [smem:$0x3F8D];
	s0 =	simm.s32 @p1 $0x1  }
0x15: {  	[smem:$0x3FAA] =	sst s0;
	s0 =	simm.s32 @!p2 $0x0  }
0x16: {  	s3 =	sld [smem:$0x3FDB];
	s0 =	simm.s32 @p2 $0x1  }
0x17: {  	s4 =	simm.s32 $0x1BF5;
	[smem:$0x3FAC] =	sst s0  }
0x18: {  	s0 =	sld [smem:$0x3F8F];
	_ =	swait.ge [sflag:s4], $0x0  }
0x19: {  	s7 =	sld [smem:$0x3F90]  }
0x1a: {  	s8 =	sadd.s32 $0xFFFFE003, lr  }
0x1b: {  	s9 =	sadd.s32 $0xFFFFFEF7, lr;
	s5 =	simm.s32 $0xFFFFFFFF;
	p2 =	slt.u32 s8, $0xFFFFF086  }
0x1c: {  	p1 =	slt.u32 s9, $0xF7A;
	s5 =	simm.s32 @!p2 $0x0  }
0x1d: {  	s5 =	simm.s32 @p1 $0x1;
	p0 =	seq.s32 s7, s2  }
0x1e: {  	s7 =	smul.u32 @!p0 $0xF7A, s2;
	p2 =	seq.s32 @!p0 s5, $0x0  }
0x1f: {  	s9 =	smul.u32 $0xF7A, s1;
	s8 =	simm.s32 @!p0 $0x1BF5;
	p2 =	por !p2, p0  }
0x20: {  	[sflag:s8] =	ssyncset.s32 @!p0 $0xFFFFF086;
	s6 =	sadd.s32 @!p0 s3, s7;
	s7 =	simm.s32 @!p0 $0x108  }
0x21: {  	s3 =	sadd.s32 s3, s9;
	s6 =	sadd.s32 @!p0 $0x88, s6;
	s7 =	simm.s32 @p2 $0x1082  }
0x22: {  	[simem:s7], [sflag:s8] =	dma.local @!p0 [hbm:s6], $0xF7A  }
0x23: {  	s9 =	sor.u32 $0xD0000000, s2;
	s6 =	simm.s32 $0x108;
	_ =	swait.ge @!p0 [sflag:s8], $0x0  }
0x24: {  	s3 =	sadd.s32 $0x88, s3;
	s6 =	simm.s32 @!p1 $0x1082;
	[sflag:s4] =	ssyncset.s32 $0xFFFFF086  }
0x25: {  	[simem:s6], [sflag:s4] =	dma.local [hbm:s3], $0xF7A  }
0x26: {  	[smem:$0x3F90] =	sst s1;
	(tag) =	ssettag s2;
	_ =	strace s9  }
0x27: {  	s1 =	sld [smem:$0x3FA0]  }
0x28: {  	s2 =	sld [smem:$0x3FA1]  }
0x29: {  	s4 =	sld [smem:$0x3FA3]  }
0x2a: {  	p0 =	seq.s32 s5, $0x0;
	s5 =	sld [smem:$0x3FA4]  }
0x2b: {  	s6 =	sld [smem:$0x3FA5]  }
0x2c: {  	s7 =	sld [smem:$0x3FA6]  }
0x2d: {  	s3 =	simm.s32 $0x108;
	s8 =	sld [smem:$0x3FA7]  }
0x2e: {  	s3 =	simm.s32 @!p0 $0x1082;
	s9 =	sld [smem:$0x3FA8]  }
0x2f: {  	lr =	sadd.s32 s0, s3;
	s0 =	sld [smem:$0x3F9F]  }
0x30: {  	s3 =	sld [smem:$0x3FA2]  }
0x31: {  	[smem:$0x3FAB] =	sst s10  }
0x32: {  	s10 =	sld [smem:$0x3FA9];
	_ =	sdelay $0x3  }
0x33: {  	p0 =	seq.s32 s10, $0x1;
	s10 =	sld [smem:$0x3FAB];
	_ =	sdelay $0x3  }
0x34: {  	[smem:$0x3FAB] =	sst s10  }
0x35: {  	s10 =	sld [smem:$0x3FAA];
	_ =	sdelay $0x3  }
0x36: {  	p1 =	seq.s32 s10, $0x1;
	s10 =	sld [smem:$0x3FAB];
	_ =	sdelay $0x3  }
0x37: {  	[smem:$0x3FAB] =	sst s10  }
0x38: {  	s10 =	sld [smem:$0x3FAC]  }
0x39: {  	_ = 	snop;
	(pc) =	sbr.ind lr, $3  }
0x3a: {  	_ = 	snop  }
0x3b: {  	_ = 	snop  }
0x3c: {  	p2 =	seq.s32 s10, $0x1;
	s10 =	sld [smem:$0x3FAB]  }
0x3d: {  	_ =	shalt  }
0x3e: {  	_ =	shalt  }
0x3f: {  	_ =	shalt  }
0x40: {  	_ =	shalt  }
0x41: {  	_ =	shalt  }
0x42: {  	_ =	shalt  }
0x43: {  	_ =	shalt  }
0x44: {  	_ =	shalt  }
0x45: {  	_ =	shalt  }
0x46: {  	_ =	shalt  }
0x47: {  	_ =	shalt  }
0x48: {  	_ =	shalt  }
0x49: {  	_ =	shalt  }
0x4a: {  	_ =	shalt  }
0x4b: {  	_ =	shalt  }
0x4c: {  	_ =	shalt  }
0x4d: {  	_ =	shalt  }
0x4e: {  	_ =	shalt  }
0x4f: {  	_ =	shalt  }
0x50: {  	_ =	shalt  }
0x51: {  	_ =	shalt  }
0x52: {  	_ =	shalt  }
0x53: {  	_ =	shalt  }
0x54: {  	_ =	shalt  }
0x55: {  	_ =	shalt  }
0x56: {  	_ =	shalt  }
0x57: {  	_ =	shalt  }
0x58: {  	_ =	shalt  }
0x59: {  	_ =	shalt  }
0x5a: {  	_ =	shalt  }
0x5b: {  	_ =	shalt  }
0x5c: {  	_ =	shalt  }
0x5d: {  	_ =	shalt  }
0x5e: {  	_ =	shalt  }
0x5f: {  	_ =	shalt  }
0x60: {  	_ =	shalt  }
0x61: {  	_ =	shalt  }
0x62: {  	_ =	shalt  }
0x63: {  	_ =	shalt  }
0x64: {  	_ =	shalt  }
0x65: {  	_ =	shalt  }
0x66: {  	_ =	shalt  }
0x67: {  	_ =	shalt  }
0x68: {  	_ =	shalt  }
0x69: {  	_ =	shalt  }
0x6a: {  	_ =	shalt  }
0x6b: {  	_ =	shalt  }
0x6c: {  	_ =	shalt  }
0x6d: {  	_ =	shalt  }
0x6e: {  	_ =	shalt  }
0x6f: {  	_ =	shalt  }
0x70: {  	_ =	shalt  }
0x71: {  	_ =	shalt  }
0x72: {  	_ =	shalt  }
0x73: {  	_ =	shalt  }
0x74: {  	_ =	shalt  }
0x75: {  	_ =	shalt  }
0x76: {  	_ =	shalt  }
0x77: {  	_ =	shalt  }
0x78: {  	_ =	shalt  }
0x79: {  	_ =	shalt  }
0x7a: {  	_ =	shalt  }
0x7b: {  	_ =	shalt  }
0x7c: {  	_ =	shalt  }
0x7d: {  	_ =	shalt  }
0x7e: {  	_ =	shalt  }
0x7f: {  	_ =	shalt  }
0x80: {  	_ =	shalt  }
0x81: {  	_ =	shalt  }
0x82: {  	_ =	shalt  }
0x83: {  	_ =	shalt  }
0x84: {  	_ =	shalt  }
0x85: {  	_ =	shalt  }
0x86: {  	_ =	shalt  }
0x87: {  	_ =	shalt  }
.Lfunc_end0:
.L_simem_size_0:
called_computation.1_lowered:
.L_overlay_start_0:
0x88: {  	s2 =	sld [smem:$0x3FD9]  }
0x89: {  	s3 =	sld [smem:$0x3FFE];
	_ =	sdelay $0x1  }
0x8a: {  	s1 =	srdreg.scid  }
0x8b: {  	s0 =	sand.u32 $0x1, s1  }
0x8c: {  	s16 =	sshll.u32 s0, $0xA;
	s2 =	sadd.s32 s3, s2  }
0x8d: {  	s2 =	sadd.s32 s2, s16  }
0x8e: {  	[smem:$0x3FB7] =	sst s2  }
0x8f: {  	_ = 	snop  }
0x90: {  	(tm) =	ssettm $0x1  }
0x91: {  	s17 =	sld [smem:$0x3FFB];
	_ =	sdelay $0x3  }
0x92: {  	_ =	strace s17  }
0x93: {  	s2 =	sld [smem:$0x3FFC];
	_ =	sdelay $0x3  }
0x94: {  	_ =	strace s2  }
0x95: {  	s2 =	sld [smem:$0x3FFD];
	_ =	sdelay $0x3  }
0x96: {  	_ =	strace s2  }
0x97: {  	_ =	strace $0x8FFFFFFF  }
0x98: {  	s18 =	sld [smem:$0x3FDB];
	_ =	sdelay $0x1  }
0x99: {  	s19 =	simm.s32 $_scs_section_size  }
0x9a: {  	s4 =	simm.s32 $_size__tile_overlayer_lowered;
	s5 =	simm.s32 $_tile_overlayer_lowered  }
0x9b: {  	s22 =	simm.s32 $0x1BFF;
	s21 =	sshll.u32 s5, $0x1;
	s2 =	sadd.s32 s19, s18  }
0x9c: {  	s6 =	simm.s32 $0x0;
	s20 =	sshll.u32 s4, $0x1;
	s4 =	sadd.s32 s21, s2  }
0x9d: {  	[timem:s6], [sflag:s22] =	dma.local [hbm:s4], s20  }
0x9e: {  	_ =	swait.ge [sflag:s22], s20  }
0x9f: {  	s3 =	ssub.s32 $0x0, s20;
	[sflag:s22] =	ssyncset.done $0x0  }
0xa0: {  	[sflag:s22] =	ssyncadd.s32 s3;
	_ =	sdelay $0x1  }
0xa1: {  	s23 =	simm.s32 $0x1B8B  }
0xa2: {  	_ =	swait.ge [sflag:s23], $0x1  }
0xa3: {  	[sflag:s23] =	ssyncset.done $0x0  }
0xa4: {  	s25 =	simm.s32 $0x1B8E;
	s24 =	sld [smem:$0x3FFE];
	[sflag:s23] =	ssyncadd.s32 $0xFFFFFFFF  }
0xa5: {  	s26 =	simm.s32 $execute0_lowered;
	[smem:$0x3FD2] =	sst s25  }
0xa6: {  	s4 =	sshll.u32 s26, $0x1;
	_ =	strace $0x80000049;
	[dreg:$0x1] =	wrdreg $0xFFFFFFFF  }
0xa7: {  	s28 =	simm.s32 $_size_execute0_lowered;
	s2 =	sadd.s32 s2, s4;
	[dreg:$0x0] =	wrdreg $0x0  }
0xa8: {  	s4 =	sshll.u32 s28, $0x1;
	[dreg:$0x2] =	wrdreg s2  }
0xa9: {  	[dreg:$0x3] =	wrdreg s4  }
0xaa: {  	[dreg:$0x4] =	wrdreg $0xC0  }
0xab: {  	_ =	task [dreg:s6], $0x5FFFF  }
0xac: {  	[dreg:$0x1] =	wrdreg $0xFFFFFFFF  }
0xad: {  	[dreg:$0x0] =	wrdreg $0x60  }
0xae: {  	[dreg:$0x2] =	wrdreg s24  }
0xaf: {  	[dreg:$0x3] =	wrdreg $0x9  }
0xb0: {  	_ =	task.clear_ibuf [dreg:s6], $0x4FFFF;
	_ =	strace $0x90000049  }
0xb1: {  	s29 =	simm.s32 $0x9;
	_ =	strace $0x8000004B  }
0xb2: {  	_ =	swait.ge [sflag:s29], $0x1  }
0xb3: {  	[sflag:s29] =	ssyncadd.s32 $0xFFFFFFFF  }
0xb4: {  	_ =	strace $0x9000004B  }
0xb5: {  	_ =	sfence  }
0xb6: {  	s30 =	sld [smem:$0x0];
	_ =	sdelay $0x2  }
0xb7: {  	s31 =	sshll.u32 s1, $0xD;
	s1 =	sshrl.u32 s1, $0x2  }
0xb8: {  	s3 =	sand.u32 $0x4000, s31;
	s1 =	sadd.s32 s1, s30  }
0xb9: {  	s0 =	sor.u32 s3, s0;
	s1 =	sshll.u32 s1, $0x11  }
0xba: {  	s0 =	sor.u32 s1, s0  }
0xbb: {  	s0 =	sadd.s32 $0x8F2B, s0  }
0xbc: {  	[sflag:s0] =	ssyncadd.remote.s32 $0x1  }
0xbd: {  	_ =	sfence.sel $0xFFFF  }
0xbe: {  	[dreg:$0x0] =	wrdreg $0xFFFFFFFF;
	(pc) =	sbr.abs _section_cstart, $3  }
0xbf: {  	[dreg:$0x1] =	wrdreg $0xFFFFFFFF  }
0xc0: {  	_ =	task.clear_ibuf [dreg:s6], $0x2FFFF;
	_ =	strace $0x9FFFFFFF  }
0xc1: {  	(tm) =	ssettm $0x7FFFFFFF  }
tec
execute0_lowered:
.L_overlay_start_1:
0x0: {  	(tag) =	ssettag $0x1  }
0x1: {  	s1 =	srdreg.scid;
	s0 =	stileid.u32  }
0x2: {  	s4 =	rddreg [dreg:$0x0];
	s2 =	simm.s32 $0x0;
	s13 =	simm.s32 $0x1  }
0x3: {  	s14 =	simm.s32 $0x14480;
	s15 =	simm.s32 $0x9C80;
	s16 =	simm.s32 $0xC680  }
0x4: {  	s17 =	simm.s32 $0xF080;
	s18 =	simm.s32 $0x11A80;
	s19 =	simm.s32 $0x400  }
0x5: {  	s5 =	sand.u32 $0x1, s1;
	s3 =	smul.u32 $0x540, s0;
	s1 =	rddreg [dreg:$0x1]  }
0x6: {  	s20 =	simm.s32 $0x0;
	[smem:$0x7FF] =	sst s2;
	s10 =	smul.u32 $0x5400, s0  }
0x7: {  	s8 =	sshrl.u32 s0, $0x3;
	s11 =	sshll.u32 s0, $0x7;
	s6 =	smul.u32 $0x54000, s5  }
0x8: {  	s7 =	smul.u32 $0x50000, s5;
	_ =	strace $0x8000004A;
	s9 =	sshll.u32 s5, $0x4  }
0x9: {  	s8 =	smul.u32 $0x28000, s8;
	s26 =	sand.u32 $0x380, s11;
	s5 =	ssub.s32 $0x2, s5  }
0xa: {  	s11 =	simm.s32 $0x80;
	s9 =	sadd.s32 s9, s4;
	s12 =	sadd.s32 s3, s4  }
0xb: {  	s3 =	sadd.s32 $0x6800, s4;
	s30 =	sshrl.u32 s5, $0x1;
	s7 =	sadd.s32 s7, s8  }
0xc: {  	s6 =	sadd.s32 s10, s6;
	s31 =	ssub.s32 s5, s30;
	s5 =	sadd.s32 $0x60C00, s12  }
0xd: {  	s7 =	sor.u32 s26, s7;
	s6 =	sshrl.u32 s6, $0x3;
	s10 =	smax.u32 s31, $0x1  }
0xe: {  	s7 =	sshrl.u32 s7, $0x3;
	s28 =	sadd.s32 s6, s4;
	s6 =	sadd.s32 $0x5B800, s12  }
0xf: {  	s12 =	simm.s32 $0x100;
	s29 =	sadd.s32 s7, s4;
	s4 =	sadd.s32 $0x4000, s9  }
0x10: {  	s7 =	sadd.s32 $0x1B200, s28;
	s8 =	sadd.s32 $0x1B210, s28;
	s9 =	sadd.s32 $0x7200, s29  }
.LBB2_1:
0x11: {  	[tilespmem:s2], [sflag:$0x1] =	stream.strided.gather [hbm4b:s4+s11], $0x9C80, s12, s11, $0x38;
	[tilespmem:$0x19480] =	vst v63  }
0x12: {  	_ =	swait.ge [sflag:s13], $0x9C80  }
0x13: {  	[sflag:s13] =	ssyncset.done $0x0  }
0x14: {  	[sflag:s13] =	ssyncadd.s32 $0xFFFF6380  }
0x15: {  	[tilespmem:s14], [sflag:$0x1] =	stream.linear.gather [hbm4b:s3+s2], $0x5000, $0x38;
	[tilespmem:$0x19480] =	vst v63  }
0x16: {  	_ =	swait.ge [sflag:s13], $0x5000  }
0x17: {  	[sflag:s13] =	ssyncset.done $0x0  }
0x18: {  	[sflag:s13] =	ssyncadd.s32 $0xFFFFB000  }
0x19: {  	[tilespmem:s15], [sflag:$0x1] =	stream.linear.gather [hbm4b:s5+s2], $0x2A00, $0x38;
	[tilespmem:$0x19480] =	vst v63  }
0x1a: {  	_ =	swait.ge [sflag:s13], $0x2A00  }
0x1b: {  	[sflag:s13] =	ssyncset.done $0x0  }
0x1c: {  	[sflag:s13] =	ssyncadd.s32 $0xFFFFD600  }
0x1d: {  	[tilespmem:s16], [sflag:$0x1] =	stream.linear.gather [hbm4b:s6+s2], $0x2A00, $0x38;
	[tilespmem:$0x19480] =	vst v63  }
0x1e: {  	_ =	swait.ge [sflag:s13], $0x2A00  }
0x1f: {  	[sflag:s13] =	ssyncset.done $0x0  }
0x20: {  	s21 =	simm.s32 $0x0;
	[sflag:s13] =	ssyncadd.s32 $0xFFFFD600  }
0x21: {  	v0 =	vld [tilespmem:s21+$0x9C80]  }
0x22: {  	v1 =	vld [tilespmem:s21+$0xC680];
	_ =	sdelay $0x3  }
0x23: {  	v0 =	vshll.u32 v0, $0x2  }
0x24: {  	v2 =	vshll.u32 v1, $0x2;
	v3 =	vor.u32 $0x1, v0  }
0x25: {  	v4 =	vor.u32 $0x2, v2  }
0x26: {  	v2 =	vor.u32 $0x3, v2;
	_ =	sdelay $0x1  }
0x27: {  	v0 =	vld.idx.msk [tilespmem:v0+s2+$0x0], $0xffff  }
0x28: {  	v3 =	vld.idx.msk [tilespmem:v3+s2+$0x0], $0xffff  }
0x29: {  	v4 =	vld.idx.msk [tilespmem:v4+s2+$0x0], $0xffff  }
0x2a: {  	v2 =	vld.idx.msk [tilespmem:v2+s2+$0x0], $0xffff;
	_ =	sdelay $0x3  }
0x2b: {  	v0 =	vadd.f32 v4, v0  }
0x2c: {  	v2 =	vadd.f32 v2, v3  }
0x2d: {  	v3 =	vmul.f32 $2.000000030e-01, v0  }
0x2e: {  	vm0 =	vge.f32 v0, $0.0e+00;
	v4 =	vmul.f32 $2.000000030e-01, v2  }
0x2f: {  	vm1 =	vge.f32 v2, $0.0e+00;
	v0 =	vsel vm0, v0, v3  }
0x30: {  	v2 =	vsel vm1, v2, v4;
	v0 =	vmul.f32 $1.442695020e+00, v0  }
0x31: {  	v2 =	vmul.f32 $1.442695020e+00, v2  }
0x32: {  	(erf) = vpow2.f32 v0  }
0x33: {  	(erf) = vpow2.f32 v2;
	_ =	sdelay $0x5  }
0x34: {  	v0 =	vshll.u32 v1, $0x1  }
0x35: {  	v1 =	vor.u32 $0x1, v0  }
0x36: {  	v2 =	vpop (erf)  }
0x37: {  	s22 =	simm.s32 $0x40;
	[tilespmem:s21+$0xF080] =	vst v2;
	v3 =	vpop (erf)  }
.LBB2_2:
0x38: {  	p0 =	sne.s32 s22, $0xA7C0;
	[tilespmem:s21+$0x11A80] =	vst v3;
	s21 =	smov.u32 s22;
	s22 =	sadd.s32 $0x40, s22  }
0x39: {  	[tilespmem:v0+s14+$0x0] =	vst.idx.add.f32.msk $0xffff, v2  }
0x3a: {  	s21 =	sshra.s32 s21, $0x2;
	[tilespmem:v1+s14+$0x0] =	vst.idx.add.f32.msk $0xffff, v3  }
0x3b: {  	v0 =	vld [tilespmem:s21+$0x9C80]  }
0x3c: {  	v1 =	vld [tilespmem:s21+$0xC680];
	_ =	sdelay $0x3  }
0x3d: {  	v0 =	vshll.u32 v0, $0x2  }
0x3e: {  	v2 =	vshll.u32 v1, $0x2;
	v3 =	vor.u32 $0x1, v0  }
0x3f: {  	v4 =	vor.u32 $0x2, v2;
	v2 =	vor.u32 $0x3, v2;
	_ =	sdelay $0x2  }
0x40: {  	v0 =	vld.idx.msk [tilespmem:v0+s2+$0x0], $0xffff  }
0x41: {  	v3 =	vld.idx.msk [tilespmem:v3+s2+$0x0], $0xffff  }
0x42: {  	v4 =	vld.idx.msk [tilespmem:v4+s2+$0x0], $0xffff  }
0x43: {  	v2 =	vld.idx.msk [tilespmem:v2+s2+$0x0], $0xffff;
	_ =	sdelay $0x4  }
0x44: {  	v0 =	vadd.f32 v4, v0  }
0x45: {  	v2 =	vadd.f32 v2, v3  }
0x46: {  	vm0 =	vge.f32 v0, $0.0e+00;
	v3 =	vmul.f32 $2.000000030e-01, v0  }
0x47: {  	vm1 =	vge.f32 v2, $0.0e+00;
	v4 =	vmul.f32 $2.000000030e-01, v2  }
0x48: {  	v0 =	vsel vm0, v0, v3  }
0x49: {  	v2 =	vsel vm1, v2, v4;
	v0 =	vmul.f32 $1.442695020e+00, v0  }
0x4a: {  	v2 =	vmul.f32 $1.442695020e+00, v2  }
0x4b: {  	(erf) = vpow2.f32 v0  }
0x4c: {  	(erf) = vpow2.f32 v2;
	_ =	sdelay $0x3  }
0x4d: {  	v0 =	vshll.u32 v1, $0x1  }
.Ltmp0:
0x4e: {  	v1 =	vor.u32 $0x1, v0;
	(pc) =	sbr.rel @p0 .LBB2_2-.Ltmp0, $3  }
0x4f: {  	_ =	sdelay $0x1  }
0x50: {  	v2 =	vpop (erf)  }
0x51: {  	[tilespmem:s21+$0xF080] =	vst v2;
	v3 =	vpop (erf)  }
0x52: {  	_ =	sdelay $0x2  }
0x53: {  	[tilespmem:s21+$0x11A80] =	vst v3  }
0x54: {  	[tilespmem:v0+s14+$0x0] =	vst.idx.add.f32.msk $0xffff, v2  }
0x55: {  	[tilespmem:v1+s14+$0x0] =	vst.idx.add.f32.msk $0xffff, v3  }
0x56: {  	[hbm4b:s7+s11] =	stream.strided.scatter [tilespmem:s17], [sflag:$0x1], $0x2A00, s12, s11, $0x38;
	[tilespmem:$0x19480] =	vst v63  }
0x57: {  	_ =	swait.ge [sflag:s13], $0x2A00  }
0x58: {  	[sflag:s13] =	ssyncset.done $0x0  }
0x59: {  	[sflag:s13] =	ssyncadd.s32 $0xFFFFD600  }
0x5a: {  	[hbm4b:s8+s11] =	stream.strided.scatter [tilespmem:s18], [sflag:$0x1], $0x2A00, s12, s11, $0x38;
	[tilespmem:$0x19480] =	vst v63  }
0x5b: {  	s20 =	sadd.s32 $0x1, s20;
	_ =	swait.ge [sflag:s13], $0x2A00  }
0x5c: {  	p0 =	sne.s32 s20, s10;
	[sflag:s13] =	ssyncset.done $0x0  }
.Ltmp1:
0x5d: {  	[sflag:s13] =	ssyncadd.s32 $0xFFFFD600;
	(pc) =	sbr.rel @p0 .LBB2_1-.Ltmp1, $4  }
0x5e: {  	[hbm4b:s9+s11] =	stream.strided.scatter [tilespmem:s14], [sflag:$0x1], $0x5000, s19, s11, $0x38;
	[tilespmem:$0x19480] =	vst v63  }
0x5f: {  	_ =	swait.ge [sflag:s13], $0x5000  }
0x60: {  	[sflag:s13] =	ssyncset.done $0x0  }
0x61: {  	[sflag:s13] =	ssyncadd.s32 $0xFFFFB000  }
0x62: {  	_ =	sfence.sel $0x180000  }
0x63: {  	[bflag:$0x0] =	sbarrier.arrive $0xFFFF  }
0x64: {  	p0 =	sne.s32 s0, $0x0;
	_ =	strace $0x9000004A  }
0x65: {  	s0 =	sadd.s32 @!p0 $0x100000, s1;
	[bflag:$0x2] =	sbarrier.arrive $0xFFFF  }
0x66: {  	[sflag:s0] =	ssyncadd.tile.s32 @!p0 $0x1;
	_ =	shalt  }
.Lfunc_end2:
_tile_overlayer_lowered:
.L_overlay_start_2:
0x67: {  	(tag) =	ssettag $0x2  }
0x68: {  	s0 =	rddreg [dreg:$0x0];
	s2 =	stileid.u32  }
0x69: {  	s1 =	rddreg [dreg:$0x1];
	p0 =	sne.s32 s2, $0x0  }
0x6a: {  	s3 =	rddreg [dreg:$0x2];
	[bflag:$0x3] =	sbarrier.arrive $0xFFFF;
	s2 =	simm.s32 @!p0 $0x1C01  }
0x6b: {  	[timem:s3], [sflag:s2] =	dma.local @!p0 [hbm:s0], s1  }
0x6c: {  	s0 =	simm.s32 @!p0 $0x1  }
0x6d: {  	_ =	swait.ge @!p0 [sflag:s0], s1  }
0x6e: {  	s1 =	ssub.s32 @!p0 $0x0, s1;
	[sflag:s0] =	ssyncset.done @!p0 $0x0  }
0x6f: {  	[sflag:s0] =	ssyncadd.s32 @!p0 s1  }
0x70: {  	[bflag:$0x3] =	sbarrier.arrive $0xFFFF  }
0x71: {  	_ =	shalt  }

// kernel: kernel.16.cloned.1.call-start
scs
__scs_entry_jumppad:
0x0: {  	(pc) =	sbr.rel $0x88, $3  }
0x1: {  	(tag) =	ssettag $0x0;
	lr =	simm.s32 $0x1  }
0x2: {  	[smem:$0x3F90] =	sst lr;
	_ =	strace $0xD0000000  }
0x3: {  	_ = 	snop  }
0x4: {  	_ = 	snop  }
0x5: {  	_ = 	snop  }
0x6: {  	_ = 	snop  }
0x7: {  	_ = 	snop  }
__scs_overlays_trampoline_lowered:
0x8: {  	[smem:$0x3F9F] =	sst s0  }
0x9: {  	[smem:$0x3FA0] =	sst s1  }
0xa: {  	[smem:$0x3FA1] =	sst s2  }
0xb: {  	[smem:$0x3FA2] =	sst s3  }
0xc: {  	[smem:$0x3FA3] =	sst s4  }
0xd: {  	[smem:$0x3FA4] =	sst s5  }
0xe: {  	[smem:$0x3FA5] =	sst s6  }
0xf: {  	[smem:$0x3FA6] =	sst s7  }
0x10: {  	[smem:$0x3FA7] =	sst s8  }
0x11: {  	[smem:$0x3FA8] =	sst s9;
	s0 =	simm.s32 @!p0 $0x0  }
0x12: {  	s1 =	sld [smem:$0x3F8E];
	s0 =	simm.s32 @p0 $0x1  }
0x13: {  	[smem:$0x3FA9] =	sst s0;
	s0 =	simm.s32 @!p1 $0x0  }
0x14: {  	s2 =	sld [smem:$0x3F8D];
	s0 =	simm.s32 @p1 $0x1  }
0x15: {  	[smem:$0x3FAA] =	sst s0;
	s0 =	simm.s32 @!p2 $0x0  }
0x16: {  	s3 =	sld [smem:$0x3FDB];
	s0 =	simm.s32 @p2 $0x1  }
0x17: {  	s4 =	simm.s32 $0x1BF5;
	[smem:$0x3FAC] =	sst s0  }
0x18: {  	s0 =	sld [smem:$0x3F8F];
	_ =	swait.ge [sflag:s4], $0x0  }
0x19: {  	s7 =	sld [smem:$0x3F90]  }
0x1a: {  	s8 =	sadd.s32 $0xFFFFE003, lr  }
0x1b: {  	s9 =	sadd.s32 $0xFFFFFEF7, lr;
	s5 =	simm.s32 $0xFFFFFFFF;
	p2 =	slt.u32 s8, $0xFFFFF086  }
0x1c: {  	p1 =	slt.u32 s9, $0xF7A;
	s5 =	simm.s32 @!p2 $0x0  }
0x1d: {  	s5 =	simm.s32 @p1 $0x1;
	p0 =	seq.s32 s7, s2  }
0x1e: {  	s7 =	smul.u32 @!p0 $0xF7A, s2;
	p2 =	seq.s32 @!p0 s5, $0x0  }
0x1f: {  	s9 =	smul.u32 $0xF7A, s1;
	s8 =	simm.s32 @!p0 $0x1BF5;
	p2 =	por !p2, p0  }
0x20: {  	[sflag:s8] =	ssyncset.s32 @!p0 $0xFFFFF086;
	s6 =	sadd.s32 @!p0 s3, s7;
	s7 =	simm.s32 @!p0 $0x108  }
0x21: {  	s3 =	sadd.s32 s3, s9;
	s6 =	sadd.s32 @!p0 $0x88, s6;
	s7 =	simm.s32 @p2 $0x1082  }
0x22: {  	[simem:s7], [sflag:s8] =	dma.local @!p0 [hbm:s6], $0xF7A  }
0x23: {  	s9 =	sor.u32 $0xD0000000, s2;
	s6 =	simm.s32 $0x108;
	_ =	swait.ge @!p0 [sflag:s8], $0x0  }
0x24: {  	s3 =	sadd.s32 $0x88, s3;
	s6 =	simm.s32 @!p1 $0x1082;
	[sflag:s4] =	ssyncset.s32 $0xFFFFF086  }
0x25: {  	[simem:s6], [sflag:s4] =	dma.local [hbm:s3], $0xF7A  }
0x26: {  	[smem:$0x3F90] =	sst s1;
	(tag) =	ssettag s2;
	_ =	strace s9  }
0x27: {  	s1 =	sld [smem:$0x3FA0]  }
0x28: {  	s2 =	sld [smem:$0x3FA1]  }
0x29: {  	s4 =	sld [smem:$0x3FA3]  }
0x2a: {  	p0 =	seq.s32 s5, $0x0;
	s5 =	sld [smem:$0x3FA4]  }
0x2b: {  	s6 =	sld [smem:$0x3FA5]  }
0x2c: {  	s7 =	sld [smem:$0x3FA6]  }
0x2d: {  	s3 =	simm.s32 $0x108;
	s8 =	sld [smem:$0x3FA7]  }
0x2e: {  	s3 =	simm.s32 @!p0 $0x1082;
	s9 =	sld [smem:$0x3FA8]  }
0x2f: {  	lr =	sadd.s32 s0, s3;
	s0 =	sld [smem:$0x3F9F]  }
0x30: {  	s3 =	sld [smem:$0x3FA2]  }
0x31: {  	[smem:$0x3FAB] =	sst s10  }
0x32: {  	s10 =	sld [smem:$0x3FA9];
	_ =	sdelay $0x3  }
0x33: {  	p0 =	seq.s32 s10, $0x1;
	s10 =	sld [smem:$0x3FAB];
	_ =	sdelay $0x3  }
0x34: {  	[smem:$0x3FAB] =	sst s10  }
0x35: {  	s10 =	sld [smem:$0x3FAA];
	_ =	sdelay $0x3  }
0x36: {  	p1 =	seq.s32 s10, $0x1;
	s10 =	sld [smem:$0x3FAB];
	_ =	sdelay $0x3  }
0x37: {  	[smem:$0x3FAB] =	sst s10  }
0x38: {  	s10 =	sld [smem:$0x3FAC]  }
0x39: {  	_ = 	snop;
	(pc) =	sbr.ind lr, $3  }
0x3a: {  	_ = 	snop  }
0x3b: {  	_ = 	snop  }
0x3c: {  	p2 =	seq.s32 s10, $0x1;
	s10 =	sld [smem:$0x3FAB]  }
0x3d: {  	_ =	shalt  }
0x3e: {  	_ =	shalt  }
0x3f: {  	_ =	shalt  }
0x40: {  	_ =	shalt  }
0x41: {  	_ =	shalt  }
0x42: {  	_ =	shalt  }
0x43: {  	_ =	shalt  }
0x44: {  	_ =	shalt  }
0x45: {  	_ =	shalt  }
0x46: {  	_ =	shalt  }
0x47: {  	_ =	shalt  }
0x48: {  	_ =	shalt  }
0x49: {  	_ =	shalt  }
0x4a: {  	_ =	shalt  }
0x4b: {  	_ =	shalt  }
0x4c: {  	_ =	shalt  }
0x4d: {  	_ =	shalt  }
0x4e: {  	_ =	shalt  }
0x4f: {  	_ =	shalt  }
0x50: {  	_ =	shalt  }
0x51: {  	_ =	shalt  }
0x52: {  	_ =	shalt  }
0x53: {  	_ =	shalt  }
0x54: {  	_ =	shalt  }
0x55: {  	_ =	shalt  }
0x56: {  	_ =	shalt  }
0x57: {  	_ =	shalt  }
0x58: {  	_ =	shalt  }
0x59: {  	_ =	shalt  }
0x5a: {  	_ =	shalt  }
0x5b: {  	_ =	shalt  }
0x5c: {  	_ =	shalt  }
0x5d: {  	_ =	shalt  }
0x5e: {  	_ =	shalt  }
0x5f: {  	_ =	shalt  }
0x60: {  	_ =	shalt  }
0x61: {  	_ =	shalt  }
0x62: {  	_ =	shalt  }
0x63: {  	_ =	shalt  }
0x64: {  	_ =	shalt  }
0x65: {  	_ =	shalt  }
0x66: {  	_ =	shalt  }
0x67: {  	_ =	shalt  }
0x68: {  	_ =	shalt  }
0x69: {  	_ =	shalt  }
0x6a: {  	_ =	shalt  }
0x6b: {  	_ =	shalt  }
0x6c: {  	_ =	shalt  }
0x6d: {  	_ =	shalt  }
0x6e: {  	_ =	shalt  }
0x6f: {  	_ =	shalt  }
0x70: {  	_ =	shalt  }
0x71: {  	_ =	shalt  }
0x72: {  	_ =	shalt  }
0x73: {  	_ =	shalt  }
0x74: {  	_ =	shalt  }
0x75: {  	_ =	shalt  }
0x76: {  	_ =	shalt  }
0x77: {  	_ =	shalt  }
0x78: {  	_ =	shalt  }
0x79: {  	_ =	shalt  }
0x7a: {  	_ =	shalt  }
0x7b: {  	_ =	shalt  }
0x7c: {  	_ =	shalt  }
0x7d: {  	_ =	shalt  }
0x7e: {  	_ =	shalt  }
0x7f: {  	_ =	shalt  }
0x80: {  	_ =	shalt  }
0x81: {  	_ =	shalt  }
0x82: {  	_ =	shalt  }
0x83: {  	_ =	shalt  }
0x84: {  	_ =	shalt  }
0x85: {  	_ =	shalt  }
0x86: {  	_ =	shalt  }
0x87: {  	_ =	shalt  }
.Lfunc_end0:
.L_simem_size_0:
called_computation.2_lowered:
.L_overlay_start_0:
0x88: {  	s2 =	sld [smem:$0x3FD9]  }
0x89: {  	s3 =	sld [smem:$0x3FFE];
	_ =	sdelay $0x1  }
0x8a: {  	s1 =	srdreg.scid  }
0x8b: {  	s0 =	sand.u32 $0x1, s1  }
0x8c: {  	s17 =	sshll.u32 s0, $0xA;
	s2 =	sadd.s32 s3, s2  }
0x8d: {  	s2 =	sadd.s32 s2, s17  }
0x8e: {  	[smem:$0x3FB7] =	sst s2  }
0x8f: {  	_ = 	snop  }
0x90: {  	s2 =	sld [smem:$0x3FD0];
	(tm) =	ssettm $0x1  }
0x91: {  	s18 =	sld [smem:$0x3FFB];
	_ =	sdelay $0x3  }
0x92: {  	_ =	strace s18  }
0x93: {  	s3 =	sld [smem:$0x3FFC];
	_ =	sdelay $0x3  }
0x94: {  	_ =	strace s3  }
0x95: {  	s3 =	sld [smem:$0x3FFD];
	_ =	sdelay $0x3  }
0x96: {  	_ =	strace s3  }
0x97: {  	_ =	strace $0x8FFFFFFF  }
0x98: {  	s19 =	sld [smem:$0x3FDB];
	_ =	sdelay $0x1  }
0x99: {  	s4 =	simm.s32 $_scs_section_size  }
0x9a: {  	s5 =	simm.s32 $_size__tile_overlayer_lowered;
	s6 =	simm.s32 $_tile_overlayer_lowered  }
0x9b: {  	s22 =	simm.s32 $0x1BFF;
	s21 =	sshll.u32 s6, $0x1;
	s3 =	sadd.s32 s4, s19  }
0x9c: {  	s7 =	simm.s32 $0x0;
	s20 =	sshll.u32 s5, $0x1;
	s5 =	sadd.s32 s21, s3  }
0x9d: {  	[timem:s7], [sflag:s22] =	dma.local [hbm:s5], s20  }
0x9e: {  	_ =	swait.ge [sflag:s22], s20  }
0x9f: {  	s4 =	ssub.s32 $0x0, s20;
	[sflag:s22] =	ssyncset.done $0x0  }
0xa0: {  	[sflag:s22] =	ssyncadd.s32 s4;
	_ =	sdelay $0x1  }
0xa1: {  	s23 =	simm.s32 $0x1B8B  }
0xa2: {  	_ =	swait.ge [sflag:s23], $0x1  }
0xa3: {  	[sflag:s23] =	ssyncset.done $0x0  }
0xa4: {  	s25 =	simm.s32 $0x1B8E;
	s24 =	sld [smem:$0x3FFE];
	[sflag:s23] =	ssyncadd.s32 $0xFFFFFFFF  }
0xa5: {  	s26 =	simm.s32 $execute0_lowered;
	[smem:$0x3FD2] =	sst s25  }
0xa6: {  	s5 =	sshll.u32 s26, $0x1;
	_ =	strace $0x8000004C;
	[dreg:$0x1] =	wrdreg $0xFFFFFFFF  }
0xa7: {  	s28 =	simm.s32 $_size_execute0_lowered;
	s3 =	sadd.s32 s3, s5;
	[dreg:$0x0] =	wrdreg $0x0  }
0xa8: {  	s5 =	sshll.u32 s28, $0x1;
	[dreg:$0x2] =	wrdreg s3  }
0xa9: {  	[dreg:$0x3] =	wrdreg s5  }
0xaa: {  	[dreg:$0x4] =	wrdreg $0xC0  }
0xab: {  	_ =	task [dreg:s7], $0x5FFFF  }
0xac: {  	[dreg:$0x1] =	wrdreg $0xFFFFFFFF  }
0xad: {  	[dreg:$0x0] =	wrdreg $0x60  }
0xae: {  	[dreg:$0x2] =	wrdreg s2  }
0xaf: {  	[dreg:$0x3] =	wrdreg s24  }
0xb0: {  	[dreg:$0x4] =	wrdreg $0xAD000  }
0xb1: {  	[dreg:$0x5] =	wrdreg $0x9  }
0xb2: {  	_ =	task.clear_ibuf [dreg:s7], $0x6FFFF;
	_ =	strace $0x9000004C  }
0xb3: {  	s29 =	simm.s32 $0x9;
	_ =	strace $0x8000004E  }
0xb4: {  	_ =	swait.ge [sflag:s29], $0x1  }
0xb5: {  	[sflag:s29] =	ssyncadd.s32 $0xFFFFFFFF  }
0xb6: {  	_ =	strace $0x9000004E  }
0xb7: {  	_ =	sfence  }
0xb8: {  	s30 =	sld [smem:$0x0];
	_ =	sdelay $0x2  }
0xb9: {  	s31 =	sshll.u32 s1, $0xD;
	s1 =	sshrl.u32 s1, $0x2  }
0xba: {  	s3 =	sand.u32 $0x4000, s31;
	s1 =	sadd.s32 s1, s30  }
0xbb: {  	s0 =	sor.u32 s3, s0;
	s1 =	sshll.u32 s1, $0x11  }
0xbc: {  	s0 =	sor.u32 s1, s0  }
0xbd: {  	s0 =	sadd.s32 $0x8F2B, s0  }
0xbe: {  	[sflag:s0] =	ssyncadd.remote.s32 $0x1  }
0xbf: {  	_ =	sfence.sel $0xFFFF  }
0xc0: {  	[dreg:$0x0] =	wrdreg $0xFFFFFFFF;
	(pc) =	sbr.abs _section_cstart, $3  }
0xc1: {  	[dreg:$0x1] =	wrdreg $0xFFFFFFFF  }
0xc2: {  	_ =	task.clear_ibuf [dreg:s7], $0x2FFFF;
	_ =	strace $0x9FFFFFFF  }
0xc3: {  	(tm) =	ssettm $0x7FFFFFFF  }
tec
execute0_lowered:
.L_overlay_start_1:
0x0: {  	(tag) =	ssettag $0x1  }
0x1: {  	s1 =	rddreg [dreg:$0x0];
	s0 =	srdreg.scid  }
0x2: {  	s21 =	stileid.u32;
	s2 =	rddreg [dreg:$0x1]  }
0x3: {  	s3 =	rddreg [dreg:$0x2];
	s4 =	simm.s32 $0x0;
	s19 =	simm.s32 $0x4  }
0x4: {  	s20 =	simm.s32 $0x80;
	s28 =	simm.s32 $0x3;
	s29 =	simm.s32 $0x2  }
0x5: {  	s30 =	simm.s32 $0x0;
	s0 =	sand.u32 $0x1, s0;
	s7 =	smul.u32 $0x5400, s21  }
0x6: {  	[smem:$0x7FF] =	sst s4;
	s6 =	sadd.s32 $0x5B800, s2;
	s9 =	smul.u32 $0x50000, s21  }
0x7: {  	s8 =	sadd.s32 $0x59000, s2;
	s26 =	sshll.u32 s21, $0x6;
	s14 =	smul.u32 $0x14000, s21  }
0x8: {  	p0 =	seq.s32 s21, $0xF;
	s5 =	sshll.u32 s0, $0x7;
	_ =	strace $0x8000004D  }
0x9: {  	[dreg:$0x4] =	wrdreg s8;
	s10 =	ssub.s32 $0x2, s0;
	s8 =	smul.u32 $0x2A00, s21  }
0xa: {  	s5 =	sor.u32 s5, s7;
	s13 =	sshrl.u32 s9, $0x2;
	s9 =	smul.u32 $0x54000, s0  }
0xb: {  	s11 =	sshrl.u32 s10, $0x1;
	s0 =	smul.u32 $0x138800, s0;
	s5 =	sshrl.u32 s5, $0x3  }
0xc: {  	s17 =	ssub.s32 s10, s11;
	s10 =	sadd.s32 s13, s3;
	s31 =	sshrl.u32 s8, $0x3  }
0xd: {  	s11 =	sor.u32 $0x1C04, s26;
	s26 =	simm.s32 $0x1;
	s12 =	sadd.s32 s5, s2  }
0xe: {  	s5 =	sadd.s32 $0x1B200, s2;
	s2 =	sadd.s32 $0x66000, s2;
	s13 =	sadd.s32 s6, s31  }
0xf: {  	s7 =	sadd.s32 s7, s9;
	s14 =	sadd.s32 s14, s0;
	s0 =	sshrl.u32 s0, $0x3  }
0x10: {  	s17 =	smax.u32 s17, $0x1;
	s18 =	sshrl.u32 s10, $0x3;
	s12 =	sadd.s32 $0x30200, s12  }
0x11: {  	s7 =	sshrl.u32 s7, $0x3;
	s15 =	sshrl.u32 s14, $0x3;
	s0 =	sadd.s32 s2, s0  }
0x12: {  	[dreg:$0x5] =	wrdreg s12;
	s16 =	sadd.s32 $0x25800, s0;
	s0 =	sadd.s32 $0x12C000, s3  }
0x13: {  	s14 =	sadd.s32 s5, s7;
	s15 =	sadd.s32 s2, s15;
	s25 =	sshrl.u32 @p0 s0, $0x3  }
.LBB2_1:
0x14: {  	s0 =	rddreg [dreg:$0x4]  }
0x15: {  	[spmem:s18], [sflag:s11] =	dma.local [hbm:s0], $0x2800  }
0x16: {  	_ =	swait.ge [sflag:s19], $0x2800  }
0x17: {  	[sflag:s19] =	ssyncset.done $0x0  }
0x18: {  	s2 =	simm.s32 $0x100;
	s22 =	rddreg [dreg:$0x5];
	[sflag:s19] =	ssyncadd.s32 $0xFFFFD800  }
0x19: {  	[tilespmem:s4], [sflag:$0x4] =	stream.strided.gather [hbm4b:s22+s20], $0x2A00, s2, s20, $0x38;
	[tilespmem:$0x1ED00] =	vst v63  }
0x1a: {  	_ =	swait.ge [sflag:s19], $0x2A00  }
0x1b: {  	[sflag:s19] =	ssyncset.done $0x0  }
0x1c: {  	[sflag:s19] =	ssyncadd.s32 $0xFFFFD600  }
0x1d: {  	s23 =	simm.s32 $0x2A00;
	[bflag:$0x0] =	sbarrier.arrive $0xFFFF  }
0x1e: {  	[tilespmem:s23], [sflag:$0x3] =	stream.linear.gather [hbm4b:s13+s4], $0x80, $0x38;
	[tilespmem:$0x1ED00] =	vst v63  }
0x1f: {  	s24 =	simm.s32 $0x2B00  }
0x20: {  	[tilespmem:s24], [sflag:$0x3] =	stream.linear.gather [hbm4b:s14+s4], $0x100, $0x38;
	[tilespmem:$0x1ED00] =	vst v63  }
0x21: {  	s31 =	simm.s32 $0x2D00;
	s0 =	simm.s32 $0x0  }
0x22: {  	[tilespmem:s31], [sflag:$0x1] =	stream.indirect.gather [hbm4b:s1+s20], $0x80, s4, s20, $0xb8;
	[tilespmem:$0x1ED00] =	vst v63  }
.LBB2_2:
0x23: {  	p1 =	seq.s32 s0, $0x0  }
0x24: {  	p2 =	seq.s32 @!p1 s0, $0x53  }
0x25: {  	p2 =	por p1, !p2  }
.Ltmp0:
0x26: {  	_ = 	snop;
	(pc) =	sbr.rel @!p2 .LBB2_4-.Ltmp0, $4  }
0x27: {  	s7 =	simm.s32 @!p1 $0x2  }
0x28: {  	_ =	swait.ge @!p1 [sflag:s7], $0x4000  }
0x29: {  	[sflag:s7] =	ssyncset.done @!p1 $0x0  }
0x2a: {  	s2 =	sand.u32 $0x1, s0;
	s31 =	simm.s32 @!p1 $0x54;
	[sflag:s7] =	ssyncadd.s32 @!p1 $0xFFFFC000  }
0x2b: {  	s31 =	sadd.s32 @!p1 $0x1, s0  }
0x2c: {  	s31 =	simm.s32 @p1 $0x1  }
0x2d: {  	s12 =	sshll.u32 s31, $0x7  }
0x2e: {  	s7 =	sxor.u32 $0x1, s2;
	s21 =	sadd.s32 s8, s12  }
0x2f: {  	s22 =	sshll.u32 s7, $0x7;
	s23 =	sshrl.u32 s21, $0x3;
	s21 =	sshll.u32 s21, $0x1  }
0x30: {  	s22 =	sor.u32 $0x2A00, s22;
	s23 =	sadd.s32 s6, s23;
	s21 =	sadd.s32 s9, s21  }
0x31: {  	[tilespmem:s22], [sflag:$0x3] =	stream.linear.gather [hbm4b:s23+s4], $0x80, $0x38;
	[tilespmem:$0x1ED00] =	vst v63  }
0x32: {  	s24 =	sshll.u32 s7, $0x8;
	s21 =	sshrl.u32 s21, $0x3  }
0x33: {  	s7 =	sshll.u32 s7, $0xE;
	s22 =	sadd.s32 $0x2B00, s24;
	s21 =	sadd.s32 s5, s21  }
0x34: {  	[tilespmem:s22], [sflag:$0x3] =	stream.linear.gather [hbm4b:s21+s4], $0x100, $0x38;
	[tilespmem:$0x1ED00] =	vst v63  }
0x35: {  	s7 =	sor.u32 $0x2D00, s7;
	s0 =	sand.u32 $0x3FFFFF80, s12  }
0x36: {  	[tilespmem:s7], [sflag:$0x1] =	stream.indirect.gather [hbm4b:s1+s20], $0x80, s0, s20, $0xb8;
	[tilespmem:$0x1ED00] =	vst v63  }
.LBB2_4:
0x37: {  	_ =	swait.ge [sflag:s28], $0x80  }
0x38: {  	s0 =	simm.s32 $0x0;
	[sflag:s28] =	ssyncset.done $0x0  }
0x39: {  	v0 =	vmov s0;
	[sflag:s28] =	ssyncadd.s32 $0xFFFFFF80  }
0x3a: {  	s12 =	simm.s32 $0x7;
	s7 =	simm.s32 $0x1;
	v0 =	vand.u32 $0xFFFFFFF8, v0;
	_ =	swait.ge [sflag:s28], $0x100  }
0x3b: {  	v2 =	vmov s12;
	v1 =	vmov s7;
	v0 =	vbroadcast v0, $0x0;
	[sflag:s28] =	ssyncset.done $0x0  }
0x3c: {  	s21 =	simm.s32 $0x2;
	v1 =	vand.u32 $0xFFFFFFF9, v1;
	[sflag:s28] =	ssyncadd.s32 $0xFFFFFF00  }
0x3d: {  	v3 =	vbroadcast v1, $0x0;
	v1 =	vmov s21;
	_ =	swait.ge [sflag:s26], $0x4000  }
0x3e: {  	s22 =	sshll.u32 s2, $0x8;
	v1 =	vand.u32 $0xFFFFFFFA, v1;
	[sflag:s26] =	ssyncset.done $0x0  }
0x3f: {  	s0 =	sadd.s32 $0x2B00, s22;
	v4 =	vbroadcast v1, $0x0;
	[sflag:s26] =	ssyncadd.s32 $0xFFFFC000  }
0x40: {  	s21 =	simm.s32 $0x3;
	v1 =	vld.idx.msk [tilespmem:v2+s0+$0x0], $0xffff  }
0x41: {  	v5 =	vmov s21;
	s21 =	sadd.s32 $0x2B80, s22;
	v6 =	vld.idx.msk [tilespmem:v0+s0+$0x0], $0xffff  }
0x42: {  	v7 =	vld.idx.msk [tilespmem:v0+s21+$0x0], $0xffff  }
0x43: {  	v8 =	vld.idx.msk [tilespmem:v3+s0+$0x0], $0xffff  }
0x44: {  	s23 =	simm.s32 $0x6;
	v9 =	vld.idx.msk [tilespmem:v3+s21+$0x0], $0xffff  }
0x45: {  	v0 =	vmov s23;
	s23 =	sshll.u32 s2, $0xE;
	v10 =	vld.idx.msk [tilespmem:v4+s0+$0x0], $0xffff  }
0x46: {  	s22 =	sor.u32 $0x2F00, s23;
	v4 =	vld.idx.msk [tilespmem:v4+s21+$0x0], $0xffff  }
0x47: {  	v12 =	vld [tilespmem:s22+$0xFFFFFE00]  }
0x48: {  	v13 =	vld [tilespmem:s22+$0xFFFFFE10]  }
0x49: {  	v14 =	vld [tilespmem:s22+$0xFFFFFE20]  }
0x4a: {  	v15 =	vld [tilespmem:s22+$0xFFFFFE30]  }
0x4b: {  	v16 =	vld [tilespmem:s22+$0xFFFFFE40]  }
0x4c: {  	v17 =	vld [tilespmem:s22+$0xFFFFFE50]  }
0x4d: {  	v18 =	vld [tilespmem:s22+$0x170]  }
0x4e: {  	v19 =	vld [tilespmem:s22+$0xFFFFFE70]  }
0x4f: {  	v20 =	vld [tilespmem:s22+$0xFFFFFE80]  }
0x50: {  	v5 =	vand.u32 $0xFFFFFFFB, v5;
	v21 =	vld [tilespmem:s22+$0xFFFFFE90]  }
0x51: {  	v5 =	vbroadcast v5, $0x0;
	v22 =	vld [tilespmem:s22+$0xFFFFFEA0]  }
0x52: {  	v23 =	vld [tilespmem:s22+$0xFFFFFEB0]  }
0x53: {  	v24 =	vld [tilespmem:s22+$0xFFFFFEC0]  }
0x54: {  	v25 =	vld [tilespmem:s22+$0xFFFFFED0]  }
0x55: {  	v0 =	vand.u32 $0xFFFFFFFE, v0;
	v52 =	vld [tilespmem:s22+$0xFFFFFF40]  }
0x56: {  	v3 =	vbroadcast v0, $0x0;
	v58 =	vld [tilespmem:s22+$0xFFFFFFD0];
	v12 =	vmul.f32 v12, v6  }
0x57: {  	v11 =	vld.idx.msk [tilespmem:v5+s0+$0x0], $0xffff;
	v13 =	vmul.f32 v13, v6  }
0x58: {  	v5 =	vld.idx.msk [tilespmem:v5+s21+$0x0], $0xffff;
	v20 =	vmul.f32 v20, v8;
	[tilespmem:s22+$0xFFFFFE00] =	vst v12  }
0x59: {  	v48 =	vld [tilespmem:s22+$0xFFFFFEE0];
	v14 =	vmul.f32 v14, v6;
	[tilespmem:s22+$0xFFFFFE10] =	vst v13  }
0x5a: {  	v49 =	vld [tilespmem:s22+$0xFFFFFEF0];
	v6 =	vmul.f32 v15, v6;
	[tilespmem:s22+$0xFFFFFE80] =	vst v20  }
0x5b: {  	v50 =	vld [tilespmem:s22+$0xFFFFFF00];
	v54 =	vmul.f32 v24, v9;
	[tilespmem:s22+$0xFFFFFE20] =	vst v14  }
0x5c: {  	v59 =	vmul.f32 v52, v4;
	v0 =	vld.idx.msk [tilespmem:v3+s21+$0x0], $0xffff;
	[tilespmem:s22+$0xFFFFFE30] =	vst v6  }
0x5d: {  	v63 =	vmul.f32 v58, v5;
	v12 =	vld [tilespmem:s22+$0xFFFFFE60];
	[tilespmem:s22+$0xFFFFFEC0] =	vst v54  }
0x5e: {  	v51 =	vld [tilespmem:s22+$0xFFFFFF30];
	v6 =	vmul.f32 v17, v7;
	[tilespmem:s22+$0xFFFFFF40] =	vst v59  }
0x5f: {  	v53 =	vld [tilespmem:s22+$0xFFFFFF50];
	v14 =	vmul.f32 v16, v7;
	[tilespmem:s22+$0xFFFFFFD0] =	vst v63  }
0x60: {  	s24 =	simm.s32 $0x4;
	v55 =	vld [tilespmem:s22+$0xFFFFFF70];
	[tilespmem:s22+$0xFFFFFE50] =	vst v6;
	v6 =	vmul.f32 v19, v7  }
0x61: {  	v13 =	vmov s24;
	[tilespmem:s22+$0xFFFFFE40] =	vst v14;
	v14 =	vld [tilespmem:s22+$0xFFFFFF10];
	v18 =	vmul.f32 v18, v0  }
0x62: {  	v56 =	vld [tilespmem:s22+$0xFFFFFF80];
	v13 =	vand.u32 $0xFFFFFFFC, v13;
	[tilespmem:s22+$0xFFFFFE70] =	vst v6;
	v12 =	vmul.f32 v12, v7  }
0x63: {  	v3 =	vld.idx.msk [tilespmem:v3+s0+$0x0], $0xffff;
	v13 =	vbroadcast v13, $0x0;
	v6 =	vmul.f32 v22, v8;
	[tilespmem:s22+$0x170] =	vst v18  }
0x64: {  	v7 =	vld [tilespmem:s22+$0xFFFFFF20];
	[tilespmem:s22+$0xFFFFFE60] =	vst v12;
	v12 =	vmul.f32 v21, v8  }
0x65: {  	v57 =	vld [tilespmem:s22+$0xFFFFFFA0];
	[tilespmem:s22+$0xFFFFFEA0] =	vst v6;
	v8 =	vmul.f32 v23, v8  }
0x66: {  	v61 =	vld [tilespmem:s22+$0x0];
	v14 =	vmul.f32 v14, v10;
	[tilespmem:s22+$0xFFFFFE90] =	vst v12  }
0x67: {  	v6 =	vld [tilespmem:s22+$0xFFFFFF60];
	v12 =	vmul.f32 v50, v10;
	[tilespmem:s22+$0xFFFFFEB0] =	vst v8  }
0x68: {  	v62 =	vld [tilespmem:s22+$0x20];
	v8 =	vmul.f32 v25, v9;
	[tilespmem:s22+$0xFFFFFF10] =	vst v14  }
0x69: {  	v15 =	vld.idx.msk [tilespmem:v13+s0+$0x0], $0xffff;
	v7 =	vmul.f32 v7, v10;
	[tilespmem:s22+$0xFFFFFF00] =	vst v12  }
0x6a: {  	v17 =	vmul.f32 v53, v4;
	v13 =	vld.idx.msk [tilespmem:v13+s21+$0x0], $0xffff;
	v10 =	vmul.f32 v51, v10;
	[tilespmem:s22+$0xFFFFFED0] =	vst v8  }
0x6b: {  	v18 =	vmul.f32 v48, v9;
	v14 =	vld [tilespmem:s22+$0xFFFFFFC0];
	v8 =	vmul.f32 v49, v9;
	[tilespmem:s22+$0xFFFFFF20] =	vst v7  }
0x6c: {  	s12 =	simm.s32 $0x5;
	v9 =	vld [tilespmem:s22+$0xFFFFFF90];
	v6 =	vmul.f32 v6, v4;
	v4 =	vmul.f32 v55, v4;
	[tilespmem:s22+$0xFFFFFF30] =	vst v10  }
0x6d: {  	v12 =	vmov s12;
	v7 =	vmul.f32 v56, v11;
	v10 =	vld [tilespmem:s22+$0xFFFFFFE0];
	[tilespmem:s22+$0xFFFFFEF0] =	vst v8  }
0x6e: {  	v12 =	vand.u32 $0xFFFFFFFD, v12;
	v8 =	vld [tilespmem:s22+$0xFFFFFFB0];
	[tilespmem:s22+$0xFFFFFF70] =	vst v4;
	v4 =	vmul.f32 v57, v11  }
0x6f: {  	v12 =	vbroadcast v12, $0x0;
	[tilespmem:s22+$0xFFFFFF80] =	vst v7;
	v7 =	vld [tilespmem:s22+$0xFFFFFFF0]  }
0x70: {  	[tilespmem:s22+$0xFFFFFFA0] =	vst v4;
	v4 =	vmul.f32 v14, v5;
	v14 =	vld [tilespmem:s22+$0x50]  }
0x71: {  	[tilespmem:s22+$0xFFFFFF60] =	vst v6;
	v6 =	vmul.f32 v9, v11;
	v9 =	vld [tilespmem:s22+$0x10]  }
0x72: {  	[tilespmem:s22+$0xFFFFFFC0] =	vst v4;
	v4 =	vld [tilespmem:s22+$0x60]  }
0x73: {  	v10 =	vmul.f32 v10, v5;
	[tilespmem:s22+$0xFFFFFF90] =	vst v6;
	v6 =	vmul.f32 v8, v11;
	v8 =	vld [tilespmem:s22+$0x30]  }
0x74: {  	[tilespmem:s22+$0xFFFFFF50] =	vst v17;
	v11 =	vld [tilespmem:s22+$0x40]  }
0x75: {  	v60 =	vld.idx.msk [tilespmem:v12+s0+$0x0], $0xffff;
	v5 =	vmul.f32 v7, v5;
	[tilespmem:s22+$0xFFFFFFE0] =	vst v10  }
0x76: {  	v12 =	vld.idx.msk [tilespmem:v12+s21+$0x0], $0xffff;
	[tilespmem:s22+$0xFFFFFFB0] =	vst v6;
	v6 =	vmul.f32 v61, v15  }
0x77: {  	v10 =	vld [tilespmem:s22+$0x90];
	v7 =	vmul.f32 v9, v15;
	[tilespmem:s22+$0xFFFFFFF0] =	vst v5  }
0x78: {  	v9 =	vld [tilespmem:s22+$0x80];
	v5 =	vmul.f32 v62, v15;
	[tilespmem:s22+$0x0] =	vst v6  }
0x79: {  	v6 =	vld [tilespmem:s22+$0x70];
	v4 =	vmul.f32 v4, v13;
	[tilespmem:s22+$0x10] =	vst v7  }
0x7a: {  	v7 =	vmul.f32 v8, v15;
	v8 =	vld [tilespmem:s22+$0xA0];
	[tilespmem:s22+$0x20] =	vst v5  }
0x7b: {  	v5 =	vmul.f32 v11, v13;
	v11 =	vld [tilespmem:s22+$0xB0];
	[tilespmem:s22+$0x60] =	vst v4  }
0x7c: {  	v15 =	vld.idx.msk [tilespmem:v2+s21+$0x0], $0xffff;
	[tilespmem:s22+$0x30] =	vst v7;
	v7 =	vmul.f32 v14, v13  }
0x7d: {  	v14 =	vld [tilespmem:s22+$0xC0];
	[tilespmem:s22+$0x40] =	vst v5;
	v5 =	vmul.f32 v9, v60  }
0x7e: {  	v9 =	vld [tilespmem:s22+$0xD0];
	[tilespmem:s22+$0x50] =	vst v7;
	v2 =	vmul.f32 v6, v13  }
0x7f: {  	v4 =	vmul.f32 v10, v60;
	v7 =	vld [tilespmem:s22+$0xE0];
	[tilespmem:s22+$0x80] =	vst v5  }
0x80: {  	v5 =	vld [tilespmem:s22+$0xF0];
	[tilespmem:s22+$0x70] =	vst v2;
	v2 =	vmul.f32 v8, v60  }
0x81: {  	[tilespmem:s22+$0x90] =	vst v4;
	v6 =	vld [tilespmem:s22+$0x100];
	v4 =	vmul.f32 v11, v60  }
0x82: {  	v8 =	vld [tilespmem:s22+$0x110];
	[tilespmem:s22+$0xA0] =	vst v2;
	v2 =	vmul.f32 v14, v12  }
0x83: {  	v10 =	vld [tilespmem:s22+$0x120];
	[tilespmem:s22+$0xB0] =	vst v4;
	v4 =	vmul.f32 v9, v12  }
0x84: {  	v9 =	vld [tilespmem:s22+$0x130];
	[tilespmem:s22+$0xC0] =	vst v2;
	v2 =	vmul.f32 v7, v12  }
0x85: {  	v7 =	vld [tilespmem:s22+$0x140];
	[tilespmem:s22+$0xD0] =	vst v4;
	v4 =	vmul.f32 v5, v12  }
0x86: {  	v5 =	vld [tilespmem:s22+$0x150];
	[tilespmem:s22+$0xE0] =	vst v2;
	v2 =	vmul.f32 v6, v3  }
0x87: {  	v6 =	vld [tilespmem:s22+$0x160];
	[tilespmem:s22+$0xF0] =	vst v4;
	v4 =	vmul.f32 v8, v3  }
0x88: {  	v8 =	vld [tilespmem:s22+$0x180];
	[tilespmem:s22+$0x100] =	vst v2;
	v2 =	vmul.f32 v10, v3  }
0x89: {  	v10 =	vld [tilespmem:s22+$0x190];
	[tilespmem:s22+$0x110] =	vst v4;
	v3 =	vmul.f32 v9, v3  }
0x8a: {  	s24 =	simm.s32 $0x8;
	v4 =	vld [tilespmem:s22+$0x1A0];
	[tilespmem:s22+$0x120] =	vst v2;
	v2 =	vmul.f32 v7, v0  }
0x8b: {  	s12 =	simm.s32 $0xF;
	v9 =	vmov s24;
	[tilespmem:s22+$0x130] =	vst v3;
	v3 =	vmul.f32 v5, v0  }
0x8c: {  	v11 =	vmov s12;
	s24 =	simm.s32 $0x9;
	v9 =	vand.u32 $0xFFFFFFF8, v9;
	v5 =	vld [tilespmem:s22+$0x1C0];
	v0 =	vmul.f32 v6, v0;
	[tilespmem:s22+$0x140] =	vst v2  }
0x8d: {  	v12 =	vmov s24;
	v7 =	vld [tilespmem:s22+$0x1B0];
	v9 =	vbroadcast v9, $0x0;
	v2 =	vmul.f32 v8, v1;
	[tilespmem:s22+$0x150] =	vst v3  }
0x8e: {  	s12 =	simm.s32 $0xA;
	v6 =	vand.u32 $0xFFFFFFF9, v12;
	v12 =	vld [tilespmem:s22+$0x1E0];
	v3 =	vmul.f32 v10, v1;
	[tilespmem:s22+$0x160] =	vst v0  }
0x8f: {  	v8 =	vld [tilespmem:s22+$0x1D0];
	v6 =	vbroadcast v6, $0x0;
	v4 =	vmul.f32 v4, v1;
	[tilespmem:s22+$0x180] =	vst v2;
	v2 =	vmov s12  }
0x90: {  	s24 =	simm.s32 $0xB;
	v10 =	vld [tilespmem:s22+$0x1F0];
	[tilespmem:s22+$0x190] =	vst v3;
	v3 =	vand.u32 $0xFFFFFFFA, v2  }
0x91: {  	v0 =	vld.idx.msk [tilespmem:v11+s0+$0x0], $0xffff;
	[tilespmem:s22+$0x1A0] =	vst v4;
	v4 =	vmul.f32 v5, v15;
	v5 =	vmov s24;
	v3 =	vbroadcast v3, $0x0  }
0x92: {  	[tilespmem:s22+$0xFFFFFEE0] =	vst v18;
	s12 =	simm.s32 $0xC;
	v1 =	vmul.f32 v7, v1;
	v2 =	vld.idx.msk [tilespmem:v11+s21+$0x0], $0xffff;
	v5 =	vand.u32 $0xFFFFFFFB, v5  }
0x93: {  	v7 =	vmov s12;
	v13 =	vld.idx.msk [tilespmem:v9+s0+$0x0], $0xffff;
	v12 =	vmul.f32 v12, v15;
	[tilespmem:s22+$0x1C0] =	vst v4;
	v4 =	vbroadcast v5, $0x0  }
0x94: {  	s24 =	simm.s32 $0xD;
	v11 =	vld.idx.msk [tilespmem:v9+s21+$0x0], $0xffff;
	[tilespmem:s22+$0x1B0] =	vst v1;
	v1 =	vmul.f32 v8, v15;
	v5 =	vand.u32 $0xFFFFFFFC, v7  }
0x95: {  	v7 =	vmov s24;
	v8 =	vld.idx.msk [tilespmem:v6+s0+$0x0], $0xffff;
	v5 =	vbroadcast v5, $0x0;
	v9 =	vmul.f32 v10, v15;
	[tilespmem:s22+$0x1E0] =	vst v12  }
0x96: {  	s7 =	simm.s32 $0xE;
	s23 =	sor.u32 $0x2D00, s23;
	s24 =	simm.s32 $0x10;
	v6 =	vld.idx.msk [tilespmem:v6+s21+$0x0], $0xffff;
	[tilespmem:s22+$0x1D0] =	vst v1;
	v1 =	vand.u32 $0xFFFFFFFD, v7  }
.LBB2_5:
0x97: {  	p1 =	slt.u32 s24, $0x78;
	v14 =	vld.idx.msk [tilespmem:v3+s0+$0x0], $0xffff;
	v15 =	vbroadcast v1, $0x0;
	v7 =	vmov s7;
	[tilespmem:s22+$0x1F0] =	vst v9  }
0x98: {  	v1 =	vmov v2;
	v16 =	vld.idx.msk [tilespmem:v3+s21+$0x0], $0xffff;
	v3 =	vand.u32 $0xFFFFFFFE, v7  }
0x99: {  	v12 =	vld.idx.msk [tilespmem:v4+s0+$0x0], $0xffff;
	v17 =	vbroadcast v3, $0x0  }
0x9a: {  	v10 =	vld.idx.msk [tilespmem:v4+s21+$0x0], $0xffff  }
0x9b: {  	v9 =	vld.idx.msk [tilespmem:v5+s0+$0x0], $0xffff  }
0x9c: {  	v7 =	vld.idx.msk [tilespmem:v5+s21+$0x0], $0xffff  }
0x9d: {  	v5 =	vld.idx.msk [tilespmem:v15+s0+$0x0], $0xffff  }
0x9e: {  	v3 =	vld.idx.msk [tilespmem:v15+s21+$0x0], $0xffff  }
0x9f: {  	s22 =	sadd.s32 $0x400, s22;
	v2 =	vld.idx.msk [tilespmem:v17+s21+$0x0], $0xffff  }
0xa0: {  	v4 =	vld [tilespmem:s22+$0x170]  }
0xa1: {  	v15 =	vld [tilespmem:s22+$0xFFFFFE00]  }
0xa2: {  	v18 =	vld [tilespmem:s22+$0xFFFFFE10]  }
0xa3: {  	v19 =	vld [tilespmem:s22+$0xFFFFFE20]  }
0xa4: {  	v20 =	vld [tilespmem:s22+$0xFFFFFE30]  }
0xa5: {  	v21 =	vld [tilespmem:s22+$0xFFFFFE40];
	v22 =	vmul.f32 v4, v2  }
0xa6: {  	v15 =	vmul.f32 v15, v13;
	v23 =	vld [tilespmem:s22+$0xFFFFFE50]  }
0xa7: {  	v18 =	vmul.f32 v18, v13;
	v4 =	vld.idx.msk [tilespmem:v17+s0+$0x0], $0xffff;
	[tilespmem:s22+$0x170] =	vst v22  }
0xa8: {  	[tilespmem:s22+$0xFFFFFE00] =	vst v15;
	v15 =	vmul.f32 v19, v13;
	v17 =	vld [tilespmem:s22+$0xFFFFFE60]  }
0xa9: {  	[tilespmem:s22+$0xFFFFFE10] =	vst v18;
	v13 =	vmul.f32 v20, v13;
	v18 =	vld [tilespmem:s22+$0xFFFFFE70]  }
0xaa: {  	[tilespmem:s22+$0xFFFFFE20] =	vst v15;
	v15 =	vmul.f32 v21, v11;
	v19 =	vld [tilespmem:s22+$0xFFFFFE80]  }
0xab: {  	[tilespmem:s22+$0xFFFFFE30] =	vst v13;
	v13 =	vmul.f32 v23, v11;
	v20 =	vld [tilespmem:s22+$0xFFFFFE90]  }
0xac: {  	[tilespmem:s22+$0xFFFFFE40] =	vst v15;
	v15 =	vld [tilespmem:s22+$0xFFFFFEA0]  }
0xad: {  	[tilespmem:s22+$0xFFFFFE50] =	vst v13;
	v13 =	vmul.f32 v17, v11;
	v17 =	vld [tilespmem:s22+$0xFFFFFEB0]  }
0xae: {  	v11 =	vmul.f32 v18, v11;
	v18 =	vld [tilespmem:s22+$0xFFFFFEC0]  }
0xaf: {  	[tilespmem:s22+$0xFFFFFE60] =	vst v13;
	v13 =	vmul.f32 v19, v8;
	v19 =	vld [tilespmem:s22+$0xFFFFFED0]  }
0xb0: {  	[tilespmem:s22+$0xFFFFFE70] =	vst v11;
	v11 =	vmul.f32 v20, v8;
	v20 =	vld [tilespmem:s22+$0xFFFFFEE0]  }
0xb1: {  	[tilespmem:s22+$0xFFFFFE80] =	vst v13;
	v13 =	vmul.f32 v15, v8;
	v15 =	vld [tilespmem:s22+$0xFFFFFEF0]  }
0xb2: {  	[tilespmem:s22+$0xFFFFFE90] =	vst v11;
	v8 =	vmul.f32 v17, v8;
	v11 =	vld [tilespmem:s22+$0xFFFFFF00]  }
0xb3: {  	[tilespmem:s22+$0xFFFFFEA0] =	vst v13;
	v13 =	vmul.f32 v18, v6;
	v17 =	vld [tilespmem:s22+$0xFFFFFF10]  }
0xb4: {  	[tilespmem:s22+$0xFFFFFEB0] =	vst v8;
	v8 =	vmul.f32 v19, v6;
	v18 =	vld [tilespmem:s22+$0xFFFFFF20]  }
0xb5: {  	[tilespmem:s22+$0xFFFFFEC0] =	vst v13;
	v13 =	vmul.f32 v20, v6;
	v19 =	vld [tilespmem:s22+$0xFFFFFF30]  }
0xb6: {  	[tilespmem:s22+$0xFFFFFED0] =	vst v8;
	v6 =	vmul.f32 v15, v6;
	v8 =	vld [tilespmem:s22+$0xFFFFFF40]  }
0xb7: {  	[tilespmem:s22+$0xFFFFFEE0] =	vst v13;
	v11 =	vmul.f32 v11, v14;
	v13 =	vld [tilespmem:s22+$0xFFFFFF50]  }
0xb8: {  	[tilespmem:s22+$0xFFFFFEF0] =	vst v6;
	v6 =	vmul.f32 v17, v14;
	v15 =	vld [tilespmem:s22+$0xFFFFFF60]  }
0xb9: {  	[tilespmem:s22+$0xFFFFFF00] =	vst v11;
	v11 =	vmul.f32 v18, v14;
	v17 =	vld [tilespmem:s22+$0xFFFFFF70]  }
0xba: {  	[tilespmem:s22+$0xFFFFFF10] =	vst v6;
	v6 =	vmul.f32 v19, v14;
	v14 =	vld [tilespmem:s22+$0xFFFFFF80]  }
0xbb: {  	[tilespmem:s22+$0xFFFFFF20] =	vst v11;
	v8 =	vmul.f32 v8, v16;
	v11 =	vld [tilespmem:s22+$0xFFFFFF90]  }
0xbc: {  	[tilespmem:s22+$0xFFFFFF30] =	vst v6;
	v6 =	vmul.f32 v13, v16;
	v13 =	vld [tilespmem:s22+$0xFFFFFFA0]  }
0xbd: {  	[tilespmem:s22+$0xFFFFFF40] =	vst v8;
	v8 =	vmul.f32 v15, v16;
	v15 =	vld [tilespmem:s22+$0xFFFFFFB0]  }
0xbe: {  	[tilespmem:s22+$0xFFFFFF50] =	vst v6;
	v6 =	vmul.f32 v17, v16;
	v16 =	vld [tilespmem:s22+$0xFFFFFFC0]  }
0xbf: {  	[tilespmem:s22+$0xFFFFFF60] =	vst v8;
	v8 =	vmul.f32 v14, v12;
	v14 =	vld [tilespmem:s22+$0xFFFFFFD0]  }
0xc0: {  	[tilespmem:s22+$0xFFFFFF70] =	vst v6;
	v6 =	vmul.f32 v11, v12;
	v11 =	vld [tilespmem:s22+$0xFFFFFFE0]  }
0xc1: {  	[tilespmem:s22+$0xFFFFFF80] =	vst v8;
	v8 =	vmul.f32 v13, v12;
	v13 =	vld [tilespmem:s22+$0xFFFFFFF0]  }
0xc2: {  	[tilespmem:s22+$0xFFFFFF90] =	vst v6;
	v6 =	vmul.f32 v15, v12;
	v12 =	vld [tilespmem:s22+$0x0]  }
0xc3: {  	[tilespmem:s22+$0xFFFFFFA0] =	vst v8;
	v8 =	vmul.f32 v16, v10;
	v15 =	vld [tilespmem:s22+$0x10]  }
0xc4: {  	[tilespmem:s22+$0xFFFFFFB0] =	vst v6;
	v6 =	vmul.f32 v14, v10;
	v14 =	vld [tilespmem:s22+$0x20]  }
0xc5: {  	[tilespmem:s22+$0xFFFFFFC0] =	vst v8;
	v8 =	vmul.f32 v11, v10;
	v11 =	vld [tilespmem:s22+$0x30]  }
0xc6: {  	[tilespmem:s22+$0xFFFFFFD0] =	vst v6;
	v6 =	vmul.f32 v13, v10;
	v10 =	vld [tilespmem:s22+$0x40]  }
0xc7: {  	[tilespmem:s22+$0xFFFFFFE0] =	vst v8;
	v8 =	vmul.f32 v12, v9;
	v12 =	vld [tilespmem:s22+$0x50]  }
0xc8: {  	[tilespmem:s22+$0xFFFFFFF0] =	vst v6;
	v6 =	vmul.f32 v15, v9;
	v13 =	vld [tilespmem:s22+$0x60]  }
0xc9: {  	[tilespmem:s22+$0x0] =	vst v8;
	v8 =	vmul.f32 v14, v9;
	v14 =	vld [tilespmem:s22+$0x70]  }
0xca: {  	[tilespmem:s22+$0x10] =	vst v6;
	v6 =	vmul.f32 v11, v9;
	v9 =	vld [tilespmem:s22+$0x80]  }
0xcb: {  	[tilespmem:s22+$0x20] =	vst v8;
	v8 =	vmul.f32 v10, v7;
	v10 =	vld [tilespmem:s22+$0x90]  }
0xcc: {  	[tilespmem:s22+$0x30] =	vst v6;
	v6 =	vmul.f32 v12, v7;
	v11 =	vld [tilespmem:s22+$0xA0]  }
0xcd: {  	[tilespmem:s22+$0x40] =	vst v8;
	v8 =	vmul.f32 v13, v7;
	v12 =	vld [tilespmem:s22+$0xB0]  }
0xce: {  	[tilespmem:s22+$0x50] =	vst v6;
	v6 =	vmul.f32 v14, v7;
	v7 =	vld [tilespmem:s22+$0xC0]  }
0xcf: {  	[tilespmem:s22+$0x60] =	vst v8;
	v8 =	vmul.f32 v9, v5;
	v9 =	vld [tilespmem:s22+$0xD0]  }
0xd0: {  	[tilespmem:s22+$0x70] =	vst v6;
	v6 =	vmul.f32 v10, v5;
	v10 =	vld [tilespmem:s22+$0xE0]  }
0xd1: {  	[tilespmem:s22+$0x80] =	vst v8;
	v8 =	vmul.f32 v11, v5;
	v11 =	vld [tilespmem:s22+$0xF0]  }
0xd2: {  	[tilespmem:s22+$0x90] =	vst v6;
	v5 =	vmul.f32 v12, v5;
	v6 =	vld [tilespmem:s22+$0x100]  }
0xd3: {  	[tilespmem:s22+$0xA0] =	vst v8;
	v7 =	vmul.f32 v7, v3;
	v8 =	vld [tilespmem:s22+$0x110]  }
0xd4: {  	[tilespmem:s22+$0xB0] =	vst v5;
	v5 =	vmul.f32 v9, v3;
	v9 =	vld [tilespmem:s22+$0x120]  }
0xd5: {  	[tilespmem:s22+$0xC0] =	vst v7;
	v7 =	vmul.f32 v10, v3;
	v10 =	vld [tilespmem:s22+$0x130]  }
0xd6: {  	[tilespmem:s22+$0xD0] =	vst v5;
	v3 =	vmul.f32 v11, v3;
	v5 =	vld [tilespmem:s22+$0x140]  }
0xd7: {  	[tilespmem:s22+$0xE0] =	vst v7;
	v6 =	vmul.f32 v6, v4;
	v7 =	vld [tilespmem:s22+$0x150]  }
0xd8: {  	[tilespmem:s22+$0xF0] =	vst v3;
	v3 =	vmul.f32 v8, v4;
	v8 =	vld [tilespmem:s22+$0x160]  }
0xd9: {  	[tilespmem:s22+$0x100] =	vst v6;
	v6 =	vmul.f32 v9, v4;
	v9 =	vld [tilespmem:s22+$0x180]  }
0xda: {  	[tilespmem:s22+$0x110] =	vst v3;
	v3 =	vmul.f32 v10, v4;
	v4 =	vld [tilespmem:s22+$0x190]  }
0xdb: {  	s7 =	sadd.s32 $0x7, s24;
	v10 =	vmov s24;
	[tilespmem:s22+$0x120] =	vst v6;
	v5 =	vmul.f32 v5, v2;
	v6 =	vld [tilespmem:s22+$0x1A0]  }
0xdc: {  	s12 =	sadd.s32 $0x1, s24;
	v11 =	vmov s7;
	v10 =	vand.u32 $0xFFFFFFF8, v10;
	[tilespmem:s22+$0x130] =	vst v3;
	v3 =	vmul.f32 v7, v2;
	v7 =	vld [tilespmem:s22+$0x1B0]  }
0xdd: {  	v12 =	vmov s12;
	v10 =	vbroadcast v10, $0x0;
	[tilespmem:s22+$0x140] =	vst v5;
	v2 =	vmul.f32 v8, v2;
	v5 =	vld [tilespmem:s22+$0x1C0]  }
0xde: {  	s7 =	sadd.s32 $0x2, s24;
	v8 =	vand.u32 $0xFFFFFFF9, v12;
	[tilespmem:s22+$0x150] =	vst v3;
	v3 =	vmul.f32 v9, v0;
	v9 =	vld [tilespmem:s22+$0x1D0]  }
0xdf: {  	v12 =	vbroadcast v8, $0x0;
	v8 =	vmov s7;
	[tilespmem:s22+$0x160] =	vst v2;
	v2 =	vmul.f32 v4, v0;
	v14 =	vld [tilespmem:s22+$0x1E0]  }
0xe0: {  	s7 =	sadd.s32 $0x3, s24;
	v4 =	vand.u32 $0xFFFFFFFA, v8;
	[tilespmem:s22+$0x180] =	vst v3;
	v6 =	vmul.f32 v6, v0;
	v15 =	vld [tilespmem:s22+$0x1F0]  }
0xe1: {  	v3 =	vbroadcast v4, $0x0;
	v4 =	vmov s7;
	[tilespmem:s22+$0x190] =	vst v2;
	v7 =	vmul.f32 v7, v0;
	v0 =	vld.idx.msk [tilespmem:v11+s0+$0x0], $0xffff  }
.Ltmp1:
0xe2: {  	s7 =	sadd.s32 $0x4, s24;
	v4 =	vand.u32 $0xFFFFFFFB, v4;
	v2 =	vld.idx.msk [tilespmem:v11+s21+$0x0], $0xffff;
	[tilespmem:s22+$0x1A0] =	vst v6;
	v5 =	vmul.f32 v5, v1;
	(pc) =	sbr.rel @p1 .LBB2_5-.Ltmp1, $4  }
0xe3: {  	v4 =	vbroadcast v4, $0x0;
	v6 =	vmov s7;
	v13 =	vld.idx.msk [tilespmem:v10+s0+$0x0], $0xffff;
	[tilespmem:s22+$0x1B0] =	vst v7;
	v7 =	vmul.f32 v9, v1  }
0xe4: {  	s7 =	sadd.s32 $0x5, s24;
	v6 =	vand.u32 $0xFFFFFFFC, v6;
	v11 =	vld.idx.msk [tilespmem:v10+s21+$0x0], $0xffff;
	[tilespmem:s22+$0x1C0] =	vst v5;
	v10 =	vmul.f32 v14, v1  }
0xe5: {  	v5 =	vbroadcast v6, $0x0;
	v14 =	vmov s7;
	v8 =	vld.idx.msk [tilespmem:v12+s0+$0x0], $0xffff;
	[tilespmem:s22+$0x1D0] =	vst v7;
	v9 =	vmul.f32 v15, v1  }
0xe6: {  	s7 =	sadd.s32 $0x6, s24;
	s24 =	sadd.s32 $0x8, s24;
	v1 =	vand.u32 $0xFFFFFFFD, v14;
	v6 =	vld.idx.msk [tilespmem:v12+s21+$0x0], $0xffff;
	[tilespmem:s22+$0x1E0] =	vst v10  }
0xe7: {  	_ =	sdelay $0x3  }
0xe8: {  	v10 =	vld.idx.msk [tilespmem:v3+s0+$0x0], $0xffff  }
0xe9: {  	v12 =	vld.idx.msk [tilespmem:v3+s21+$0x0], $0xffff  }
0xea: {  	v14 =	vld.idx.msk [tilespmem:v4+s0+$0x0], $0xffff  }
0xeb: {  	v16 =	vld.idx.msk [tilespmem:v4+s21+$0x0], $0xffff  }
0xec: {  	v7 =	vmov s7;
	v17 =	vld.idx.msk [tilespmem:v5+s0+$0x0], $0xffff  }
0xed: {  	s12 =	sadd.s32 $0x400, s22;
	v39 =	vand.u32 $0xFFFFFFFE, v7;
	v7 =	vld.idx.msk [tilespmem:v5+s21+$0x0], $0xffff  }
0xee: {  	v40 =	vld [tilespmem:s12+$0x170]  }
0xef: {  	v18 =	vld [tilespmem:s12+$0xFFFFFE00]  }
0xf0: {  	v19 =	vld [tilespmem:s12+$0xFFFFFE10]  }
0xf1: {  	v20 =	vld [tilespmem:s12+$0xFFFFFE20]  }
0xf2: {  	v21 =	vld [tilespmem:s12+$0xFFFFFE30]  }
0xf3: {  	v22 =	vld [tilespmem:s12+$0xFFFFFE40]  }
0xf4: {  	v24 =	vld [tilespmem:s12+$0xFFFFFE50]  }
0xf5: {  	v43 =	vld [tilespmem:s12+$0xFFFFFE60]  }
0xf6: {  	v45 =	vld [tilespmem:s12+$0xFFFFFE70]  }
0xf7: {  	v47 =	vld [tilespmem:s12+$0xFFFFFE80];
	v41 =	vmul.f32 v18, v13  }
0xf8: {  	[tilespmem:s22+$0x1F0] =	vst v9;
	v49 =	vld [tilespmem:s12+$0xFFFFFE90];
	v42 =	vmul.f32 v19, v13  }
0xf9: {  	v51 =	vld [tilespmem:s12+$0xFFFFFEA0];
	v44 =	vmul.f32 v20, v13;
	[tilespmem:s12+$0xFFFFFE00] =	vst v41  }
0xfa: {  	v53 =	vld [tilespmem:s12+$0xFFFFFEB0];
	v46 =	vmul.f32 v21, v13;
	[tilespmem:s12+$0xFFFFFE10] =	vst v42  }
0xfb: {  	v55 =	vld [tilespmem:s12+$0xFFFFFEC0];
	v48 =	vmul.f32 v22, v11;
	[tilespmem:s12+$0xFFFFFE20] =	vst v44  }
0xfc: {  	v59 =	vld [tilespmem:s12+$0xFFFFFEE0];
	v50 =	vmul.f32 v24, v11;
	[tilespmem:s12+$0xFFFFFE30] =	vst v46  }
0xfd: {  	v61 =	vld [tilespmem:s12+$0xFFFFFEF0];
	v52 =	vmul.f32 v43, v11;
	[tilespmem:s12+$0xFFFFFE40] =	vst v48  }
0xfe: {  	v63 =	vld [tilespmem:s12+$0xFFFFFF00];
	v54 =	vmul.f32 v45, v11;
	[tilespmem:s12+$0xFFFFFE50] =	vst v50  }
0xff: {  	v26 =	vld [tilespmem:s12+$0xFFFFFF30];
	v56 =	vmul.f32 v47, v8;
	[tilespmem:s12+$0xFFFFFE60] =	vst v52  }
0x100: {  	v28 =	vld [tilespmem:s12+$0xFFFFFF40];
	v58 =	vmul.f32 v49, v8;
	[tilespmem:s12+$0xFFFFFE70] =	vst v54  }
0x101: {  	v1 =	vbroadcast v1, $0x0;
	v30 =	vld [tilespmem:s12+$0xFFFFFF50];
	v60 =	vmul.f32 v51, v8;
	[tilespmem:s12+$0xFFFFFE80] =	vst v56  }
0x102: {  	v32 =	vld [tilespmem:s12+$0xFFFFFF60];
	v62 =	vmul.f32 v53, v8;
	[tilespmem:s12+$0xFFFFFE90] =	vst v58  }
0x103: {  	v34 =	vld [tilespmem:s12+$0xFFFFFF70];
	v21 =	vmul.f32 v55, v6;
	[tilespmem:s12+$0xFFFFFEA0] =	vst v60  }
0x104: {  	v36 =	vld [tilespmem:s12+$0xFFFFFF80];
	v25 =	vmul.f32 v59, v6;
	[tilespmem:s12+$0xFFFFFEB0] =	vst v62  }
0x105: {  	v37 =	vld [tilespmem:s12+$0xFFFFFF90];
	v27 =	vmul.f32 v61, v6;
	[tilespmem:s12+$0xFFFFFEC0] =	vst v21  }
0x106: {  	v15 =	vbroadcast v39, $0x0;
	v39 =	vld [tilespmem:s12+$0xFFFFFFA0];
	v29 =	vmul.f32 v63, v10;
	[tilespmem:s12+$0xFFFFFEE0] =	vst v25  }
0x107: {  	v5 =	vld.idx.msk [tilespmem:v1+s0+$0x0], $0xffff;
	v35 =	vmul.f32 v26, v10;
	[tilespmem:s12+$0xFFFFFEF0] =	vst v27  }
0x108: {  	v3 =	vld.idx.msk [tilespmem:v1+s21+$0x0], $0xffff;
	v8 =	vmul.f32 v28, v12;
	[tilespmem:s12+$0xFFFFFF00] =	vst v29  }
0x109: {  	v22 =	vld [tilespmem:s12+$0xFFFFFF10];
	v38 =	vmul.f32 v30, v12;
	[tilespmem:s12+$0xFFFFFF30] =	vst v35  }
0x10a: {  	v24 =	vld [tilespmem:s12+$0xFFFFFF20];
	[tilespmem:s12+$0xFFFFFF40] =	vst v8;
	v42 =	vmul.f32 v34, v12  }
0x10b: {  	v43 =	vld [tilespmem:s12+$0xFFFFFFC0];
	[tilespmem:s12+$0xFFFFFF50] =	vst v38;
	v44 =	vmul.f32 v36, v14  }
0x10c: {  	v45 =	vld [tilespmem:s12+$0xFFFFFFD0];
	v46 =	vmul.f32 v37, v14;
	[tilespmem:s12+$0xFFFFFF70] =	vst v42  }
0x10d: {  	v47 =	vld [tilespmem:s12+$0xFFFFFFE0];
	v48 =	vmul.f32 v39, v14;
	[tilespmem:s12+$0xFFFFFF80] =	vst v44  }
0x10e: {  	v49 =	vld [tilespmem:s12+$0xFFFFFFF0];
	[tilespmem:s12+$0xFFFFFF90] =	vst v46;
	v31 =	vmul.f32 v22, v10  }
0x10f: {  	v51 =	vld [tilespmem:s12+$0x0];
	[tilespmem:s12+$0xFFFFFFA0] =	vst v48;
	v33 =	vmul.f32 v24, v10  }
0x110: {  	v53 =	vld [tilespmem:s12+$0x10];
	v52 =	vmul.f32 v43, v16;
	[tilespmem:s12+$0xFFFFFF10] =	vst v31  }
0x111: {  	v55 =	vld [tilespmem:s12+$0x20];
	v54 =	vmul.f32 v45, v16;
	[tilespmem:s12+$0xFFFFFF20] =	vst v33  }
0x112: {  	v59 =	vld [tilespmem:s12+$0x40];
	v56 =	vmul.f32 v47, v16;
	[tilespmem:s12+$0xFFFFFFC0] =	vst v52  }
0x113: {  	v63 =	vld [tilespmem:s12+$0x60];
	v58 =	vmul.f32 v49, v16;
	[tilespmem:s12+$0xFFFFFFD0] =	vst v54  }
0x114: {  	v18 =	vld [tilespmem:s12+$0x70];
	v60 =	vmul.f32 v51, v17;
	[tilespmem:s12+$0xFFFFFFE0] =	vst v56  }
0x115: {  	v20 =	vld [tilespmem:s12+$0x80];
	v62 =	vmul.f32 v53, v17;
	[tilespmem:s12+$0xFFFFFFF0] =	vst v58  }
0x116: {  	v30 =	vld [tilespmem:s12+$0xD0];
	v16 =	vmul.f32 v55, v17;
	[tilespmem:s12+$0x0] =	vst v60  }
0x117: {  	v1 =	vld.idx.msk [tilespmem:v15+s21+$0x0], $0xffff;
	v21 =	vmul.f32 v59, v7;
	[tilespmem:s12+$0x10] =	vst v62  }
0x118: {  	v4 =	vld.idx.msk [tilespmem:v15+s0+$0x0], $0xffff;
	v25 =	vmul.f32 v63, v7;
	[tilespmem:s12+$0x20] =	vst v16  }
0x119: {  	v41 =	vld [tilespmem:s12+$0xFFFFFFB0];
	v27 =	vmul.f32 v18, v7;
	[tilespmem:s12+$0x40] =	vst v21  }
0x11a: {  	v36 =	vld [tilespmem:s12+$0x110];
	v29 =	vmul.f32 v20, v5;
	[tilespmem:s12+$0x60] =	vst v25  }
0x11b: {  	v38 =	vld [tilespmem:s12+$0x120];
	v37 =	vmul.f32 v30, v3;
	[tilespmem:s12+$0x70] =	vst v27  }
0x11c: {  	v57 =	vld [tilespmem:s12+$0xFFFFFED0];
	v23 =	vmul.f32 v40, v1;
	[tilespmem:s12+$0x80] =	vst v29  }
0x11d: {  	v35 =	vld [tilespmem:s12+$0x100];
	v40 =	vmul.f32 v32, v12;
	[tilespmem:s12+$0xD0] =	vst v37  }
0x11e: {  	v42 =	vld [tilespmem:s12+$0x150];
	v50 =	vmul.f32 v41, v14;
	[tilespmem:s12+$0x170] =	vst v23  }
0x11f: {  	v46 =	vld [tilespmem:s12+$0x180];
	v43 =	vmul.f32 v36, v4;
	[tilespmem:s12+$0xFFFFFF60] =	vst v40  }
0x120: {  	v48 =	vld [tilespmem:s12+$0x190];
	v45 =	vmul.f32 v38, v4;
	[tilespmem:s12+$0xFFFFFFB0] =	vst v50  }
0x121: {  	v22 =	vld [tilespmem:s12+$0x90];
	v23 =	vmul.f32 v57, v6;
	[tilespmem:s12+$0x110] =	vst v43  }
0x122: {  	v24 =	vld [tilespmem:s12+$0xA0];
	v6 =	vmul.f32 v35, v4;
	[tilespmem:s12+$0x120] =	vst v45  }
0x123: {  	v26 =	vld [tilespmem:s12+$0xB0];
	v50 =	vmul.f32 v42, v1;
	[tilespmem:s12+$0xFFFFFED0] =	vst v23  }
0x124: {  	v51 =	vld [tilespmem:s12+$0x1B0];
	v53 =	vmul.f32 v46, v0;
	[tilespmem:s12+$0x100] =	vst v6  }
0x125: {  	v61 =	vld [tilespmem:s12+$0x50];
	v55 =	vmul.f32 v48, v0;
	[tilespmem:s12+$0x150] =	vst v50  }
0x126: {  	v28 =	vld [tilespmem:s12+$0xC0];
	v31 =	vmul.f32 v22, v5;
	[tilespmem:s12+$0x180] =	vst v53  }
0x127: {  	v32 =	vld [tilespmem:s12+$0xE0];
	v33 =	vmul.f32 v24, v5;
	[tilespmem:s12+$0x190] =	vst v55  }
0x128: {  	v34 =	vld [tilespmem:s12+$0xF0];
	v5 =	vmul.f32 v26, v5;
	[tilespmem:s12+$0x90] =	vst v31  }
0x129: {  	v41 =	vld [tilespmem:s12+$0x140];
	v59 =	vmul.f32 v51, v0;
	[tilespmem:s12+$0xA0] =	vst v33  }
0x12a: {  	v44 =	vld [tilespmem:s12+$0x160];
	v23 =	vmul.f32 v61, v7;
	[tilespmem:s12+$0xB0] =	vst v5  }
0x12b: {  	v52 =	vld [tilespmem:s12+$0x1C0];
	v7 =	vmul.f32 v28, v3;
	[tilespmem:s12+$0x1B0] =	vst v59  }
0x12c: {  	v54 =	vld [tilespmem:s12+$0x1D0];
	v39 =	vmul.f32 v32, v3;
	[tilespmem:s12+$0x50] =	vst v23  }
0x12d: {  	v56 =	vld [tilespmem:s12+$0x1E0];
	v3 =	vmul.f32 v34, v3;
	[tilespmem:s12+$0xC0] =	vst v7  }
0x12e: {  	v58 =	vld [tilespmem:s12+$0x1F0];
	v5 =	vmul.f32 v41, v1;
	[tilespmem:s12+$0xE0] =	vst v39  }
0x12f: {  	v57 =	vld [tilespmem:s12+$0x30];
	v1 =	vmul.f32 v44, v1;
	[tilespmem:s12+$0xF0] =	vst v3  }
0x130: {  	v40 =	vld [tilespmem:s12+$0x130];
	v60 =	vmul.f32 v52, v2;
	[tilespmem:s12+$0x140] =	vst v5  }
0x131: {  	v49 =	vld [tilespmem:s12+$0x1A0];
	v61 =	vmul.f32 v54, v2;
	[tilespmem:s12+$0x160] =	vst v1  }
0x132: {  	v62 =	vmul.f32 v56, v2;
	[tilespmem:s12+$0x1C0] =	vst v60  }
0x133: {  	v63 =	vmul.f32 v58, v2;
	[tilespmem:s12+$0x1D0] =	vst v61  }
0x134: {  	v19 =	vmul.f32 v57, v17;
	[tilespmem:s12+$0x1E0] =	vst v62  }
0x135: {  	p1 =	slt.u32 s31, $0x54;
	v47 =	vmul.f32 v40, v4;
	[tilespmem:s12+$0x1F0] =	vst v63  }
.Ltmp2:
0x136: {  	v57 =	vmul.f32 v49, v0;
	[tilespmem:s12+$0x30] =	vst v19;
	(pc) =	sbr.rel @p1 .LBB2_2-.Ltmp2, $4  }
0x137: {  	s24 =	sshll.u32 s2, $0x7;
	[tilespmem:s12+$0x130] =	vst v47  }
0x138: {  	s0 =	sor.u32 $0x2A00, s24;
	[tilespmem:s12+$0x1A0] =	vst v57  }
0x139: {  	[spmem:s3] =	stream.indirect.scatter.add.f32 [tilespmem:s23], [sflag:$0x2], $0x80, s0, s20, $0xb8;
	[tilespmem:$0x1ED00] =	vst v63  }
0x13a: {  	s0 =	smov.u32 s31  }
0x13b: {  	_ =	swait.ge [sflag:s29], $0x4000  }
0x13c: {  	[sflag:s29] =	ssyncset.done $0x0  }
0x13d: {  	[sflag:s29] =	ssyncadd.s32 $0xFFFFC000  }
0x13e: {  	s0 =	simm.s32 @p0 $0x4;
	[bflag:$0x0] =	sbarrier.arrive $0xFFFF  }
0x13f: {  	[hbm:s16], [sflag:s11] =	dma.local @p0 [spmem:s25], $0x1900  }
0x140: {  	_ =	swait.ge @p0 [sflag:s0], $0x1900  }
0x141: {  	s30 =	sadd.s32 $0x1, s30;
	[sflag:s0] =	ssyncset.done @p0 $0x0  }
0x142: {  	p1 =	sne.s32 s30, s17;
	[sflag:s0] =	ssyncadd.s32 @p0 $0xFFFFE700;
	s0 =	sshrl.u32 @!p0 s10, $0x3  }
0x143: {  	[hbm:s15], [sflag:s11] =	dma.local @!p0 [spmem:s0], $0x2800  }
.Ltmp3:
0x144: {  	_ = 	snop;
	(pc) =	sbr.rel @p1 .LBB2_1-.Ltmp3, $4  }
0x145: {  	s0 =	simm.s32 @!p0 $0x4  }
0x146: {  	_ =	swait.ge @!p0 [sflag:s0], $0x2800  }
0x147: {  	[sflag:s0] =	ssyncset.done @!p0 $0x0  }
0x148: {  	[sflag:s0] =	ssyncadd.s32 @!p0 $0xFFFFD800  }
0x149: {  	_ =	sfence.sel $0x180000  }
0x14a: {  	[bflag:$0x0] =	sbarrier.arrive $0xFFFF  }
0x14b: {  	_ =	strace $0x9000004D  }
0x14c: {  	s0 =	stileid.u32;
	[bflag:$0x2] =	sbarrier.arrive $0xFFFF  }
0x14d: {  	p0 =	sne.s32 s0, $0x0;
	s0 =	rddreg [dreg:$0x3]  }
0x14e: {  	s0 =	sadd.s32 @!p0 $0x100000, s0  }
0x14f: {  	[sflag:s0] =	ssyncadd.tile.s32 @!p0 $0x1;
	_ =	shalt  }
.Lfunc_end2:
_tile_overlayer_lowered:
.L_overlay_start_2:
0x150: {  	(tag) =	ssettag $0x2  }
0x151: {  	s0 =	rddreg [dreg:$0x0];
	s2 =	stileid.u32  }
0x152: {  	s1 =	rddreg [dreg:$0x1];
	p0 =	sne.s32 s2, $0x0  }
0x153: {  	s3 =	rddreg [dreg:$0x2];
	[bflag:$0x3] =	sbarrier.arrive $0xFFFF;
	s2 =	simm.s32 @!p0 $0x1C04  }
0x154: {  	[timem:s3], [sflag:s2] =	dma.local @!p0 [hbm:s0], s1  }
0x155: {  	s0 =	simm.s32 @!p0 $0x4  }
0x156: {  	_ =	swait.ge @!p0 [sflag:s0], s1  }
0x157: {  	s1 =	ssub.s32 @!p0 $0x0, s1;
	[sflag:s0] =	ssyncset.done @!p0 $0x0  }
0x158: {  	[sflag:s0] =	ssyncadd.s32 @!p0 s1  }
0x159: {  	[bflag:$0x3] =	sbarrier.arrive $0xFFFF  }
0x15a: {  	_ =	shalt  }

// kernel: kernel.19.cloned.1.call-start
scs
__scs_entry_jumppad:
0x0: {  	(pc) =	sbr.rel $0x88, $3  }
0x1: {  	(tag) =	ssettag $0x0;
	lr =	simm.s32 $0x1  }
0x2: {  	[smem:$0x3F90] =	sst lr;
	_ =	strace $0xD0000000  }
0x3: {  	_ = 	snop  }
0x4: {  	_ = 	snop  }
0x5: {  	_ = 	snop  }
0x6: {  	_ = 	snop  }
0x7: {  	_ = 	snop  }
__scs_overlays_trampoline_lowered:
0x8: {  	[smem:$0x3F9F] =	sst s0  }
0x9: {  	[smem:$0x3FA0] =	sst s1  }
0xa: {  	[smem:$0x3FA1] =	sst s2  }
0xb: {  	[smem:$0x3FA2] =	sst s3  }
0xc: {  	[smem:$0x3FA3] =	sst s4  }
0xd: {  	[smem:$0x3FA4] =	sst s5  }
0xe: {  	[smem:$0x3FA5] =	sst s6  }
0xf: {  	[smem:$0x3FA6] =	sst s7  }
0x10: {  	[smem:$0x3FA7] =	sst s8  }
0x11: {  	[smem:$0x3FA8] =	sst s9;
	s0 =	simm.s32 @!p0 $0x0  }
0x12: {  	s1 =	sld [smem:$0x3F8E];
	s0 =	simm.s32 @p0 $0x1  }
0x13: {  	[smem:$0x3FA9] =	sst s0;
	s0 =	simm.s32 @!p1 $0x0  }
0x14: {  	s2 =	sld [smem:$0x3F8D];
	s0 =	simm.s32 @p1 $0x1  }
0x15: {  	[smem:$0x3FAA] =	sst s0;
	s0 =	simm.s32 @!p2 $0x0  }
0x16: {  	s3 =	sld [smem:$0x3FDB];
	s0 =	simm.s32 @p2 $0x1  }
0x17: {  	s4 =	simm.s32 $0x1BF5;
	[smem:$0x3FAC] =	sst s0  }
0x18: {  	s0 =	sld [smem:$0x3F8F];
	_ =	swait.ge [sflag:s4], $0x0  }
0x19: {  	s7 =	sld [smem:$0x3F90]  }
0x1a: {  	s8 =	sadd.s32 $0xFFFFE003, lr  }
0x1b: {  	s9 =	sadd.s32 $0xFFFFFEF7, lr;
	s5 =	simm.s32 $0xFFFFFFFF;
	p2 =	slt.u32 s8, $0xFFFFF086  }
0x1c: {  	p1 =	slt.u32 s9, $0xF7A;
	s5 =	simm.s32 @!p2 $0x0  }
0x1d: {  	s5 =	simm.s32 @p1 $0x1;
	p0 =	seq.s32 s7, s2  }
0x1e: {  	s7 =	smul.u32 @!p0 $0xF7A, s2;
	p2 =	seq.s32 @!p0 s5, $0x0  }
0x1f: {  	s9 =	smul.u32 $0xF7A, s1;
	s8 =	simm.s32 @!p0 $0x1BF5;
	p2 =	por !p2, p0  }
0x20: {  	[sflag:s8] =	ssyncset.s32 @!p0 $0xFFFFF086;
	s6 =	sadd.s32 @!p0 s3, s7;
	s7 =	simm.s32 @!p0 $0x108  }
0x21: {  	s3 =	sadd.s32 s3, s9;
	s6 =	sadd.s32 @!p0 $0x88, s6;
	s7 =	simm.s32 @p2 $0x1082  }
0x22: {  	[simem:s7], [sflag:s8] =	dma.local @!p0 [hbm:s6], $0xF7A  }
0x23: {  	s9 =	sor.u32 $0xD0000000, s2;
	s6 =	simm.s32 $0x108;
	_ =	swait.ge @!p0 [sflag:s8], $0x0  }
0x24: {  	s3 =	sadd.s32 $0x88, s3;
	s6 =	simm.s32 @!p1 $0x1082;
	[sflag:s4] =	ssyncset.s32 $0xFFFFF086  }
0x25: {  	[simem:s6], [sflag:s4] =	dma.local [hbm:s3], $0xF7A  }
0x26: {  	[smem:$0x3F90] =	sst s1;
	(tag) =	ssettag s2;
	_ =	strace s9  }
0x27: {  	s1 =	sld [smem:$0x3FA0]  }
0x28: {  	s2 =	sld [smem:$0x3FA1]  }
0x29: {  	s4 =	sld [smem:$0x3FA3]  }
0x2a: {  	p0 =	seq.s32 s5, $0x0;
	s5 =	sld [smem:$0x3FA4]  }
0x2b: {  	s6 =	sld [smem:$0x3FA5]  }
0x2c: {  	s7 =	sld [smem:$0x3FA6]  }
0x2d: {  	s3 =	simm.s32 $0x108;
	s8 =	sld [smem:$0x3FA7]  }
0x2e: {  	s3 =	simm.s32 @!p0 $0x1082;
	s9 =	sld [smem:$0x3FA8]  }
0x2f: {  	lr =	sadd.s32 s0, s3;
	s0 =	sld [smem:$0x3F9F]  }
0x30: {  	s3 =	sld [smem:$0x3FA2]  }
0x31: {  	[smem:$0x3FAB] =	sst s10  }
0x32: {  	s10 =	sld [smem:$0x3FA9];
	_ =	sdelay $0x3  }
0x33: {  	p0 =	seq.s32 s10, $0x1;
	s10 =	sld [smem:$0x3FAB];
	_ =	sdelay $0x3  }
0x34: {  	[smem:$0x3FAB] =	sst s10  }
0x35: {  	s10 =	sld [smem:$0x3FAA];
	_ =	sdelay $0x3  }
0x36: {  	p1 =	seq.s32 s10, $0x1;
	s10 =	sld [smem:$0x3FAB];
	_ =	sdelay $0x3  }
0x37: {  	[smem:$0x3FAB] =	sst s10  }
0x38: {  	s10 =	sld [smem:$0x3FAC]  }
0x39: {  	_ = 	snop;
	(pc) =	sbr.ind lr, $3  }
0x3a: {  	_ = 	snop  }
0x3b: {  	_ = 	snop  }
0x3c: {  	p2 =	seq.s32 s10, $0x1;
	s10 =	sld [smem:$0x3FAB]  }
0x3d: {  	_ =	shalt  }
0x3e: {  	_ =	shalt  }
0x3f: {  	_ =	shalt  }
0x40: {  	_ =	shalt  }
0x41: {  	_ =	shalt  }
0x42: {  	_ =	shalt  }
0x43: {  	_ =	shalt  }
0x44: {  	_ =	shalt  }
0x45: {  	_ =	shalt  }
0x46: {  	_ =	shalt  }
0x47: {  	_ =	shalt  }
0x48: {  	_ =	shalt  }
0x49: {  	_ =	shalt  }
0x4a: {  	_ =	shalt  }
0x4b: {  	_ =	shalt  }
0x4c: {  	_ =	shalt  }
0x4d: {  	_ =	shalt  }
0x4e: {  	_ =	shalt  }
0x4f: {  	_ =	shalt  }
0x50: {  	_ =	shalt  }
0x51: {  	_ =	shalt  }
0x52: {  	_ =	shalt  }
0x53: {  	_ =	shalt  }
0x54: {  	_ =	shalt  }
0x55: {  	_ =	shalt  }
0x56: {  	_ =	shalt  }
0x57: {  	_ =	shalt  }
0x58: {  	_ =	shalt  }
0x59: {  	_ =	shalt  }
0x5a: {  	_ =	shalt  }
0x5b: {  	_ =	shalt  }
0x5c: {  	_ =	shalt  }
0x5d: {  	_ =	shalt  }
0x5e: {  	_ =	shalt  }
0x5f: {  	_ =	shalt  }
0x60: {  	_ =	shalt  }
0x61: {  	_ =	shalt  }
0x62: {  	_ =	shalt  }
0x63: {  	_ =	shalt  }
0x64: {  	_ =	shalt  }
0x65: {  	_ =	shalt  }
0x66: {  	_ =	shalt  }
0x67: {  	_ =	shalt  }
0x68: {  	_ =	shalt  }
0x69: {  	_ =	shalt  }
0x6a: {  	_ =	shalt  }
0x6b: {  	_ =	shalt  }
0x6c: {  	_ =	shalt  }
0x6d: {  	_ =	shalt  }
0x6e: {  	_ =	shalt  }
0x6f: {  	_ =	shalt  }
0x70: {  	_ =	shalt  }
0x71: {  	_ =	shalt  }
0x72: {  	_ =	shalt  }
0x73: {  	_ =	shalt  }
0x74: {  	_ =	shalt  }
0x75: {  	_ =	shalt  }
0x76: {  	_ =	shalt  }
0x77: {  	_ =	shalt  }
0x78: {  	_ =	shalt  }
0x79: {  	_ =	shalt  }
0x7a: {  	_ =	shalt  }
0x7b: {  	_ =	shalt  }
0x7c: {  	_ =	shalt  }
0x7d: {  	_ =	shalt  }
0x7e: {  	_ =	shalt  }
0x7f: {  	_ =	shalt  }
0x80: {  	_ =	shalt  }
0x81: {  	_ =	shalt  }
0x82: {  	_ =	shalt  }
0x83: {  	_ =	shalt  }
0x84: {  	_ =	shalt  }
0x85: {  	_ =	shalt  }
0x86: {  	_ =	shalt  }
0x87: {  	_ =	shalt  }
.Lfunc_end0:
.L_simem_size_0:
called_computation.3_lowered:
.L_overlay_start_0:
0x88: {  	s2 =	sld [smem:$0x3FD9]  }
0x89: {  	s3 =	sld [smem:$0x3FFE];
	_ =	sdelay $0x1  }
0x8a: {  	s1 =	srdreg.scid  }
0x8b: {  	s0 =	sand.u32 $0x1, s1  }
0x8c: {  	s16 =	sshll.u32 s0, $0xA;
	s2 =	sadd.s32 s3, s2  }
0x8d: {  	s2 =	sadd.s32 s2, s16  }
0x8e: {  	[smem:$0x3FB7] =	sst s2  }
0x8f: {  	_ = 	snop  }
0x90: {  	(tm) =	ssettm $0x1  }
0x91: {  	s17 =	sld [smem:$0x3FFB];
	_ =	sdelay $0x3  }
0x92: {  	_ =	strace s17  }
0x93: {  	s2 =	sld [smem:$0x3FFC];
	_ =	sdelay $0x3  }
0x94: {  	_ =	strace s2  }
0x95: {  	s2 =	sld [smem:$0x3FFD];
	_ =	sdelay $0x3  }
0x96: {  	_ =	strace s2  }
0x97: {  	_ =	strace $0x8FFFFFFF  }
0x98: {  	s18 =	sld [smem:$0x3FDB];
	_ =	sdelay $0x1  }
0x99: {  	s19 =	simm.s32 $_scs_section_size  }
0x9a: {  	s4 =	simm.s32 $_size__tile_overlayer_lowered;
	s5 =	simm.s32 $_tile_overlayer_lowered  }
0x9b: {  	s22 =	simm.s32 $0x1BFF;
	s21 =	sshll.u32 s5, $0x1;
	s2 =	sadd.s32 s19, s18  }
0x9c: {  	s6 =	simm.s32 $0x0;
	s20 =	sshll.u32 s4, $0x1;
	s4 =	sadd.s32 s21, s2  }
0x9d: {  	[timem:s6], [sflag:s22] =	dma.local [hbm:s4], s20  }
0x9e: {  	_ =	swait.ge [sflag:s22], s20  }
0x9f: {  	s3 =	ssub.s32 $0x0, s20;
	[sflag:s22] =	ssyncset.done $0x0  }
0xa0: {  	[sflag:s22] =	ssyncadd.s32 s3;
	_ =	sdelay $0x1  }
0xa1: {  	s23 =	simm.s32 $0x1B8B  }
0xa2: {  	_ =	swait.ge [sflag:s23], $0x1  }
0xa3: {  	[sflag:s23] =	ssyncset.done $0x0  }
0xa4: {  	s25 =	simm.s32 $0x1B8E;
	s24 =	sld [smem:$0x3FFE];
	[sflag:s23] =	ssyncadd.s32 $0xFFFFFFFF  }
0xa5: {  	s26 =	simm.s32 $execute0_lowered;
	[smem:$0x3FD2] =	sst s25  }
0xa6: {  	s4 =	sshll.u32 s26, $0x1;
	_ =	strace $0x8000004F;
	[dreg:$0x1] =	wrdreg $0xFFFFFFFF  }
0xa7: {  	s28 =	simm.s32 $_size_execute0_lowered;
	s2 =	sadd.s32 s2, s4;
	[dreg:$0x0] =	wrdreg $0x0  }
0xa8: {  	s4 =	sshll.u32 s28, $0x1;
	[dreg:$0x2] =	wrdreg s2  }
0xa9: {  	[dreg:$0x3] =	wrdreg s4  }
0xaa: {  	[dreg:$0x4] =	wrdreg $0xC0  }
0xab: {  	_ =	task [dreg:s6], $0x5FFFF  }
0xac: {  	[dreg:$0x1] =	wrdreg $0xFFFFFFFF  }
0xad: {  	[dreg:$0x0] =	wrdreg $0x60  }
0xae: {  	[dreg:$0x2] =	wrdreg s24  }
0xaf: {  	[dreg:$0x3] =	wrdreg $0x9  }
0xb0: {  	_ =	task.clear_ibuf [dreg:s6], $0x4FFFF;
	_ =	strace $0x9000004F  }
0xb1: {  	s29 =	simm.s32 $0x9;
	_ =	strace $0x80000051  }
0xb2: {  	_ =	swait.ge [sflag:s29], $0x1  }
0xb3: {  	[sflag:s29] =	ssyncadd.s32 $0xFFFFFFFF  }
0xb4: {  	_ =	strace $0x90000051  }
0xb5: {  	_ =	sfence  }
0xb6: {  	s30 =	sld [smem:$0x0];
	_ =	sdelay $0x2  }
0xb7: {  	s31 =	sshll.u32 s1, $0xD;
	s1 =	sshrl.u32 s1, $0x2  }
0xb8: {  	s3 =	sand.u32 $0x4000, s31;
	s1 =	sadd.s32 s1, s30  }
0xb9: {  	s0 =	sor.u32 s3, s0;
	s1 =	sshll.u32 s1, $0x11  }
0xba: {  	s0 =	sor.u32 s1, s0  }
0xbb: {  	s0 =	sadd.s32 $0x8F2B, s0  }
0xbc: {  	[sflag:s0] =	ssyncadd.remote.s32 $0x1  }
0xbd: {  	_ =	sfence.sel $0xFFFF  }
0xbe: {  	[dreg:$0x0] =	wrdreg $0xFFFFFFFF;
	(pc) =	sbr.abs _section_cstart, $3  }
0xbf: {  	[dreg:$0x1] =	wrdreg $0xFFFFFFFF  }
0xc0: {  	_ =	task.clear_ibuf [dreg:s6], $0x2FFFF;
	_ =	strace $0x9FFFFFFF  }
0xc1: {  	(tm) =	ssettm $0x7FFFFFFF  }
tec
execute0_lowered:
.L_overlay_start_1:
0x0: {  	(tag) =	ssettag $0x1  }
0x1: {  	s1 =	srdreg.scid;
	s0 =	stileid.u32  }
0x2: {  	s4 =	rddreg [dreg:$0x0];
	s2 =	simm.s32 $0x0;
	s13 =	simm.s32 $0x1  }
0x3: {  	s14 =	simm.s32 $0x14480;
	s15 =	simm.s32 $0x9C80;
	s16 =	simm.s32 $0xC680  }
0x4: {  	s17 =	simm.s32 $0xF080;
	s18 =	simm.s32 $0x11A80;
	s19 =	simm.s32 $0x400  }
0x5: {  	s5 =	sand.u32 $0x1, s1;
	s3 =	smul.u32 $0x540, s0;
	s1 =	rddreg [dreg:$0x1]  }
0x6: {  	s20 =	simm.s32 $0x0;
	[smem:$0x7FF] =	sst s2;
	s10 =	smul.u32 $0x5400, s0  }
0x7: {  	s8 =	sshrl.u32 s0, $0x3;
	s11 =	sshll.u32 s0, $0x7;
	s6 =	smul.u32 $0x54000, s5  }
0x8: {  	s7 =	smul.u32 $0x50000, s5;
	_ =	strace $0x80000050;
	s9 =	sshll.u32 s5, $0x4  }
0x9: {  	s8 =	smul.u32 $0x28000, s8;
	s26 =	sand.u32 $0x380, s11;
	s5 =	ssub.s32 $0x2, s5  }
0xa: {  	s11 =	simm.s32 $0x80;
	s9 =	sadd.s32 s9, s4;
	s12 =	sadd.s32 s3, s4  }
0xb: {  	s3 =	sadd.s32 $0x6800, s4;
	s30 =	sshrl.u32 s5, $0x1;
	s7 =	sadd.s32 s7, s8  }
0xc: {  	s6 =	sadd.s32 s10, s6;
	s31 =	ssub.s32 s5, s30;
	s5 =	sadd.s32 $0x60C00, s12  }
0xd: {  	s7 =	sor.u32 s26, s7;
	s6 =	sshrl.u32 s6, $0x3;
	s10 =	smax.u32 s31, $0x1  }
0xe: {  	s7 =	sshrl.u32 s7, $0x3;
	s28 =	sadd.s32 s6, s4;
	s6 =	sadd.s32 $0x5B800, s12  }
0xf: {  	s12 =	simm.s32 $0x100;
	s29 =	sadd.s32 s7, s4;
	s4 =	sadd.s32 $0x4000, s9  }
0x10: {  	s7 =	sadd.s32 $0x7200, s28;
	s8 =	sadd.s32 $0x7210, s28;
	s9 =	sadd.s32 $0x3AA00, s29  }
.LBB2_1:
0x11: {  	[tilespmem:s2], [sflag:$0x1] =	stream.strided.gather [hbm4b:s4+s11], $0x9C80, s12, s11, $0x38;
	[tilespmem:$0x19480] =	vst v63  }
0x12: {  	_ =	swait.ge [sflag:s13], $0x9C80  }
0x13: {  	[sflag:s13] =	ssyncset.done $0x0  }
0x14: {  	[sflag:s13] =	ssyncadd.s32 $0xFFFF6380  }
0x15: {  	[tilespmem:s14], [sflag:$0x1] =	stream.linear.gather [hbm4b:s3+s2], $0x5000, $0x38;
	[tilespmem:$0x19480] =	vst v63  }
0x16: {  	_ =	swait.ge [sflag:s13], $0x5000  }
0x17: {  	[sflag:s13] =	ssyncset.done $0x0  }
0x18: {  	[sflag:s13] =	ssyncadd.s32 $0xFFFFB000  }
0x19: {  	[tilespmem:s15], [sflag:$0x1] =	stream.linear.gather [hbm4b:s5+s2], $0x2A00, $0x38;
	[tilespmem:$0x19480] =	vst v63  }
0x1a: {  	_ =	swait.ge [sflag:s13], $0x2A00  }
0x1b: {  	[sflag:s13] =	ssyncset.done $0x0  }
0x1c: {  	[sflag:s13] =	ssyncadd.s32 $0xFFFFD600  }
0x1d: {  	[tilespmem:s16], [sflag:$0x1] =	stream.linear.gather [hbm4b:s6+s2], $0x2A00, $0x38;
	[tilespmem:$0x19480] =	vst v63  }
0x1e: {  	_ =	swait.ge [sflag:s13], $0x2A00  }
0x1f: {  	[sflag:s13] =	ssyncset.done $0x0  }
0x20: {  	s21 =	simm.s32 $0x0;
	[sflag:s13] =	ssyncadd.s32 $0xFFFFD600  }
0x21: {  	v0 =	vld [tilespmem:s21+$0x9C80]  }
0x22: {  	v1 =	vld [tilespmem:s21+$0xC680];
	_ =	sdelay $0x3  }
0x23: {  	v0 =	vshll.u32 v0, $0x2  }
0x24: {  	v2 =	vshll.u32 v1, $0x2;
	v3 =	vor.u32 $0x1, v0  }
0x25: {  	v4 =	vor.u32 $0x2, v2  }
0x26: {  	v2 =	vor.u32 $0x3, v2;
	_ =	sdelay $0x1  }
0x27: {  	v0 =	vld.idx.msk [tilespmem:v0+s2+$0x0], $0xffff  }
0x28: {  	v3 =	vld.idx.msk [tilespmem:v3+s2+$0x0], $0xffff  }
0x29: {  	v4 =	vld.idx.msk [tilespmem:v4+s2+$0x0], $0xffff  }
0x2a: {  	v2 =	vld.idx.msk [tilespmem:v2+s2+$0x0], $0xffff;
	_ =	sdelay $0x3  }
0x2b: {  	v0 =	vadd.f32 v4, v0  }
0x2c: {  	v2 =	vadd.f32 v2, v3  }
0x2d: {  	v3 =	vmul.f32 $2.000000030e-01, v0  }
0x2e: {  	vm0 =	vge.f32 v0, $0.0e+00;
	v4 =	vmul.f32 $2.000000030e-01, v2  }
0x2f: {  	vm1 =	vge.f32 v2, $0.0e+00;
	v0 =	vsel vm0, v0, v3  }
0x30: {  	v2 =	vsel vm1, v2, v4;
	v0 =	vmul.f32 $1.442695020e+00, v0  }
0x31: {  	v2 =	vmul.f32 $1.442695020e+00, v2  }
0x32: {  	(erf) = vpow2.f32 v0  }
0x33: {  	(erf) = vpow2.f32 v2;
	_ =	sdelay $0x5  }
0x34: {  	v0 =	vshll.u32 v1, $0x1  }
0x35: {  	v1 =	vor.u32 $0x1, v0  }
0x36: {  	v2 =	vpop (erf)  }
0x37: {  	s22 =	simm.s32 $0x40;
	[tilespmem:s21+$0xF080] =	vst v2;
	v3 =	vpop (erf)  }
.LBB2_2:
0x38: {  	p0 =	sne.s32 s22, $0xA7C0;
	[tilespmem:s21+$0x11A80] =	vst v3;
	s21 =	smov.u32 s22;
	s22 =	sadd.s32 $0x40, s22  }
0x39: {  	[tilespmem:v0+s14+$0x0] =	vst.idx.add.f32.msk $0xffff, v2  }
0x3a: {  	s21 =	sshra.s32 s21, $0x2;
	[tilespmem:v1+s14+$0x0] =	vst.idx.add.f32.msk $0xffff, v3  }
0x3b: {  	v0 =	vld [tilespmem:s21+$0x9C80]  }
0x3c: {  	v1 =	vld [tilespmem:s21+$0xC680];
	_ =	sdelay $0x3  }
0x3d: {  	v0 =	vshll.u32 v0, $0x2  }
0x3e: {  	v2 =	vshll.u32 v1, $0x2;
	v3 =	vor.u32 $0x1, v0  }
0x3f: {  	v4 =	vor.u32 $0x2, v2;
	v2 =	vor.u32 $0x3, v2;
	_ =	sdelay $0x2  }
0x40: {  	v0 =	vld.idx.msk [tilespmem:v0+s2+$0x0], $0xffff  }
0x41: {  	v3 =	vld.idx.msk [tilespmem:v3+s2+$0x0], $0xffff  }
0x42: {  	v4 =	vld.idx.msk [tilespmem:v4+s2+$0x0], $0xffff  }
0x43: {  	v2 =	vld.idx.msk [tilespmem:v2+s2+$0x0], $0xffff;
	_ =	sdelay $0x4  }
0x44: {  	v0 =	vadd.f32 v4, v0  }
0x45: {  	v2 =	vadd.f32 v2, v3  }
0x46: {  	vm0 =	vge.f32 v0, $0.0e+00;
	v3 =	vmul.f32 $2.000000030e-01, v0  }
0x47: {  	vm1 =	vge.f32 v2, $0.0e+00;
	v4 =	vmul.f32 $2.000000030e-01, v2  }
0x48: {  	v0 =	vsel vm0, v0, v3  }
0x49: {  	v2 =	vsel vm1, v2, v4;
	v0 =	vmul.f32 $1.442695020e+00, v0  }
0x4a: {  	v2 =	vmul.f32 $1.442695020e+00, v2  }
0x4b: {  	(erf) = vpow2.f32 v0  }
0x4c: {  	(erf) = vpow2.f32 v2;
	_ =	sdelay $0x3  }
0x4d: {  	v0 =	vshll.u32 v1, $0x1  }
.Ltmp0:
0x4e: {  	v1 =	vor.u32 $0x1, v0;
	(pc) =	sbr.rel @p0 .LBB2_2-.Ltmp0, $3  }
0x4f: {  	_ =	sdelay $0x1  }
0x50: {  	v2 =	vpop (erf)  }
0x51: {  	[tilespmem:s21+$0xF080] =	vst v2;
	v3 =	vpop (erf)  }
0x52: {  	_ =	sdelay $0x2  }
0x53: {  	[tilespmem:s21+$0x11A80] =	vst v3  }
0x54: {  	[tilespmem:v0+s14+$0x0] =	vst.idx.add.f32.msk $0xffff, v2  }
0x55: {  	[tilespmem:v1+s14+$0x0] =	vst.idx.add.f32.msk $0xffff, v3  }
0x56: {  	[hbm4b:s7+s11] =	stream.strided.scatter [tilespmem:s17], [sflag:$0x1], $0x2A00, s12, s11, $0x38;
	[tilespmem:$0x19480] =	vst v63  }
0x57: {  	_ =	swait.ge [sflag:s13], $0x2A00  }
0x58: {  	[sflag:s13] =	ssyncset.done $0x0  }
0x59: {  	[sflag:s13] =	ssyncadd.s32 $0xFFFFD600  }
0x5a: {  	[hbm4b:s8+s11] =	stream.strided.scatter [tilespmem:s18], [sflag:$0x1], $0x2A00, s12, s11, $0x38;
	[tilespmem:$0x19480] =	vst v63  }
0x5b: {  	s20 =	sadd.s32 $0x1, s20;
	_ =	swait.ge [sflag:s13], $0x2A00  }
0x5c: {  	p0 =	sne.s32 s20, s10;
	[sflag:s13] =	ssyncset.done $0x0  }
.Ltmp1:
0x5d: {  	[sflag:s13] =	ssyncadd.s32 $0xFFFFD600;
	(pc) =	sbr.rel @p0 .LBB2_1-.Ltmp1, $4  }
0x5e: {  	[hbm4b:s9+s11] =	stream.strided.scatter [tilespmem:s14], [sflag:$0x1], $0x5000, s19, s11, $0x38;
	[tilespmem:$0x19480] =	vst v63  }
0x5f: {  	_ =	swait.ge [sflag:s13], $0x5000  }
0x60: {  	[sflag:s13] =	ssyncset.done $0x0  }
0x61: {  	[sflag:s13] =	ssyncadd.s32 $0xFFFFB000  }
0x62: {  	_ =	sfence.sel $0x180000  }
0x63: {  	[bflag:$0x0] =	sbarrier.arrive $0xFFFF  }
0x64: {  	p0 =	sne.s32 s0, $0x0;
	_ =	strace $0x90000050  }
0x65: {  	s0 =	sadd.s32 @!p0 $0x100000, s1;
	[bflag:$0x2] =	sbarrier.arrive $0xFFFF  }
0x66: {  	[sflag:s0] =	ssyncadd.tile.s32 @!p0 $0x1;
	_ =	shalt  }
.Lfunc_end2:
_tile_overlayer_lowered:
.L_overlay_start_2:
0x67: {  	(tag) =	ssettag $0x2  }
0x68: {  	s0 =	rddreg [dreg:$0x0];
	s2 =	stileid.u32  }
0x69: {  	s1 =	rddreg [dreg:$0x1];
	p0 =	sne.s32 s2, $0x0  }
0x6a: {  	s3 =	rddreg [dreg:$0x2];
	[bflag:$0x3] =	sbarrier.arrive $0xFFFF;
	s2 =	simm.s32 @!p0 $0x1C01  }
0x6b: {  	[timem:s3], [sflag:s2] =	dma.local @!p0 [hbm:s0], s1  }
0x6c: {  	s0 =	simm.s32 @!p0 $0x1  }
0x6d: {  	_ =	swait.ge @!p0 [sflag:s0], s1  }
0x6e: {  	s1 =	ssub.s32 @!p0 $0x0, s1;
	[sflag:s0] =	ssyncset.done @!p0 $0x0  }
0x6f: {  	[sflag:s0] =	ssyncadd.s32 @!p0 s1  }
0x70: {  	[bflag:$0x3] =	sbarrier.arrive $0xFFFF  }
0x71: {  	_ =	shalt  }

// kernel: kernel.22.cloned.1.call-start
scs
__scs_entry_jumppad:
0x0: {  	(pc) =	sbr.rel $0x88, $3  }
0x1: {  	(tag) =	ssettag $0x0;
	lr =	simm.s32 $0x1  }
0x2: {  	[smem:$0x3F90] =	sst lr;
	_ =	strace $0xD0000000  }
0x3: {  	_ = 	snop  }
0x4: {  	_ = 	snop  }
0x5: {  	_ = 	snop  }
0x6: {  	_ = 	snop  }
0x7: {  	_ = 	snop  }
__scs_overlays_trampoline_lowered:
0x8: {  	[smem:$0x3F9F] =	sst s0  }
0x9: {  	[smem:$0x3FA0] =	sst s1  }
0xa: {  	[smem:$0x3FA1] =	sst s2  }
0xb: {  	[smem:$0x3FA2] =	sst s3  }
0xc: {  	[smem:$0x3FA3] =	sst s4  }
0xd: {  	[smem:$0x3FA4] =	sst s5  }
0xe: {  	[smem:$0x3FA5] =	sst s6  }
0xf: {  	[smem:$0x3FA6] =	sst s7  }
0x10: {  	[smem:$0x3FA7] =	sst s8  }
0x11: {  	[smem:$0x3FA8] =	sst s9;
	s0 =	simm.s32 @!p0 $0x0  }
0x12: {  	s1 =	sld [smem:$0x3F8E];
	s0 =	simm.s32 @p0 $0x1  }
0x13: {  	[smem:$0x3FA9] =	sst s0;
	s0 =	simm.s32 @!p1 $0x0  }
0x14: {  	s2 =	sld [smem:$0x3F8D];
	s0 =	simm.s32 @p1 $0x1  }
0x15: {  	[smem:$0x3FAA] =	sst s0;
	s0 =	simm.s32 @!p2 $0x0  }
0x16: {  	s3 =	sld [smem:$0x3FDB];
	s0 =	simm.s32 @p2 $0x1  }
0x17: {  	s4 =	simm.s32 $0x1BF5;
	[smem:$0x3FAC] =	sst s0  }
0x18: {  	s0 =	sld [smem:$0x3F8F];
	_ =	swait.ge [sflag:s4], $0x0  }
0x19: {  	s7 =	sld [smem:$0x3F90]  }
0x1a: {  	s8 =	sadd.s32 $0xFFFFE003, lr  }
0x1b: {  	s9 =	sadd.s32 $0xFFFFFEF7, lr;
	s5 =	simm.s32 $0xFFFFFFFF;
	p2 =	slt.u32 s8, $0xFFFFF086  }
0x1c: {  	p1 =	slt.u32 s9, $0xF7A;
	s5 =	simm.s32 @!p2 $0x0  }
0x1d: {  	s5 =	simm.s32 @p1 $0x1;
	p0 =	seq.s32 s7, s2  }
0x1e: {  	s7 =	smul.u32 @!p0 $0xF7A, s2;
	p2 =	seq.s32 @!p0 s5, $0x0  }
0x1f: {  	s9 =	smul.u32 $0xF7A, s1;
	s8 =	simm.s32 @!p0 $0x1BF5;
	p2 =	por !p2, p0  }
0x20: {  	[sflag:s8] =	ssyncset.s32 @!p0 $0xFFFFF086;
	s6 =	sadd.s32 @!p0 s3, s7;
	s7 =	simm.s32 @!p0 $0x108  }
0x21: {  	s3 =	sadd.s32 s3, s9;
	s6 =	sadd.s32 @!p0 $0x88, s6;
	s7 =	simm.s32 @p2 $0x1082  }
0x22: {  	[simem:s7], [sflag:s8] =	dma.local @!p0 [hbm:s6], $0xF7A  }
0x23: {  	s9 =	sor.u32 $0xD0000000, s2;
	s6 =	simm.s32 $0x108;
	_ =	swait.ge @!p0 [sflag:s8], $0x0  }
0x24: {  	s3 =	sadd.s32 $0x88, s3;
	s6 =	simm.s32 @!p1 $0x1082;
	[sflag:s4] =	ssyncset.s32 $0xFFFFF086  }
0x25: {  	[simem:s6], [sflag:s4] =	dma.local [hbm:s3], $0xF7A  }
0x26: {  	[smem:$0x3F90] =	sst s1;
	(tag) =	ssettag s2;
	_ =	strace s9  }
0x27: {  	s1 =	sld [smem:$0x3FA0]  }
0x28: {  	s2 =	sld [smem:$0x3FA1]  }
0x29: {  	s4 =	sld [smem:$0x3FA3]  }
0x2a: {  	p0 =	seq.s32 s5, $0x0;
	s5 =	sld [smem:$0x3FA4]  }
0x2b: {  	s6 =	sld [smem:$0x3FA5]  }
0x2c: {  	s7 =	sld [smem:$0x3FA6]  }
0x2d: {  	s3 =	simm.s32 $0x108;
	s8 =	sld [smem:$0x3FA7]  }
0x2e: {  	s3 =	simm.s32 @!p0 $0x1082;
	s9 =	sld [smem:$0x3FA8]  }
0x2f: {  	lr =	sadd.s32 s0, s3;
	s0 =	sld [smem:$0x3F9F]  }
0x30: {  	s3 =	sld [smem:$0x3FA2]  }
0x31: {  	[smem:$0x3FAB] =	sst s10  }
0x32: {  	s10 =	sld [smem:$0x3FA9];
	_ =	sdelay $0x3  }
0x33: {  	p0 =	seq.s32 s10, $0x1;
	s10 =	sld [smem:$0x3FAB];
	_ =	sdelay $0x3  }
0x34: {  	[smem:$0x3FAB] =	sst s10  }
0x35: {  	s10 =	sld [smem:$0x3FAA];
	_ =	sdelay $0x3  }
0x36: {  	p1 =	seq.s32 s10, $0x1;
	s10 =	sld [smem:$0x3FAB];
	_ =	sdelay $0x3  }
0x37: {  	[smem:$0x3FAB] =	sst s10  }
0x38: {  	s10 =	sld [smem:$0x3FAC]  }
0x39: {  	_ = 	snop;
	(pc) =	sbr.ind lr, $3  }
0x3a: {  	_ = 	snop  }
0x3b: {  	_ = 	snop  }
0x3c: {  	p2 =	seq.s32 s10, $0x1;
	s10 =	sld [smem:$0x3FAB]  }
0x3d: {  	_ =	shalt  }
0x3e: {  	_ =	shalt  }
0x3f: {  	_ =	shalt  }
0x40: {  	_ =	shalt  }
0x41: {  	_ =	shalt  }
0x42: {  	_ =	shalt  }
0x43: {  	_ =	shalt  }
0x44: {  	_ =	shalt  }
0x45: {  	_ =	shalt  }
0x46: {  	_ =	shalt  }
0x47: {  	_ =	shalt  }
0x48: {  	_ =	shalt  }
0x49: {  	_ =	shalt  }
0x4a: {  	_ =	shalt  }
0x4b: {  	_ =	shalt  }
0x4c: {  	_ =	shalt  }
0x4d: {  	_ =	shalt  }
0x4e: {  	_ =	shalt  }
0x4f: {  	_ =	shalt  }
0x50: {  	_ =	shalt  }
0x51: {  	_ =	shalt  }
0x52: {  	_ =	shalt  }
0x53: {  	_ =	shalt  }
0x54: {  	_ =	shalt  }
0x55: {  	_ =	shalt  }
0x56: {  	_ =	shalt  }
0x57: {  	_ =	shalt  }
0x58: {  	_ =	shalt  }
0x59: {  	_ =	shalt  }
0x5a: {  	_ =	shalt  }
0x5b: {  	_ =	shalt  }
0x5c: {  	_ =	shalt  }
0x5d: {  	_ =	shalt  }
0x5e: {  	_ =	shalt  }
0x5f: {  	_ =	shalt  }
0x60: {  	_ =	shalt  }
0x61: {  	_ =	shalt  }
0x62: {  	_ =	shalt  }
0x63: {  	_ =	shalt  }
0x64: {  	_ =	shalt  }
0x65: {  	_ =	shalt  }
0x66: {  	_ =	shalt  }
0x67: {  	_ =	shalt  }
0x68: {  	_ =	shalt  }
0x69: {  	_ =	shalt  }
0x6a: {  	_ =	shalt  }
0x6b: {  	_ =	shalt  }
0x6c: {  	_ =	shalt  }
0x6d: {  	_ =	shalt  }
0x6e: {  	_ =	shalt  }
0x6f: {  	_ =	shalt  }
0x70: {  	_ =	shalt  }
0x71: {  	_ =	shalt  }
0x72: {  	_ =	shalt  }
0x73: {  	_ =	shalt  }
0x74: {  	_ =	shalt  }
0x75: {  	_ =	shalt  }
0x76: {  	_ =	shalt  }
0x77: {  	_ =	shalt  }
0x78: {  	_ =	shalt  }
0x79: {  	_ =	shalt  }
0x7a: {  	_ =	shalt  }
0x7b: {  	_ =	shalt  }
0x7c: {  	_ =	shalt  }
0x7d: {  	_ =	shalt  }
0x7e: {  	_ =	shalt  }
0x7f: {  	_ =	shalt  }
0x80: {  	_ =	shalt  }
0x81: {  	_ =	shalt  }
0x82: {  	_ =	shalt  }
0x83: {  	_ =	shalt  }
0x84: {  	_ =	shalt  }
0x85: {  	_ =	shalt  }
0x86: {  	_ =	shalt  }
0x87: {  	_ =	shalt  }
.Lfunc_end0:
.L_simem_size_0:
called_computation.4_lowered:
.L_overlay_start_0:
0x88: {  	s2 =	sld [smem:$0x3FD9]  }
0x89: {  	s3 =	sld [smem:$0x3FFE];
	_ =	sdelay $0x1  }
0x8a: {  	s1 =	srdreg.scid  }
0x8b: {  	s0 =	sand.u32 $0x1, s1  }
0x8c: {  	s17 =	sshll.u32 s0, $0xA;
	s2 =	sadd.s32 s3, s2  }
0x8d: {  	s2 =	sadd.s32 s2, s17  }
0x8e: {  	[smem:$0x3FB7] =	sst s2  }
0x8f: {  	_ = 	snop  }
0x90: {  	s2 =	sld [smem:$0x3FD0];
	(tm) =	ssettm $0x1  }
0x91: {  	s18 =	sld [smem:$0x3FFB];
	_ =	sdelay $0x3  }
0x92: {  	_ =	strace s18  }
0x93: {  	s3 =	sld [smem:$0x3FFC];
	_ =	sdelay $0x3  }
0x94: {  	_ =	strace s3  }
0x95: {  	s3 =	sld [smem:$0x3FFD];
	_ =	sdelay $0x3  }
0x96: {  	_ =	strace s3  }
0x97: {  	_ =	strace $0x8FFFFFFF  }
0x98: {  	s19 =	sld [smem:$0x3FDB];
	_ =	sdelay $0x1  }
0x99: {  	s4 =	simm.s32 $_scs_section_size  }
0x9a: {  	s5 =	simm.s32 $_size__tile_overlayer_lowered;
	s6 =	simm.s32 $_tile_overlayer_lowered  }
0x9b: {  	s22 =	simm.s32 $0x1BFF;
	s21 =	sshll.u32 s6, $0x1;
	s3 =	sadd.s32 s4, s19  }
0x9c: {  	s7 =	simm.s32 $0x0;
	s20 =	sshll.u32 s5, $0x1;
	s5 =	sadd.s32 s21, s3  }
0x9d: {  	[timem:s7], [sflag:s22] =	dma.local [hbm:s5], s20  }
0x9e: {  	_ =	swait.ge [sflag:s22], s20  }
0x9f: {  	s4 =	ssub.s32 $0x0, s20;
	[sflag:s22] =	ssyncset.done $0x0  }
0xa0: {  	[sflag:s22] =	ssyncadd.s32 s4;
	_ =	sdelay $0x1  }
0xa1: {  	s23 =	simm.s32 $0x1B8B  }
0xa2: {  	_ =	swait.ge [sflag:s23], $0x1  }
0xa3: {  	[sflag:s23] =	ssyncset.done $0x0  }
0xa4: {  	s25 =	simm.s32 $0x1B8E;
	s24 =	sld [smem:$0x3FFE];
	[sflag:s23] =	ssyncadd.s32 $0xFFFFFFFF  }
0xa5: {  	s26 =	simm.s32 $execute0_lowered;
	[smem:$0x3FD2] =	sst s25  }
0xa6: {  	s5 =	sshll.u32 s26, $0x1;
	_ =	strace $0x80000052;
	[dreg:$0x1] =	wrdreg $0xFFFFFFFF  }
0xa7: {  	s28 =	simm.s32 $_size_execute0_lowered;
	s3 =	sadd.s32 s3, s5;
	[dreg:$0x0] =	wrdreg $0x0  }
0xa8: {  	s5 =	sshll.u32 s28, $0x1;
	[dreg:$0x2] =	wrdreg s3  }
0xa9: {  	[dreg:$0x3] =	wrdreg s5  }
0xaa: {  	[dreg:$0x4] =	wrdreg $0xC0  }
0xab: {  	_ =	task [dreg:s7], $0x5FFFF  }
0xac: {  	[dreg:$0x1] =	wrdreg $0xFFFFFFFF  }
0xad: {  	[dreg:$0x0] =	wrdreg $0x60  }
0xae: {  	[dreg:$0x2] =	wrdreg s2  }
0xaf: {  	[dreg:$0x3] =	wrdreg s24  }
0xb0: {  	[dreg:$0x4] =	wrdreg $0xAD000  }
0xb1: {  	[dreg:$0x5] =	wrdreg $0x9  }
0xb2: {  	_ =	task.clear_ibuf [dreg:s7], $0x6FFFF;
	_ =	strace $0x90000052  }
0xb3: {  	s29 =	simm.s32 $0x9;
	_ =	strace $0x80000054  }
0xb4: {  	_ =	swait.ge [sflag:s29], $0x1  }
0xb5: {  	[sflag:s29] =	ssyncadd.s32 $0xFFFFFFFF  }
0xb6: {  	_ =	strace $0x90000054  }
0xb7: {  	_ =	sfence  }
0xb8: {  	s30 =	sld [smem:$0x0];
	_ =	sdelay $0x2  }
0xb9: {  	s31 =	sshll.u32 s1, $0xD;
	s1 =	sshrl.u32 s1, $0x2  }
0xba: {  	s3 =	sand.u32 $0x4000, s31;
	s1 =	sadd.s32 s1, s30  }
0xbb: {  	s0 =	sor.u32 s3, s0;
	s1 =	sshll.u32 s1, $0x11  }
0xbc: {  	s0 =	sor.u32 s1, s0  }
0xbd: {  	s0 =	sadd.s32 $0x8F2B, s0  }
0xbe: {  	[sflag:s0] =	ssyncadd.remote.s32 $0x1  }
0xbf: {  	_ =	sfence.sel $0xFFFF  }
0xc0: {  	[dreg:$0x0] =	wrdreg $0xFFFFFFFF;
	(pc) =	sbr.abs _section_cstart, $3  }
0xc1: {  	[dreg:$0x1] =	wrdreg $0xFFFFFFFF  }
0xc2: {  	_ =	task.clear_ibuf [dreg:s7], $0x2FFFF;
	_ =	strace $0x9FFFFFFF  }
0xc3: {  	(tm) =	ssettm $0x7FFFFFFF  }
tec
execute0_lowered:
.L_overlay_start_1:
0x0: {  	(tag) =	ssettag $0x1  }
0x1: {  	s1 =	rddreg [dreg:$0x0];
	s0 =	srdreg.scid  }
0x2: {  	s21 =	stileid.u32;
	s2 =	rddreg [dreg:$0x1]  }
0x3: {  	s3 =	rddreg [dreg:$0x2];
	s4 =	simm.s32 $0x0;
	s19 =	simm.s32 $0x4  }
0x4: {  	s20 =	simm.s32 $0x80;
	s28 =	simm.s32 $0x3;
	s29 =	simm.s32 $0x2  }
0x5: {  	s30 =	simm.s32 $0x0;
	s0 =	sand.u32 $0x1, s0;
	s7 =	smul.u32 $0x5400, s21  }
0x6: {  	[smem:$0x7FF] =	sst s4;
	s6 =	sadd.s32 $0x5B800, s2;
	s9 =	smul.u32 $0x50000, s21  }
0x7: {  	s8 =	sadd.s32 $0x59000, s2;
	s26 =	sshll.u32 s21, $0x6;
	s14 =	smul.u32 $0x14000, s21  }
0x8: {  	p0 =	seq.s32 s21, $0xF;
	s5 =	sshll.u32 s0, $0x7;
	_ =	strace $0x80000053  }
0x9: {  	[dreg:$0x4] =	wrdreg s8;
	s10 =	ssub.s32 $0x2, s0;
	s8 =	smul.u32 $0x2A00, s21  }
0xa: {  	s5 =	sor.u32 s5, s7;
	s13 =	sshrl.u32 s9, $0x2;
	s9 =	smul.u32 $0x54000, s0  }
0xb: {  	s11 =	sshrl.u32 s10, $0x1;
	s0 =	smul.u32 $0x138800, s0;
	s5 =	sshrl.u32 s5, $0x3  }
0xc: {  	s17 =	ssub.s32 s10, s11;
	s10 =	sadd.s32 s13, s3;
	s31 =	sshrl.u32 s8, $0x3  }
0xd: {  	s11 =	sor.u32 $0x1C04, s26;
	s26 =	simm.s32 $0x1;
	s12 =	sadd.s32 s5, s2  }
0xe: {  	s5 =	sadd.s32 $0x7200, s2;
	s2 =	sadd.s32 $0x60C00, s2;
	s13 =	sadd.s32 s6, s31  }
0xf: {  	s7 =	sadd.s32 s7, s9;
	s14 =	sadd.s32 s14, s0;
	s0 =	sshrl.u32 s0, $0x3  }
0x10: {  	s17 =	smax.u32 s17, $0x1;
	s18 =	sshrl.u32 s10, $0x3;
	s12 =	sadd.s32 $0x30200, s12  }
0x11: {  	s7 =	sshrl.u32 s7, $0x3;
	s15 =	sshrl.u32 s14, $0x3;
	s0 =	sadd.s32 s2, s0  }
0x12: {  	[dreg:$0x5] =	wrdreg s12;
	s16 =	sadd.s32 $0x25800, s0;
	s0 =	sadd.s32 $0x12C000, s3  }
0x13: {  	s14 =	sadd.s32 s5, s7;
	s15 =	sadd.s32 s2, s15;
	s25 =	sshrl.u32 @p0 s0, $0x3  }
.LBB2_1:
0x14: {  	s0 =	rddreg [dreg:$0x4]  }
0x15: {  	[spmem:s18], [sflag:s11] =	dma.local [hbm:s0], $0x2800  }
0x16: {  	_ =	swait.ge [sflag:s19], $0x2800  }
0x17: {  	[sflag:s19] =	ssyncset.done $0x0  }
0x18: {  	s2 =	simm.s32 $0x100;
	s22 =	rddreg [dreg:$0x5];
	[sflag:s19] =	ssyncadd.s32 $0xFFFFD800  }
0x19: {  	[tilespmem:s4], [sflag:$0x4] =	stream.strided.gather [hbm4b:s22+s20], $0x2A00, s2, s20, $0x38;
	[tilespmem:$0x1ED00] =	vst v63  }
0x1a: {  	_ =	swait.ge [sflag:s19], $0x2A00  }
0x1b: {  	[sflag:s19] =	ssyncset.done $0x0  }
0x1c: {  	[sflag:s19] =	ssyncadd.s32 $0xFFFFD600  }
0x1d: {  	s23 =	simm.s32 $0x2A00;
	[bflag:$0x0] =	sbarrier.arrive $0xFFFF  }
0x1e: {  	[tilespmem:s23], [sflag:$0x3] =	stream.linear.gather [hbm4b:s13+s4], $0x80, $0x38;
	[tilespmem:$0x1ED00] =	vst v63  }
0x1f: {  	s24 =	simm.s32 $0x2B00  }
0x20: {  	[tilespmem:s24], [sflag:$0x3] =	stream.linear.gather [hbm4b:s14+s4], $0x100, $0x38;
	[tilespmem:$0x1ED00] =	vst v63  }
0x21: {  	s31 =	simm.s32 $0x2D00;
	s0 =	simm.s32 $0x0  }
0x22: {  	[tilespmem:s31], [sflag:$0x1] =	stream.indirect.gather [hbm4b:s1+s20], $0x80, s4, s20, $0xb8;
	[tilespmem:$0x1ED00] =	vst v63  }
.LBB2_2:
0x23: {  	p1 =	seq.s32 s0, $0x0  }
0x24: {  	p2 =	seq.s32 @!p1 s0, $0x53  }
0x25: {  	p2 =	por p1, !p2  }
.Ltmp0:
0x26: {  	_ = 	snop;
	(pc) =	sbr.rel @!p2 .LBB2_4-.Ltmp0, $4  }
0x27: {  	s7 =	simm.s32 @!p1 $0x2  }
0x28: {  	_ =	swait.ge @!p1 [sflag:s7], $0x4000  }
0x29: {  	[sflag:s7] =	ssyncset.done @!p1 $0x0  }
0x2a: {  	s2 =	sand.u32 $0x1, s0;
	s31 =	simm.s32 @!p1 $0x54;
	[sflag:s7] =	ssyncadd.s32 @!p1 $0xFFFFC000  }
0x2b: {  	s31 =	sadd.s32 @!p1 $0x1, s0  }
0x2c: {  	s31 =	simm.s32 @p1 $0x1  }
0x2d: {  	s12 =	sshll.u32 s31, $0x7  }
0x2e: {  	s7 =	sxor.u32 $0x1, s2;
	s21 =	sadd.s32 s8, s12  }
0x2f: {  	s22 =	sshll.u32 s7, $0x7;
	s23 =	sshrl.u32 s21, $0x3;
	s21 =	sshll.u32 s21, $0x1  }
0x30: {  	s22 =	sor.u32 $0x2A00, s22;
	s23 =	sadd.s32 s6, s23;
	s21 =	sadd.s32 s9, s21  }
0x31: {  	[tilespmem:s22], [sflag:$0x3] =	stream.linear.gather [hbm4b:s23+s4], $0x80, $0x38;
	[tilespmem:$0x1ED00] =	vst v63  }
0x32: {  	s24 =	sshll.u32 s7, $0x8;
	s21 =	sshrl.u32 s21, $0x3  }
0x33: {  	s7 =	sshll.u32 s7, $0xE;
	s22 =	sadd.s32 $0x2B00, s24;
	s21 =	sadd.s32 s5, s21  }
0x34: {  	[tilespmem:s22], [sflag:$0x3] =	stream.linear.gather [hbm4b:s21+s4], $0x100, $0x38;
	[tilespmem:$0x1ED00] =	vst v63  }
0x35: {  	s7 =	sor.u32 $0x2D00, s7;
	s0 =	sand.u32 $0x3FFFFF80, s12  }
0x36: {  	[tilespmem:s7], [sflag:$0x1] =	stream.indirect.gather [hbm4b:s1+s20], $0x80, s0, s20, $0xb8;
	[tilespmem:$0x1ED00] =	vst v63  }
.LBB2_4:
0x37: {  	_ =	swait.ge [sflag:s28], $0x80  }
0x38: {  	s0 =	simm.s32 $0x0;
	[sflag:s28] =	ssyncset.done $0x0  }
0x39: {  	v0 =	vmov s0;
	[sflag:s28] =	ssyncadd.s32 $0xFFFFFF80  }
0x3a: {  	s12 =	simm.s32 $0x7;
	s7 =	simm.s32 $0x1;
	v0 =	vand.u32 $0xFFFFFFF8, v0;
	_ =	swait.ge [sflag:s28], $0x100  }
0x3b: {  	v2 =	vmov s12;
	v1 =	vmov s7;
	v0 =	vbroadcast v0, $0x0;
	[sflag:s28] =	ssyncset.done $0x0  }
0x3c: {  	s21 =	simm.s32 $0x2;
	v1 =	vand.u32 $0xFFFFFFF9, v1;
	[sflag:s28] =	ssyncadd.s32 $0xFFFFFF00  }
0x3d: {  	v3 =	vbroadcast v1, $0x0;
	v1 =	vmov s21;
	_ =	swait.ge [sflag:s26], $0x4000  }
0x3e: {  	s22 =	sshll.u32 s2, $0x8;
	v1 =	vand.u32 $0xFFFFFFFA, v1;
	[sflag:s26] =	ssyncset.done $0x0  }
0x3f: {  	s0 =	sadd.s32 $0x2B00, s22;
	v4 =	vbroadcast v1, $0x0;
	[sflag:s26] =	ssyncadd.s32 $0xFFFFC000  }
0x40: {  	s21 =	simm.s32 $0x3;
	v1 =	vld.idx.msk [tilespmem:v2+s0+$0x0], $0xffff  }
0x41: {  	v5 =	vmov s21;
	s21 =	sadd.s32 $0x2B80, s22;
	v6 =	vld.idx.msk [tilespmem:v0+s0+$0x0], $0xffff  }
0x42: {  	v7 =	vld.idx.msk [tilespmem:v0+s21+$0x0], $0xffff  }
0x43: {  	v8 =	vld.idx.msk [tilespmem:v3+s0+$0x0], $0xffff  }
0x44: {  	s23 =	simm.s32 $0x6;
	v9 =	vld.idx.msk [tilespmem:v3+s21+$0x0], $0xffff  }
0x45: {  	v0 =	vmov s23;
	s23 =	sshll.u32 s2, $0xE;
	v10 =	vld.idx.msk [tilespmem:v4+s0+$0x0], $0xffff  }
0x46: {  	s22 =	sor.u32 $0x2F00, s23;
	v4 =	vld.idx.msk [tilespmem:v4+s21+$0x0], $0xffff  }
0x47: {  	v12 =	vld [tilespmem:s22+$0xFFFFFE00]  }
0x48: {  	v13 =	vld [tilespmem:s22+$0xFFFFFE10]  }
0x49: {  	v14 =	vld [tilespmem:s22+$0xFFFFFE20]  }
0x4a: {  	v15 =	vld [tilespmem:s22+$0xFFFFFE30]  }
0x4b: {  	v16 =	vld [tilespmem:s22+$0xFFFFFE40]  }
0x4c: {  	v17 =	vld [tilespmem:s22+$0xFFFFFE50]  }
0x4d: {  	v18 =	vld [tilespmem:s22+$0x170]  }
0x4e: {  	v19 =	vld [tilespmem:s22+$0xFFFFFE70]  }
0x4f: {  	v20 =	vld [tilespmem:s22+$0xFFFFFE80]  }
0x50: {  	v5 =	vand.u32 $0xFFFFFFFB, v5;
	v21 =	vld [tilespmem:s22+$0xFFFFFE90]  }
0x51: {  	v5 =	vbroadcast v5, $0x0;
	v22 =	vld [tilespmem:s22+$0xFFFFFEA0]  }
0x52: {  	v23 =	vld [tilespmem:s22+$0xFFFFFEB0]  }
0x53: {  	v24 =	vld [tilespmem:s22+$0xFFFFFEC0]  }
0x54: {  	v25 =	vld [tilespmem:s22+$0xFFFFFED0]  }
0x55: {  	v0 =	vand.u32 $0xFFFFFFFE, v0;
	v52 =	vld [tilespmem:s22+$0xFFFFFF40]  }
0x56: {  	v3 =	vbroadcast v0, $0x0;
	v58 =	vld [tilespmem:s22+$0xFFFFFFD0];
	v12 =	vmul.f32 v12, v6  }
0x57: {  	v11 =	vld.idx.msk [tilespmem:v5+s0+$0x0], $0xffff;
	v13 =	vmul.f32 v13, v6  }
0x58: {  	v5 =	vld.idx.msk [tilespmem:v5+s21+$0x0], $0xffff;
	v20 =	vmul.f32 v20, v8;
	[tilespmem:s22+$0xFFFFFE00] =	vst v12  }
0x59: {  	v48 =	vld [tilespmem:s22+$0xFFFFFEE0];
	v14 =	vmul.f32 v14, v6;
	[tilespmem:s22+$0xFFFFFE10] =	vst v13  }
0x5a: {  	v49 =	vld [tilespmem:s22+$0xFFFFFEF0];
	v6 =	vmul.f32 v15, v6;
	[tilespmem:s22+$0xFFFFFE80] =	vst v20  }
0x5b: {  	v50 =	vld [tilespmem:s22+$0xFFFFFF00];
	v54 =	vmul.f32 v24, v9;
	[tilespmem:s22+$0xFFFFFE20] =	vst v14  }
0x5c: {  	v59 =	vmul.f32 v52, v4;
	v0 =	vld.idx.msk [tilespmem:v3+s21+$0x0], $0xffff;
	[tilespmem:s22+$0xFFFFFE30] =	vst v6  }
0x5d: {  	v63 =	vmul.f32 v58, v5;
	v12 =	vld [tilespmem:s22+$0xFFFFFE60];
	[tilespmem:s22+$0xFFFFFEC0] =	vst v54  }
0x5e: {  	v51 =	vld [tilespmem:s22+$0xFFFFFF30];
	v6 =	vmul.f32 v17, v7;
	[tilespmem:s22+$0xFFFFFF40] =	vst v59  }
0x5f: {  	v53 =	vld [tilespmem:s22+$0xFFFFFF50];
	v14 =	vmul.f32 v16, v7;
	[tilespmem:s22+$0xFFFFFFD0] =	vst v63  }
0x60: {  	s24 =	simm.s32 $0x4;
	v55 =	vld [tilespmem:s22+$0xFFFFFF70];
	[tilespmem:s22+$0xFFFFFE50] =	vst v6;
	v6 =	vmul.f32 v19, v7  }
0x61: {  	v13 =	vmov s24;
	[tilespmem:s22+$0xFFFFFE40] =	vst v14;
	v14 =	vld [tilespmem:s22+$0xFFFFFF10];
	v18 =	vmul.f32 v18, v0  }
0x62: {  	v56 =	vld [tilespmem:s22+$0xFFFFFF80];
	v13 =	vand.u32 $0xFFFFFFFC, v13;
	[tilespmem:s22+$0xFFFFFE70] =	vst v6;
	v12 =	vmul.f32 v12, v7  }
0x63: {  	v3 =	vld.idx.msk [tilespmem:v3+s0+$0x0], $0xffff;
	v13 =	vbroadcast v13, $0x0;
	v6 =	vmul.f32 v22, v8;
	[tilespmem:s22+$0x170] =	vst v18  }
0x64: {  	v7 =	vld [tilespmem:s22+$0xFFFFFF20];
	[tilespmem:s22+$0xFFFFFE60] =	vst v12;
	v12 =	vmul.f32 v21, v8  }
0x65: {  	v57 =	vld [tilespmem:s22+$0xFFFFFFA0];
	[tilespmem:s22+$0xFFFFFEA0] =	vst v6;
	v8 =	vmul.f32 v23, v8  }
0x66: {  	v61 =	vld [tilespmem:s22+$0x0];
	v14 =	vmul.f32 v14, v10;
	[tilespmem:s22+$0xFFFFFE90] =	vst v12  }
0x67: {  	v6 =	vld [tilespmem:s22+$0xFFFFFF60];
	v12 =	vmul.f32 v50, v10;
	[tilespmem:s22+$0xFFFFFEB0] =	vst v8  }
0x68: {  	v62 =	vld [tilespmem:s22+$0x20];
	v8 =	vmul.f32 v25, v9;
	[tilespmem:s22+$0xFFFFFF10] =	vst v14  }
0x69: {  	v15 =	vld.idx.msk [tilespmem:v13+s0+$0x0], $0xffff;
	v7 =	vmul.f32 v7, v10;
	[tilespmem:s22+$0xFFFFFF00] =	vst v12  }
0x6a: {  	v17 =	vmul.f32 v53, v4;
	v13 =	vld.idx.msk [tilespmem:v13+s21+$0x0], $0xffff;
	v10 =	vmul.f32 v51, v10;
	[tilespmem:s22+$0xFFFFFED0] =	vst v8  }
0x6b: {  	v18 =	vmul.f32 v48, v9;
	v14 =	vld [tilespmem:s22+$0xFFFFFFC0];
	v8 =	vmul.f32 v49, v9;
	[tilespmem:s22+$0xFFFFFF20] =	vst v7  }
0x6c: {  	s12 =	simm.s32 $0x5;
	v9 =	vld [tilespmem:s22+$0xFFFFFF90];
	v6 =	vmul.f32 v6, v4;
	v4 =	vmul.f32 v55, v4;
	[tilespmem:s22+$0xFFFFFF30] =	vst v10  }
0x6d: {  	v12 =	vmov s12;
	v7 =	vmul.f32 v56, v11;
	v10 =	vld [tilespmem:s22+$0xFFFFFFE0];
	[tilespmem:s22+$0xFFFFFEF0] =	vst v8  }
0x6e: {  	v12 =	vand.u32 $0xFFFFFFFD, v12;
	v8 =	vld [tilespmem:s22+$0xFFFFFFB0];
	[tilespmem:s22+$0xFFFFFF70] =	vst v4;
	v4 =	vmul.f32 v57, v11  }
0x6f: {  	v12 =	vbroadcast v12, $0x0;
	[tilespmem:s22+$0xFFFFFF80] =	vst v7;
	v7 =	vld [tilespmem:s22+$0xFFFFFFF0]  }
0x70: {  	[tilespmem:s22+$0xFFFFFFA0] =	vst v4;
	v4 =	vmul.f32 v14, v5;
	v14 =	vld [tilespmem:s22+$0x50]  }
0x71: {  	[tilespmem:s22+$0xFFFFFF60] =	vst v6;
	v6 =	vmul.f32 v9, v11;
	v9 =	vld [tilespmem:s22+$0x10]  }
0x72: {  	[tilespmem:s22+$0xFFFFFFC0] =	vst v4;
	v4 =	vld [tilespmem:s22+$0x60]  }
0x73: {  	v10 =	vmul.f32 v10, v5;
	[tilespmem:s22+$0xFFFFFF90] =	vst v6;
	v6 =	vmul.f32 v8, v11;
	v8 =	vld [tilespmem:s22+$0x30]  }
0x74: {  	[tilespmem:s22+$0xFFFFFF50] =	vst v17;
	v11 =	vld [tilespmem:s22+$0x40]  }
0x75: {  	v60 =	vld.idx.msk [tilespmem:v12+s0+$0x0], $0xffff;
	v5 =	vmul.f32 v7, v5;
	[tilespmem:s22+$0xFFFFFFE0] =	vst v10  }
0x76: {  	v12 =	vld.idx.msk [tilespmem:v12+s21+$0x0], $0xffff;
	[tilespmem:s22+$0xFFFFFFB0] =	vst v6;
	v6 =	vmul.f32 v61, v15  }
0x77: {  	v10 =	vld [tilespmem:s22+$0x90];
	v7 =	vmul.f32 v9, v15;
	[tilespmem:s22+$0xFFFFFFF0] =	vst v5  }
0x78: {  	v9 =	vld [tilespmem:s22+$0x80];
	v5 =	vmul.f32 v62, v15;
	[tilespmem:s22+$0x0] =	vst v6  }
0x79: {  	v6 =	vld [tilespmem:s22+$0x70];
	v4 =	vmul.f32 v4, v13;
	[tilespmem:s22+$0x10] =	vst v7  }
0x7a: {  	v7 =	vmul.f32 v8, v15;
	v8 =	vld [tilespmem:s22+$0xA0];
	[tilespmem:s22+$0x20] =	vst v5  }
0x7b: {  	v5 =	vmul.f32 v11, v13;
	v11 =	vld [tilespmem:s22+$0xB0];
	[tilespmem:s22+$0x60] =	vst v4  }
0x7c: {  	v15 =	vld.idx.msk [tilespmem:v2+s21+$0x0], $0xffff;
	[tilespmem:s22+$0x30] =	vst v7;
	v7 =	vmul.f32 v14, v13  }
0x7d: {  	v14 =	vld [tilespmem:s22+$0xC0];
	[tilespmem:s22+$0x40] =	vst v5;
	v5 =	vmul.f32 v9, v60  }
0x7e: {  	v9 =	vld [tilespmem:s22+$0xD0];
	[tilespmem:s22+$0x50] =	vst v7;
	v2 =	vmul.f32 v6, v13  }
0x7f: {  	v4 =	vmul.f32 v10, v60;
	v7 =	vld [tilespmem:s22+$0xE0];
	[tilespmem:s22+$0x80] =	vst v5  }
0x80: {  	v5 =	vld [tilespmem:s22+$0xF0];
	[tilespmem:s22+$0x70] =	vst v2;
	v2 =	vmul.f32 v8, v60  }
0x81: {  	[tilespmem:s22+$0x90] =	vst v4;
	v6 =	vld [tilespmem:s22+$0x100];
	v4 =	vmul.f32 v11, v60  }
0x82: {  	v8 =	vld [tilespmem:s22+$0x110];
	[tilespmem:s22+$0xA0] =	vst v2;
	v2 =	vmul.f32 v14, v12  }
0x83: {  	v10 =	vld [tilespmem:s22+$0x120];
	[tilespmem:s22+$0xB0] =	vst v4;
	v4 =	vmul.f32 v9, v12  }
0x84: {  	v9 =	vld [tilespmem:s22+$0x130];
	[tilespmem:s22+$0xC0] =	vst v2;
	v2 =	vmul.f32 v7, v12  }
0x85: {  	v7 =	vld [tilespmem:s22+$0x140];
	[tilespmem:s22+$0xD0] =	vst v4;
	v4 =	vmul.f32 v5, v12  }
0x86: {  	v5 =	vld [tilespmem:s22+$0x150];
	[tilespmem:s22+$0xE0] =	vst v2;
	v2 =	vmul.f32 v6, v3  }
0x87: {  	v6 =	vld [tilespmem:s22+$0x160];
	[tilespmem:s22+$0xF0] =	vst v4;
	v4 =	vmul.f32 v8, v3  }
0x88: {  	v8 =	vld [tilespmem:s22+$0x180];
	[tilespmem:s22+$0x100] =	vst v2;
	v2 =	vmul.f32 v10, v3  }
0x89: {  	v10 =	vld [tilespmem:s22+$0x190];
	[tilespmem:s22+$0x110] =	vst v4;
	v3 =	vmul.f32 v9, v3  }
0x8a: {  	s24 =	simm.s32 $0x8;
	v4 =	vld [tilespmem:s22+$0x1A0];
	[tilespmem:s22+$0x120] =	vst v2;
	v2 =	vmul.f32 v7, v0  }
0x8b: {  	s12 =	simm.s32 $0xF;
	v9 =	vmov s24;
	[tilespmem:s22+$0x130] =	vst v3;
	v3 =	vmul.f32 v5, v0  }
0x8c: {  	v11 =	vmov s12;
	s24 =	simm.s32 $0x9;
	v9 =	vand.u32 $0xFFFFFFF8, v9;
	v5 =	vld [tilespmem:s22+$0x1C0];
	v0 =	vmul.f32 v6, v0;
	[tilespmem:s22+$0x140] =	vst v2  }
0x8d: {  	v12 =	vmov s24;
	v7 =	vld [tilespmem:s22+$0x1B0];
	v9 =	vbroadcast v9, $0x0;
	v2 =	vmul.f32 v8, v1;
	[tilespmem:s22+$0x150] =	vst v3  }
0x8e: {  	s12 =	simm.s32 $0xA;
	v6 =	vand.u32 $0xFFFFFFF9, v12;
	v12 =	vld [tilespmem:s22+$0x1E0];
	v3 =	vmul.f32 v10, v1;
	[tilespmem:s22+$0x160] =	vst v0  }
0x8f: {  	v8 =	vld [tilespmem:s22+$0x1D0];
	v6 =	vbroadcast v6, $0x0;
	v4 =	vmul.f32 v4, v1;
	[tilespmem:s22+$0x180] =	vst v2;
	v2 =	vmov s12  }
0x90: {  	s24 =	simm.s32 $0xB;
	v10 =	vld [tilespmem:s22+$0x1F0];
	[tilespmem:s22+$0x190] =	vst v3;
	v3 =	vand.u32 $0xFFFFFFFA, v2  }
0x91: {  	v0 =	vld.idx.msk [tilespmem:v11+s0+$0x0], $0xffff;
	[tilespmem:s22+$0x1A0] =	vst v4;
	v4 =	vmul.f32 v5, v15;
	v5 =	vmov s24;
	v3 =	vbroadcast v3, $0x0  }
0x92: {  	[tilespmem:s22+$0xFFFFFEE0] =	vst v18;
	s12 =	simm.s32 $0xC;
	v1 =	vmul.f32 v7, v1;
	v2 =	vld.idx.msk [tilespmem:v11+s21+$0x0], $0xffff;
	v5 =	vand.u32 $0xFFFFFFFB, v5  }
0x93: {  	v7 =	vmov s12;
	v13 =	vld.idx.msk [tilespmem:v9+s0+$0x0], $0xffff;
	v12 =	vmul.f32 v12, v15;
	[tilespmem:s22+$0x1C0] =	vst v4;
	v4 =	vbroadcast v5, $0x0  }
0x94: {  	s24 =	simm.s32 $0xD;
	v11 =	vld.idx.msk [tilespmem:v9+s21+$0x0], $0xffff;
	[tilespmem:s22+$0x1B0] =	vst v1;
	v1 =	vmul.f32 v8, v15;
	v5 =	vand.u32 $0xFFFFFFFC, v7  }
0x95: {  	v7 =	vmov s24;
	v8 =	vld.idx.msk [tilespmem:v6+s0+$0x0], $0xffff;
	v5 =	vbroadcast v5, $0x0;
	v9 =	vmul.f32 v10, v15;
	[tilespmem:s22+$0x1E0] =	vst v12  }
0x96: {  	s7 =	simm.s32 $0xE;
	s23 =	sor.u32 $0x2D00, s23;
	s24 =	simm.s32 $0x10;
	v6 =	vld.idx.msk [tilespmem:v6+s21+$0x0], $0xffff;
	[tilespmem:s22+$0x1D0] =	vst v1;
	v1 =	vand.u32 $0xFFFFFFFD, v7  }
.LBB2_5:
0x97: {  	p1 =	slt.u32 s24, $0x78;
	v14 =	vld.idx.msk [tilespmem:v3+s0+$0x0], $0xffff;
	v15 =	vbroadcast v1, $0x0;
	v7 =	vmov s7;
	[tilespmem:s22+$0x1F0] =	vst v9  }
0x98: {  	v1 =	vmov v2;
	v16 =	vld.idx.msk [tilespmem:v3+s21+$0x0], $0xffff;
	v3 =	vand.u32 $0xFFFFFFFE, v7  }
0x99: {  	v12 =	vld.idx.msk [tilespmem:v4+s0+$0x0], $0xffff;
	v17 =	vbroadcast v3, $0x0  }
0x9a: {  	v10 =	vld.idx.msk [tilespmem:v4+s21+$0x0], $0xffff  }
0x9b: {  	v9 =	vld.idx.msk [tilespmem:v5+s0+$0x0], $0xffff  }
0x9c: {  	v7 =	vld.idx.msk [tilespmem:v5+s21+$0x0], $0xffff  }
0x9d: {  	v5 =	vld.idx.msk [tilespmem:v15+s0+$0x0], $0xffff  }
0x9e: {  	v3 =	vld.idx.msk [tilespmem:v15+s21+$0x0], $0xffff  }
0x9f: {  	s22 =	sadd.s32 $0x400, s22;
	v2 =	vld.idx.msk [tilespmem:v17+s21+$0x0], $0xffff  }
0xa0: {  	v4 =	vld [tilespmem:s22+$0x170]  }
0xa1: {  	v15 =	vld [tilespmem:s22+$0xFFFFFE00]  }
0xa2: {  	v18 =	vld [tilespmem:s22+$0xFFFFFE10]  }
0xa3: {  	v19 =	vld [tilespmem:s22+$0xFFFFFE20]  }
0xa4: {  	v20 =	vld [tilespmem:s22+$0xFFFFFE30]  }
0xa5: {  	v21 =	vld [tilespmem:s22+$0xFFFFFE40];
	v22 =	vmul.f32 v4, v2  }
0xa6: {  	v15 =	vmul.f32 v15, v13;
	v23 =	vld [tilespmem:s22+$0xFFFFFE50]  }
0xa7: {  	v18 =	vmul.f32 v18, v13;
	v4 =	vld.idx.msk [tilespmem:v17+s0+$0x0], $0xffff;
	[tilespmem:s22+$0x170] =	vst v22  }
0xa8: {  	[tilespmem:s22+$0xFFFFFE00] =	vst v15;
	v15 =	vmul.f32 v19, v13;
	v17 =	vld [tilespmem:s22+$0xFFFFFE60]  }
0xa9: {  	[tilespmem:s22+$0xFFFFFE10] =	vst v18;
	v13 =	vmul.f32 v20, v13;
	v18 =	vld [tilespmem:s22+$0xFFFFFE70]  }
0xaa: {  	[tilespmem:s22+$0xFFFFFE20] =	vst v15;
	v15 =	vmul.f32 v21, v11;
	v19 =	vld [tilespmem:s22+$0xFFFFFE80]  }
0xab: {  	[tilespmem:s22+$0xFFFFFE30] =	vst v13;
	v13 =	vmul.f32 v23, v11;
	v20 =	vld [tilespmem:s22+$0xFFFFFE90]  }
0xac: {  	[tilespmem:s22+$0xFFFFFE40] =	vst v15;
	v15 =	vld [tilespmem:s22+$0xFFFFFEA0]  }
0xad: {  	[tilespmem:s22+$0xFFFFFE50] =	vst v13;
	v13 =	vmul.f32 v17, v11;
	v17 =	vld [tilespmem:s22+$0xFFFFFEB0]  }
0xae: {  	v11 =	vmul.f32 v18, v11;
	v18 =	vld [tilespmem:s22+$0xFFFFFEC0]  }
0xaf: {  	[tilespmem:s22+$0xFFFFFE60] =	vst v13;
	v13 =	vmul.f32 v19, v8;
	v19 =	vld [tilespmem:s22+$0xFFFFFED0]  }
0xb0: {  	[tilespmem:s22+$0xFFFFFE70] =	vst v11;
	v11 =	vmul.f32 v20, v8;
	v20 =	vld [tilespmem:s22+$0xFFFFFEE0]  }
0xb1: {  	[tilespmem:s22+$0xFFFFFE80] =	vst v13;
	v13 =	vmul.f32 v15, v8;
	v15 =	vld [tilespmem:s22+$0xFFFFFEF0]  }
0xb2: {  	[tilespmem:s22+$0xFFFFFE90] =	vst v11;
	v8 =	vmul.f32 v17, v8;
	v11 =	vld [tilespmem:s22+$0xFFFFFF00]  }
0xb3: {  	[tilespmem:s22+$0xFFFFFEA0] =	vst v13;
	v13 =	vmul.f32 v18, v6;
	v17 =	vld [tilespmem:s22+$0xFFFFFF10]  }
0xb4: {  	[tilespmem:s22+$0xFFFFFEB0] =	vst v8;
	v8 =	vmul.f32 v19, v6;
	v18 =	vld [tilespmem:s22+$0xFFFFFF20]  }
0xb5: {  	[tilespmem:s22+$0xFFFFFEC0] =	vst v13;
	v13 =	vmul.f32 v20, v6;
	v19 =	vld [tilespmem:s22+$0xFFFFFF30]  }
0xb6: {  	[tilespmem:s22+$0xFFFFFED0] =	vst v8;
	v6 =	vmul.f32 v15, v6;
	v8 =	vld [tilespmem:s22+$0xFFFFFF40]  }
0xb7: {  	[tilespmem:s22+$0xFFFFFEE0] =	vst v13;
	v11 =	vmul.f32 v11, v14;
	v13 =	vld [tilespmem:s22+$0xFFFFFF50]  }
0xb8: {  	[tilespmem:s22+$0xFFFFFEF0] =	vst v6;
	v6 =	vmul.f32 v17, v14;
	v15 =	vld [tilespmem:s22+$0xFFFFFF60]  }
0xb9: {  	[tilespmem:s22+$0xFFFFFF00] =	vst v11;
	v11 =	vmul.f32 v18, v14;
	v17 =	vld [tilespmem:s22+$0xFFFFFF70]  }
0xba: {  	[tilespmem:s22+$0xFFFFFF10] =	vst v6;
	v6 =	vmul.f32 v19, v14;
	v14 =	vld [tilespmem:s22+$0xFFFFFF80]  }
0xbb: {  	[tilespmem:s22+$0xFFFFFF20] =	vst v11;
	v8 =	vmul.f32 v8, v16;
	v11 =	vld [tilespmem:s22+$0xFFFFFF90]  }
0xbc: {  	[tilespmem:s22+$0xFFFFFF30] =	vst v6;
	v6 =	vmul.f32 v13, v16;
	v13 =	vld [tilespmem:s22+$0xFFFFFFA0]  }
0xbd: {  	[tilespmem:s22+$0xFFFFFF40] =	vst v8;
	v8 =	vmul.f32 v15, v16;
	v15 =	vld [tilespmem:s22+$0xFFFFFFB0]  }
0xbe: {  	[tilespmem:s22+$0xFFFFFF50] =	vst v6;
	v6 =	vmul.f32 v17, v16;
	v16 =	vld [tilespmem:s22+$0xFFFFFFC0]  }
0xbf: {  	[tilespmem:s22+$0xFFFFFF60] =	vst v8;
	v8 =	vmul.f32 v14, v12;
	v14 =	vld [tilespmem:s22+$0xFFFFFFD0]  }
0xc0: {  	[tilespmem:s22+$0xFFFFFF70] =	vst v6;
	v6 =	vmul.f32 v11, v12;
	v11 =	vld [tilespmem:s22+$0xFFFFFFE0]  }
0xc1: {  	[tilespmem:s22+$0xFFFFFF80] =	vst v8;
	v8 =	vmul.f32 v13, v12;
	v13 =	vld [tilespmem:s22+$0xFFFFFFF0]  }
0xc2: {  	[tilespmem:s22+$0xFFFFFF90] =	vst v6;
	v6 =	vmul.f32 v15, v12;
	v12 =	vld [tilespmem:s22+$0x0]  }
0xc3: {  	[tilespmem:s22+$0xFFFFFFA0] =	vst v8;
	v8 =	vmul.f32 v16, v10;
	v15 =	vld [tilespmem:s22+$0x10]  }
0xc4: {  	[tilespmem:s22+$0xFFFFFFB0] =	vst v6;
	v6 =	vmul.f32 v14, v10;
	v14 =	vld [tilespmem:s22+$0x20]  }
0xc5: {  	[tilespmem:s22+$0xFFFFFFC0] =	vst v8;
	v8 =	vmul.f32 v11, v10;
	v11 =	vld [tilespmem:s22+$0x30]  }
0xc6: {  	[tilespmem:s22+$0xFFFFFFD0] =	vst v6;
	v6 =	vmul.f32 v13, v10;
	v10 =	vld [tilespmem:s22+$0x40]  }
0xc7: {  	[tilespmem:s22+$0xFFFFFFE0] =	vst v8;
	v8 =	vmul.f32 v12, v9;
	v12 =	vld [tilespmem:s22+$0x50]  }
0xc8: {  	[tilespmem:s22+$0xFFFFFFF0] =	vst v6;
	v6 =	vmul.f32 v15, v9;
	v13 =	vld [tilespmem:s22+$0x60]  }
0xc9: {  	[tilespmem:s22+$0x0] =	vst v8;
	v8 =	vmul.f32 v14, v9;
	v14 =	vld [tilespmem:s22+$0x70]  }
0xca: {  	[tilespmem:s22+$0x10] =	vst v6;
	v6 =	vmul.f32 v11, v9;
	v9 =	vld [tilespmem:s22+$0x80]  }
0xcb: {  	[tilespmem:s22+$0x20] =	vst v8;
	v8 =	vmul.f32 v10, v7;
	v10 =	vld [tilespmem:s22+$0x90]  }
0xcc: {  	[tilespmem:s22+$0x30] =	vst v6;
	v6 =	vmul.f32 v12, v7;
	v11 =	vld [tilespmem:s22+$0xA0]  }
0xcd: {  	[tilespmem:s22+$0x40] =	vst v8;
	v8 =	vmul.f32 v13, v7;
	v12 =	vld [tilespmem:s22+$0xB0]  }
0xce: {  	[tilespmem:s22+$0x50] =	vst v6;
	v6 =	vmul.f32 v14, v7;
	v7 =	vld [tilespmem:s22+$0xC0]  }
0xcf: {  	[tilespmem:s22+$0x60] =	vst v8;
	v8 =	vmul.f32 v9, v5;
	v9 =	vld [tilespmem:s22+$0xD0]  }
0xd0: {  	[tilespmem:s22+$0x70] =	vst v6;
	v6 =	vmul.f32 v10, v5;
	v10 =	vld [tilespmem:s22+$0xE0]  }
0xd1: {  	[tilespmem:s22+$0x80] =	vst v8;
	v8 =	vmul.f32 v11, v5;
	v11 =	vld [tilespmem:s22+$0xF0]  }
0xd2: {  	[tilespmem:s22+$0x90] =	vst v6;
	v5 =	vmul.f32 v12, v5;
	v6 =	vld [tilespmem:s22+$0x100]  }
0xd3: {  	[tilespmem:s22+$0xA0] =	vst v8;
	v7 =	vmul.f32 v7, v3;
	v8 =	vld [tilespmem:s22+$0x110]  }
0xd4: {  	[tilespmem:s22+$0xB0] =	vst v5;
	v5 =	vmul.f32 v9, v3;
	v9 =	vld [tilespmem:s22+$0x120]  }
0xd5: {  	[tilespmem:s22+$0xC0] =	vst v7;
	v7 =	vmul.f32 v10, v3;
	v10 =	vld [tilespmem:s22+$0x130]  }
0xd6: {  	[tilespmem:s22+$0xD0] =	vst v5;
	v3 =	vmul.f32 v11, v3;
	v5 =	vld [tilespmem:s22+$0x140]  }
0xd7: {  	[tilespmem:s22+$0xE0] =	vst v7;
	v6 =	vmul.f32 v6, v4;
	v7 =	vld [tilespmem:s22+$0x150]  }
0xd8: {  	[tilespmem:s22+$0xF0] =	vst v3;
	v3 =	vmul.f32 v8, v4;
	v8 =	vld [tilespmem:s22+$0x160]  }
0xd9: {  	[tilespmem:s22+$0x100] =	vst v6;
	v6 =	vmul.f32 v9, v4;
	v9 =	vld [tilespmem:s22+$0x180]  }
0xda: {  	[tilespmem:s22+$0x110] =	vst v3;
	v3 =	vmul.f32 v10, v4;
	v4 =	vld [tilespmem:s22+$0x190]  }
0xdb: {  	s7 =	sadd.s32 $0x7, s24;
	v10 =	vmov s24;
	[tilespmem:s22+$0x120] =	vst v6;
	v5 =	vmul.f32 v5, v2;
	v6 =	vld [tilespmem:s22+$0x1A0]  }
0xdc: {  	s12 =	sadd.s32 $0x1, s24;
	v11 =	vmov s7;
	v10 =	vand.u32 $0xFFFFFFF8, v10;
	[tilespmem:s22+$0x130] =	vst v3;
	v3 =	vmul.f32 v7, v2;
	v7 =	vld [tilespmem:s22+$0x1B0]  }
0xdd: {  	v12 =	vmov s12;
	v10 =	vbroadcast v10, $0x0;
	[tilespmem:s22+$0x140] =	vst v5;
	v2 =	vmul.f32 v8, v2;
	v5 =	vld [tilespmem:s22+$0x1C0]  }
0xde: {  	s7 =	sadd.s32 $0x2, s24;
	v8 =	vand.u32 $0xFFFFFFF9, v12;
	[tilespmem:s22+$0x150] =	vst v3;
	v3 =	vmul.f32 v9, v0;
	v9 =	vld [tilespmem:s22+$0x1D0]  }
0xdf: {  	v12 =	vbroadcast v8, $0x0;
	v8 =	vmov s7;
	[tilespmem:s22+$0x160] =	vst v2;
	v2 =	vmul.f32 v4, v0;
	v14 =	vld [tilespmem:s22+$0x1E0]  }
0xe0: {  	s7 =	sadd.s32 $0x3, s24;
	v4 =	vand.u32 $0xFFFFFFFA, v8;
	[tilespmem:s22+$0x180] =	vst v3;
	v6 =	vmul.f32 v6, v0;
	v15 =	vld [tilespmem:s22+$0x1F0]  }
0xe1: {  	v3 =	vbroadcast v4, $0x0;
	v4 =	vmov s7;
	[tilespmem:s22+$0x190] =	vst v2;
	v7 =	vmul.f32 v7, v0;
	v0 =	vld.idx.msk [tilespmem:v11+s0+$0x0], $0xffff  }
.Ltmp1:
0xe2: {  	s7 =	sadd.s32 $0x4, s24;
	v4 =	vand.u32 $0xFFFFFFFB, v4;
	v2 =	vld.idx.msk [tilespmem:v11+s21+$0x0], $0xffff;
	[tilespmem:s22+$0x1A0] =	vst v6;
	v5 =	vmul.f32 v5, v1;
	(pc) =	sbr.rel @p1 .LBB2_5-.Ltmp1, $4  }
0xe3: {  	v4 =	vbroadcast v4, $0x0;
	v6 =	vmov s7;
	v13 =	vld.idx.msk [tilespmem:v10+s0+$0x0], $0xffff;
	[tilespmem:s22+$0x1B0] =	vst v7;
	v7 =	vmul.f32 v9, v1  }
0xe4: {  	s7 =	sadd.s32 $0x5, s24;
	v6 =	vand.u32 $0xFFFFFFFC, v6;
	v11 =	vld.idx.msk [tilespmem:v10+s21+$0x0], $0xffff;
	[tilespmem:s22+$0x1C0] =	vst v5;
	v10 =	vmul.f32 v14, v1  }
0xe5: {  	v5 =	vbroadcast v6, $0x0;
	v14 =	vmov s7;
	v8 =	vld.idx.msk [tilespmem:v12+s0+$0x0], $0xffff;
	[tilespmem:s22+$0x1D0] =	vst v7;
	v9 =	vmul.f32 v15, v1  }
0xe6: {  	s7 =	sadd.s32 $0x6, s24;
	s24 =	sadd.s32 $0x8, s24;
	v1 =	vand.u32 $0xFFFFFFFD, v14;
	v6 =	vld.idx.msk [tilespmem:v12+s21+$0x0], $0xffff;
	[tilespmem:s22+$0x1E0] =	vst v10  }
0xe7: {  	_ =	sdelay $0x3  }
0xe8: {  	v10 =	vld.idx.msk [tilespmem:v3+s0+$0x0], $0xffff  }
0xe9: {  	v12 =	vld.idx.msk [tilespmem:v3+s21+$0x0], $0xffff  }
0xea: {  	v14 =	vld.idx.msk [tilespmem:v4+s0+$0x0], $0xffff  }
0xeb: {  	v16 =	vld.idx.msk [tilespmem:v4+s21+$0x0], $0xffff  }
0xec: {  	v7 =	vmov s7;
	v17 =	vld.idx.msk [tilespmem:v5+s0+$0x0], $0xffff  }
0xed: {  	s12 =	sadd.s32 $0x400, s22;
	v39 =	vand.u32 $0xFFFFFFFE, v7;
	v7 =	vld.idx.msk [tilespmem:v5+s21+$0x0], $0xffff  }
0xee: {  	v40 =	vld [tilespmem:s12+$0x170]  }
0xef: {  	v18 =	vld [tilespmem:s12+$0xFFFFFE00]  }
0xf0: {  	v19 =	vld [tilespmem:s12+$0xFFFFFE10]  }
0xf1: {  	v20 =	vld [tilespmem:s12+$0xFFFFFE20]  }
0xf2: {  	v21 =	vld [tilespmem:s12+$0xFFFFFE30]  }
0xf3: {  	v22 =	vld [tilespmem:s12+$0xFFFFFE40]  }
0xf4: {  	v24 =	vld [tilespmem:s12+$0xFFFFFE50]  }
0xf5: {  	v43 =	vld [tilespmem:s12+$0xFFFFFE60]  }
0xf6: {  	v45 =	vld [tilespmem:s12+$0xFFFFFE70]  }
0xf7: {  	v47 =	vld [tilespmem:s12+$0xFFFFFE80];
	v41 =	vmul.f32 v18, v13  }
0xf8: {  	[tilespmem:s22+$0x1F0] =	vst v9;
	v49 =	vld [tilespmem:s12+$0xFFFFFE90];
	v42 =	vmul.f32 v19, v13  }
0xf9: {  	v51 =	vld [tilespmem:s12+$0xFFFFFEA0];
	v44 =	vmul.f32 v20, v13;
	[tilespmem:s12+$0xFFFFFE00] =	vst v41  }
0xfa: {  	v53 =	vld [tilespmem:s12+$0xFFFFFEB0];
	v46 =	vmul.f32 v21, v13;
	[tilespmem:s12+$0xFFFFFE10] =	vst v42  }
0xfb: {  	v55 =	vld [tilespmem:s12+$0xFFFFFEC0];
	v48 =	vmul.f32 v22, v11;
	[tilespmem:s12+$0xFFFFFE20] =	vst v44  }
0xfc: {  	v59 =	vld [tilespmem:s12+$0xFFFFFEE0];
	v50 =	vmul.f32 v24, v11;
	[tilespmem:s12+$0xFFFFFE30] =	vst v46  }
0xfd: {  	v61 =	vld [tilespmem:s12+$0xFFFFFEF0];
	v52 =	vmul.f32 v43, v11;
	[tilespmem:s12+$0xFFFFFE40] =	vst v48  }
0xfe: {  	v63 =	vld [tilespmem:s12+$0xFFFFFF00];
	v54 =	vmul.f32 v45, v11;
	[tilespmem:s12+$0xFFFFFE50] =	vst v50  }
0xff: {  	v26 =	vld [tilespmem:s12+$0xFFFFFF30];
	v56 =	vmul.f32 v47, v8;
	[tilespmem:s12+$0xFFFFFE60] =	vst v52  }
0x100: {  	v28 =	vld [tilespmem:s12+$0xFFFFFF40];
	v58 =	vmul.f32 v49, v8;
	[tilespmem:s12+$0xFFFFFE70] =	vst v54  }
0x101: {  	v1 =	vbroadcast v1, $0x0;
	v30 =	vld [tilespmem:s12+$0xFFFFFF50];
	v60 =	vmul.f32 v51, v8;
	[tilespmem:s12+$0xFFFFFE80] =	vst v56  }
0x102: {  	v32 =	vld [tilespmem:s12+$0xFFFFFF60];
	v62 =	vmul.f32 v53, v8;
	[tilespmem:s12+$0xFFFFFE90] =	vst v58  }
0x103: {  	v34 =	vld [tilespmem:s12+$0xFFFFFF70];
	v21 =	vmul.f32 v55, v6;
	[tilespmem:s12+$0xFFFFFEA0] =	vst v60  }
0x104: {  	v36 =	vld [tilespmem:s12+$0xFFFFFF80];
	v25 =	vmul.f32 v59, v6;
	[tilespmem:s12+$0xFFFFFEB0] =	vst v62  }
0x105: {  	v37 =	vld [tilespmem:s12+$0xFFFFFF90];
	v27 =	vmul.f32 v61, v6;
	[tilespmem:s12+$0xFFFFFEC0] =	vst v21  }
0x106: {  	v15 =	vbroadcast v39, $0x0;
	v39 =	vld [tilespmem:s12+$0xFFFFFFA0];
	v29 =	vmul.f32 v63, v10;
	[tilespmem:s12+$0xFFFFFEE0] =	vst v25  }
0x107: {  	v5 =	vld.idx.msk [tilespmem:v1+s0+$0x0], $0xffff;
	v35 =	vmul.f32 v26, v10;
	[tilespmem:s12+$0xFFFFFEF0] =	vst v27  }
0x108: {  	v3 =	vld.idx.msk [tilespmem:v1+s21+$0x0], $0xffff;
	v8 =	vmul.f32 v28, v12;
	[tilespmem:s12+$0xFFFFFF00] =	vst v29  }
0x109: {  	v22 =	vld [tilespmem:s12+$0xFFFFFF10];
	v38 =	vmul.f32 v30, v12;
	[tilespmem:s12+$0xFFFFFF30] =	vst v35  }
0x10a: {  	v24 =	vld [tilespmem:s12+$0xFFFFFF20];
	[tilespmem:s12+$0xFFFFFF40] =	vst v8;
	v42 =	vmul.f32 v34, v12  }
0x10b: {  	v43 =	vld [tilespmem:s12+$0xFFFFFFC0];
	[tilespmem:s12+$0xFFFFFF50] =	vst v38;
	v44 =	vmul.f32 v36, v14  }
0x10c: {  	v45 =	vld [tilespmem:s12+$0xFFFFFFD0];
	v46 =	vmul.f32 v37, v14;
	[tilespmem:s12+$0xFFFFFF70] =	vst v42  }
0x10d: {  	v47 =	vld [tilespmem:s12+$0xFFFFFFE0];
	v48 =	vmul.f32 v39, v14;
	[tilespmem:s12+$0xFFFFFF80] =	vst v44  }
0x10e: {  	v49 =	vld [tilespmem:s12+$0xFFFFFFF0];
	[tilespmem:s12+$0xFFFFFF90] =	vst v46;
	v31 =	vmul.f32 v22, v10  }
0x10f: {  	v51 =	vld [tilespmem:s12+$0x0];
	[tilespmem:s12+$0xFFFFFFA0] =	vst v48;
	v33 =	vmul.f32 v24, v10  }
0x110: {  	v53 =	vld [tilespmem:s12+$0x10];
	v52 =	vmul.f32 v43, v16;
	[tilespmem:s12+$0xFFFFFF10] =	vst v31  }
0x111: {  	v55 =	vld [tilespmem:s12+$0x20];
	v54 =	vmul.f32 v45, v16;
	[tilespmem:s12+$0xFFFFFF20] =	vst v33  }
0x112: {  	v59 =	vld [tilespmem:s12+$0x40];
	v56 =	vmul.f32 v47, v16;
	[tilespmem:s12+$0xFFFFFFC0] =	vst v52  }
0x113: {  	v63 =	vld [tilespmem:s12+$0x60];
	v58 =	vmul.f32 v49, v16;
	[tilespmem:s12+$0xFFFFFFD0] =	vst v54  }
0x114: {  	v18 =	vld [tilespmem:s12+$0x70];
	v60 =	vmul.f32 v51, v17;
	[tilespmem:s12+$0xFFFFFFE0] =	vst v56  }
0x115: {  	v20 =	vld [tilespmem:s12+$0x80];
	v62 =	vmul.f32 v53, v17;
	[tilespmem:s12+$0xFFFFFFF0] =	vst v58  }
0x116: {  	v30 =	vld [tilespmem:s12+$0xD0];
	v16 =	vmul.f32 v55, v17;
	[tilespmem:s12+$0x0] =	vst v60  }
0x117: {  	v1 =	vld.idx.msk [tilespmem:v15+s21+$0x0], $0xffff;
	v21 =	vmul.f32 v59, v7;
	[tilespmem:s12+$0x10] =	vst v62  }
0x118: {  	v4 =	vld.idx.msk [tilespmem:v15+s0+$0x0], $0xffff;
	v25 =	vmul.f32 v63, v7;
	[tilespmem:s12+$0x20] =	vst v16  }
0x119: {  	v41 =	vld [tilespmem:s12+$0xFFFFFFB0];
	v27 =	vmul.f32 v18, v7;
	[tilespmem:s12+$0x40] =	vst v21  }
0x11a: {  	v36 =	vld [tilespmem:s12+$0x110];
	v29 =	vmul.f32 v20, v5;
	[tilespmem:s12+$0x60] =	vst v25  }
0x11b: {  	v38 =	vld [tilespmem:s12+$0x120];
	v37 =	vmul.f32 v30, v3;
	[tilespmem:s12+$0x70] =	vst v27  }
0x11c: {  	v57 =	vld [tilespmem:s12+$0xFFFFFED0];
	v23 =	vmul.f32 v40, v1;
	[tilespmem:s12+$0x80] =	vst v29  }
0x11d: {  	v35 =	vld [tilespmem:s12+$0x100];
	v40 =	vmul.f32 v32, v12;
	[tilespmem:s12+$0xD0] =	vst v37  }
0x11e: {  	v42 =	vld [tilespmem:s12+$0x150];
	v50 =	vmul.f32 v41, v14;
	[tilespmem:s12+$0x170] =	vst v23  }
0x11f: {  	v46 =	vld [tilespmem:s12+$0x180];
	v43 =	vmul.f32 v36, v4;
	[tilespmem:s12+$0xFFFFFF60] =	vst v40  }
0x120: {  	v48 =	vld [tilespmem:s12+$0x190];
	v45 =	vmul.f32 v38, v4;
	[tilespmem:s12+$0xFFFFFFB0] =	vst v50  }
0x121: {  	v22 =	vld [tilespmem:s12+$0x90];
	v23 =	vmul.f32 v57, v6;
	[tilespmem:s12+$0x110] =	vst v43  }
0x122: {  	v24 =	vld [tilespmem:s12+$0xA0];
	v6 =	vmul.f32 v35, v4;
	[tilespmem:s12+$0x120] =	vst v45  }
0x123: {  	v26 =	vld [tilespmem:s12+$0xB0];
	v50 =	vmul.f32 v42, v1;
	[tilespmem:s12+$0xFFFFFED0] =	vst v23  }
0x124: {  	v51 =	vld [tilespmem:s12+$0x1B0];
	v53 =	vmul.f32 v46, v0;
	[tilespmem:s12+$0x100] =	vst v6  }
0x125: {  	v61 =	vld [tilespmem:s12+$0x50];
	v55 =	vmul.f32 v48, v0;
	[tilespmem:s12+$0x150] =	vst v50  }
0x126: {  	v28 =	vld [tilespmem:s12+$0xC0];
	v31 =	vmul.f32 v22, v5;
	[tilespmem:s12+$0x180] =	vst v53  }
0x127: {  	v32 =	vld [tilespmem:s12+$0xE0];
	v33 =	vmul.f32 v24, v5;
	[tilespmem:s12+$0x190] =	vst v55  }
0x128: {  	v34 =	vld [tilespmem:s12+$0xF0];
	v5 =	vmul.f32 v26, v5;
	[tilespmem:s12+$0x90] =	vst v31  }
0x129: {  	v41 =	vld [tilespmem:s12+$0x140];
	v59 =	vmul.f32 v51, v0;
	[tilespmem:s12+$0xA0] =	vst v33  }
0x12a: {  	v44 =	vld [tilespmem:s12+$0x160];
	v23 =	vmul.f32 v61, v7;
	[tilespmem:s12+$0xB0] =	vst v5  }
0x12b: {  	v52 =	vld [tilespmem:s12+$0x1C0];
	v7 =	vmul.f32 v28, v3;
	[tilespmem:s12+$0x1B0] =	vst v59  }
0x12c: {  	v54 =	vld [tilespmem:s12+$0x1D0];
	v39 =	vmul.f32 v32, v3;
	[tilespmem:s12+$0x50] =	vst v23  }
0x12d: {  	v56 =	vld [tilespmem:s12+$0x1E0];
	v3 =	vmul.f32 v34, v3;
	[tilespmem:s12+$0xC0] =	vst v7  }
0x12e: {  	v58 =	vld [tilespmem:s12+$0x1F0];
	v5 =	vmul.f32 v41, v1;
	[tilespmem:s12+$0xE0] =	vst v39  }
0x12f: {  	v57 =	vld [tilespmem:s12+$0x30];
	v1 =	vmul.f32 v44, v1;
	[tilespmem:s12+$0xF0] =	vst v3  }
0x130: {  	v40 =	vld [tilespmem:s12+$0x130];
	v60 =	vmul.f32 v52, v2;
	[tilespmem:s12+$0x140] =	vst v5  }
0x131: {  	v49 =	vld [tilespmem:s12+$0x1A0];
	v61 =	vmul.f32 v54, v2;
	[tilespmem:s12+$0x160] =	vst v1  }
0x132: {  	v62 =	vmul.f32 v56, v2;
	[tilespmem:s12+$0x1C0] =	vst v60  }
0x133: {  	v63 =	vmul.f32 v58, v2;
	[tilespmem:s12+$0x1D0] =	vst v61  }
0x134: {  	v19 =	vmul.f32 v57, v17;
	[tilespmem:s12+$0x1E0] =	vst v62  }
0x135: {  	p1 =	slt.u32 s31, $0x54;
	v47 =	vmul.f32 v40, v4;
	[tilespmem:s12+$0x1F0] =	vst v63  }
.Ltmp2:
0x136: {  	v57 =	vmul.f32 v49, v0;
	[tilespmem:s12+$0x30] =	vst v19;
	(pc) =	sbr.rel @p1 .LBB2_2-.Ltmp2, $4  }
0x137: {  	s24 =	sshll.u32 s2, $0x7;
	[tilespmem:s12+$0x130] =	vst v47  }
0x138: {  	s0 =	sor.u32 $0x2A00, s24;
	[tilespmem:s12+$0x1A0] =	vst v57  }
0x139: {  	[spmem:s3] =	stream.indirect.scatter.add.f32 [tilespmem:s23], [sflag:$0x2], $0x80, s0, s20, $0xb8;
	[tilespmem:$0x1ED00] =	vst v63  }
0x13a: {  	s0 =	smov.u32 s31  }
0x13b: {  	_ =	swait.ge [sflag:s29], $0x4000  }
0x13c: {  	[sflag:s29] =	ssyncset.done $0x0  }
0x13d: {  	[sflag:s29] =	ssyncadd.s32 $0xFFFFC000  }
0x13e: {  	s0 =	simm.s32 @p0 $0x4;
	[bflag:$0x0] =	sbarrier.arrive $0xFFFF  }
0x13f: {  	[hbm:s16], [sflag:s11] =	dma.local @p0 [spmem:s25], $0x1900  }
0x140: {  	_ =	swait.ge @p0 [sflag:s0], $0x1900  }
0x141: {  	s30 =	sadd.s32 $0x1, s30;
	[sflag:s0] =	ssyncset.done @p0 $0x0  }
0x142: {  	p1 =	sne.s32 s30, s17;
	[sflag:s0] =	ssyncadd.s32 @p0 $0xFFFFE700;
	s0 =	sshrl.u32 @!p0 s10, $0x3  }
0x143: {  	[hbm:s15], [sflag:s11] =	dma.local @!p0 [spmem:s0], $0x2800  }
.Ltmp3:
0x144: {  	_ = 	snop;
	(pc) =	sbr.rel @p1 .LBB2_1-.Ltmp3, $4  }
0x145: {  	s0 =	simm.s32 @!p0 $0x4  }
0x146: {  	_ =	swait.ge @!p0 [sflag:s0], $0x2800  }
0x147: {  	[sflag:s0] =	ssyncset.done @!p0 $0x0  }
0x148: {  	[sflag:s0] =	ssyncadd.s32 @!p0 $0xFFFFD800  }
0x149: {  	_ =	sfence.sel $0x180000  }
0x14a: {  	[bflag:$0x0] =	sbarrier.arrive $0xFFFF  }
0x14b: {  	_ =	strace $0x90000053  }
0x14c: {  	s0 =	stileid.u32;
	[bflag:$0x2] =	sbarrier.arrive $0xFFFF  }
0x14d: {  	p0 =	sne.s32 s0, $0x0;
	s0 =	rddreg [dreg:$0x3]  }
0x14e: {  	s0 =	sadd.s32 @!p0 $0x100000, s0  }
0x14f: {  	[sflag:s0] =	ssyncadd.tile.s32 @!p0 $0x1;
	_ =	shalt  }
.Lfunc_end2:
_tile_overlayer_lowered:
.L_overlay_start_2:
0x150: {  	(tag) =	ssettag $0x2  }
0x151: {  	s0 =	rddreg [dreg:$0x0];
	s2 =	stileid.u32  }
0x152: {  	s1 =	rddreg [dreg:$0x1];
	p0 =	sne.s32 s2, $0x0  }
0x153: {  	s3 =	rddreg [dreg:$0x2];
	[bflag:$0x3] =	sbarrier.arrive $0xFFFF;
	s2 =	simm.s32 @!p0 $0x1C04  }
0x154: {  	[timem:s3], [sflag:s2] =	dma.local @!p0 [hbm:s0], s1  }
0x155: {  	s0 =	simm.s32 @!p0 $0x4  }
0x156: {  	_ =	swait.ge @!p0 [sflag:s0], s1  }
0x157: {  	s1 =	ssub.s32 @!p0 $0x0, s1;
	[sflag:s0] =	ssyncset.done @!p0 $0x0  }
0x158: {  	[sflag:s0] =	ssyncadd.s32 @!p0 s1  }
0x159: {  	[bflag:$0x3] =	sbarrier.arrive $0xFFFF  }
0x15a: {  	_ =	shalt  }

</sc_bundles>
